<compile_context>
chip_gen: v7x
topology: tpu7x:2x2x1
jax: 0.10.2.dev20260603
libtpu: 0.0.44.dev20260713+nightly
codegen_flags: <defaults>
</compile_context>

<pallas_src>
import functools

import jax
import jax.numpy as jnp
from jax import lax
from jax.experimental import pallas as pl
from jax.experimental.pallas import tpu as pltpu
from jax.experimental.pallas import tpu_sc as plsc

B, N, E, D = 2, 10000, 160000, 128
H, DK, DV = 8, 16, 16
L = 16
NS = 16
C = 32
NCHUNKS = E // C
NCT_BASE = NCHUNKS // NS
NCT_REM = NCHUNKS % NS
NP = 10240
RPT = NP // NS
NPC = NP // L
CPT = NPC // NS



def _mm_body(x_ref, w_ref, o_ref):
    o_ref[...] = jnp.dot(x_ref[...], w_ref[...],
                         preferred_element_type=jnp.float32)


def _mm(x, w, br):
    R, Din = x.shape
    Dout = w.shape[1]
    return pl.pallas_call(
        _mm_body,
        grid=(R // br,),
        in_specs=[
            pl.BlockSpec((br, Din), lambda i: (i, 0)),
            pl.BlockSpec((Din, Dout), lambda i: (0, 0)),
        ],
        out_specs=pl.BlockSpec((br, Dout), lambda i: (i, 0)),
        out_shape=jax.ShapeDtypeStruct((R, Dout), jnp.float32),
    )(x, w)



def _post_body(acc_ref, c_ref, q_ref, wfc_ref, g_ref, b_ref, o_ref):
    i0 = lax.broadcasted_iota(jnp.int32, (H, D), 0)
    i1 = lax.broadcasted_iota(jnp.int32, (H, D), 1)
    expand = (i1 // DV == i0).astype(jnp.float32)
    scale = jnp.dot(c_ref[...], expand, preferred_element_type=jnp.float32)
    xdiv = acc_ref[...] / (scale + 1e-8)
    x = jnp.dot(xdiv, wfc_ref[...], preferred_element_type=jnp.float32)
    x = x + q_ref[...]
    mean = jnp.mean(x, axis=-1, keepdims=True)
    var = jnp.mean((x - mean) ** 2, axis=-1, keepdims=True)
    o_ref[...] = g_ref[...] * (x - mean) * lax.rsqrt(var + 1e-5) + b_ref[...]


def _post(acc, coeff, input_q, wfc, gamma, beta):
    R = acc.shape[0]
    BR = 1000
    return pl.pallas_call(
        _post_body,
        grid=(R // BR,),
        in_specs=[
            pl.BlockSpec((BR, D), lambda i: (i, 0)),
            pl.BlockSpec((BR, H), lambda i: (i, 0)),
            pl.BlockSpec((BR, D), lambda i: (i, 0)),
            pl.BlockSpec((D, D), lambda i: (0, 0)),
            pl.BlockSpec((1, D), lambda i: (0, 0)),
            pl.BlockSpec((1, D), lambda i: (0, 0)),
        ],
        out_specs=pl.BlockSpec((BR, D), lambda i: (i, 0)),
        out_shape=jax.ShapeDtypeStruct((R, D), jnp.float32),
    )(acc, coeff, input_q, wfc, gamma.reshape(1, D), beta.reshape(1, D))



def _sc_body(qf, kf, vf, epf, ei,
             outacc, coeffout, attn_out,
             out_sh, cf_sh,
             srcv, qidx, tidx, crid, cbase,
             qrows, krows, vrows, eprows,
             msg, msgc, attv, sem):
    b = lax.axis_index("c")
    t = lax.axis_index("s")
    r0 = t * RPT
    bNP = b * NP

    zv = jnp.zeros((L,), jnp.float32)

    def _zc(i, carry):
        for c in range(D // L):
            msg[i, pl.ds(c * L, L)] = zv
            msgc[i, pl.ds(c * L, L)] = zv
        return carry

    lax.fori_loop(0, C, _zc, None)

    for j in range(RPT // C):
        pltpu.sync_copy(msg, out_sh.at[pl.ds(r0 + j * C, C)])
    pltpu.sync_copy(msg, cf_sh.at[pl.ds(t * CPT, C)])
    pltpu.sync_copy(msg.at[pl.ds(0, CPT - C)],
                    cf_sh.at[pl.ds(t * CPT + C, CPT - C)])
    plsc.subcore_barrier()

    rowi = lax.iota(jnp.int32, L)

    def chunk_body(ci, carry):
        eb = (ci * NS + t) * C
        g0 = b * E + eb
        pltpu.sync_copy(ei.at[pl.ds(g0, C)], srcv)
        pltpu.sync_copy(ei.at[pl.ds(B * E + g0, C)], qidx)
        pltpu.sync_copy(ei.at[pl.ds(2 * B * E + g0, C)], tidx)
        pltpu.sync_copy(ei.at[pl.ds(3 * B * E + g0, C)], crid)
        pltpu.sync_copy(ei.at[pl.ds(4 * B * E + g0, C)], cbase)
        pltpu.async_copy(qf.at[qidx], qrows, sem).wait()
        pltpu.async_copy(kf.at[tidx], krows, sem).wait()
        pltpu.async_copy(vf.at[tidx], vrows, sem).wait()
        pltpu.async_copy(epf.at[pl.ds(g0, C)], eprows, sem).wait()

        def head_body(h, hcarry):
            def group_body(g, gcarry):
                rbase = rowi + g * L
                cb = cbase[pl.ds(g * L, L)] + h
                acc = None
                for k in range(L):
                    colv = jnp.full((L,), h * L + k, jnp.int32)
                    qc = plsc.load_gather(qrows, [rbase, colv])
                    kc = plsc.load_gather(krows, [rbase, colv])
                    ec = plsc.load_gather(eprows, [rbase, colv])
                    p = qc * kc * ec
                    acc = p if acc is None else acc + p
                a = jnp.exp(jnp.clip(acc * 0.25, -5.0, 5.0))
                plsc.store_scatter(attv, [h * C + g * L + rowi], a)
                plsc.store_scatter(msgc, [rbase, cb], a)
                for k in range(L):
                    colv = jnp.full((L,), h * L + k, jnp.int32)
                    vc = plsc.load_gather(vrows, [rbase, colv])
                    plsc.store_scatter(msg, [rbase, colv], a * vc)
                return gcarry

            return lax.fori_loop(0, C // L, group_body, hcarry)

        lax.fori_loop(0, H, head_body, None)

        pltpu.sync_copy(msg, out_sh.at[srcv], add=True)
        pltpu.sync_copy(msgc, cf_sh.at[crid], add=True)

        def zero_heads(h, hcarry):
            def zero_group(g, gcarry):
                rbase = rowi + g * L
                cb = cbase[pl.ds(g * L, L)] + h
                plsc.store_scatter(msgc, [rbase, cb], zv)
                return gcarry

            return lax.fori_loop(0, C // L, zero_group, hcarry)

        lax.fori_loop(0, H, zero_heads, None)

        for h in range(H):
            pltpu.sync_copy(attv.at[pl.ds(h * C, C)],
                            attn_out.at[pl.ds(b * H * E + h * E + eb, C)])
        return carry

    nct = NCT_BASE + (t < NCT_REM).astype(jnp.int32)
    lax.fori_loop(0, nct, chunk_body, None)
    plsc.subcore_barrier()

    for j in range(RPT // C):
        rr = r0 + j * C
        pltpu.sync_copy(out_sh.at[pl.ds(rr, C)], msg)
        pltpu.sync_copy(msg, outacc.at[pl.ds(bNP + rr, C)])
    cc = t * CPT
    pltpu.sync_copy(cf_sh.at[pl.ds(cc, C)], msg)
    pltpu.sync_copy(msg, coeffout.at[pl.ds(b * NPC + cc, C)])
    pltpu.sync_copy(cf_sh.at[pl.ds(cc + C, CPT - C)], msg.at[pl.ds(0, CPT - C)])
    pltpu.sync_copy(msg.at[pl.ds(0, CPT - C)],
                    coeffout.at[pl.ds(b * NPC + cc + C, CPT - C)])


_SC_KW = dict(
    out_type=(
        jax.ShapeDtypeStruct((B * NP, D), jnp.float32),
        jax.ShapeDtypeStruct((B * NPC, D), jnp.float32),
        jax.ShapeDtypeStruct((B * H * E,), jnp.float32),
    ),
    mesh=plsc.VectorSubcoreMesh(core_axis_name="c", subcore_axis_name="s",
                                num_cores=2, num_subcores=NS),
    scratch_types=[
        pltpu.VMEM_SHARED((NP, D), jnp.float32),
        pltpu.VMEM_SHARED((NPC, D), jnp.float32),
        pltpu.VMEM((C,), jnp.int32),
        pltpu.VMEM((C,), jnp.int32),
        pltpu.VMEM((C,), jnp.int32),
        pltpu.VMEM((C,), jnp.int32),
        pltpu.VMEM((C,), jnp.int32),
        pltpu.VMEM((C, D), jnp.float32),
        pltpu.VMEM((C, D), jnp.float32),
        pltpu.VMEM((C, D), jnp.float32),
        pltpu.VMEM((C, D), jnp.float32),
        pltpu.VMEM((C, D), jnp.float32),
        pltpu.VMEM((C, D), jnp.float32),
        pltpu.VMEM((H * C,), jnp.float32),
        pltpu.SemaphoreType.DMA,
    ],
    compiler_params=pltpu.CompilerParams(needs_layout_passes=False),
)

_sc_edge = functools.partial(pl.kernel, **_SC_KW)(_sc_body)



def kernel(edge_indices, edge_features, input_Q, input_K, input_V,
           Wq, Wk, Wv, We, Wfc, gamma, beta):
    qf = _mm(input_Q.reshape(B * N, D), Wq, 800)
    kf = _mm(input_K.reshape(B * N, D), Wk, 800)
    vf = _mm(input_V.reshape(B * N, D), Wv, 800)
    epf = _mm(edge_features.reshape(B * E, D), We, 800)
    ei32 = edge_indices.astype(jnp.int32)
    boff = (jnp.arange(B, dtype=jnp.int32) * N)[:, None]
    src_raw = ei32[:, 0]
    ei_flat = jnp.concatenate(
        [src_raw.reshape(-1), (src_raw + boff).reshape(-1),
         (ei32[:, 1] + boff).reshape(-1),
         (src_raw >> 4).reshape(-1), ((src_raw & 15) * 8).reshape(-1)])

    outacc, coeffp, attn_flat = _sc_edge(qf, kf, vf, epf, ei_flat)
    outacc = outacc.reshape(B, NP, D)[:, :N].reshape(B * N, D)
    coeff = coeffp.reshape(B, NP, H)[:, :N].reshape(B * N, H)

    res = _post(outacc, coeff, input_Q.reshape(B * N, D), Wfc, gamma, beta)
    res = res.reshape(B, N, D)
    attn_out = attn_flat.reshape(B, H, E)[-1:][..., None]
    return res, attn_out

# --- scband reference (transcript-rebuilt; emitter-appended) ---
"""Pipeline reference for scband-cross-local-attention-layer-33895881900516 (READ-ONLY COPY).

The authoritative reference and input builder live on the scoring server;
editing this copy changes nothing except your own understanding.
"""

import jax, jax.numpy as jnp
import numpy as np

B, N, E_EDGES, D_MODEL, H, DK, DV = 2, 10000, 160000, 128, 8, 16, 16


def setup_inputs(seed: int = 0) -> dict:
    key = jax.random.key(seed)
    ks = jax.random.split(key, 12)
    edge_indices = jax.random.randint(ks[0], (B, 2, E_EDGES), 0, N)
    edge_features = jax.random.normal(ks[1], (B, E_EDGES, D_MODEL), dtype=jnp.float32)
    input_Q = jax.random.normal(ks[2], (B, N, D_MODEL), dtype=jnp.float32)
    input_K = jax.random.normal(ks[3], (B, N, D_MODEL), dtype=jnp.float32)
    input_V = jax.random.normal(ks[4], (B, N, D_MODEL), dtype=jnp.float32)
    Wq = jax.random.normal(ks[5], (D_MODEL, H * DK), dtype=jnp.float32) * 0.05
    Wk = jax.random.normal(ks[6], (D_MODEL, H * DK), dtype=jnp.float32) * 0.05
    Wv = jax.random.normal(ks[7], (D_MODEL, H * DV), dtype=jnp.float32) * 0.05
    We = jax.random.normal(ks[8], (D_MODEL, H * DV), dtype=jnp.float32) * 0.05
    Wfc = jax.random.normal(ks[9], (H * DV, D_MODEL), dtype=jnp.float32) * 0.05
    gamma = jnp.ones((D_MODEL,), dtype=jnp.float32)
    beta = jnp.zeros((D_MODEL,), dtype=jnp.float32)
    return {"edge_indices": edge_indices, "edge_features": edge_features, "input_Q": input_Q, "input_K": input_K, "input_V": input_V, "Wq": Wq, "Wk": Wk, "Wv": Wv, "We": We, "Wfc": Wfc, "gamma": gamma, "beta": beta}


def reference(edge_indices, edge_features, input_Q, input_K, input_V, Wq, Wk, Wv, We, Wfc, gamma, beta):
    Bv, Nn, dm = input_Q.shape
    Q = (input_Q @ Wq).reshape(Bv, Nn, H, DK).transpose(0, 2, 1, 3)
    K = (input_K @ Wk).reshape(Bv, -1, H, DK).transpose(0, 2, 1, 3)
    V = (input_V @ Wv).reshape(Bv, -1, H, DV).transpose(0, 2, 1, 3)
    Ep = (edge_features @ We).reshape(Bv, -1, H, DV).transpose(0, 2, 1, 3)

    def per_batch(Qb, Kb, Vb, Eb, ei):
        src = ei[0]
        tgt = ei[1]
        Qe = Qb[:, src, :]
        Ke = Kb[:, tgt, :]
        Ve = Vb[:, tgt, :]
        scores = (Qe * Ke) / np.sqrt(DK)
        scores = scores * Eb
        attn = jnp.exp(jnp.clip(jnp.sum(scores, axis=-1, keepdims=True), -5.0, 5.0))
        msg = attn * Ve
        out = jax.vmap(lambda m: jax.ops.segment_sum(m, src, num_segments=Nn))(msg)
        coeff = jax.vmap(lambda a: jax.ops.segment_sum(a, src, num_segments=Nn))(attn)
        return out / (coeff + 1e-8), attn

    out, attn = jax.vmap(per_batch)(Q, K, V, Ep, edge_indices)
    out = out.transpose(0, 2, 1, 3).reshape(Bv, Nn, H * DV)
    out = out @ Wfc
    x = out + input_Q
    mean = jnp.mean(x, axis=-1, keepdims=True)
    var = jnp.var(x, axis=-1, keepdims=True)
    out = gamma * (x - mean) / jnp.sqrt(var + 1e-5) + beta
    return out, attn[-1:]

if __name__ == "__main__":
    import jax
    _d = setup_inputs()
    print(jax.jit(kernel)(*tuple(_d.values())))

</pallas_src>

<mosaic_0001>
#map = affine_map<(d0, d1) -> (0, 0)>
#map1 = affine_map<(d0, d1) -> (0)>
module attributes {stable_mosaic.version = 14 : i64} {
  func.func @_sc_body(%arg0: i32, %arg1: i32, %arg2: memref<20000x128xf32, #tpu.memory_space<hbm>>, %arg3: memref<20000x128xf32, #tpu.memory_space<hbm>>, %arg4: memref<20000x128xf32, #tpu.memory_space<hbm>>, %arg5: memref<320000x128xf32, #tpu.memory_space<hbm>>, %arg6: memref<1600000xi32, #tpu.memory_space<hbm>>, %arg7: memref<20480x128xf32, #tpu.memory_space<hbm>>, %arg8: memref<1280x128xf32, #tpu.memory_space<hbm>>, %arg9: memref<2560000xf32, #tpu.memory_space<hbm>>, %arg10: memref<10240x128xf32, #tpu.memory_space<vmem_shared>>, %arg11: memref<640x128xf32, #tpu.memory_space<vmem_shared>>, %arg12: memref<32xi32, #tpu.memory_space<vmem>>, %arg13: memref<32xi32, #tpu.memory_space<vmem>>, %arg14: memref<32xi32, #tpu.memory_space<vmem>>, %arg15: memref<32xi32, #tpu.memory_space<vmem>>, %arg16: memref<32xi32, #tpu.memory_space<vmem>>, %arg17: memref<32x128xf32, #tpu.memory_space<vmem>>, %arg18: memref<32x128xf32, #tpu.memory_space<vmem>>, %arg19: memref<32x128xf32, #tpu.memory_space<vmem>>, %arg20: memref<32x128xf32, #tpu.memory_space<vmem>>, %arg21: memref<32x128xf32, #tpu.memory_space<vmem>>, %arg22: memref<32x128xf32, #tpu.memory_space<vmem>>, %arg23: memref<256xf32, #tpu.memory_space<vmem>>, %arg24: memref<!tpu.dma_semaphore, #tpu.memory_space<semaphore_mem>>) attributes {dimension_semantics = [#tpu.dimension_semantics<core_parallel>, #tpu.dimension_semantics<subcore_parallel>], iteration_bounds = array<i64: 2, 16>, scalar_prefetch = 0 : i64, scratch_operands = 15 : i64, tpu.core_type = #tpu.core_type<sc_vector_subcore>, window_params = [{transform_indices = #map}, {transform_indices = #map}, {transform_indices = #map}, {transform_indices = #map}, {transform_indices = #map1}, {transform_indices = #map}, {transform_indices = #map}, {transform_indices = #map1}]} {
    %mul3A = arith.constant 640 : i32
    %mul3A_0 = arith.muli %arg1, %mul3A : i32
    %mul3A_1 = arith.constant 10240 : i32
    %mul3A_2 = arith.muli %arg0, %mul3A_1 : i32
    %broadcast_in_dim3A = arith.constant 0.000000e+00 : f32
    %broadcast_in_dim3A_3 = vector.broadcast %broadcast_in_dim3A : f32 to vector<16xf32>
    %scan3A = arith.constant 0 : i32
    %scan3A_4 = arith.constant 32 : i32
    %scan3A_5 = arith.addi %scan3A, %scan3A_4 : i32
    %scan3A_6 = arith.constant 1 : i32
    scf.for %scan3A_137 = %scan3A to %scan3A_5 step %scan3A_6  : i32 {
      %swap3A = arith.index_cast %scan3A_137 : i32 to index
      %swap3A_138 = arith.constant 0 : index
      %swap3A_139 = tpu.vector_load %arg21[%swap3A, %swap3A_138] {strides = array<i32>} : memref<32x128xf32, #tpu.memory_space<vmem>>, vector<16xf32>,
      tpu.vector_store %arg21[%swap3A, %swap3A_138], %broadcast_in_dim3A_3 {strides = array<i32>} : memref<32x128xf32, #tpu.memory_space<vmem>>, vector<16xf32>,
      %swap3A_140 = arith.index_cast %scan3A_137 : i32 to index
      %swap3A_141 = arith.constant 0 : index
      %swap3A_142 = tpu.vector_load %arg22[%swap3A_140, %swap3A_141] {strides = array<i32>} : memref<32x128xf32, #tpu.memory_space<vmem>>, vector<16xf32>,
      tpu.vector_store %arg22[%swap3A_140, %swap3A_141], %broadcast_in_dim3A_3 {strides = array<i32>} : memref<32x128xf32, #tpu.memory_space<vmem>>, vector<16xf32>,
      %swap3A_143 = arith.index_cast %scan3A_137 : i32 to index
      %swap3A_144 = arith.constant 16 : index
      %swap3A_145 = tpu.vector_load %arg21[%swap3A_143, %swap3A_144] {strides = array<i32>} : memref<32x128xf32, #tpu.memory_space<vmem>>, vector<16xf32>,
      tpu.vector_store %arg21[%swap3A_143, %swap3A_144], %broadcast_in_dim3A_3 {strides = array<i32>} : memref<32x128xf32, #tpu.memory_space<vmem>>, vector<16xf32>,
      %swap3A_146 = arith.index_cast %scan3A_137 : i32 to index
      %swap3A_147 = arith.constant 16 : index
      %swap3A_148 = tpu.vector_load %arg22[%swap3A_146, %swap3A_147] {strides = array<i32>} : memref<32x128xf32, #tpu.memory_space<vmem>>, vector<16xf32>,
      tpu.vector_store %arg22[%swap3A_146, %swap3A_147], %broadcast_in_dim3A_3 {strides = array<i32>} : memref<32x128xf32, #tpu.memory_space<vmem>>, vector<16xf32>,
      %swap3A_149 = arith.index_cast %scan3A_137 : i32 to index
      %swap3A_150 = arith.constant 32 : index
      %swap3A_151 = tpu.vector_load %arg21[%swap3A_149, %swap3A_150] {strides = array<i32>} : memref<32x128xf32, #tpu.memory_space<vmem>>, vector<16xf32>,
      tpu.vector_store %arg21[%swap3A_149, %swap3A_150], %broadcast_in_dim3A_3 {strides = array<i32>} : memref<32x128xf32, #tpu.memory_space<vmem>>, vector<16xf32>,
      %swap3A_152 = arith.index_cast %scan3A_137 : i32 to index
      %swap3A_153 = arith.constant 32 : index
      %swap3A_154 = tpu.vector_load %arg22[%swap3A_152, %swap3A_153] {strides = array<i32>} : memref<32x128xf32, #tpu.memory_space<vmem>>, vector<16xf32>,
      tpu.vector_store %arg22[%swap3A_152, %swap3A_153], %broadcast_in_dim3A_3 {strides = array<i32>} : memref<32x128xf32, #tpu.memory_space<vmem>>, vector<16xf32>,
      %swap3A_155 = arith.index_cast %scan3A_137 : i32 to index
      %swap3A_156 = arith.constant 48 : index
      %swap3A_157 = tpu.vector_load %arg21[%swap3A_155, %swap3A_156] {strides = array<i32>} : memref<32x128xf32, #tpu.memory_space<vmem>>, vector<16xf32>,
      tpu.vector_store %arg21[%swap3A_155, %swap3A_156], %broadcast_in_dim3A_3 {strides = array<i32>} : memref<32x128xf32, #tpu.memory_space<vmem>>, vector<16xf32>,
      %swap3A_158 = arith.index_cast %scan3A_137 : i32 to index
      %swap3A_159 = arith.constant 48 : index
      %swap3A_160 = tpu.vector_load %arg22[%swap3A_158, %swap3A_159] {strides = array<i32>} : memref<32x128xf32, #tpu.memory_space<vmem>>, vector<16xf32>,
      tpu.vector_store %arg22[%swap3A_158, %swap3A_159], %broadcast_in_dim3A_3 {strides = array<i32>} : memref<32x128xf32, #tpu.memory_space<vmem>>, vector<16xf32>,
      %swap3A_161 = arith.index_cast %scan3A_137 : i32 to index
      %swap3A_162 = arith.constant 64 : index
      %swap3A_163 = tpu.vector_load %arg21[%swap3A_161, %swap3A_162] {strides = array<i32>} : memref<32x128xf32, #tpu.memory_space<vmem>>, vector<16xf32>,
      tpu.vector_store %arg21[%swap3A_161, %swap3A_162], %broadcast_in_dim3A_3 {strides = array<i32>} : memref<32x128xf32, #tpu.memory_space<vmem>>, vector<16xf32>,
      %swap3A_164 = arith.index_cast %scan3A_137 : i32 to index
      %swap3A_165 = arith.constant 64 : index
      %swap3A_166 = tpu.vector_load %arg22[%swap3A_164, %swap3A_165] {strides = array<i32>} : memref<32x128xf32, #tpu.memory_space<vmem>>, vector<16xf32>,
      tpu.vector_store %arg22[%swap3A_164, %swap3A_165], %broadcast_in_dim3A_3 {strides = array<i32>} : memref<32x128xf32, #tpu.memory_space<vmem>>, vector<16xf32>,
      %swap3A_167 = arith.index_cast %scan3A_137 : i32 to index
      %swap3A_168 = arith.constant 80 : index
      %swap3A_169 = tpu.vector_load %arg21[%swap3A_167, %swap3A_168] {strides = array<i32>} : memref<32x128xf32, #tpu.memory_space<vmem>>, vector<16xf32>,
      tpu.vector_store %arg21[%swap3A_167, %swap3A_168], %broadcast_in_dim3A_3 {strides = array<i32>} : memref<32x128xf32, #tpu.memory_space<vmem>>, vector<16xf32>,
      %swap3A_170 = arith.index_cast %scan3A_137 : i32 to index
      %swap3A_171 = arith.constant 80 : index
      %swap3A_172 = tpu.vector_load %arg22[%swap3A_170, %swap3A_171] {strides = array<i32>} : memref<32x128xf32, #tpu.memory_space<vmem>>, vector<16xf32>,
      tpu.vector_store %arg22[%swap3A_170, %swap3A_171], %broadcast_in_dim3A_3 {strides = array<i32>} : memref<32x128xf32, #tpu.memory_space<vmem>>, vector<16xf32>,
      %swap3A_173 = arith.index_cast %scan3A_137 : i32 to index
      %swap3A_174 = arith.constant 96 : index
      %swap3A_175 = tpu.vector_load %arg21[%swap3A_173, %swap3A_174] {strides = array<i32>} : memref<32x128xf32, #tpu.memory_space<vmem>>, vector<16xf32>,
      tpu.vector_store %arg21[%swap3A_173, %swap3A_174], %broadcast_in_dim3A_3 {strides = array<i32>} : memref<32x128xf32, #tpu.memory_space<vmem>>, vector<16xf32>,
      %swap3A_176 = arith.index_cast %scan3A_137 : i32 to index
      %swap3A_177 = arith.constant 96 : index
      %swap3A_178 = tpu.vector_load %arg22[%swap3A_176, %swap3A_177] {strides = array<i32>} : memref<32x128xf32, #tpu.memory_space<vmem>>, vector<16xf32>,
      tpu.vector_store %arg22[%swap3A_176, %swap3A_177], %broadcast_in_dim3A_3 {strides = array<i32>} : memref<32x128xf32, #tpu.memory_space<vmem>>, vector<16xf32>,
      %swap3A_179 = arith.index_cast %scan3A_137 : i32 to index
      %swap3A_180 = arith.constant 112 : index
      %swap3A_181 = tpu.vector_load %arg21[%swap3A_179, %swap3A_180] {strides = array<i32>} : memref<32x128xf32, #tpu.memory_space<vmem>>, vector<16xf32>,
      tpu.vector_store %arg21[%swap3A_179, %swap3A_180], %broadcast_in_dim3A_3 {strides = array<i32>} : memref<32x128xf32, #tpu.memory_space<vmem>>, vector<16xf32>,
      %swap3A_182 = arith.index_cast %scan3A_137 : i32 to index
      %swap3A_183 = arith.constant 112 : index
      %swap3A_184 = tpu.vector_load %arg22[%swap3A_182, %swap3A_183] {strides = array<i32>} : memref<32x128xf32, #tpu.memory_space<vmem>>, vector<16xf32>,
      tpu.vector_store %arg22[%swap3A_182, %swap3A_183], %broadcast_in_dim3A_3 {strides = array<i32>} : memref<32x128xf32, #tpu.memory_space<vmem>>, vector<16xf32>,
    }
    %scan3A_7 = arith.constant 32 : i32
    %add3A = arith.constant 0 : i32
    %add3A_8 = arith.addi %mul3A_0, %add3A : i32
    "tpu.region"() ({
      %run_scoped3A = tpu.sem_alloc : memref<!tpu.dma_semaphore, #tpu.memory_space<semaphore_mem>>
      %dma_start3A = arith.constant 0 : i32
      %dma_start3A_137 = tpu.memref_slice %arg10[%add3A_8, %dma_start3A] : memref<10240x128xf32, #tpu.memory_space<vmem_shared>> -> memref<32x128xf32, #tpu.memory_space<vmem_shared>>
      %dma_start3A_138 = arith.constant 0 : i32
      %dma_start3A_139 = tpu.memref_slice %arg10[%add3A_8, %dma_start3A_138] : memref<10240x128xf32, #tpu.memory_space<vmem_shared>> -> memref<32x128xf32, #tpu.memory_space<vmem_shared>>
      tpu.enqueue_dma source(%arg21 : memref<32x128xf32, #tpu.memory_space<vmem>>) target(%dma_start3A_139 : memref<32x128xf32, #tpu.memory_space<vmem_shared>>) target_semaphore(%run_scoped3A : memref<!tpu.dma_semaphore, #tpu.memory_space<semaphore_mem>>)
      %dma_wait3A = arith.constant 0 : i32
      %dma_wait3A_140 = tpu.memref_slice %arg10[%add3A_8, %dma_wait3A] : memref<10240x128xf32, #tpu.memory_space<vmem_shared>> -> memref<32x128xf32, #tpu.memory_space<vmem_shared>>
      %dma_wait3A_141 = arith.constant 0 : i32
      %dma_wait3A_142 = tpu.memref_slice %arg10[%add3A_8, %dma_wait3A_141] : memref<10240x128xf32, #tpu.memory_space<vmem_shared>> -> memref<32x128xf32, #tpu.memory_space<vmem_shared>>
      tpu.wait_dma2 semaphore(%run_scoped3A : memref<!tpu.dma_semaphore, #tpu.memory_space<semaphore_mem>>) src(%arg21 : memref<32x128xf32, #tpu.memory_space<vmem>>) dst(%dma_wait3A_142 : memref<32x128xf32, #tpu.memory_space<vmem_shared>>)
      tpu.yield
    }) : () -> ()
    %add3A_9 = arith.constant 32 : i32
    %add3A_10 = arith.addi %mul3A_0, %add3A_9 : i32
    "tpu.region"() ({
      %run_scoped3A = tpu.sem_alloc : memref<!tpu.dma_semaphore, #tpu.memory_space<semaphore_mem>>
      %dma_start3A = arith.constant 0 : i32
      %dma_start3A_137 = tpu.memref_slice %arg10[%add3A_10, %dma_start3A] : memref<10240x128xf32, #tpu.memory_space<vmem_shared>> -> memref<32x128xf32, #tpu.memory_space<vmem_shared>>
      %dma_start3A_138 = arith.constant 0 : i32
      %dma_start3A_139 = tpu.memref_slice %arg10[%add3A_10, %dma_start3A_138] : memref<10240x128xf32, #tpu.memory_space<vmem_shared>> -> memref<32x128xf32, #tpu.memory_space<vmem_shared>>
      tpu.enqueue_dma source(%arg21 : memref<32x128xf32, #tpu.memory_space<vmem>>) target(%dma_start3A_139 : memref<32x128xf32, #tpu.memory_space<vmem_shared>>) target_semaphore(%run_scoped3A : memref<!tpu.dma_semaphore, #tpu.memory_space<semaphore_mem>>)
      %dma_wait3A = arith.constant 0 : i32
      %dma_wait3A_140 = tpu.memref_slice %arg10[%add3A_10, %dma_wait3A] : memref<10240x128xf32, #tpu.memory_space<vmem_shared>> -> memref<32x128xf32, #tpu.memory_space<vmem_shared>>
      %dma_wait3A_141 = arith.constant 0 : i32
      %dma_wait3A_142 = tpu.memref_slice %arg10[%add3A_10, %dma_wait3A_141] : memref<10240x128xf32, #tpu.memory_space<vmem_shared>> -> memref<32x128xf32, #tpu.memory_space<vmem_shared>>
      tpu.wait_dma2 semaphore(%run_scoped3A : memref<!tpu.dma_semaphore, #tpu.memory_space<semaphore_mem>>) src(%arg21 : memref<32x128xf32, #tpu.memory_space<vmem>>) dst(%dma_wait3A_142 : memref<32x128xf32, #tpu.memory_space<vmem_shared>>)
      tpu.yield
    }) : () -> ()
    %add3A_11 = arith.constant 64 : i32
    %add3A_12 = arith.addi %mul3A_0, %add3A_11 : i32
    "tpu.region"() ({
      %run_scoped3A = tpu.sem_alloc : memref<!tpu.dma_semaphore, #tpu.memory_space<semaphore_mem>>
      %dma_start3A = arith.constant 0 : i32
      %dma_start3A_137 = tpu.memref_slice %arg10[%add3A_12, %dma_start3A] : memref<10240x128xf32, #tpu.memory_space<vmem_shared>> -> memref<32x128xf32, #tpu.memory_space<vmem_shared>>
      %dma_start3A_138 = arith.constant 0 : i32
      %dma_start3A_139 = tpu.memref_slice %arg10[%add3A_12, %dma_start3A_138] : memref<10240x128xf32, #tpu.memory_space<vmem_shared>> -> memref<32x128xf32, #tpu.memory_space<vmem_shared>>
      tpu.enqueue_dma source(%arg21 : memref<32x128xf32, #tpu.memory_space<vmem>>) target(%dma_start3A_139 : memref<32x128xf32, #tpu.memory_space<vmem_shared>>) target_semaphore(%run_scoped3A : memref<!tpu.dma_semaphore, #tpu.memory_space<semaphore_mem>>)
      %dma_wait3A = arith.constant 0 : i32
      %dma_wait3A_140 = tpu.memref_slice %arg10[%add3A_12, %dma_wait3A] : memref<10240x128xf32, #tpu.memory_space<vmem_shared>> -> memref<32x128xf32, #tpu.memory_space<vmem_shared>>
      %dma_wait3A_141 = arith.constant 0 : i32
      %dma_wait3A_142 = tpu.memref_slice %arg10[%add3A_12, %dma_wait3A_141] : memref<10240x128xf32, #tpu.memory_space<vmem_shared>> -> memref<32x128xf32, #tpu.memory_space<vmem_shared>>
      tpu.wait_dma2 semaphore(%run_scoped3A : memref<!tpu.dma_semaphore, #tpu.memory_space<semaphore_mem>>) src(%arg21 : memref<32x128xf32, #tpu.memory_space<vmem>>) dst(%dma_wait3A_142 : memref<32x128xf32, #tpu.memory_space<vmem_shared>>)
      tpu.yield
    }) : () -> ()
    %add3A_13 = arith.constant 96 : i32
    %add3A_14 = arith.addi %mul3A_0, %add3A_13 : i32
    "tpu.region"() ({
      %run_scoped3A = tpu.sem_alloc : memref<!tpu.dma_semaphore, #tpu.memory_space<semaphore_mem>>
      %dma_start3A = arith.constant 0 : i32
      %dma_start3A_137 = tpu.memref_slice %arg10[%add3A_14, %dma_start3A] : memref<10240x128xf32, #tpu.memory_space<vmem_shared>> -> memref<32x128xf32, #tpu.memory_space<vmem_shared>>
      %dma_start3A_138 = arith.constant 0 : i32
      %dma_start3A_139 = tpu.memref_slice %arg10[%add3A_14, %dma_start3A_138] : memref<10240x128xf32, #tpu.memory_space<vmem_shared>> -> memref<32x128xf32, #tpu.memory_space<vmem_shared>>
      tpu.enqueue_dma source(%arg21 : memref<32x128xf32, #tpu.memory_space<vmem>>) target(%dma_start3A_139 : memref<32x128xf32, #tpu.memory_space<vmem_shared>>) target_semaphore(%run_scoped3A : memref<!tpu.dma_semaphore, #tpu.memory_space<semaphore_mem>>)
      %dma_wait3A = arith.constant 0 : i32
      %dma_wait3A_140 = tpu.memref_slice %arg10[%add3A_14, %dma_wait3A] : memref<10240x128xf32, #tpu.memory_space<vmem_shared>> -> memref<32x128xf32, #tpu.memory_space<vmem_shared>>
      %dma_wait3A_141 = arith.constant 0 : i32
      %dma_wait3A_142 = tpu.memref_slice %arg10[%add3A_14, %dma_wait3A_141] : memref<10240x128xf32, #tpu.memory_space<vmem_shared>> -> memref<32x128xf32, #tpu.memory_space<vmem_shared>>
      tpu.wait_dma2 semaphore(%run_scoped3A : memref<!tpu.dma_semaphore, #tpu.memory_space<semaphore_mem>>) src(%arg21 : memref<32x128xf32, #tpu.memory_space<vmem>>) dst(%dma_wait3A_142 : memref<32x128xf32, #tpu.memory_space<vmem_shared>>)
      tpu.yield
    }) : () -> ()
    %add3A_15 = arith.constant 128 : i32
    %add3A_16 = arith.addi %mul3A_0, %add3A_15 : i32
    "tpu.region"() ({
      %run_scoped3A = tpu.sem_alloc : memref<!tpu.dma_semaphore, #tpu.memory_space<semaphore_mem>>
      %dma_start3A = arith.constant 0 : i32
      %dma_start3A_137 = tpu.memref_slice %arg10[%add3A_16, %dma_start3A] : memref<10240x128xf32, #tpu.memory_space<vmem_shared>> -> memref<32x128xf32, #tpu.memory_space<vmem_shared>>
      %dma_start3A_138 = arith.constant 0 : i32
      %dma_start3A_139 = tpu.memref_slice %arg10[%add3A_16, %dma_start3A_138] : memref<10240x128xf32, #tpu.memory_space<vmem_shared>> -> memref<32x128xf32, #tpu.memory_space<vmem_shared>>
      tpu.enqueue_dma source(%arg21 : memref<32x128xf32, #tpu.memory_space<vmem>>) target(%dma_start3A_139 : memref<32x128xf32, #tpu.memory_space<vmem_shared>>) target_semaphore(%run_scoped3A : memref<!tpu.dma_semaphore, #tpu.memory_space<semaphore_mem>>)
      %dma_wait3A = arith.constant 0 : i32
      %dma_wait3A_140 = tpu.memref_slice %arg10[%add3A_16, %dma_wait3A] : memref<10240x128xf32, #tpu.memory_space<vmem_shared>> -> memref<32x128xf32, #tpu.memory_space<vmem_shared>>
      %dma_wait3A_141 = arith.constant 0 : i32
      %dma_wait3A_142 = tpu.memref_slice %arg10[%add3A_16, %dma_wait3A_141] : memref<10240x128xf32, #tpu.memory_space<vmem_shared>> -> memref<32x128xf32, #tpu.memory_space<vmem_shared>>
      tpu.wait_dma2 semaphore(%run_scoped3A : memref<!tpu.dma_semaphore, #tpu.memory_space<semaphore_mem>>) src(%arg21 : memref<32x128xf32, #tpu.memory_space<vmem>>) dst(%dma_wait3A_142 : memref<32x128xf32, #tpu.memory_space<vmem_shared>>)
      tpu.yield
    }) : () -> ()
    %add3A_17 = arith.constant 160 : i32
    %add3A_18 = arith.addi %mul3A_0, %add3A_17 : i32
    "tpu.region"() ({
      %run_scoped3A = tpu.sem_alloc : memref<!tpu.dma_semaphore, #tpu.memory_space<semaphore_mem>>
      %dma_start3A = arith.constant 0 : i32
      %dma_start3A_137 = tpu.memref_slice %arg10[%add3A_18, %dma_start3A] : memref<10240x128xf32, #tpu.memory_space<vmem_shared>> -> memref<32x128xf32, #tpu.memory_space<vmem_shared>>
      %dma_start3A_138 = arith.constant 0 : i32
      %dma_start3A_139 = tpu.memref_slice %arg10[%add3A_18, %dma_start3A_138] : memref<10240x128xf32, #tpu.memory_space<vmem_shared>> -> memref<32x128xf32, #tpu.memory_space<vmem_shared>>
      tpu.enqueue_dma source(%arg21 : memref<32x128xf32, #tpu.memory_space<vmem>>) target(%dma_start3A_139 : memref<32x128xf32, #tpu.memory_space<vmem_shared>>) target_semaphore(%run_scoped3A : memref<!tpu.dma_semaphore, #tpu.memory_space<semaphore_mem>>)
      %dma_wait3A = arith.constant 0 : i32
      %dma_wait3A_140 = tpu.memref_slice %arg10[%add3A_18, %dma_wait3A] : memref<10240x128xf32, #tpu.memory_space<vmem_shared>> -> memref<32x128xf32, #tpu.memory_space<vmem_shared>>
      %dma_wait3A_141 = arith.constant 0 : i32
      %dma_wait3A_142 = tpu.memref_slice %arg10[%add3A_18, %dma_wait3A_141] : memref<10240x128xf32, #tpu.memory_space<vmem_shared>> -> memref<32x128xf32, #tpu.memory_space<vmem_shared>>
      tpu.wait_dma2 semaphore(%run_scoped3A : memref<!tpu.dma_semaphore, #tpu.memory_space<semaphore_mem>>) src(%arg21 : memref<32x128xf32, #tpu.memory_space<vmem>>) dst(%dma_wait3A_142 : memref<32x128xf32, #tpu.memory_space<vmem_shared>>)
      tpu.yield
    }) : () -> ()
    %add3A_19 = arith.constant 192 : i32
    %add3A_20 = arith.addi %mul3A_0, %add3A_19 : i32
    "tpu.region"() ({
      %run_scoped3A = tpu.sem_alloc : memref<!tpu.dma_semaphore, #tpu.memory_space<semaphore_mem>>
      %dma_start3A = arith.constant 0 : i32
      %dma_start3A_137 = tpu.memref_slice %arg10[%add3A_20, %dma_start3A] : memref<10240x128xf32, #tpu.memory_space<vmem_shared>> -> memref<32x128xf32, #tpu.memory_space<vmem_shared>>
      %dma_start3A_138 = arith.constant 0 : i32
      %dma_start3A_139 = tpu.memref_slice %arg10[%add3A_20, %dma_start3A_138] : memref<10240x128xf32, #tpu.memory_space<vmem_shared>> -> memref<32x128xf32, #tpu.memory_space<vmem_shared>>
      tpu.enqueue_dma source(%arg21 : memref<32x128xf32, #tpu.memory_space<vmem>>) target(%dma_start3A_139 : memref<32x128xf32, #tpu.memory_space<vmem_shared>>) target_semaphore(%run_scoped3A : memref<!tpu.dma_semaphore, #tpu.memory_space<semaphore_mem>>)
      %dma_wait3A = arith.constant 0 : i32
      %dma_wait3A_140 = tpu.memref_slice %arg10[%add3A_20, %dma_wait3A] : memref<10240x128xf32, #tpu.memory_space<vmem_shared>> -> memref<32x128xf32, #tpu.memory_space<vmem_shared>>
      %dma_wait3A_141 = arith.constant 0 : i32
      %dma_wait3A_142 = tpu.memref_slice %arg10[%add3A_20, %dma_wait3A_141] : memref<10240x128xf32, #tpu.memory_space<vmem_shared>> -> memref<32x128xf32, #tpu.memory_space<vmem_shared>>
      tpu.wait_dma2 semaphore(%run_scoped3A : memref<!tpu.dma_semaphore, #tpu.memory_space<semaphore_mem>>) src(%arg21 : memref<32x128xf32, #tpu.memory_space<vmem>>) dst(%dma_wait3A_142 : memref<32x128xf32, #tpu.memory_space<vmem_shared>>)
      tpu.yield
    }) : () -> ()
    %add3A_21 = arith.constant 224 : i32
    %add3A_22 = arith.addi %mul3A_0, %add3A_21 : i32
    "tpu.region"() ({
      %run_scoped3A = tpu.sem_alloc : memref<!tpu.dma_semaphore, #tpu.memory_space<semaphore_mem>>
      %dma_start3A = arith.constant 0 : i32
      %dma_start3A_137 = tpu.memref_slice %arg10[%add3A_22, %dma_start3A] : memref<10240x128xf32, #tpu.memory_space<vmem_shared>> -> memref<32x128xf32, #tpu.memory_space<vmem_shared>>
      %dma_start3A_138 = arith.constant 0 : i32
      %dma_start3A_139 = tpu.memref_slice %arg10[%add3A_22, %dma_start3A_138] : memref<10240x128xf32, #tpu.memory_space<vmem_shared>> -> memref<32x128xf32, #tpu.memory_space<vmem_shared>>
      tpu.enqueue_dma source(%arg21 : memref<32x128xf32, #tpu.memory_space<vmem>>) target(%dma_start3A_139 : memref<32x128xf32, #tpu.memory_space<vmem_shared>>) target_semaphore(%run_scoped3A : memref<!tpu.dma_semaphore, #tpu.memory_space<semaphore_mem>>)
      %dma_wait3A = arith.constant 0 : i32
      %dma_wait3A_140 = tpu.memref_slice %arg10[%add3A_22, %dma_wait3A] : memref<10240x128xf32, #tpu.memory_space<vmem_shared>> -> memref<32x128xf32, #tpu.memory_space<vmem_shared>>
      %dma_wait3A_141 = arith.constant 0 : i32
      %dma_wait3A_142 = tpu.memref_slice %arg10[%add3A_22, %dma_wait3A_141] : memref<10240x128xf32, #tpu.memory_space<vmem_shared>> -> memref<32x128xf32, #tpu.memory_space<vmem_shared>>
      tpu.wait_dma2 semaphore(%run_scoped3A : memref<!tpu.dma_semaphore, #tpu.memory_space<semaphore_mem>>) src(%arg21 : memref<32x128xf32, #tpu.memory_space<vmem>>) dst(%dma_wait3A_142 : memref<32x128xf32, #tpu.memory_space<vmem_shared>>)
      tpu.yield
    }) : () -> ()
    %add3A_23 = arith.constant 256 : i32
    %add3A_24 = arith.addi %mul3A_0, %add3A_23 : i32
    "tpu.region"() ({
      %run_scoped3A = tpu.sem_alloc : memref<!tpu.dma_semaphore, #tpu.memory_space<semaphore_mem>>
      %dma_start3A = arith.constant 0 : i32
      %dma_start3A_137 = tpu.memref_slice %arg10[%add3A_24, %dma_start3A] : memref<10240x128xf32, #tpu.memory_space<vmem_shared>> -> memref<32x128xf32, #tpu.memory_space<vmem_shared>>
      %dma_start3A_138 = arith.constant 0 : i32
      %dma_start3A_139 = tpu.memref_slice %arg10[%add3A_24, %dma_start3A_138] : memref<10240x128xf32, #tpu.memory_space<vmem_shared>> -> memref<32x128xf32, #tpu.memory_space<vmem_shared>>
      tpu.enqueue_dma source(%arg21 : memref<32x128xf32, #tpu.memory_space<vmem>>) target(%dma_start3A_139 : memref<32x128xf32, #tpu.memory_space<vmem_shared>>) target_semaphore(%run_scoped3A : memref<!tpu.dma_semaphore, #tpu.memory_space<semaphore_mem>>)
      %dma_wait3A = arith.constant 0 : i32
      %dma_wait3A_140 = tpu.memref_slice %arg10[%add3A_24, %dma_wait3A] : memref<10240x128xf32, #tpu.memory_space<vmem_shared>> -> memref<32x128xf32, #tpu.memory_space<vmem_shared>>
      %dma_wait3A_141 = arith.constant 0 : i32
      %dma_wait3A_142 = tpu.memref_slice %arg10[%add3A_24, %dma_wait3A_141] : memref<10240x128xf32, #tpu.memory_space<vmem_shared>> -> memref<32x128xf32, #tpu.memory_space<vmem_shared>>
      tpu.wait_dma2 semaphore(%run_scoped3A : memref<!tpu.dma_semaphore, #tpu.memory_space<semaphore_mem>>) src(%arg21 : memref<32x128xf32, #tpu.memory_space<vmem>>) dst(%dma_wait3A_142 : memref<32x128xf32, #tpu.memory_space<vmem_shared>>)
      tpu.yield
    }) : () -> ()
    %add3A_25 = arith.constant 288 : i32
    %add3A_26 = arith.addi %mul3A_0, %add3A_25 : i32
    "tpu.region"() ({
      %run_scoped3A = tpu.sem_alloc : memref<!tpu.dma_semaphore, #tpu.memory_space<semaphore_mem>>
      %dma_start3A = arith.constant 0 : i32
      %dma_start3A_137 = tpu.memref_slice %arg10[%add3A_26, %dma_start3A] : memref<10240x128xf32, #tpu.memory_space<vmem_shared>> -> memref<32x128xf32, #tpu.memory_space<vmem_shared>>
      %dma_start3A_138 = arith.constant 0 : i32
      %dma_start3A_139 = tpu.memref_slice %arg10[%add3A_26, %dma_start3A_138] : memref<10240x128xf32, #tpu.memory_space<vmem_shared>> -> memref<32x128xf32, #tpu.memory_space<vmem_shared>>
      tpu.enqueue_dma source(%arg21 : memref<32x128xf32, #tpu.memory_space<vmem>>) target(%dma_start3A_139 : memref<32x128xf32, #tpu.memory_space<vmem_shared>>) target_semaphore(%run_scoped3A : memref<!tpu.dma_semaphore, #tpu.memory_space<semaphore_mem>>)
      %dma_wait3A = arith.constant 0 : i32
      %dma_wait3A_140 = tpu.memref_slice %arg10[%add3A_26, %dma_wait3A] : memref<10240x128xf32, #tpu.memory_space<vmem_shared>> -> memref<32x128xf32, #tpu.memory_space<vmem_shared>>
      %dma_wait3A_141 = arith.constant 0 : i32
      %dma_wait3A_142 = tpu.memref_slice %arg10[%add3A_26, %dma_wait3A_141] : memref<10240x128xf32, #tpu.memory_space<vmem_shared>> -> memref<32x128xf32, #tpu.memory_space<vmem_shared>>
      tpu.wait_dma2 semaphore(%run_scoped3A : memref<!tpu.dma_semaphore, #tpu.memory_space<semaphore_mem>>) src(%arg21 : memref<32x128xf32, #tpu.memory_space<vmem>>) dst(%dma_wait3A_142 : memref<32x128xf32, #tpu.memory_space<vmem_shared>>)
      tpu.yield
    }) : () -> ()
    %add3A_27 = arith.constant 320 : i32
    %add3A_28 = arith.addi %mul3A_0, %add3A_27 : i32
    "tpu.region"() ({
      %run_scoped3A = tpu.sem_alloc : memref<!tpu.dma_semaphore, #tpu.memory_space<semaphore_mem>>
      %dma_start3A = arith.constant 0 : i32
      %dma_start3A_137 = tpu.memref_slice %arg10[%add3A_28, %dma_start3A] : memref<10240x128xf32, #tpu.memory_space<vmem_shared>> -> memref<32x128xf32, #tpu.memory_space<vmem_shared>>
      %dma_start3A_138 = arith.constant 0 : i32
      %dma_start3A_139 = tpu.memref_slice %arg10[%add3A_28, %dma_start3A_138] : memref<10240x128xf32, #tpu.memory_space<vmem_shared>> -> memref<32x128xf32, #tpu.memory_space<vmem_shared>>
      tpu.enqueue_dma source(%arg21 : memref<32x128xf32, #tpu.memory_space<vmem>>) target(%dma_start3A_139 : memref<32x128xf32, #tpu.memory_space<vmem_shared>>) target_semaphore(%run_scoped3A : memref<!tpu.dma_semaphore, #tpu.memory_space<semaphore_mem>>)
      %dma_wait3A = arith.constant 0 : i32
      %dma_wait3A_140 = tpu.memref_slice %arg10[%add3A_28, %dma_wait3A] : memref<10240x128xf32, #tpu.memory_space<vmem_shared>> -> memref<32x128xf32, #tpu.memory_space<vmem_shared>>
      %dma_wait3A_141 = arith.constant 0 : i32
      %dma_wait3A_142 = tpu.memref_slice %arg10[%add3A_28, %dma_wait3A_141] : memref<10240x128xf32, #tpu.memory_space<vmem_shared>> -> memref<32x128xf32, #tpu.memory_space<vmem_shared>>
      tpu.wait_dma2 semaphore(%run_scoped3A : memref<!tpu.dma_semaphore, #tpu.memory_space<semaphore_mem>>) src(%arg21 : memref<32x128xf32, #tpu.memory_space<vmem>>) dst(%dma_wait3A_142 : memref<32x128xf32, #tpu.memory_space<vmem_shared>>)
      tpu.yield
    }) : () -> ()
    %add3A_29 = arith.constant 352 : i32
    %add3A_30 = arith.addi %mul3A_0, %add3A_29 : i32
    "tpu.region"() ({
      %run_scoped3A = tpu.sem_alloc : memref<!tpu.dma_semaphore, #tpu.memory_space<semaphore_mem>>
      %dma_start3A = arith.constant 0 : i32
      %dma_start3A_137 = tpu.memref_slice %arg10[%add3A_30, %dma_start3A] : memref<10240x128xf32, #tpu.memory_space<vmem_shared>> -> memref<32x128xf32, #tpu.memory_space<vmem_shared>>
      %dma_start3A_138 = arith.constant 0 : i32
      %dma_start3A_139 = tpu.memref_slice %arg10[%add3A_30, %dma_start3A_138] : memref<10240x128xf32, #tpu.memory_space<vmem_shared>> -> memref<32x128xf32, #tpu.memory_space<vmem_shared>>
      tpu.enqueue_dma source(%arg21 : memref<32x128xf32, #tpu.memory_space<vmem>>) target(%dma_start3A_139 : memref<32x128xf32, #tpu.memory_space<vmem_shared>>) target_semaphore(%run_scoped3A : memref<!tpu.dma_semaphore, #tpu.memory_space<semaphore_mem>>)
      %dma_wait3A = arith.constant 0 : i32
      %dma_wait3A_140 = tpu.memref_slice %arg10[%add3A_30, %dma_wait3A] : memref<10240x128xf32, #tpu.memory_space<vmem_shared>> -> memref<32x128xf32, #tpu.memory_space<vmem_shared>>
      %dma_wait3A_141 = arith.constant 0 : i32
      %dma_wait3A_142 = tpu.memref_slice %arg10[%add3A_30, %dma_wait3A_141] : memref<10240x128xf32, #tpu.memory_space<vmem_shared>> -> memref<32x128xf32, #tpu.memory_space<vmem_shared>>
      tpu.wait_dma2 semaphore(%run_scoped3A : memref<!tpu.dma_semaphore, #tpu.memory_space<semaphore_mem>>) src(%arg21 : memref<32x128xf32, #tpu.memory_space<vmem>>) dst(%dma_wait3A_142 : memref<32x128xf32, #tpu.memory_space<vmem_shared>>)
      tpu.yield
    }) : () -> ()
    %add3A_31 = arith.constant 384 : i32
    %add3A_32 = arith.addi %mul3A_0, %add3A_31 : i32
    "tpu.region"() ({
      %run_scoped3A = tpu.sem_alloc : memref<!tpu.dma_semaphore, #tpu.memory_space<semaphore_mem>>
      %dma_start3A = arith.constant 0 : i32
      %dma_start3A_137 = tpu.memref_slice %arg10[%add3A_32, %dma_start3A] : memref<10240x128xf32, #tpu.memory_space<vmem_shared>> -> memref<32x128xf32, #tpu.memory_space<vmem_shared>>
      %dma_start3A_138 = arith.constant 0 : i32
      %dma_start3A_139 = tpu.memref_slice %arg10[%add3A_32, %dma_start3A_138] : memref<10240x128xf32, #tpu.memory_space<vmem_shared>> -> memref<32x128xf32, #tpu.memory_space<vmem_shared>>
      tpu.enqueue_dma source(%arg21 : memref<32x128xf32, #tpu.memory_space<vmem>>) target(%dma_start3A_139 : memref<32x128xf32, #tpu.memory_space<vmem_shared>>) target_semaphore(%run_scoped3A : memref<!tpu.dma_semaphore, #tpu.memory_space<semaphore_mem>>)
      %dma_wait3A = arith.constant 0 : i32
      %dma_wait3A_140 = tpu.memref_slice %arg10[%add3A_32, %dma_wait3A] : memref<10240x128xf32, #tpu.memory_space<vmem_shared>> -> memref<32x128xf32, #tpu.memory_space<vmem_shared>>
      %dma_wait3A_141 = arith.constant 0 : i32
      %dma_wait3A_142 = tpu.memref_slice %arg10[%add3A_32, %dma_wait3A_141] : memref<10240x128xf32, #tpu.memory_space<vmem_shared>> -> memref<32x128xf32, #tpu.memory_space<vmem_shared>>
      tpu.wait_dma2 semaphore(%run_scoped3A : memref<!tpu.dma_semaphore, #tpu.memory_space<semaphore_mem>>) src(%arg21 : memref<32x128xf32, #tpu.memory_space<vmem>>) dst(%dma_wait3A_142 : memref<32x128xf32, #tpu.memory_space<vmem_shared>>)
      tpu.yield
    }) : () -> ()
    %add3A_33 = arith.constant 416 : i32
    %add3A_34 = arith.addi %mul3A_0, %add3A_33 : i32
    "tpu.region"() ({
      %run_scoped3A = tpu.sem_alloc : memref<!tpu.dma_semaphore, #tpu.memory_space<semaphore_mem>>
      %dma_start3A = arith.constant 0 : i32
      %dma_start3A_137 = tpu.memref_slice %arg10[%add3A_34, %dma_start3A] : memref<10240x128xf32, #tpu.memory_space<vmem_shared>> -> memref<32x128xf32, #tpu.memory_space<vmem_shared>>
      %dma_start3A_138 = arith.constant 0 : i32
      %dma_start3A_139 = tpu.memref_slice %arg10[%add3A_34, %dma_start3A_138] : memref<10240x128xf32, #tpu.memory_space<vmem_shared>> -> memref<32x128xf32, #tpu.memory_space<vmem_shared>>
      tpu.enqueue_dma source(%arg21 : memref<32x128xf32, #tpu.memory_space<vmem>>) target(%dma_start3A_139 : memref<32x128xf32, #tpu.memory_space<vmem_shared>>) target_semaphore(%run_scoped3A : memref<!tpu.dma_semaphore, #tpu.memory_space<semaphore_mem>>)
      %dma_wait3A = arith.constant 0 : i32
      %dma_wait3A_140 = tpu.memref_slice %arg10[%add3A_34, %dma_wait3A] : memref<10240x128xf32, #tpu.memory_space<vmem_shared>> -> memref<32x128xf32, #tpu.memory_space<vmem_shared>>
      %dma_wait3A_141 = arith.constant 0 : i32
      %dma_wait3A_142 = tpu.memref_slice %arg10[%add3A_34, %dma_wait3A_141] : memref<10240x128xf32, #tpu.memory_space<vmem_shared>> -> memref<32x128xf32, #tpu.memory_space<vmem_shared>>
      tpu.wait_dma2 semaphore(%run_scoped3A : memref<!tpu.dma_semaphore, #tpu.memory_space<semaphore_mem>>) src(%arg21 : memref<32x128xf32, #tpu.memory_space<vmem>>) dst(%dma_wait3A_142 : memref<32x128xf32, #tpu.memory_space<vmem_shared>>)
      tpu.yield
    }) : () -> ()
    %add3A_35 = arith.constant 448 : i32
    %add3A_36 = arith.addi %mul3A_0, %add3A_35 : i32
    "tpu.region"() ({
      %run_scoped3A = tpu.sem_alloc : memref<!tpu.dma_semaphore, #tpu.memory_space<semaphore_mem>>
      %dma_start3A = arith.constant 0 : i32
      %dma_start3A_137 = tpu.memref_slice %arg10[%add3A_36, %dma_start3A] : memref<10240x128xf32, #tpu.memory_space<vmem_shared>> -> memref<32x128xf32, #tpu.memory_space<vmem_shared>>
      %dma_start3A_138 = arith.constant 0 : i32
      %dma_start3A_139 = tpu.memref_slice %arg10[%add3A_36, %dma_start3A_138] : memref<10240x128xf32, #tpu.memory_space<vmem_shared>> -> memref<32x128xf32, #tpu.memory_space<vmem_shared>>
      tpu.enqueue_dma source(%arg21 : memref<32x128xf32, #tpu.memory_space<vmem>>) target(%dma_start3A_139 : memref<32x128xf32, #tpu.memory_space<vmem_shared>>) target_semaphore(%run_scoped3A : memref<!tpu.dma_semaphore, #tpu.memory_space<semaphore_mem>>)
      %dma_wait3A = arith.constant 0 : i32
      %dma_wait3A_140 = tpu.memref_slice %arg10[%add3A_36, %dma_wait3A] : memref<10240x128xf32, #tpu.memory_space<vmem_shared>> -> memref<32x128xf32, #tpu.memory_space<vmem_shared>>
      %dma_wait3A_141 = arith.constant 0 : i32
      %dma_wait3A_142 = tpu.memref_slice %arg10[%add3A_36, %dma_wait3A_141] : memref<10240x128xf32, #tpu.memory_space<vmem_shared>> -> memref<32x128xf32, #tpu.memory_space<vmem_shared>>
      tpu.wait_dma2 semaphore(%run_scoped3A : memref<!tpu.dma_semaphore, #tpu.memory_space<semaphore_mem>>) src(%arg21 : memref<32x128xf32, #tpu.memory_space<vmem>>) dst(%dma_wait3A_142 : memref<32x128xf32, #tpu.memory_space<vmem_shared>>)
      tpu.yield
    }) : () -> ()
    %add3A_37 = arith.constant 480 : i32
    %add3A_38 = arith.addi %mul3A_0, %add3A_37 : i32
    "tpu.region"() ({
      %run_scoped3A = tpu.sem_alloc : memref<!tpu.dma_semaphore, #tpu.memory_space<semaphore_mem>>
      %dma_start3A = arith.constant 0 : i32
      %dma_start3A_137 = tpu.memref_slice %arg10[%add3A_38, %dma_start3A] : memref<10240x128xf32, #tpu.memory_space<vmem_shared>> -> memref<32x128xf32, #tpu.memory_space<vmem_shared>>
      %dma_start3A_138 = arith.constant 0 : i32
      %dma_start3A_139 = tpu.memref_slice %arg10[%add3A_38, %dma_start3A_138] : memref<10240x128xf32, #tpu.memory_space<vmem_shared>> -> memref<32x128xf32, #tpu.memory_space<vmem_shared>>
      tpu.enqueue_dma source(%arg21 : memref<32x128xf32, #tpu.memory_space<vmem>>) target(%dma_start3A_139 : memref<32x128xf32, #tpu.memory_space<vmem_shared>>) target_semaphore(%run_scoped3A : memref<!tpu.dma_semaphore, #tpu.memory_space<semaphore_mem>>)
      %dma_wait3A = arith.constant 0 : i32
      %dma_wait3A_140 = tpu.memref_slice %arg10[%add3A_38, %dma_wait3A] : memref<10240x128xf32, #tpu.memory_space<vmem_shared>> -> memref<32x128xf32, #tpu.memory_space<vmem_shared>>
      %dma_wait3A_141 = arith.constant 0 : i32
      %dma_wait3A_142 = tpu.memref_slice %arg10[%add3A_38, %dma_wait3A_141] : memref<10240x128xf32, #tpu.memory_space<vmem_shared>> -> memref<32x128xf32, #tpu.memory_space<vmem_shared>>
      tpu.wait_dma2 semaphore(%run_scoped3A : memref<!tpu.dma_semaphore, #tpu.memory_space<semaphore_mem>>) src(%arg21 : memref<32x128xf32, #tpu.memory_space<vmem>>) dst(%dma_wait3A_142 : memref<32x128xf32, #tpu.memory_space<vmem_shared>>)
      tpu.yield
    }) : () -> ()
    %add3A_39 = arith.constant 512 : i32
    %add3A_40 = arith.addi %mul3A_0, %add3A_39 : i32
    "tpu.region"() ({
      %run_scoped3A = tpu.sem_alloc : memref<!tpu.dma_semaphore, #tpu.memory_space<semaphore_mem>>
      %dma_start3A = arith.constant 0 : i32
      %dma_start3A_137 = tpu.memref_slice %arg10[%add3A_40, %dma_start3A] : memref<10240x128xf32, #tpu.memory_space<vmem_shared>> -> memref<32x128xf32, #tpu.memory_space<vmem_shared>>
      %dma_start3A_138 = arith.constant 0 : i32
      %dma_start3A_139 = tpu.memref_slice %arg10[%add3A_40, %dma_start3A_138] : memref<10240x128xf32, #tpu.memory_space<vmem_shared>> -> memref<32x128xf32, #tpu.memory_space<vmem_shared>>
      tpu.enqueue_dma source(%arg21 : memref<32x128xf32, #tpu.memory_space<vmem>>) target(%dma_start3A_139 : memref<32x128xf32, #tpu.memory_space<vmem_shared>>) target_semaphore(%run_scoped3A : memref<!tpu.dma_semaphore, #tpu.memory_space<semaphore_mem>>)
      %dma_wait3A = arith.constant 0 : i32
      %dma_wait3A_140 = tpu.memref_slice %arg10[%add3A_40, %dma_wait3A] : memref<10240x128xf32, #tpu.memory_space<vmem_shared>> -> memref<32x128xf32, #tpu.memory_space<vmem_shared>>
      %dma_wait3A_141 = arith.constant 0 : i32
      %dma_wait3A_142 = tpu.memref_slice %arg10[%add3A_40, %dma_wait3A_141] : memref<10240x128xf32, #tpu.memory_space<vmem_shared>> -> memref<32x128xf32, #tpu.memory_space<vmem_shared>>
      tpu.wait_dma2 semaphore(%run_scoped3A : memref<!tpu.dma_semaphore, #tpu.memory_space<semaphore_mem>>) src(%arg21 : memref<32x128xf32, #tpu.memory_space<vmem>>) dst(%dma_wait3A_142 : memref<32x128xf32, #tpu.memory_space<vmem_shared>>)
      tpu.yield
    }) : () -> ()
    %add3A_41 = arith.constant 544 : i32
    %add3A_42 = arith.addi %mul3A_0, %add3A_41 : i32
    "tpu.region"() ({
      %run_scoped3A = tpu.sem_alloc : memref<!tpu.dma_semaphore, #tpu.memory_space<semaphore_mem>>
      %dma_start3A = arith.constant 0 : i32
      %dma_start3A_137 = tpu.memref_slice %arg10[%add3A_42, %dma_start3A] : memref<10240x128xf32, #tpu.memory_space<vmem_shared>> -> memref<32x128xf32, #tpu.memory_space<vmem_shared>>
      %dma_start3A_138 = arith.constant 0 : i32
      %dma_start3A_139 = tpu.memref_slice %arg10[%add3A_42, %dma_start3A_138] : memref<10240x128xf32, #tpu.memory_space<vmem_shared>> -> memref<32x128xf32, #tpu.memory_space<vmem_shared>>
      tpu.enqueue_dma source(%arg21 : memref<32x128xf32, #tpu.memory_space<vmem>>) target(%dma_start3A_139 : memref<32x128xf32, #tpu.memory_space<vmem_shared>>) target_semaphore(%run_scoped3A : memref<!tpu.dma_semaphore, #tpu.memory_space<semaphore_mem>>)
      %dma_wait3A = arith.constant 0 : i32
      %dma_wait3A_140 = tpu.memref_slice %arg10[%add3A_42, %dma_wait3A] : memref<10240x128xf32, #tpu.memory_space<vmem_shared>> -> memref<32x128xf32, #tpu.memory_space<vmem_shared>>
      %dma_wait3A_141 = arith.constant 0 : i32
      %dma_wait3A_142 = tpu.memref_slice %arg10[%add3A_42, %dma_wait3A_141] : memref<10240x128xf32, #tpu.memory_space<vmem_shared>> -> memref<32x128xf32, #tpu.memory_space<vmem_shared>>
      tpu.wait_dma2 semaphore(%run_scoped3A : memref<!tpu.dma_semaphore, #tpu.memory_space<semaphore_mem>>) src(%arg21 : memref<32x128xf32, #tpu.memory_space<vmem>>) dst(%dma_wait3A_142 : memref<32x128xf32, #tpu.memory_space<vmem_shared>>)
      tpu.yield
    }) : () -> ()
    %add3A_43 = arith.constant 576 : i32
    %add3A_44 = arith.addi %mul3A_0, %add3A_43 : i32
    "tpu.region"() ({
      %run_scoped3A = tpu.sem_alloc : memref<!tpu.dma_semaphore, #tpu.memory_space<semaphore_mem>>
      %dma_start3A = arith.constant 0 : i32
      %dma_start3A_137 = tpu.memref_slice %arg10[%add3A_44, %dma_start3A] : memref<10240x128xf32, #tpu.memory_space<vmem_shared>> -> memref<32x128xf32, #tpu.memory_space<vmem_shared>>
      %dma_start3A_138 = arith.constant 0 : i32
      %dma_start3A_139 = tpu.memref_slice %arg10[%add3A_44, %dma_start3A_138] : memref<10240x128xf32, #tpu.memory_space<vmem_shared>> -> memref<32x128xf32, #tpu.memory_space<vmem_shared>>
      tpu.enqueue_dma source(%arg21 : memref<32x128xf32, #tpu.memory_space<vmem>>) target(%dma_start3A_139 : memref<32x128xf32, #tpu.memory_space<vmem_shared>>) target_semaphore(%run_scoped3A : memref<!tpu.dma_semaphore, #tpu.memory_space<semaphore_mem>>)
      %dma_wait3A = arith.constant 0 : i32
      %dma_wait3A_140 = tpu.memref_slice %arg10[%add3A_44, %dma_wait3A] : memref<10240x128xf32, #tpu.memory_space<vmem_shared>> -> memref<32x128xf32, #tpu.memory_space<vmem_shared>>
      %dma_wait3A_141 = arith.constant 0 : i32
      %dma_wait3A_142 = tpu.memref_slice %arg10[%add3A_44, %dma_wait3A_141] : memref<10240x128xf32, #tpu.memory_space<vmem_shared>> -> memref<32x128xf32, #tpu.memory_space<vmem_shared>>
      tpu.wait_dma2 semaphore(%run_scoped3A : memref<!tpu.dma_semaphore, #tpu.memory_space<semaphore_mem>>) src(%arg21 : memref<32x128xf32, #tpu.memory_space<vmem>>) dst(%dma_wait3A_142 : memref<32x128xf32, #tpu.memory_space<vmem_shared>>)
      tpu.yield
    }) : () -> ()
    %add3A_45 = arith.constant 608 : i32
    %add3A_46 = arith.addi %mul3A_0, %add3A_45 : i32
    "tpu.region"() ({
      %run_scoped3A = tpu.sem_alloc : memref<!tpu.dma_semaphore, #tpu.memory_space<semaphore_mem>>
      %dma_start3A = arith.constant 0 : i32
      %dma_start3A_137 = tpu.memref_slice %arg10[%add3A_46, %dma_start3A] : memref<10240x128xf32, #tpu.memory_space<vmem_shared>> -> memref<32x128xf32, #tpu.memory_space<vmem_shared>>
      %dma_start3A_138 = arith.constant 0 : i32
      %dma_start3A_139 = tpu.memref_slice %arg10[%add3A_46, %dma_start3A_138] : memref<10240x128xf32, #tpu.memory_space<vmem_shared>> -> memref<32x128xf32, #tpu.memory_space<vmem_shared>>
      tpu.enqueue_dma source(%arg21 : memref<32x128xf32, #tpu.memory_space<vmem>>) target(%dma_start3A_139 : memref<32x128xf32, #tpu.memory_space<vmem_shared>>) target_semaphore(%run_scoped3A : memref<!tpu.dma_semaphore, #tpu.memory_space<semaphore_mem>>)
      %dma_wait3A = arith.constant 0 : i32
      %dma_wait3A_140 = tpu.memref_slice %arg10[%add3A_46, %dma_wait3A] : memref<10240x128xf32, #tpu.memory_space<vmem_shared>> -> memref<32x128xf32, #tpu.memory_space<vmem_shared>>
      %dma_wait3A_141 = arith.constant 0 : i32
      %dma_wait3A_142 = tpu.memref_slice %arg10[%add3A_46, %dma_wait3A_141] : memref<10240x128xf32, #tpu.memory_space<vmem_shared>> -> memref<32x128xf32, #tpu.memory_space<vmem_shared>>
      tpu.wait_dma2 semaphore(%run_scoped3A : memref<!tpu.dma_semaphore, #tpu.memory_space<semaphore_mem>>) src(%arg21 : memref<32x128xf32, #tpu.memory_space<vmem>>) dst(%dma_wait3A_142 : memref<32x128xf32, #tpu.memory_space<vmem_shared>>)
      tpu.yield
    }) : () -> ()
    %mul3A_47 = arith.constant 40 : i32
    %mul3A_48 = arith.muli %arg1, %mul3A_47 : i32
    "tpu.region"() ({
      %run_scoped3A = tpu.sem_alloc : memref<!tpu.dma_semaphore, #tpu.memory_space<semaphore_mem>>
      %dma_start3A = arith.constant 0 : i32
      %dma_start3A_137 = tpu.memref_slice %arg11[%mul3A_48, %dma_start3A] : memref<640x128xf32, #tpu.memory_space<vmem_shared>> -> memref<32x128xf32, #tpu.memory_space<vmem_shared>>
      %dma_start3A_138 = arith.constant 0 : i32
      %dma_start3A_139 = tpu.memref_slice %arg11[%mul3A_48, %dma_start3A_138] : memref<640x128xf32, #tpu.memory_space<vmem_shared>> -> memref<32x128xf32, #tpu.memory_space<vmem_shared>>
      tpu.enqueue_dma source(%arg21 : memref<32x128xf32, #tpu.memory_space<vmem>>) target(%dma_start3A_139 : memref<32x128xf32, #tpu.memory_space<vmem_shared>>) target_semaphore(%run_scoped3A : memref<!tpu.dma_semaphore, #tpu.memory_space<semaphore_mem>>)
      %dma_wait3A = arith.constant 0 : i32
      %dma_wait3A_140 = tpu.memref_slice %arg11[%mul3A_48, %dma_wait3A] : memref<640x128xf32, #tpu.memory_space<vmem_shared>> -> memref<32x128xf32, #tpu.memory_space<vmem_shared>>
      %dma_wait3A_141 = arith.constant 0 : i32
      %dma_wait3A_142 = tpu.memref_slice %arg11[%mul3A_48, %dma_wait3A_141] : memref<640x128xf32, #tpu.memory_space<vmem_shared>> -> memref<32x128xf32, #tpu.memory_space<vmem_shared>>
      tpu.wait_dma2 semaphore(%run_scoped3A : memref<!tpu.dma_semaphore, #tpu.memory_space<semaphore_mem>>) src(%arg21 : memref<32x128xf32, #tpu.memory_space<vmem>>) dst(%dma_wait3A_142 : memref<32x128xf32, #tpu.memory_space<vmem_shared>>)
      tpu.yield
    }) : () -> ()
    %mul3A_49 = arith.constant 40 : i32
    %mul3A_50 = arith.muli %arg1, %mul3A_49 : i32
    %add3A_51 = arith.constant 32 : i32
    %add3A_52 = arith.addi %mul3A_50, %add3A_51 : i32
    "tpu.region"() ({
      %run_scoped3A = tpu.sem_alloc : memref<!tpu.dma_semaphore, #tpu.memory_space<semaphore_mem>>
      %dma_start3A = arith.constant 0 : i32
      %dma_start3A_137 = arith.constant 0 : i32
      %dma_start3A_138 = tpu.memref_slice %arg21[%dma_start3A, %dma_start3A_137] : memref<32x128xf32, #tpu.memory_space<vmem>> -> memref<8x128xf32, #tpu.memory_space<vmem>>
      %dma_start3A_139 = arith.constant 0 : i32
      %dma_start3A_140 = tpu.memref_slice %arg11[%add3A_52, %dma_start3A_139] : memref<640x128xf32, #tpu.memory_space<vmem_shared>> -> memref<8x128xf32, #tpu.memory_space<vmem_shared>>
      %dma_start3A_141 = arith.constant 0 : i32
      %dma_start3A_142 = tpu.memref_slice %arg11[%add3A_52, %dma_start3A_141] : memref<640x128xf32, #tpu.memory_space<vmem_shared>> -> memref<8x128xf32, #tpu.memory_space<vmem_shared>>
      %dma_start3A_143 = arith.constant 0 : i32
      %dma_start3A_144 = arith.constant 0 : i32
      %dma_start3A_145 = tpu.memref_slice %arg21[%dma_start3A_143, %dma_start3A_144] : memref<32x128xf32, #tpu.memory_space<vmem>> -> memref<8x128xf32, #tpu.memory_space<vmem>>
      tpu.enqueue_dma source(%dma_start3A_145 : memref<8x128xf32, #tpu.memory_space<vmem>>) target(%dma_start3A_142 : memref<8x128xf32, #tpu.memory_space<vmem_shared>>) target_semaphore(%run_scoped3A : memref<!tpu.dma_semaphore, #tpu.memory_space<semaphore_mem>>)
      %dma_wait3A = arith.constant 0 : i32
      %dma_wait3A_146 = arith.constant 0 : i32
      %dma_wait3A_147 = tpu.memref_slice %arg21[%dma_wait3A, %dma_wait3A_146] : memref<32x128xf32, #tpu.memory_space<vmem>> -> memref<8x128xf32, #tpu.memory_space<vmem>>
      %dma_wait3A_148 = arith.constant 0 : i32
      %dma_wait3A_149 = tpu.memref_slice %arg11[%add3A_52, %dma_wait3A_148] : memref<640x128xf32, #tpu.memory_space<vmem_shared>> -> memref<8x128xf32, #tpu.memory_space<vmem_shared>>
      %dma_wait3A_150 = arith.constant 0 : i32
      %dma_wait3A_151 = tpu.memref_slice %arg11[%add3A_52, %dma_wait3A_150] : memref<640x128xf32, #tpu.memory_space<vmem_shared>> -> memref<8x128xf32, #tpu.memory_space<vmem_shared>>
      %dma_wait3A_152 = arith.constant 0 : i32
      %dma_wait3A_153 = arith.constant 0 : i32
      %dma_wait3A_154 = tpu.memref_slice %arg21[%dma_wait3A_152, %dma_wait3A_153] : memref<32x128xf32, #tpu.memory_space<vmem>> -> memref<8x128xf32, #tpu.memory_space<vmem>>
      tpu.wait_dma2 semaphore(%run_scoped3A : memref<!tpu.dma_semaphore, #tpu.memory_space<semaphore_mem>>) src(%dma_wait3A_154 : memref<8x128xf32, #tpu.memory_space<vmem>>) dst(%dma_wait3A_151 : memref<8x128xf32, #tpu.memory_space<vmem_shared>>)
      tpu.yield
    }) : () -> ()
    %barrier3A = arith.constant 0 : index
    tpu.barrier barrier_id(%barrier3A)
    %iota3A = tpu.iota {dimensions = array<i32: 0>} : vector<16xi32>
    %lt3A = arith.constant 8 : i32
    %lt3A_53 = arith.cmpi slt, %arg1, %lt3A : i32
    %convert_element_type3A = arith.extui %lt3A_53 : i1 to i32
    %add3A_54 = arith.constant 312 : i32
    %add3A_55 = arith.addi %add3A_54, %convert_element_type3A : i32
    %while3A = arith.constant 0 : i32
    %while3A_56 = arith.subi %add3A_55, %while3A : i32
    %while3A_57 = arith.addi %while3A, %while3A_56 : i32
    %while3A_58 = arith.constant 1 : i32
    %while3A_59 = arith.divsi %while3A_56, %while3A_58 : i32
    %while3A_60 = arith.muli %while3A_59, %while3A_58 : i32
    %while3A_61 = arith.addi %while3A, %while3A_60 : i32
    %while3A_62 = arith.constant 1 : i32
    scf.for %while3A_137 = %while3A to %while3A_61 step %while3A_62  : i32 {
      %mul3A_138 = arith.constant 16 : i32
      %mul3A_139 = arith.muli %while3A_137, %mul3A_138 : i32
      %add3A_140 = arith.addi %mul3A_139, %arg1 : i32
      %mul3A_141 = arith.constant 32 : i32
      %mul3A_142 = arith.muli %add3A_140, %mul3A_141 : i32
      %mul3A_143 = arith.constant 160000 : i32
      %mul3A_144 = arith.muli %arg0, %mul3A_143 : i32
      %add3A_145 = arith.addi %mul3A_144, %mul3A_142 : i32
      "tpu.region"() ({
        %run_scoped3A = tpu.sem_alloc : memref<!tpu.dma_semaphore, #tpu.memory_space<semaphore_mem>>
        %dma_start3A_244 = tpu.memref_slice %arg6[%add3A_145] : memref<1600000xi32, #tpu.memory_space<hbm>> -> memref<32xi32, #tpu.memory_space<hbm>>
        %dma_start3A_245 = tpu.memref_slice %arg6[%add3A_145] : memref<1600000xi32, #tpu.memory_space<hbm>> -> memref<32xi32, #tpu.memory_space<hbm>>
        tpu.enqueue_dma source(%dma_start3A_245 : memref<32xi32, #tpu.memory_space<hbm>>) target(%arg12 : memref<32xi32, #tpu.memory_space<vmem>>) target_semaphore(%run_scoped3A : memref<!tpu.dma_semaphore, #tpu.memory_space<semaphore_mem>>)
        %dma_wait3A_246 = tpu.memref_slice %arg6[%add3A_145] : memref<1600000xi32, #tpu.memory_space<hbm>> -> memref<32xi32, #tpu.memory_space<hbm>>
        %dma_wait3A_247 = tpu.memref_slice %arg6[%add3A_145] : memref<1600000xi32, #tpu.memory_space<hbm>> -> memref<32xi32, #tpu.memory_space<hbm>>
        tpu.wait_dma2 semaphore(%run_scoped3A : memref<!tpu.dma_semaphore, #tpu.memory_space<semaphore_mem>>) src(%dma_wait3A_247 : memref<32xi32, #tpu.memory_space<hbm>>) dst(%arg12 : memref<32xi32, #tpu.memory_space<vmem>>)
        tpu.yield
      }) : () -> ()
      %add3A_146 = arith.constant 320000 : i32
      %add3A_147 = arith.addi %add3A_146, %add3A_145 : i32
      "tpu.region"() ({
        %run_scoped3A = tpu.sem_alloc : memref<!tpu.dma_semaphore, #tpu.memory_space<semaphore_mem>>
        %dma_start3A_244 = tpu.memref_slice %arg6[%add3A_147] : memref<1600000xi32, #tpu.memory_space<hbm>> -> memref<32xi32, #tpu.memory_space<hbm>>
        %dma_start3A_245 = tpu.memref_slice %arg6[%add3A_147] : memref<1600000xi32, #tpu.memory_space<hbm>> -> memref<32xi32, #tpu.memory_space<hbm>>
        tpu.enqueue_dma source(%dma_start3A_245 : memref<32xi32, #tpu.memory_space<hbm>>) target(%arg13 : memref<32xi32, #tpu.memory_space<vmem>>) target_semaphore(%run_scoped3A : memref<!tpu.dma_semaphore, #tpu.memory_space<semaphore_mem>>)
        %dma_wait3A_246 = tpu.memref_slice %arg6[%add3A_147] : memref<1600000xi32, #tpu.memory_space<hbm>> -> memref<32xi32, #tpu.memory_space<hbm>>
        %dma_wait3A_247 = tpu.memref_slice %arg6[%add3A_147] : memref<1600000xi32, #tpu.memory_space<hbm>> -> memref<32xi32, #tpu.memory_space<hbm>>
        tpu.wait_dma2 semaphore(%run_scoped3A : memref<!tpu.dma_semaphore, #tpu.memory_space<semaphore_mem>>) src(%dma_wait3A_247 : memref<32xi32, #tpu.memory_space<hbm>>) dst(%arg13 : memref<32xi32, #tpu.memory_space<vmem>>)
        tpu.yield
      }) : () -> ()
      %add3A_148 = arith.constant 640000 : i32
      %add3A_149 = arith.addi %add3A_148, %add3A_145 : i32
      "tpu.region"() ({
        %run_scoped3A = tpu.sem_alloc : memref<!tpu.dma_semaphore, #tpu.memory_space<semaphore_mem>>
        %dma_start3A_244 = tpu.memref_slice %arg6[%add3A_149] : memref<1600000xi32, #tpu.memory_space<hbm>> -> memref<32xi32, #tpu.memory_space<hbm>>
        %dma_start3A_245 = tpu.memref_slice %arg6[%add3A_149] : memref<1600000xi32, #tpu.memory_space<hbm>> -> memref<32xi32, #tpu.memory_space<hbm>>
        tpu.enqueue_dma source(%dma_start3A_245 : memref<32xi32, #tpu.memory_space<hbm>>) target(%arg14 : memref<32xi32, #tpu.memory_space<vmem>>) target_semaphore(%run_scoped3A : memref<!tpu.dma_semaphore, #tpu.memory_space<semaphore_mem>>)
        %dma_wait3A_246 = tpu.memref_slice %arg6[%add3A_149] : memref<1600000xi32, #tpu.memory_space<hbm>> -> memref<32xi32, #tpu.memory_space<hbm>>
        %dma_wait3A_247 = tpu.memref_slice %arg6[%add3A_149] : memref<1600000xi32, #tpu.memory_space<hbm>> -> memref<32xi32, #tpu.memory_space<hbm>>
        tpu.wait_dma2 semaphore(%run_scoped3A : memref<!tpu.dma_semaphore, #tpu.memory_space<semaphore_mem>>) src(%dma_wait3A_247 : memref<32xi32, #tpu.memory_space<hbm>>) dst(%arg14 : memref<32xi32, #tpu.memory_space<vmem>>)
        tpu.yield
      }) : () -> ()
      %add3A_150 = arith.constant 960000 : i32
      %add3A_151 = arith.addi %add3A_150, %add3A_145 : i32
      "tpu.region"() ({
        %run_scoped3A = tpu.sem_alloc : memref<!tpu.dma_semaphore, #tpu.memory_space<semaphore_mem>>
        %dma_start3A_244 = tpu.memref_slice %arg6[%add3A_151] : memref<1600000xi32, #tpu.memory_space<hbm>> -> memref<32xi32, #tpu.memory_space<hbm>>
        %dma_start3A_245 = tpu.memref_slice %arg6[%add3A_151] : memref<1600000xi32, #tpu.memory_space<hbm>> -> memref<32xi32, #tpu.memory_space<hbm>>
        tpu.enqueue_dma source(%dma_start3A_245 : memref<32xi32, #tpu.memory_space<hbm>>) target(%arg15 : memref<32xi32, #tpu.memory_space<vmem>>) target_semaphore(%run_scoped3A : memref<!tpu.dma_semaphore, #tpu.memory_space<semaphore_mem>>)
        %dma_wait3A_246 = tpu.memref_slice %arg6[%add3A_151] : memref<1600000xi32, #tpu.memory_space<hbm>> -> memref<32xi32, #tpu.memory_space<hbm>>
        %dma_wait3A_247 = tpu.memref_slice %arg6[%add3A_151] : memref<1600000xi32, #tpu.memory_space<hbm>> -> memref<32xi32, #tpu.memory_space<hbm>>
        tpu.wait_dma2 semaphore(%run_scoped3A : memref<!tpu.dma_semaphore, #tpu.memory_space<semaphore_mem>>) src(%dma_wait3A_247 : memref<32xi32, #tpu.memory_space<hbm>>) dst(%arg15 : memref<32xi32, #tpu.memory_space<vmem>>)
        tpu.yield
      }) : () -> ()
      %add3A_152 = arith.constant 1280000 : i32
      %add3A_153 = arith.addi %add3A_152, %add3A_145 : i32
      "tpu.region"() ({
        %run_scoped3A = tpu.sem_alloc : memref<!tpu.dma_semaphore, #tpu.memory_space<semaphore_mem>>
        %dma_start3A_244 = tpu.memref_slice %arg6[%add3A_153] : memref<1600000xi32, #tpu.memory_space<hbm>> -> memref<32xi32, #tpu.memory_space<hbm>>
        %dma_start3A_245 = tpu.memref_slice %arg6[%add3A_153] : memref<1600000xi32, #tpu.memory_space<hbm>> -> memref<32xi32, #tpu.memory_space<hbm>>
        tpu.enqueue_dma source(%dma_start3A_245 : memref<32xi32, #tpu.memory_space<hbm>>) target(%arg16 : memref<32xi32, #tpu.memory_space<vmem>>) target_semaphore(%run_scoped3A : memref<!tpu.dma_semaphore, #tpu.memory_space<semaphore_mem>>)
        %dma_wait3A_246 = tpu.memref_slice %arg6[%add3A_153] : memref<1600000xi32, #tpu.memory_space<hbm>> -> memref<32xi32, #tpu.memory_space<hbm>>
        %dma_wait3A_247 = tpu.memref_slice %arg6[%add3A_153] : memref<1600000xi32, #tpu.memory_space<hbm>> -> memref<32xi32, #tpu.memory_space<hbm>>
        tpu.wait_dma2 semaphore(%run_scoped3A : memref<!tpu.dma_semaphore, #tpu.memory_space<semaphore_mem>>) src(%dma_wait3A_247 : memref<32xi32, #tpu.memory_space<hbm>>) dst(%arg16 : memref<32xi32, #tpu.memory_space<vmem>>)
        tpu.yield
      }) : () -> ()
      %dma_start3A = arith.constant 0 : i32
      %dma_start3A_154 = arith.constant 0 : i32
      %dma_start3A_155 = tpu.memref_slice %arg2[%dma_start3A, %dma_start3A_154] : memref<20000x128xf32, #tpu.memory_space<hbm>> -> memref<20000x128xf32, #tpu.memory_space<hbm>>
      tpu.enqueue_indirect_dma source(%dma_start3A_155 : memref<20000x128xf32, #tpu.memory_space<hbm>>) target(%arg17 : memref<32x128xf32, #tpu.memory_space<vmem>>) offsets(%arg13 : memref<32xi32, #tpu.memory_space<vmem>>) semaphore(%arg24 : memref<!tpu.dma_semaphore, #tpu.memory_space<semaphore_mem>>)
      %dma_wait3A = arith.constant 0 : i32
      %dma_wait3A_156 = arith.constant 0 : i32
      %dma_wait3A_157 = tpu.memref_slice %arg2[%dma_wait3A, %dma_wait3A_156] : memref<20000x128xf32, #tpu.memory_space<hbm>> -> memref<20000x128xf32, #tpu.memory_space<hbm>>
      tpu.wait_indirect_dma semaphore(%arg24 : memref<!tpu.dma_semaphore, #tpu.memory_space<semaphore_mem>>) src(%dma_wait3A_157 : memref<20000x128xf32, #tpu.memory_space<hbm>>) dst(%arg17 : memref<32x128xf32, #tpu.memory_space<vmem>>)
      %dma_start3A_158 = arith.constant 0 : i32
      %dma_start3A_159 = arith.constant 0 : i32
      %dma_start3A_160 = tpu.memref_slice %arg3[%dma_start3A_158, %dma_start3A_159] : memref<20000x128xf32, #tpu.memory_space<hbm>> -> memref<20000x128xf32, #tpu.memory_space<hbm>>
      tpu.enqueue_indirect_dma source(%dma_start3A_160 : memref<20000x128xf32, #tpu.memory_space<hbm>>) target(%arg18 : memref<32x128xf32, #tpu.memory_space<vmem>>) offsets(%arg14 : memref<32xi32, #tpu.memory_space<vmem>>) semaphore(%arg24 : memref<!tpu.dma_semaphore, #tpu.memory_space<semaphore_mem>>)
      %dma_wait3A_161 = arith.constant 0 : i32
      %dma_wait3A_162 = arith.constant 0 : i32
      %dma_wait3A_163 = tpu.memref_slice %arg3[%dma_wait3A_161, %dma_wait3A_162] : memref<20000x128xf32, #tpu.memory_space<hbm>> -> memref<20000x128xf32, #tpu.memory_space<hbm>>
      tpu.wait_indirect_dma semaphore(%arg24 : memref<!tpu.dma_semaphore, #tpu.memory_space<semaphore_mem>>) src(%dma_wait3A_163 : memref<20000x128xf32, #tpu.memory_space<hbm>>) dst(%arg18 : memref<32x128xf32, #tpu.memory_space<vmem>>)
      %dma_start3A_164 = arith.constant 0 : i32
      %dma_start3A_165 = arith.constant 0 : i32
      %dma_start3A_166 = tpu.memref_slice %arg4[%dma_start3A_164, %dma_start3A_165] : memref<20000x128xf32, #tpu.memory_space<hbm>> -> memref<20000x128xf32, #tpu.memory_space<hbm>>
      tpu.enqueue_indirect_dma source(%dma_start3A_166 : memref<20000x128xf32, #tpu.memory_space<hbm>>) target(%arg19 : memref<32x128xf32, #tpu.memory_space<vmem>>) offsets(%arg14 : memref<32xi32, #tpu.memory_space<vmem>>) semaphore(%arg24 : memref<!tpu.dma_semaphore, #tpu.memory_space<semaphore_mem>>)
      %dma_wait3A_167 = arith.constant 0 : i32
      %dma_wait3A_168 = arith.constant 0 : i32
      %dma_wait3A_169 = tpu.memref_slice %arg4[%dma_wait3A_167, %dma_wait3A_168] : memref<20000x128xf32, #tpu.memory_space<hbm>> -> memref<20000x128xf32, #tpu.memory_space<hbm>>
      tpu.wait_indirect_dma semaphore(%arg24 : memref<!tpu.dma_semaphore, #tpu.memory_space<semaphore_mem>>) src(%dma_wait3A_169 : memref<20000x128xf32, #tpu.memory_space<hbm>>) dst(%arg19 : memref<32x128xf32, #tpu.memory_space<vmem>>)
      %dma_start3A_170 = arith.constant 0 : i32
      %dma_start3A_171 = tpu.memref_slice %arg5[%add3A_145, %dma_start3A_170] : memref<320000x128xf32, #tpu.memory_space<hbm>> -> memref<32x128xf32, #tpu.memory_space<hbm>>
      %dma_start3A_172 = arith.constant 0 : i32
      %dma_start3A_173 = tpu.memref_slice %arg5[%add3A_145, %dma_start3A_172] : memref<320000x128xf32, #tpu.memory_space<hbm>> -> memref<32x128xf32, #tpu.memory_space<hbm>>
      tpu.enqueue_dma source(%dma_start3A_173 : memref<32x128xf32, #tpu.memory_space<hbm>>) target(%arg20 : memref<32x128xf32, #tpu.memory_space<vmem>>) target_semaphore(%arg24 : memref<!tpu.dma_semaphore, #tpu.memory_space<semaphore_mem>>)
      %dma_wait3A_174 = arith.constant 0 : i32
      %dma_wait3A_175 = tpu.memref_slice %arg5[%add3A_145, %dma_wait3A_174] : memref<320000x128xf32, #tpu.memory_space<hbm>> -> memref<32x128xf32, #tpu.memory_space<hbm>>
      %dma_wait3A_176 = arith.constant 0 : i32
      %dma_wait3A_177 = tpu.memref_slice %arg5[%add3A_145, %dma_wait3A_176] : memref<320000x128xf32, #tpu.memory_space<hbm>> -> memref<32x128xf32, #tpu.memory_space<hbm>>
      tpu.wait_dma2 semaphore(%arg24 : memref<!tpu.dma_semaphore, #tpu.memory_space<semaphore_mem>>) src(%dma_wait3A_177 : memref<32x128xf32, #tpu.memory_space<hbm>>) dst(%arg20 : memref<32x128xf32, #tpu.memory_space<vmem>>)
      %scan3A_178 = arith.constant 0 : i32
      %scan3A_179 = arith.constant 8 : i32
      %scan3A_180 = arith.addi %scan3A_178, %scan3A_179 : i32
      %scan3A_181 = arith.constant 1 : i32
      scf.for %scan3A_244 = %scan3A_178 to %scan3A_180 step %scan3A_181  : i32 {
        %scan3A_245 = arith.constant 0 : i32
        %scan3A_246 = arith.constant 2 : i32
        %scan3A_247 = arith.addi %scan3A_245, %scan3A_246 : i32
        %scan3A_248 = arith.constant 1 : i32
        scf.for %scan3A_250 = %scan3A_245 to %scan3A_247 step %scan3A_248  : i32 {
          %mul3A_251 = arith.constant 16 : i32
          %mul3A_252 = arith.muli %scan3A_250, %mul3A_251 : i32
          %add3A_253 = vector.broadcast %mul3A_252 : i32 to vector<16xi32>
          %add3A_254 = arith.addi %iota3A, %add3A_253 : vector<16xi32>
          %mul3A_255 = arith.constant 16 : i32
          %mul3A_256 = arith.muli %scan3A_250, %mul3A_255 : i32
          %get3A = arith.index_cast %mul3A_256 : i32 to index
          %get3A_257 = tpu.vector_load %arg16[%get3A] {strides = array<i32>} : memref<32xi32, #tpu.memory_space<vmem>>, vector<16xi32>,
          %add3A_258 = vector.broadcast %scan3A_244 : i32 to vector<16xi32>
          %add3A_259 = arith.addi %get3A_257, %add3A_258 : vector<16xi32>
          %mul3A_260 = arith.constant 16 : i32
          %mul3A_261 = arith.muli %scan3A_244, %mul3A_260 : i32
          %add3A_262 = arith.constant 0 : i32
          %add3A_263 = arith.addi %mul3A_261, %add3A_262 : i32
          %broadcast_in_dim3A_264 = vector.broadcast %add3A_263 : i32 to vector<16xi32>
          %gather3A = tpu.vector_load_idx %arg17[%add3A_254, %broadcast_in_dim3A_264] : memref<32x128xf32, #tpu.memory_space<vmem>>[vector<16xi32>, vector<16xi32>], vector<16xf32>,
          %gather3A_265 = tpu.vector_load_idx %arg18[%add3A_254, %broadcast_in_dim3A_264] : memref<32x128xf32, #tpu.memory_space<vmem>>[vector<16xi32>, vector<16xi32>], vector<16xf32>,
          %gather3A_266 = tpu.vector_load_idx %arg20[%add3A_254, %broadcast_in_dim3A_264] : memref<32x128xf32, #tpu.memory_space<vmem>>[vector<16xi32>, vector<16xi32>], vector<16xf32>,
          %mul3A_267 = arith.mulf %gather3A, %gather3A_265 : vector<16xf32>
          %mul3A_268 = arith.mulf %mul3A_267, %gather3A_266 : vector<16xf32>
          %mul3A_269 = arith.constant 16 : i32
          %mul3A_270 = arith.muli %scan3A_244, %mul3A_269 : i32
          %add3A_271 = arith.constant 1 : i32
          %add3A_272 = arith.addi %mul3A_270, %add3A_271 : i32
          %broadcast_in_dim3A_273 = vector.broadcast %add3A_272 : i32 to vector<16xi32>
          %gather3A_274 = tpu.vector_load_idx %arg17[%add3A_254, %broadcast_in_dim3A_273] : memref<32x128xf32, #tpu.memory_space<vmem>>[vector<16xi32>, vector<16xi32>], vector<16xf32>,
          %gather3A_275 = tpu.vector_load_idx %arg18[%add3A_254, %broadcast_in_dim3A_273] : memref<32x128xf32, #tpu.memory_space<vmem>>[vector<16xi32>, vector<16xi32>], vector<16xf32>,
          %gather3A_276 = tpu.vector_load_idx %arg20[%add3A_254, %broadcast_in_dim3A_273] : memref<32x128xf32, #tpu.memory_space<vmem>>[vector<16xi32>, vector<16xi32>], vector<16xf32>,
          %mul3A_277 = arith.mulf %gather3A_274, %gather3A_275 : vector<16xf32>
          %mul3A_278 = arith.mulf %mul3A_277, %gather3A_276 : vector<16xf32>
          %add3A_279 = arith.addf %mul3A_268, %mul3A_278 : vector<16xf32>
          %mul3A_280 = arith.constant 16 : i32
          %mul3A_281 = arith.muli %scan3A_244, %mul3A_280 : i32
          %add3A_282 = arith.constant 2 : i32
          %add3A_283 = arith.addi %mul3A_281, %add3A_282 : i32
          %broadcast_in_dim3A_284 = vector.broadcast %add3A_283 : i32 to vector<16xi32>
          %gather3A_285 = tpu.vector_load_idx %arg17[%add3A_254, %broadcast_in_dim3A_284] : memref<32x128xf32, #tpu.memory_space<vmem>>[vector<16xi32>, vector<16xi32>], vector<16xf32>,
          %gather3A_286 = tpu.vector_load_idx %arg18[%add3A_254, %broadcast_in_dim3A_284] : memref<32x128xf32, #tpu.memory_space<vmem>>[vector<16xi32>, vector<16xi32>], vector<16xf32>,
          %gather3A_287 = tpu.vector_load_idx %arg20[%add3A_254, %broadcast_in_dim3A_284] : memref<32x128xf32, #tpu.memory_space<vmem>>[vector<16xi32>, vector<16xi32>], vector<16xf32>,
          %mul3A_288 = arith.mulf %gather3A_285, %gather3A_286 : vector<16xf32>
          %mul3A_289 = arith.mulf %mul3A_288, %gather3A_287 : vector<16xf32>
          %add3A_290 = arith.addf %add3A_279, %mul3A_289 : vector<16xf32>
          %mul3A_291 = arith.constant 16 : i32
          %mul3A_292 = arith.muli %scan3A_244, %mul3A_291 : i32
          %add3A_293 = arith.constant 3 : i32
          %add3A_294 = arith.addi %mul3A_292, %add3A_293 : i32
          %broadcast_in_dim3A_295 = vector.broadcast %add3A_294 : i32 to vector<16xi32>
          %gather3A_296 = tpu.vector_load_idx %arg17[%add3A_254, %broadcast_in_dim3A_295] : memref<32x128xf32, #tpu.memory_space<vmem>>[vector<16xi32>, vector<16xi32>], vector<16xf32>,
          %gather3A_297 = tpu.vector_load_idx %arg18[%add3A_254, %broadcast_in_dim3A_295] : memref<32x128xf32, #tpu.memory_space<vmem>>[vector<16xi32>, vector<16xi32>], vector<16xf32>,
          %gather3A_298 = tpu.vector_load_idx %arg20[%add3A_254, %broadcast_in_dim3A_295] : memref<32x128xf32, #tpu.memory_space<vmem>>[vector<16xi32>, vector<16xi32>], vector<16xf32>,
          %mul3A_299 = arith.mulf %gather3A_296, %gather3A_297 : vector<16xf32>
          %mul3A_300 = arith.mulf %mul3A_299, %gather3A_298 : vector<16xf32>
          %add3A_301 = arith.addf %add3A_290, %mul3A_300 : vector<16xf32>
          %mul3A_302 = arith.constant 16 : i32
          %mul3A_303 = arith.muli %scan3A_244, %mul3A_302 : i32
          %add3A_304 = arith.constant 4 : i32
          %add3A_305 = arith.addi %mul3A_303, %add3A_304 : i32
          %broadcast_in_dim3A_306 = vector.broadcast %add3A_305 : i32 to vector<16xi32>
          %gather3A_307 = tpu.vector_load_idx %arg17[%add3A_254, %broadcast_in_dim3A_306] : memref<32x128xf32, #tpu.memory_space<vmem>>[vector<16xi32>, vector<16xi32>], vector<16xf32>,
          %gather3A_308 = tpu.vector_load_idx %arg18[%add3A_254, %broadcast_in_dim3A_306] : memref<32x128xf32, #tpu.memory_space<vmem>>[vector<16xi32>, vector<16xi32>], vector<16xf32>,
          %gather3A_309 = tpu.vector_load_idx %arg20[%add3A_254, %broadcast_in_dim3A_306] : memref<32x128xf32, #tpu.memory_space<vmem>>[vector<16xi32>, vector<16xi32>], vector<16xf32>,
          %mul3A_310 = arith.mulf %gather3A_307, %gather3A_308 : vector<16xf32>
          %mul3A_311 = arith.mulf %mul3A_310, %gather3A_309 : vector<16xf32>
          %add3A_312 = arith.addf %add3A_301, %mul3A_311 : vector<16xf32>
          %mul3A_313 = arith.constant 16 : i32
          %mul3A_314 = arith.muli %scan3A_244, %mul3A_313 : i32
          %add3A_315 = arith.constant 5 : i32
          %add3A_316 = arith.addi %mul3A_314, %add3A_315 : i32
          %broadcast_in_dim3A_317 = vector.broadcast %add3A_316 : i32 to vector<16xi32>
          %gather3A_318 = tpu.vector_load_idx %arg17[%add3A_254, %broadcast_in_dim3A_317] : memref<32x128xf32, #tpu.memory_space<vmem>>[vector<16xi32>, vector<16xi32>], vector<16xf32>,
          %gather3A_319 = tpu.vector_load_idx %arg18[%add3A_254, %broadcast_in_dim3A_317] : memref<32x128xf32, #tpu.memory_space<vmem>>[vector<16xi32>, vector<16xi32>], vector<16xf32>,
          %gather3A_320 = tpu.vector_load_idx %arg20[%add3A_254, %broadcast_in_dim3A_317] : memref<32x128xf32, #tpu.memory_space<vmem>>[vector<16xi32>, vector<16xi32>], vector<16xf32>,
          %mul3A_321 = arith.mulf %gather3A_318, %gather3A_319 : vector<16xf32>
          %mul3A_322 = arith.mulf %mul3A_321, %gather3A_320 : vector<16xf32>
          %add3A_323 = arith.addf %add3A_312, %mul3A_322 : vector<16xf32>
          %mul3A_324 = arith.constant 16 : i32
          %mul3A_325 = arith.muli %scan3A_244, %mul3A_324 : i32
          %add3A_326 = arith.constant 6 : i32
          %add3A_327 = arith.addi %mul3A_325, %add3A_326 : i32
          %broadcast_in_dim3A_328 = vector.broadcast %add3A_327 : i32 to vector<16xi32>
          %gather3A_329 = tpu.vector_load_idx %arg17[%add3A_254, %broadcast_in_dim3A_328] : memref<32x128xf32, #tpu.memory_space<vmem>>[vector<16xi32>, vector<16xi32>], vector<16xf32>,
          %gather3A_330 = tpu.vector_load_idx %arg18[%add3A_254, %broadcast_in_dim3A_328] : memref<32x128xf32, #tpu.memory_space<vmem>>[vector<16xi32>, vector<16xi32>], vector<16xf32>,
          %gather3A_331 = tpu.vector_load_idx %arg20[%add3A_254, %broadcast_in_dim3A_328] : memref<32x128xf32, #tpu.memory_space<vmem>>[vector<16xi32>, vector<16xi32>], vector<16xf32>,
          %mul3A_332 = arith.mulf %gather3A_329, %gather3A_330 : vector<16xf32>
          %mul3A_333 = arith.mulf %mul3A_332, %gather3A_331 : vector<16xf32>
          %add3A_334 = arith.addf %add3A_323, %mul3A_333 : vector<16xf32>
          %mul3A_335 = arith.constant 16 : i32
          %mul3A_336 = arith.muli %scan3A_244, %mul3A_335 : i32
          %add3A_337 = arith.constant 7 : i32
          %add3A_338 = arith.addi %mul3A_336, %add3A_337 : i32
          %broadcast_in_dim3A_339 = vector.broadcast %add3A_338 : i32 to vector<16xi32>
          %gather3A_340 = tpu.vector_load_idx %arg17[%add3A_254, %broadcast_in_dim3A_339] : memref<32x128xf32, #tpu.memory_space<vmem>>[vector<16xi32>, vector<16xi32>], vector<16xf32>,
          %gather3A_341 = tpu.vector_load_idx %arg18[%add3A_254, %broadcast_in_dim3A_339] : memref<32x128xf32, #tpu.memory_space<vmem>>[vector<16xi32>, vector<16xi32>], vector<16xf32>,
          %gather3A_342 = tpu.vector_load_idx %arg20[%add3A_254, %broadcast_in_dim3A_339] : memref<32x128xf32, #tpu.memory_space<vmem>>[vector<16xi32>, vector<16xi32>], vector<16xf32>,
          %mul3A_343 = arith.mulf %gather3A_340, %gather3A_341 : vector<16xf32>
          %mul3A_344 = arith.mulf %mul3A_343, %gather3A_342 : vector<16xf32>
          %add3A_345 = arith.addf %add3A_334, %mul3A_344 : vector<16xf32>
          %mul3A_346 = arith.constant 16 : i32
          %mul3A_347 = arith.muli %scan3A_244, %mul3A_346 : i32
          %add3A_348 = arith.constant 8 : i32
          %add3A_349 = arith.addi %mul3A_347, %add3A_348 : i32
          %broadcast_in_dim3A_350 = vector.broadcast %add3A_349 : i32 to vector<16xi32>
          %gather3A_351 = tpu.vector_load_idx %arg17[%add3A_254, %broadcast_in_dim3A_350] : memref<32x128xf32, #tpu.memory_space<vmem>>[vector<16xi32>, vector<16xi32>], vector<16xf32>,
          %gather3A_352 = tpu.vector_load_idx %arg18[%add3A_254, %broadcast_in_dim3A_350] : memref<32x128xf32, #tpu.memory_space<vmem>>[vector<16xi32>, vector<16xi32>], vector<16xf32>,
          %gather3A_353 = tpu.vector_load_idx %arg20[%add3A_254, %broadcast_in_dim3A_350] : memref<32x128xf32, #tpu.memory_space<vmem>>[vector<16xi32>, vector<16xi32>], vector<16xf32>,
          %mul3A_354 = arith.mulf %gather3A_351, %gather3A_352 : vector<16xf32>
          %mul3A_355 = arith.mulf %mul3A_354, %gather3A_353 : vector<16xf32>
          %add3A_356 = arith.addf %add3A_345, %mul3A_355 : vector<16xf32>
          %mul3A_357 = arith.constant 16 : i32
          %mul3A_358 = arith.muli %scan3A_244, %mul3A_357 : i32
          %add3A_359 = arith.constant 9 : i32
          %add3A_360 = arith.addi %mul3A_358, %add3A_359 : i32
          %broadcast_in_dim3A_361 = vector.broadcast %add3A_360 : i32 to vector<16xi32>
          %gather3A_362 = tpu.vector_load_idx %arg17[%add3A_254, %broadcast_in_dim3A_361] : memref<32x128xf32, #tpu.memory_space<vmem>>[vector<16xi32>, vector<16xi32>], vector<16xf32>,
          %gather3A_363 = tpu.vector_load_idx %arg18[%add3A_254, %broadcast_in_dim3A_361] : memref<32x128xf32, #tpu.memory_space<vmem>>[vector<16xi32>, vector<16xi32>], vector<16xf32>,
          %gather3A_364 = tpu.vector_load_idx %arg20[%add3A_254, %broadcast_in_dim3A_361] : memref<32x128xf32, #tpu.memory_space<vmem>>[vector<16xi32>, vector<16xi32>], vector<16xf32>,
          %mul3A_365 = arith.mulf %gather3A_362, %gather3A_363 : vector<16xf32>
          %mul3A_366 = arith.mulf %mul3A_365, %gather3A_364 : vector<16xf32>
          %add3A_367 = arith.addf %add3A_356, %mul3A_366 : vector<16xf32>
          %mul3A_368 = arith.constant 16 : i32
          %mul3A_369 = arith.muli %scan3A_244, %mul3A_368 : i32
          %add3A_370 = arith.constant 10 : i32
          %add3A_371 = arith.addi %mul3A_369, %add3A_370 : i32
          %broadcast_in_dim3A_372 = vector.broadcast %add3A_371 : i32 to vector<16xi32>
          %gather3A_373 = tpu.vector_load_idx %arg17[%add3A_254, %broadcast_in_dim3A_372] : memref<32x128xf32, #tpu.memory_space<vmem>>[vector<16xi32>, vector<16xi32>], vector<16xf32>,
          %gather3A_374 = tpu.vector_load_idx %arg18[%add3A_254, %broadcast_in_dim3A_372] : memref<32x128xf32, #tpu.memory_space<vmem>>[vector<16xi32>, vector<16xi32>], vector<16xf32>,
          %gather3A_375 = tpu.vector_load_idx %arg20[%add3A_254, %broadcast_in_dim3A_372] : memref<32x128xf32, #tpu.memory_space<vmem>>[vector<16xi32>, vector<16xi32>], vector<16xf32>,
          %mul3A_376 = arith.mulf %gather3A_373, %gather3A_374 : vector<16xf32>
          %mul3A_377 = arith.mulf %mul3A_376, %gather3A_375 : vector<16xf32>
          %add3A_378 = arith.addf %add3A_367, %mul3A_377 : vector<16xf32>
          %mul3A_379 = arith.constant 16 : i32
          %mul3A_380 = arith.muli %scan3A_244, %mul3A_379 : i32
          %add3A_381 = arith.constant 11 : i32
          %add3A_382 = arith.addi %mul3A_380, %add3A_381 : i32
          %broadcast_in_dim3A_383 = vector.broadcast %add3A_382 : i32 to vector<16xi32>
          %gather3A_384 = tpu.vector_load_idx %arg17[%add3A_254, %broadcast_in_dim3A_383] : memref<32x128xf32, #tpu.memory_space<vmem>>[vector<16xi32>, vector<16xi32>], vector<16xf32>,
          %gather3A_385 = tpu.vector_load_idx %arg18[%add3A_254, %broadcast_in_dim3A_383] : memref<32x128xf32, #tpu.memory_space<vmem>>[vector<16xi32>, vector<16xi32>], vector<16xf32>,
          %gather3A_386 = tpu.vector_load_idx %arg20[%add3A_254, %broadcast_in_dim3A_383] : memref<32x128xf32, #tpu.memory_space<vmem>>[vector<16xi32>, vector<16xi32>], vector<16xf32>,
          %mul3A_387 = arith.mulf %gather3A_384, %gather3A_385 : vector<16xf32>
          %mul3A_388 = arith.mulf %mul3A_387, %gather3A_386 : vector<16xf32>
          %add3A_389 = arith.addf %add3A_378, %mul3A_388 : vector<16xf32>
          %mul3A_390 = arith.constant 16 : i32
          %mul3A_391 = arith.muli %scan3A_244, %mul3A_390 : i32
          %add3A_392 = arith.constant 12 : i32
          %add3A_393 = arith.addi %mul3A_391, %add3A_392 : i32
          %broadcast_in_dim3A_394 = vector.broadcast %add3A_393 : i32 to vector<16xi32>
          %gather3A_395 = tpu.vector_load_idx %arg17[%add3A_254, %broadcast_in_dim3A_394] : memref<32x128xf32, #tpu.memory_space<vmem>>[vector<16xi32>, vector<16xi32>], vector<16xf32>,
          %gather3A_396 = tpu.vector_load_idx %arg18[%add3A_254, %broadcast_in_dim3A_394] : memref<32x128xf32, #tpu.memory_space<vmem>>[vector<16xi32>, vector<16xi32>], vector<16xf32>,
          %gather3A_397 = tpu.vector_load_idx %arg20[%add3A_254, %broadcast_in_dim3A_394] : memref<32x128xf32, #tpu.memory_space<vmem>>[vector<16xi32>, vector<16xi32>], vector<16xf32>,
          %mul3A_398 = arith.mulf %gather3A_395, %gather3A_396 : vector<16xf32>
          %mul3A_399 = arith.mulf %mul3A_398, %gather3A_397 : vector<16xf32>
          %add3A_400 = arith.addf %add3A_389, %mul3A_399 : vector<16xf32>
          %mul3A_401 = arith.constant 16 : i32
          %mul3A_402 = arith.muli %scan3A_244, %mul3A_401 : i32
          %add3A_403 = arith.constant 13 : i32
          %add3A_404 = arith.addi %mul3A_402, %add3A_403 : i32
          %broadcast_in_dim3A_405 = vector.broadcast %add3A_404 : i32 to vector<16xi32>
          %gather3A_406 = tpu.vector_load_idx %arg17[%add3A_254, %broadcast_in_dim3A_405] : memref<32x128xf32, #tpu.memory_space<vmem>>[vector<16xi32>, vector<16xi32>], vector<16xf32>,
          %gather3A_407 = tpu.vector_load_idx %arg18[%add3A_254, %broadcast_in_dim3A_405] : memref<32x128xf32, #tpu.memory_space<vmem>>[vector<16xi32>, vector<16xi32>], vector<16xf32>,
          %gather3A_408 = tpu.vector_load_idx %arg20[%add3A_254, %broadcast_in_dim3A_405] : memref<32x128xf32, #tpu.memory_space<vmem>>[vector<16xi32>, vector<16xi32>], vector<16xf32>,
          %mul3A_409 = arith.mulf %gather3A_406, %gather3A_407 : vector<16xf32>
          %mul3A_410 = arith.mulf %mul3A_409, %gather3A_408 : vector<16xf32>
          %add3A_411 = arith.addf %add3A_400, %mul3A_410 : vector<16xf32>
          %mul3A_412 = arith.constant 16 : i32
          %mul3A_413 = arith.muli %scan3A_244, %mul3A_412 : i32
          %add3A_414 = arith.constant 14 : i32
          %add3A_415 = arith.addi %mul3A_413, %add3A_414 : i32
          %broadcast_in_dim3A_416 = vector.broadcast %add3A_415 : i32 to vector<16xi32>
          %gather3A_417 = tpu.vector_load_idx %arg17[%add3A_254, %broadcast_in_dim3A_416] : memref<32x128xf32, #tpu.memory_space<vmem>>[vector<16xi32>, vector<16xi32>], vector<16xf32>,
          %gather3A_418 = tpu.vector_load_idx %arg18[%add3A_254, %broadcast_in_dim3A_416] : memref<32x128xf32, #tpu.memory_space<vmem>>[vector<16xi32>, vector<16xi32>], vector<16xf32>,
          %gather3A_419 = tpu.vector_load_idx %arg20[%add3A_254, %broadcast_in_dim3A_416] : memref<32x128xf32, #tpu.memory_space<vmem>>[vector<16xi32>, vector<16xi32>], vector<16xf32>,
          %mul3A_420 = arith.mulf %gather3A_417, %gather3A_418 : vector<16xf32>
          %mul3A_421 = arith.mulf %mul3A_420, %gather3A_419 : vector<16xf32>
          %add3A_422 = arith.addf %add3A_411, %mul3A_421 : vector<16xf32>
          %mul3A_423 = arith.constant 16 : i32
          %mul3A_424 = arith.muli %scan3A_244, %mul3A_423 : i32
          %add3A_425 = arith.constant 15 : i32
          %add3A_426 = arith.addi %mul3A_424, %add3A_425 : i32
          %broadcast_in_dim3A_427 = vector.broadcast %add3A_426 : i32 to vector<16xi32>
          %gather3A_428 = tpu.vector_load_idx %arg17[%add3A_254, %broadcast_in_dim3A_427] : memref<32x128xf32, #tpu.memory_space<vmem>>[vector<16xi32>, vector<16xi32>], vector<16xf32>,
          %gather3A_429 = tpu.vector_load_idx %arg18[%add3A_254, %broadcast_in_dim3A_427] : memref<32x128xf32, #tpu.memory_space<vmem>>[vector<16xi32>, vector<16xi32>], vector<16xf32>,
          %gather3A_430 = tpu.vector_load_idx %arg20[%add3A_254, %broadcast_in_dim3A_427] : memref<32x128xf32, #tpu.memory_space<vmem>>[vector<16xi32>, vector<16xi32>], vector<16xf32>,
          %mul3A_431 = arith.mulf %gather3A_428, %gather3A_429 : vector<16xf32>
          %mul3A_432 = arith.mulf %mul3A_431, %gather3A_430 : vector<16xf32>
          %add3A_433 = arith.addf %add3A_422, %mul3A_432 : vector<16xf32>
          %mul3A_434 = arith.constant 2.500000e-01 : f32
          %mul3A_435 = vector.broadcast %mul3A_434 : f32 to vector<16xf32>
          %mul3A_436 = arith.mulf %add3A_433, %mul3A_435 : vector<16xf32>
          %jit3A = arith.constant -5.000000e+00 : f32
          %jit3A_437 = arith.constant 5.000000e+00 : f32
          %max3A = vector.broadcast %jit3A : f32 to vector<16xf32>
          %max3A_438 = arith.maximumf %max3A, %mul3A_436 : vector<16xf32>
          %min3A = vector.broadcast %jit3A_437 : f32 to vector<16xf32>
          %min3A_439 = arith.minimumf %min3A, %max3A_438 : vector<16xf32>
          %exp3A = math.exp %min3A_439 : vector<16xf32>
          %mul3A_440 = arith.constant 32 : i32
          %mul3A_441 = arith.muli %scan3A_244, %mul3A_440 : i32
          %mul3A_442 = arith.constant 16 : i32
          %mul3A_443 = arith.muli %scan3A_250, %mul3A_442 : i32
          %add3A_444 = arith.addi %mul3A_441, %mul3A_443 : i32
          %add3A_445 = vector.broadcast %add3A_444 : i32 to vector<16xi32>
          %add3A_446 = arith.addi %add3A_445, %iota3A : vector<16xi32>
          tpu.vector_store_idx %arg23[%add3A_446], %exp3A : memref<256xf32, #tpu.memory_space<vmem>>[vector<16xi32>], vector<16xf32>,
          tpu.vector_store_idx %arg22[%add3A_254, %add3A_259], %exp3A : memref<32x128xf32, #tpu.memory_space<vmem>>[vector<16xi32>, vector<16xi32>], vector<16xf32>,
          %mul3A_447 = arith.constant 16 : i32
          %mul3A_448 = arith.muli %scan3A_244, %mul3A_447 : i32
          %add3A_449 = arith.constant 0 : i32
          %add3A_450 = arith.addi %mul3A_448, %add3A_449 : i32
          %broadcast_in_dim3A_451 = vector.broadcast %add3A_450 : i32 to vector<16xi32>
          %gather3A_452 = tpu.vector_load_idx %arg19[%add3A_254, %broadcast_in_dim3A_451] : memref<32x128xf32, #tpu.memory_space<vmem>>[vector<16xi32>, vector<16xi32>], vector<16xf32>,
          %mul3A_453 = arith.mulf %exp3A, %gather3A_452 : vector<16xf32>
          tpu.vector_store_idx %arg21[%add3A_254, %broadcast_in_dim3A_451], %mul3A_453 : memref<32x128xf32, #tpu.memory_space<vmem>>[vector<16xi32>, vector<16xi32>], vector<16xf32>,
          %mul3A_454 = arith.constant 16 : i32
          %mul3A_455 = arith.muli %scan3A_244, %mul3A_454 : i32
          %add3A_456 = arith.constant 1 : i32
          %add3A_457 = arith.addi %mul3A_455, %add3A_456 : i32
          %broadcast_in_dim3A_458 = vector.broadcast %add3A_457 : i32 to vector<16xi32>
          %gather3A_459 = tpu.vector_load_idx %arg19[%add3A_254, %broadcast_in_dim3A_458] : memref<32x128xf32, #tpu.memory_space<vmem>>[vector<16xi32>, vector<16xi32>], vector<16xf32>,
          %mul3A_460 = arith.mulf %exp3A, %gather3A_459 : vector<16xf32>
          tpu.vector_store_idx %arg21[%add3A_254, %broadcast_in_dim3A_458], %mul3A_460 : memref<32x128xf32, #tpu.memory_space<vmem>>[vector<16xi32>, vector<16xi32>], vector<16xf32>,
          %mul3A_461 = arith.constant 16 : i32
          %mul3A_462 = arith.muli %scan3A_244, %mul3A_461 : i32
          %add3A_463 = arith.constant 2 : i32
          %add3A_464 = arith.addi %mul3A_462, %add3A_463 : i32
          %broadcast_in_dim3A_465 = vector.broadcast %add3A_464 : i32 to vector<16xi32>
          %gather3A_466 = tpu.vector_load_idx %arg19[%add3A_254, %broadcast_in_dim3A_465] : memref<32x128xf32, #tpu.memory_space<vmem>>[vector<16xi32>, vector<16xi32>], vector<16xf32>,
          %mul3A_467 = arith.mulf %exp3A, %gather3A_466 : vector<16xf32>
          tpu.vector_store_idx %arg21[%add3A_254, %broadcast_in_dim3A_465], %mul3A_467 : memref<32x128xf32, #tpu.memory_space<vmem>>[vector<16xi32>, vector<16xi32>], vector<16xf32>,
          %mul3A_468 = arith.constant 16 : i32
          %mul3A_469 = arith.muli %scan3A_244, %mul3A_468 : i32
          %add3A_470 = arith.constant 3 : i32
          %add3A_471 = arith.addi %mul3A_469, %add3A_470 : i32
          %broadcast_in_dim3A_472 = vector.broadcast %add3A_471 : i32 to vector<16xi32>
          %gather3A_473 = tpu.vector_load_idx %arg19[%add3A_254, %broadcast_in_dim3A_472] : memref<32x128xf32, #tpu.memory_space<vmem>>[vector<16xi32>, vector<16xi32>], vector<16xf32>,
          %mul3A_474 = arith.mulf %exp3A, %gather3A_473 : vector<16xf32>
          tpu.vector_store_idx %arg21[%add3A_254, %broadcast_in_dim3A_472], %mul3A_474 : memref<32x128xf32, #tpu.memory_space<vmem>>[vector<16xi32>, vector<16xi32>], vector<16xf32>,
          %mul3A_475 = arith.constant 16 : i32
          %mul3A_476 = arith.muli %scan3A_244, %mul3A_475 : i32
          %add3A_477 = arith.constant 4 : i32
          %add3A_478 = arith.addi %mul3A_476, %add3A_477 : i32
          %broadcast_in_dim3A_479 = vector.broadcast %add3A_478 : i32 to vector<16xi32>
          %gather3A_480 = tpu.vector_load_idx %arg19[%add3A_254, %broadcast_in_dim3A_479] : memref<32x128xf32, #tpu.memory_space<vmem>>[vector<16xi32>, vector<16xi32>], vector<16xf32>,
          %mul3A_481 = arith.mulf %exp3A, %gather3A_480 : vector<16xf32>
          tpu.vector_store_idx %arg21[%add3A_254, %broadcast_in_dim3A_479], %mul3A_481 : memref<32x128xf32, #tpu.memory_space<vmem>>[vector<16xi32>, vector<16xi32>], vector<16xf32>,
          %mul3A_482 = arith.constant 16 : i32
          %mul3A_483 = arith.muli %scan3A_244, %mul3A_482 : i32
          %add3A_484 = arith.constant 5 : i32
          %add3A_485 = arith.addi %mul3A_483, %add3A_484 : i32
          %broadcast_in_dim3A_486 = vector.broadcast %add3A_485 : i32 to vector<16xi32>
          %gather3A_487 = tpu.vector_load_idx %arg19[%add3A_254, %broadcast_in_dim3A_486] : memref<32x128xf32, #tpu.memory_space<vmem>>[vector<16xi32>, vector<16xi32>], vector<16xf32>,
          %mul3A_488 = arith.mulf %exp3A, %gather3A_487 : vector<16xf32>
          tpu.vector_store_idx %arg21[%add3A_254, %broadcast_in_dim3A_486], %mul3A_488 : memref<32x128xf32, #tpu.memory_space<vmem>>[vector<16xi32>, vector<16xi32>], vector<16xf32>,
          %mul3A_489 = arith.constant 16 : i32
          %mul3A_490 = arith.muli %scan3A_244, %mul3A_489 : i32
          %add3A_491 = arith.constant 6 : i32
          %add3A_492 = arith.addi %mul3A_490, %add3A_491 : i32
          %broadcast_in_dim3A_493 = vector.broadcast %add3A_492 : i32 to vector<16xi32>
          %gather3A_494 = tpu.vector_load_idx %arg19[%add3A_254, %broadcast_in_dim3A_493] : memref<32x128xf32, #tpu.memory_space<vmem>>[vector<16xi32>, vector<16xi32>], vector<16xf32>,
          %mul3A_495 = arith.mulf %exp3A, %gather3A_494 : vector<16xf32>
          tpu.vector_store_idx %arg21[%add3A_254, %broadcast_in_dim3A_493], %mul3A_495 : memref<32x128xf32, #tpu.memory_space<vmem>>[vector<16xi32>, vector<16xi32>], vector<16xf32>,
          %mul3A_496 = arith.constant 16 : i32
          %mul3A_497 = arith.muli %scan3A_244, %mul3A_496 : i32
          %add3A_498 = arith.constant 7 : i32
          %add3A_499 = arith.addi %mul3A_497, %add3A_498 : i32
          %broadcast_in_dim3A_500 = vector.broadcast %add3A_499 : i32 to vector<16xi32>
          %gather3A_501 = tpu.vector_load_idx %arg19[%add3A_254, %broadcast_in_dim3A_500] : memref<32x128xf32, #tpu.memory_space<vmem>>[vector<16xi32>, vector<16xi32>], vector<16xf32>,
          %mul3A_502 = arith.mulf %exp3A, %gather3A_501 : vector<16xf32>
          tpu.vector_store_idx %arg21[%add3A_254, %broadcast_in_dim3A_500], %mul3A_502 : memref<32x128xf32, #tpu.memory_space<vmem>>[vector<16xi32>, vector<16xi32>], vector<16xf32>,
          %mul3A_503 = arith.constant 16 : i32
          %mul3A_504 = arith.muli %scan3A_244, %mul3A_503 : i32
          %add3A_505 = arith.constant 8 : i32
          %add3A_506 = arith.addi %mul3A_504, %add3A_505 : i32
          %broadcast_in_dim3A_507 = vector.broadcast %add3A_506 : i32 to vector<16xi32>
          %gather3A_508 = tpu.vector_load_idx %arg19[%add3A_254, %broadcast_in_dim3A_507] : memref<32x128xf32, #tpu.memory_space<vmem>>[vector<16xi32>, vector<16xi32>], vector<16xf32>,
          %mul3A_509 = arith.mulf %exp3A, %gather3A_508 : vector<16xf32>
          tpu.vector_store_idx %arg21[%add3A_254, %broadcast_in_dim3A_507], %mul3A_509 : memref<32x128xf32, #tpu.memory_space<vmem>>[vector<16xi32>, vector<16xi32>], vector<16xf32>,
          %mul3A_510 = arith.constant 16 : i32
          %mul3A_511 = arith.muli %scan3A_244, %mul3A_510 : i32
          %add3A_512 = arith.constant 9 : i32
          %add3A_513 = arith.addi %mul3A_511, %add3A_512 : i32
          %broadcast_in_dim3A_514 = vector.broadcast %add3A_513 : i32 to vector<16xi32>
          %gather3A_515 = tpu.vector_load_idx %arg19[%add3A_254, %broadcast_in_dim3A_514] : memref<32x128xf32, #tpu.memory_space<vmem>>[vector<16xi32>, vector<16xi32>], vector<16xf32>,
          %mul3A_516 = arith.mulf %exp3A, %gather3A_515 : vector<16xf32>
          tpu.vector_store_idx %arg21[%add3A_254, %broadcast_in_dim3A_514], %mul3A_516 : memref<32x128xf32, #tpu.memory_space<vmem>>[vector<16xi32>, vector<16xi32>], vector<16xf32>,
          %mul3A_517 = arith.constant 16 : i32
          %mul3A_518 = arith.muli %scan3A_244, %mul3A_517 : i32
          %add3A_519 = arith.constant 10 : i32
          %add3A_520 = arith.addi %mul3A_518, %add3A_519 : i32
          %broadcast_in_dim3A_521 = vector.broadcast %add3A_520 : i32 to vector<16xi32>
          %gather3A_522 = tpu.vector_load_idx %arg19[%add3A_254, %broadcast_in_dim3A_521] : memref<32x128xf32, #tpu.memory_space<vmem>>[vector<16xi32>, vector<16xi32>], vector<16xf32>,
          %mul3A_523 = arith.mulf %exp3A, %gather3A_522 : vector<16xf32>
          tpu.vector_store_idx %arg21[%add3A_254, %broadcast_in_dim3A_521], %mul3A_523 : memref<32x128xf32, #tpu.memory_space<vmem>>[vector<16xi32>, vector<16xi32>], vector<16xf32>,
          %mul3A_524 = arith.constant 16 : i32
          %mul3A_525 = arith.muli %scan3A_244, %mul3A_524 : i32
          %add3A_526 = arith.constant 11 : i32
          %add3A_527 = arith.addi %mul3A_525, %add3A_526 : i32
          %broadcast_in_dim3A_528 = vector.broadcast %add3A_527 : i32 to vector<16xi32>
          %gather3A_529 = tpu.vector_load_idx %arg19[%add3A_254, %broadcast_in_dim3A_528] : memref<32x128xf32, #tpu.memory_space<vmem>>[vector<16xi32>, vector<16xi32>], vector<16xf32>,
          %mul3A_530 = arith.mulf %exp3A, %gather3A_529 : vector<16xf32>
          tpu.vector_store_idx %arg21[%add3A_254, %broadcast_in_dim3A_528], %mul3A_530 : memref<32x128xf32, #tpu.memory_space<vmem>>[vector<16xi32>, vector<16xi32>], vector<16xf32>,
          %mul3A_531 = arith.constant 16 : i32
          %mul3A_532 = arith.muli %scan3A_244, %mul3A_531 : i32
          %add3A_533 = arith.constant 12 : i32
          %add3A_534 = arith.addi %mul3A_532, %add3A_533 : i32
          %broadcast_in_dim3A_535 = vector.broadcast %add3A_534 : i32 to vector<16xi32>
          %gather3A_536 = tpu.vector_load_idx %arg19[%add3A_254, %broadcast_in_dim3A_535] : memref<32x128xf32, #tpu.memory_space<vmem>>[vector<16xi32>, vector<16xi32>], vector<16xf32>,
          %mul3A_537 = arith.mulf %exp3A, %gather3A_536 : vector<16xf32>
          tpu.vector_store_idx %arg21[%add3A_254, %broadcast_in_dim3A_535], %mul3A_537 : memref<32x128xf32, #tpu.memory_space<vmem>>[vector<16xi32>, vector<16xi32>], vector<16xf32>,
          %mul3A_538 = arith.constant 16 : i32
          %mul3A_539 = arith.muli %scan3A_244, %mul3A_538 : i32
          %add3A_540 = arith.constant 13 : i32
          %add3A_541 = arith.addi %mul3A_539, %add3A_540 : i32
          %broadcast_in_dim3A_542 = vector.broadcast %add3A_541 : i32 to vector<16xi32>
          %gather3A_543 = tpu.vector_load_idx %arg19[%add3A_254, %broadcast_in_dim3A_542] : memref<32x128xf32, #tpu.memory_space<vmem>>[vector<16xi32>, vector<16xi32>], vector<16xf32>,
          %mul3A_544 = arith.mulf %exp3A, %gather3A_543 : vector<16xf32>
          tpu.vector_store_idx %arg21[%add3A_254, %broadcast_in_dim3A_542], %mul3A_544 : memref<32x128xf32, #tpu.memory_space<vmem>>[vector<16xi32>, vector<16xi32>], vector<16xf32>,
          %mul3A_545 = arith.constant 16 : i32
          %mul3A_546 = arith.muli %scan3A_244, %mul3A_545 : i32
          %add3A_547 = arith.constant 14 : i32
          %add3A_548 = arith.addi %mul3A_546, %add3A_547 : i32
          %broadcast_in_dim3A_549 = vector.broadcast %add3A_548 : i32 to vector<16xi32>
          %gather3A_550 = tpu.vector_load_idx %arg19[%add3A_254, %broadcast_in_dim3A_549] : memref<32x128xf32, #tpu.memory_space<vmem>>[vector<16xi32>, vector<16xi32>], vector<16xf32>,
          %mul3A_551 = arith.mulf %exp3A, %gather3A_550 : vector<16xf32>
          tpu.vector_store_idx %arg21[%add3A_254, %broadcast_in_dim3A_549], %mul3A_551 : memref<32x128xf32, #tpu.memory_space<vmem>>[vector<16xi32>, vector<16xi32>], vector<16xf32>,
          %mul3A_552 = arith.constant 16 : i32
          %mul3A_553 = arith.muli %scan3A_244, %mul3A_552 : i32
          %add3A_554 = arith.constant 15 : i32
          %add3A_555 = arith.addi %mul3A_553, %add3A_554 : i32
          %broadcast_in_dim3A_556 = vector.broadcast %add3A_555 : i32 to vector<16xi32>
          %gather3A_557 = tpu.vector_load_idx %arg19[%add3A_254, %broadcast_in_dim3A_556] : memref<32x128xf32, #tpu.memory_space<vmem>>[vector<16xi32>, vector<16xi32>], vector<16xf32>,
          %mul3A_558 = arith.mulf %exp3A, %gather3A_557 : vector<16xf32>
          tpu.vector_store_idx %arg21[%add3A_254, %broadcast_in_dim3A_556], %mul3A_558 : memref<32x128xf32, #tpu.memory_space<vmem>>[vector<16xi32>, vector<16xi32>], vector<16xf32>,
        }
        %scan3A_249 = arith.constant 2 : i32
      }
      %scan3A_182 = arith.constant 8 : i32
      "tpu.region"() ({
        %run_scoped3A = tpu.sem_alloc : memref<!tpu.dma_semaphore, #tpu.memory_space<semaphore_mem>>
        %dma_start3A_244 = arith.constant 0 : i32
        %dma_start3A_245 = arith.constant 0 : i32
        %dma_start3A_246 = tpu.memref_slice %arg10[%dma_start3A_244, %dma_start3A_245] : memref<10240x128xf32, #tpu.memory_space<vmem_shared>> -> memref<10240x128xf32, #tpu.memory_space<vmem_shared>>
        tpu.enqueue_indirect_dma source(%arg21 : memref<32x128xf32, #tpu.memory_space<vmem>>) target(%dma_start3A_246 : memref<10240x128xf32, #tpu.memory_space<vmem_shared>>) offsets(%arg12 : memref<32xi32, #tpu.memory_space<vmem>>) semaphore(%run_scoped3A : memref<!tpu.dma_semaphore, #tpu.memory_space<semaphore_mem>>) {add = true}
        %dma_wait3A_247 = arith.constant 0 : i32
        %dma_wait3A_248 = arith.constant 0 : i32
        %dma_wait3A_249 = tpu.memref_slice %arg10[%dma_wait3A_247, %dma_wait3A_248] : memref<10240x128xf32, #tpu.memory_space<vmem_shared>> -> memref<10240x128xf32, #tpu.memory_space<vmem_shared>>
        tpu.wait_indirect_dma semaphore(%run_scoped3A : memref<!tpu.dma_semaphore, #tpu.memory_space<semaphore_mem>>) src(%arg21 : memref<32x128xf32, #tpu.memory_space<vmem>>) dst(%dma_wait3A_249 : memref<10240x128xf32, #tpu.memory_space<vmem_shared>>)
        tpu.yield
      }) : () -> ()
      "tpu.region"() ({
        %run_scoped3A = tpu.sem_alloc : memref<!tpu.dma_semaphore, #tpu.memory_space<semaphore_mem>>
        %dma_start3A_244 = arith.constant 0 : i32
        %dma_start3A_245 = arith.constant 0 : i32
        %dma_start3A_246 = tpu.memref_slice %arg11[%dma_start3A_244, %dma_start3A_245] : memref<640x128xf32, #tpu.memory_space<vmem_shared>> -> memref<640x128xf32, #tpu.memory_space<vmem_shared>>
        tpu.enqueue_indirect_dma source(%arg22 : memref<32x128xf32, #tpu.memory_space<vmem>>) target(%dma_start3A_246 : memref<640x128xf32, #tpu.memory_space<vmem_shared>>) offsets(%arg15 : memref<32xi32, #tpu.memory_space<vmem>>) semaphore(%run_scoped3A : memref<!tpu.dma_semaphore, #tpu.memory_space<semaphore_mem>>) {add = true}
        %dma_wait3A_247 = arith.constant 0 : i32
        %dma_wait3A_248 = arith.constant 0 : i32
        %dma_wait3A_249 = tpu.memref_slice %arg11[%dma_wait3A_247, %dma_wait3A_248] : memref<640x128xf32, #tpu.memory_space<vmem_shared>> -> memref<640x128xf32, #tpu.memory_space<vmem_shared>>
        tpu.wait_indirect_dma semaphore(%run_scoped3A : memref<!tpu.dma_semaphore, #tpu.memory_space<semaphore_mem>>) src(%arg22 : memref<32x128xf32, #tpu.memory_space<vmem>>) dst(%dma_wait3A_249 : memref<640x128xf32, #tpu.memory_space<vmem_shared>>)
        tpu.yield
      }) : () -> ()
      %scan3A_183 = arith.constant 0 : i32
      %scan3A_184 = arith.constant 8 : i32
      %scan3A_185 = arith.addi %scan3A_183, %scan3A_184 : i32
      %scan3A_186 = arith.constant 1 : i32
      scf.for %scan3A_244 = %scan3A_183 to %scan3A_185 step %scan3A_186  : i32 {
        %scan3A_245 = arith.constant 0 : i32
        %scan3A_246 = arith.constant 2 : i32
        %scan3A_247 = arith.addi %scan3A_245, %scan3A_246 : i32
        %scan3A_248 = arith.constant 1 : i32
        scf.for %scan3A_250 = %scan3A_245 to %scan3A_247 step %scan3A_248  : i32 {
          %mul3A_251 = arith.constant 16 : i32
          %mul3A_252 = arith.muli %scan3A_250, %mul3A_251 : i32
          %add3A_253 = vector.broadcast %mul3A_252 : i32 to vector<16xi32>
          %add3A_254 = arith.addi %iota3A, %add3A_253 : vector<16xi32>
          %mul3A_255 = arith.constant 16 : i32
          %mul3A_256 = arith.muli %scan3A_250, %mul3A_255 : i32
          %get3A = arith.index_cast %mul3A_256 : i32 to index
          %get3A_257 = tpu.vector_load %arg16[%get3A] {strides = array<i32>} : memref<32xi32, #tpu.memory_space<vmem>>, vector<16xi32>,
          %add3A_258 = vector.broadcast %scan3A_244 : i32 to vector<16xi32>
          %add3A_259 = arith.addi %get3A_257, %add3A_258 : vector<16xi32>
          tpu.vector_store_idx %arg22[%add3A_254, %add3A_259], %broadcast_in_dim3A_3 : memref<32x128xf32, #tpu.memory_space<vmem>>[vector<16xi32>, vector<16xi32>], vector<16xf32>,
        }
        %scan3A_249 = arith.constant 2 : i32
      }
      %scan3A_187 = arith.constant 8 : i32
      %mul3A_188 = arith.constant 8 : i32
      %mul3A_189 = arith.muli %arg0, %mul3A_188 : i32
      %mul3A_190 = arith.constant 160000 : i32
      %mul3A_191 = arith.muli %mul3A_189, %mul3A_190 : i32
      %add3A_192 = arith.constant 0 : i32
      %add3A_193 = arith.addi %mul3A_191, %add3A_192 : i32
      %add3A_194 = arith.addi %add3A_193, %mul3A_142 : i32
      "tpu.region"() ({
        %run_scoped3A = tpu.sem_alloc : memref<!tpu.dma_semaphore, #tpu.memory_space<semaphore_mem>>
        %dma_start3A_244 = arith.constant 0 : i32
        %dma_start3A_245 = tpu.memref_slice %arg23[%dma_start3A_244] : memref<256xf32, #tpu.memory_space<vmem>> -> memref<32xf32, #tpu.memory_space<vmem>>
        %dma_start3A_246 = tpu.memref_slice %arg9[%add3A_194] : memref<2560000xf32, #tpu.memory_space<hbm>> -> memref<32xf32, #tpu.memory_space<hbm>>
        %dma_start3A_247 = tpu.memref_slice %arg9[%add3A_194] : memref<2560000xf32, #tpu.memory_space<hbm>> -> memref<32xf32, #tpu.memory_space<hbm>>
        %dma_start3A_248 = arith.constant 0 : i32
        %dma_start3A_249 = tpu.memref_slice %arg23[%dma_start3A_248] : memref<256xf32, #tpu.memory_space<vmem>> -> memref<32xf32, #tpu.memory_space<vmem>>
        tpu.enqueue_dma source(%dma_start3A_249 : memref<32xf32, #tpu.memory_space<vmem>>) target(%dma_start3A_247 : memref<32xf32, #tpu.memory_space<hbm>>) target_semaphore(%run_scoped3A : memref<!tpu.dma_semaphore, #tpu.memory_space<semaphore_mem>>)
        %dma_wait3A_250 = arith.constant 0 : i32
        %dma_wait3A_251 = tpu.memref_slice %arg23[%dma_wait3A_250] : memref<256xf32, #tpu.memory_space<vmem>> -> memref<32xf32, #tpu.memory_space<vmem>>
        %dma_wait3A_252 = tpu.memref_slice %arg9[%add3A_194] : memref<2560000xf32, #tpu.memory_space<hbm>> -> memref<32xf32, #tpu.memory_space<hbm>>
        %dma_wait3A_253 = tpu.memref_slice %arg9[%add3A_194] : memref<2560000xf32, #tpu.memory_space<hbm>> -> memref<32xf32, #tpu.memory_space<hbm>>
        %dma_wait3A_254 = arith.constant 0 : i32
        %dma_wait3A_255 = tpu.memref_slice %arg23[%dma_wait3A_254] : memref<256xf32, #tpu.memory_space<vmem>> -> memref<32xf32, #tpu.memory_space<vmem>>
        tpu.wait_dma2 semaphore(%run_scoped3A : memref<!tpu.dma_semaphore, #tpu.memory_space<semaphore_mem>>) src(%dma_wait3A_255 : memref<32xf32, #tpu.memory_space<vmem>>) dst(%dma_wait3A_253 : memref<32xf32, #tpu.memory_space<hbm>>)
        tpu.yield
      }) : () -> ()
      %mul3A_195 = arith.constant 8 : i32
      %mul3A_196 = arith.muli %arg0, %mul3A_195 : i32
      %mul3A_197 = arith.constant 160000 : i32
      %mul3A_198 = arith.muli %mul3A_196, %mul3A_197 : i32
      %add3A_199 = arith.constant 160000 : i32
      %add3A_200 = arith.addi %mul3A_198, %add3A_199 : i32
      %add3A_201 = arith.addi %add3A_200, %mul3A_142 : i32
      "tpu.region"() ({
        %run_scoped3A = tpu.sem_alloc : memref<!tpu.dma_semaphore, #tpu.memory_space<semaphore_mem>>
        %dma_start3A_244 = arith.constant 32 : i32
        %dma_start3A_245 = tpu.memref_slice %arg23[%dma_start3A_244] : memref<256xf32, #tpu.memory_space<vmem>> -> memref<32xf32, #tpu.memory_space<vmem>>
        %dma_start3A_246 = tpu.memref_slice %arg9[%add3A_201] : memref<2560000xf32, #tpu.memory_space<hbm>> -> memref<32xf32, #tpu.memory_space<hbm>>
        %dma_start3A_247 = tpu.memref_slice %arg9[%add3A_201] : memref<2560000xf32, #tpu.memory_space<hbm>> -> memref<32xf32, #tpu.memory_space<hbm>>
        %dma_start3A_248 = arith.constant 32 : i32
        %dma_start3A_249 = tpu.memref_slice %arg23[%dma_start3A_248] : memref<256xf32, #tpu.memory_space<vmem>> -> memref<32xf32, #tpu.memory_space<vmem>>
        tpu.enqueue_dma source(%dma_start3A_249 : memref<32xf32, #tpu.memory_space<vmem>>) target(%dma_start3A_247 : memref<32xf32, #tpu.memory_space<hbm>>) target_semaphore(%run_scoped3A : memref<!tpu.dma_semaphore, #tpu.memory_space<semaphore_mem>>)
        %dma_wait3A_250 = arith.constant 32 : i32
        %dma_wait3A_251 = tpu.memref_slice %arg23[%dma_wait3A_250] : memref<256xf32, #tpu.memory_space<vmem>> -> memref<32xf32, #tpu.memory_space<vmem>>
        %dma_wait3A_252 = tpu.memref_slice %arg9[%add3A_201] : memref<2560000xf32, #tpu.memory_space<hbm>> -> memref<32xf32, #tpu.memory_space<hbm>>
        %dma_wait3A_253 = tpu.memref_slice %arg9[%add3A_201] : memref<2560000xf32, #tpu.memory_space<hbm>> -> memref<32xf32, #tpu.memory_space<hbm>>
        %dma_wait3A_254 = arith.constant 32 : i32
        %dma_wait3A_255 = tpu.memref_slice %arg23[%dma_wait3A_254] : memref<256xf32, #tpu.memory_space<vmem>> -> memref<32xf32, #tpu.memory_space<vmem>>
        tpu.wait_dma2 semaphore(%run_scoped3A : memref<!tpu.dma_semaphore, #tpu.memory_space<semaphore_mem>>) src(%dma_wait3A_255 : memref<32xf32, #tpu.memory_space<vmem>>) dst(%dma_wait3A_253 : memref<32xf32, #tpu.memory_space<hbm>>)
        tpu.yield
      }) : () -> ()
      %mul3A_202 = arith.constant 8 : i32
      %mul3A_203 = arith.muli %arg0, %mul3A_202 : i32
      %mul3A_204 = arith.constant 160000 : i32
      %mul3A_205 = arith.muli %mul3A_203, %mul3A_204 : i32
      %add3A_206 = arith.constant 320000 : i32
      %add3A_207 = arith.addi %mul3A_205, %add3A_206 : i32
      %add3A_208 = arith.addi %add3A_207, %mul3A_142 : i32
      "tpu.region"() ({
        %run_scoped3A = tpu.sem_alloc : memref<!tpu.dma_semaphore, #tpu.memory_space<semaphore_mem>>
        %dma_start3A_244 = arith.constant 64 : i32
        %dma_start3A_245 = tpu.memref_slice %arg23[%dma_start3A_244] : memref<256xf32, #tpu.memory_space<vmem>> -> memref<32xf32, #tpu.memory_space<vmem>>
        %dma_start3A_246 = tpu.memref_slice %arg9[%add3A_208] : memref<2560000xf32, #tpu.memory_space<hbm>> -> memref<32xf32, #tpu.memory_space<hbm>>
        %dma_start3A_247 = tpu.memref_slice %arg9[%add3A_208] : memref<2560000xf32, #tpu.memory_space<hbm>> -> memref<32xf32, #tpu.memory_space<hbm>>
        %dma_start3A_248 = arith.constant 64 : i32
        %dma_start3A_249 = tpu.memref_slice %arg23[%dma_start3A_248] : memref<256xf32, #tpu.memory_space<vmem>> -> memref<32xf32, #tpu.memory_space<vmem>>
        tpu.enqueue_dma source(%dma_start3A_249 : memref<32xf32, #tpu.memory_space<vmem>>) target(%dma_start3A_247 : memref<32xf32, #tpu.memory_space<hbm>>) target_semaphore(%run_scoped3A : memref<!tpu.dma_semaphore, #tpu.memory_space<semaphore_mem>>)
        %dma_wait3A_250 = arith.constant 64 : i32
        %dma_wait3A_251 = tpu.memref_slice %arg23[%dma_wait3A_250] : memref<256xf32, #tpu.memory_space<vmem>> -> memref<32xf32, #tpu.memory_space<vmem>>
        %dma_wait3A_252 = tpu.memref_slice %arg9[%add3A_208] : memref<2560000xf32, #tpu.memory_space<hbm>> -> memref<32xf32, #tpu.memory_space<hbm>>
        %dma_wait3A_253 = tpu.memref_slice %arg9[%add3A_208] : memref<2560000xf32, #tpu.memory_space<hbm>> -> memref<32xf32, #tpu.memory_space<hbm>>
        %dma_wait3A_254 = arith.constant 64 : i32
        %dma_wait3A_255 = tpu.memref_slice %arg23[%dma_wait3A_254] : memref<256xf32, #tpu.memory_space<vmem>> -> memref<32xf32, #tpu.memory_space<vmem>>
        tpu.wait_dma2 semaphore(%run_scoped3A : memref<!tpu.dma_semaphore, #tpu.memory_space<semaphore_mem>>) src(%dma_wait3A_255 : memref<32xf32, #tpu.memory_space<vmem>>) dst(%dma_wait3A_253 : memref<32xf32, #tpu.memory_space<hbm>>)
        tpu.yield
      }) : () -> ()
      %mul3A_209 = arith.constant 8 : i32
      %mul3A_210 = arith.muli %arg0, %mul3A_209 : i32
      %mul3A_211 = arith.constant 160000 : i32
      %mul3A_212 = arith.muli %mul3A_210, %mul3A_211 : i32
      %add3A_213 = arith.constant 480000 : i32
      %add3A_214 = arith.addi %mul3A_212, %add3A_213 : i32
      %add3A_215 = arith.addi %add3A_214, %mul3A_142 : i32
      "tpu.region"() ({
        %run_scoped3A = tpu.sem_alloc : memref<!tpu.dma_semaphore, #tpu.memory_space<semaphore_mem>>
        %dma_start3A_244 = arith.constant 96 : i32
        %dma_start3A_245 = tpu.memref_slice %arg23[%dma_start3A_244] : memref<256xf32, #tpu.memory_space<vmem>> -> memref<32xf32, #tpu.memory_space<vmem>>
        %dma_start3A_246 = tpu.memref_slice %arg9[%add3A_215] : memref<2560000xf32, #tpu.memory_space<hbm>> -> memref<32xf32, #tpu.memory_space<hbm>>
        %dma_start3A_247 = tpu.memref_slice %arg9[%add3A_215] : memref<2560000xf32, #tpu.memory_space<hbm>> -> memref<32xf32, #tpu.memory_space<hbm>>
        %dma_start3A_248 = arith.constant 96 : i32
        %dma_start3A_249 = tpu.memref_slice %arg23[%dma_start3A_248] : memref<256xf32, #tpu.memory_space<vmem>> -> memref<32xf32, #tpu.memory_space<vmem>>
        tpu.enqueue_dma source(%dma_start3A_249 : memref<32xf32, #tpu.memory_space<vmem>>) target(%dma_start3A_247 : memref<32xf32, #tpu.memory_space<hbm>>) target_semaphore(%run_scoped3A : memref<!tpu.dma_semaphore, #tpu.memory_space<semaphore_mem>>)
        %dma_wait3A_250 = arith.constant 96 : i32
        %dma_wait3A_251 = tpu.memref_slice %arg23[%dma_wait3A_250] : memref<256xf32, #tpu.memory_space<vmem>> -> memref<32xf32, #tpu.memory_space<vmem>>
        %dma_wait3A_252 = tpu.memref_slice %arg9[%add3A_215] : memref<2560000xf32, #tpu.memory_space<hbm>> -> memref<32xf32, #tpu.memory_space<hbm>>
        %dma_wait3A_253 = tpu.memref_slice %arg9[%add3A_215] : memref<2560000xf32, #tpu.memory_space<hbm>> -> memref<32xf32, #tpu.memory_space<hbm>>
        %dma_wait3A_254 = arith.constant 96 : i32
        %dma_wait3A_255 = tpu.memref_slice %arg23[%dma_wait3A_254] : memref<256xf32, #tpu.memory_space<vmem>> -> memref<32xf32, #tpu.memory_space<vmem>>
        tpu.wait_dma2 semaphore(%run_scoped3A : memref<!tpu.dma_semaphore, #tpu.memory_space<semaphore_mem>>) src(%dma_wait3A_255 : memref<32xf32, #tpu.memory_space<vmem>>) dst(%dma_wait3A_253 : memref<32xf32, #tpu.memory_space<hbm>>)
        tpu.yield
      }) : () -> ()
      %mul3A_216 = arith.constant 8 : i32
      %mul3A_217 = arith.muli %arg0, %mul3A_216 : i32
      %mul3A_218 = arith.constant 160000 : i32
      %mul3A_219 = arith.muli %mul3A_217, %mul3A_218 : i32
      %add3A_220 = arith.constant 640000 : i32
      %add3A_221 = arith.addi %mul3A_219, %add3A_220 : i32
      %add3A_222 = arith.addi %add3A_221, %mul3A_142 : i32
      "tpu.region"() ({
        %run_scoped3A = tpu.sem_alloc : memref<!tpu.dma_semaphore, #tpu.memory_space<semaphore_mem>>
        %dma_start3A_244 = arith.constant 128 : i32
        %dma_start3A_245 = tpu.memref_slice %arg23[%dma_start3A_244] : memref<256xf32, #tpu.memory_space<vmem>> -> memref<32xf32, #tpu.memory_space<vmem>>
        %dma_start3A_246 = tpu.memref_slice %arg9[%add3A_222] : memref<2560000xf32, #tpu.memory_space<hbm>> -> memref<32xf32, #tpu.memory_space<hbm>>
        %dma_start3A_247 = tpu.memref_slice %arg9[%add3A_222] : memref<2560000xf32, #tpu.memory_space<hbm>> -> memref<32xf32, #tpu.memory_space<hbm>>
        %dma_start3A_248 = arith.constant 128 : i32
        %dma_start3A_249 = tpu.memref_slice %arg23[%dma_start3A_248] : memref<256xf32, #tpu.memory_space<vmem>> -> memref<32xf32, #tpu.memory_space<vmem>>
        tpu.enqueue_dma source(%dma_start3A_249 : memref<32xf32, #tpu.memory_space<vmem>>) target(%dma_start3A_247 : memref<32xf32, #tpu.memory_space<hbm>>) target_semaphore(%run_scoped3A : memref<!tpu.dma_semaphore, #tpu.memory_space<semaphore_mem>>)
        %dma_wait3A_250 = arith.constant 128 : i32
        %dma_wait3A_251 = tpu.memref_slice %arg23[%dma_wait3A_250] : memref<256xf32, #tpu.memory_space<vmem>> -> memref<32xf32, #tpu.memory_space<vmem>>
        %dma_wait3A_252 = tpu.memref_slice %arg9[%add3A_222] : memref<2560000xf32, #tpu.memory_space<hbm>> -> memref<32xf32, #tpu.memory_space<hbm>>
        %dma_wait3A_253 = tpu.memref_slice %arg9[%add3A_222] : memref<2560000xf32, #tpu.memory_space<hbm>> -> memref<32xf32, #tpu.memory_space<hbm>>
        %dma_wait3A_254 = arith.constant 128 : i32
        %dma_wait3A_255 = tpu.memref_slice %arg23[%dma_wait3A_254] : memref<256xf32, #tpu.memory_space<vmem>> -> memref<32xf32, #tpu.memory_space<vmem>>
        tpu.wait_dma2 semaphore(%run_scoped3A : memref<!tpu.dma_semaphore, #tpu.memory_space<semaphore_mem>>) src(%dma_wait3A_255 : memref<32xf32, #tpu.memory_space<vmem>>) dst(%dma_wait3A_253 : memref<32xf32, #tpu.memory_space<hbm>>)
        tpu.yield
      }) : () -> ()
      %mul3A_223 = arith.constant 8 : i32
      %mul3A_224 = arith.muli %arg0, %mul3A_223 : i32
      %mul3A_225 = arith.constant 160000 : i32
      %mul3A_226 = arith.muli %mul3A_224, %mul3A_225 : i32
      %add3A_227 = arith.constant 800000 : i32
      %add3A_228 = arith.addi %mul3A_226, %add3A_227 : i32
      %add3A_229 = arith.addi %add3A_228, %mul3A_142 : i32
      "tpu.region"() ({
        %run_scoped3A = tpu.sem_alloc : memref<!tpu.dma_semaphore, #tpu.memory_space<semaphore_mem>>
        %dma_start3A_244 = arith.constant 160 : i32
        %dma_start3A_245 = tpu.memref_slice %arg23[%dma_start3A_244] : memref<256xf32, #tpu.memory_space<vmem>> -> memref<32xf32, #tpu.memory_space<vmem>>
        %dma_start3A_246 = tpu.memref_slice %arg9[%add3A_229] : memref<2560000xf32, #tpu.memory_space<hbm>> -> memref<32xf32, #tpu.memory_space<hbm>>
        %dma_start3A_247 = tpu.memref_slice %arg9[%add3A_229] : memref<2560000xf32, #tpu.memory_space<hbm>> -> memref<32xf32, #tpu.memory_space<hbm>>
        %dma_start3A_248 = arith.constant 160 : i32
        %dma_start3A_249 = tpu.memref_slice %arg23[%dma_start3A_248] : memref<256xf32, #tpu.memory_space<vmem>> -> memref<32xf32, #tpu.memory_space<vmem>>
        tpu.enqueue_dma source(%dma_start3A_249 : memref<32xf32, #tpu.memory_space<vmem>>) target(%dma_start3A_247 : memref<32xf32, #tpu.memory_space<hbm>>) target_semaphore(%run_scoped3A : memref<!tpu.dma_semaphore, #tpu.memory_space<semaphore_mem>>)
        %dma_wait3A_250 = arith.constant 160 : i32
        %dma_wait3A_251 = tpu.memref_slice %arg23[%dma_wait3A_250] : memref<256xf32, #tpu.memory_space<vmem>> -> memref<32xf32, #tpu.memory_space<vmem>>
        %dma_wait3A_252 = tpu.memref_slice %arg9[%add3A_229] : memref<2560000xf32, #tpu.memory_space<hbm>> -> memref<32xf32, #tpu.memory_space<hbm>>
        %dma_wait3A_253 = tpu.memref_slice %arg9[%add3A_229] : memref<2560000xf32, #tpu.memory_space<hbm>> -> memref<32xf32, #tpu.memory_space<hbm>>
        %dma_wait3A_254 = arith.constant 160 : i32
        %dma_wait3A_255 = tpu.memref_slice %arg23[%dma_wait3A_254] : memref<256xf32, #tpu.memory_space<vmem>> -> memref<32xf32, #tpu.memory_space<vmem>>
        tpu.wait_dma2 semaphore(%run_scoped3A : memref<!tpu.dma_semaphore, #tpu.memory_space<semaphore_mem>>) src(%dma_wait3A_255 : memref<32xf32, #tpu.memory_space<vmem>>) dst(%dma_wait3A_253 : memref<32xf32, #tpu.memory_space<hbm>>)
        tpu.yield
      }) : () -> ()
      %mul3A_230 = arith.constant 8 : i32
      %mul3A_231 = arith.muli %arg0, %mul3A_230 : i32
      %mul3A_232 = arith.constant 160000 : i32
      %mul3A_233 = arith.muli %mul3A_231, %mul3A_232 : i32
      %add3A_234 = arith.constant 960000 : i32
      %add3A_235 = arith.addi %mul3A_233, %add3A_234 : i32
      %add3A_236 = arith.addi %add3A_235, %mul3A_142 : i32
      "tpu.region"() ({
        %run_scoped3A = tpu.sem_alloc : memref<!tpu.dma_semaphore, #tpu.memory_space<semaphore_mem>>
        %dma_start3A_244 = arith.constant 192 : i32
        %dma_start3A_245 = tpu.memref_slice %arg23[%dma_start3A_244] : memref<256xf32, #tpu.memory_space<vmem>> -> memref<32xf32, #tpu.memory_space<vmem>>
        %dma_start3A_246 = tpu.memref_slice %arg9[%add3A_236] : memref<2560000xf32, #tpu.memory_space<hbm>> -> memref<32xf32, #tpu.memory_space<hbm>>
        %dma_start3A_247 = tpu.memref_slice %arg9[%add3A_236] : memref<2560000xf32, #tpu.memory_space<hbm>> -> memref<32xf32, #tpu.memory_space<hbm>>
        %dma_start3A_248 = arith.constant 192 : i32
        %dma_start3A_249 = tpu.memref_slice %arg23[%dma_start3A_248] : memref<256xf32, #tpu.memory_space<vmem>> -> memref<32xf32, #tpu.memory_space<vmem>>
        tpu.enqueue_dma source(%dma_start3A_249 : memref<32xf32, #tpu.memory_space<vmem>>) target(%dma_start3A_247 : memref<32xf32, #tpu.memory_space<hbm>>) target_semaphore(%run_scoped3A : memref<!tpu.dma_semaphore, #tpu.memory_space<semaphore_mem>>)
        %dma_wait3A_250 = arith.constant 192 : i32
        %dma_wait3A_251 = tpu.memref_slice %arg23[%dma_wait3A_250] : memref<256xf32, #tpu.memory_space<vmem>> -> memref<32xf32, #tpu.memory_space<vmem>>
        %dma_wait3A_252 = tpu.memref_slice %arg9[%add3A_236] : memref<2560000xf32, #tpu.memory_space<hbm>> -> memref<32xf32, #tpu.memory_space<hbm>>
        %dma_wait3A_253 = tpu.memref_slice %arg9[%add3A_236] : memref<2560000xf32, #tpu.memory_space<hbm>> -> memref<32xf32, #tpu.memory_space<hbm>>
        %dma_wait3A_254 = arith.constant 192 : i32
        %dma_wait3A_255 = tpu.memref_slice %arg23[%dma_wait3A_254] : memref<256xf32, #tpu.memory_space<vmem>> -> memref<32xf32, #tpu.memory_space<vmem>>
        tpu.wait_dma2 semaphore(%run_scoped3A : memref<!tpu.dma_semaphore, #tpu.memory_space<semaphore_mem>>) src(%dma_wait3A_255 : memref<32xf32, #tpu.memory_space<vmem>>) dst(%dma_wait3A_253 : memref<32xf32, #tpu.memory_space<hbm>>)
        tpu.yield
      }) : () -> ()
      %mul3A_237 = arith.constant 8 : i32
      %mul3A_238 = arith.muli %arg0, %mul3A_237 : i32
      %mul3A_239 = arith.constant 160000 : i32
      %mul3A_240 = arith.muli %mul3A_238, %mul3A_239 : i32
      %add3A_241 = arith.constant 1120000 : i32
      %add3A_242 = arith.addi %mul3A_240, %add3A_241 : i32
      %add3A_243 = arith.addi %add3A_242, %mul3A_142 : i32
      "tpu.region"() ({
        %run_scoped3A = tpu.sem_alloc : memref<!tpu.dma_semaphore, #tpu.memory_space<semaphore_mem>>
        %dma_start3A_244 = arith.constant 224 : i32
        %dma_start3A_245 = tpu.memref_slice %arg23[%dma_start3A_244] : memref<256xf32, #tpu.memory_space<vmem>> -> memref<32xf32, #tpu.memory_space<vmem>>
        %dma_start3A_246 = tpu.memref_slice %arg9[%add3A_243] : memref<2560000xf32, #tpu.memory_space<hbm>> -> memref<32xf32, #tpu.memory_space<hbm>>
        %dma_start3A_247 = tpu.memref_slice %arg9[%add3A_243] : memref<2560000xf32, #tpu.memory_space<hbm>> -> memref<32xf32, #tpu.memory_space<hbm>>
        %dma_start3A_248 = arith.constant 224 : i32
        %dma_start3A_249 = tpu.memref_slice %arg23[%dma_start3A_248] : memref<256xf32, #tpu.memory_space<vmem>> -> memref<32xf32, #tpu.memory_space<vmem>>
        tpu.enqueue_dma source(%dma_start3A_249 : memref<32xf32, #tpu.memory_space<vmem>>) target(%dma_start3A_247 : memref<32xf32, #tpu.memory_space<hbm>>) target_semaphore(%run_scoped3A : memref<!tpu.dma_semaphore, #tpu.memory_space<semaphore_mem>>)
        %dma_wait3A_250 = arith.constant 224 : i32
        %dma_wait3A_251 = tpu.memref_slice %arg23[%dma_wait3A_250] : memref<256xf32, #tpu.memory_space<vmem>> -> memref<32xf32, #tpu.memory_space<vmem>>
        %dma_wait3A_252 = tpu.memref_slice %arg9[%add3A_243] : memref<2560000xf32, #tpu.memory_space<hbm>> -> memref<32xf32, #tpu.memory_space<hbm>>
        %dma_wait3A_253 = tpu.memref_slice %arg9[%add3A_243] : memref<2560000xf32, #tpu.memory_space<hbm>> -> memref<32xf32, #tpu.memory_space<hbm>>
        %dma_wait3A_254 = arith.constant 224 : i32
        %dma_wait3A_255 = tpu.memref_slice %arg23[%dma_wait3A_254] : memref<256xf32, #tpu.memory_space<vmem>> -> memref<32xf32, #tpu.memory_space<vmem>>
        tpu.wait_dma2 semaphore(%run_scoped3A : memref<!tpu.dma_semaphore, #tpu.memory_space<semaphore_mem>>) src(%dma_wait3A_255 : memref<32xf32, #tpu.memory_space<vmem>>) dst(%dma_wait3A_253 : memref<32xf32, #tpu.memory_space<hbm>>)
        tpu.yield
      }) : () -> ()
    }
    %while3A_63 = arith.constant 1 : i32
    scf.for %while3A_137 = %while3A_61 to %while3A_57 step %while3A_63  : i32 {
      %mul3A_138 = arith.constant 16 : i32
      %mul3A_139 = arith.muli %while3A_137, %mul3A_138 : i32
      %add3A_140 = arith.addi %mul3A_139, %arg1 : i32
      %mul3A_141 = arith.constant 32 : i32
      %mul3A_142 = arith.muli %add3A_140, %mul3A_141 : i32
      %mul3A_143 = arith.constant 160000 : i32
      %mul3A_144 = arith.muli %arg0, %mul3A_143 : i32
      %add3A_145 = arith.addi %mul3A_144, %mul3A_142 : i32
      "tpu.region"() ({
        %run_scoped3A = tpu.sem_alloc : memref<!tpu.dma_semaphore, #tpu.memory_space<semaphore_mem>>
        %dma_start3A_244 = tpu.memref_slice %arg6[%add3A_145] : memref<1600000xi32, #tpu.memory_space<hbm>> -> memref<32xi32, #tpu.memory_space<hbm>>
        %dma_start3A_245 = tpu.memref_slice %arg6[%add3A_145] : memref<1600000xi32, #tpu.memory_space<hbm>> -> memref<32xi32, #tpu.memory_space<hbm>>
        tpu.enqueue_dma source(%dma_start3A_245 : memref<32xi32, #tpu.memory_space<hbm>>) target(%arg12 : memref<32xi32, #tpu.memory_space<vmem>>) target_semaphore(%run_scoped3A : memref<!tpu.dma_semaphore, #tpu.memory_space<semaphore_mem>>)
        %dma_wait3A_246 = tpu.memref_slice %arg6[%add3A_145] : memref<1600000xi32, #tpu.memory_space<hbm>> -> memref<32xi32, #tpu.memory_space<hbm>>
        %dma_wait3A_247 = tpu.memref_slice %arg6[%add3A_145] : memref<1600000xi32, #tpu.memory_space<hbm>> -> memref<32xi32, #tpu.memory_space<hbm>>
        tpu.wait_dma2 semaphore(%run_scoped3A : memref<!tpu.dma_semaphore, #tpu.memory_space<semaphore_mem>>) src(%dma_wait3A_247 : memref<32xi32, #tpu.memory_space<hbm>>) dst(%arg12 : memref<32xi32, #tpu.memory_space<vmem>>)
        tpu.yield
      }) : () -> ()
      %add3A_146 = arith.constant 320000 : i32
      %add3A_147 = arith.addi %add3A_146, %add3A_145 : i32
      "tpu.region"() ({
        %run_scoped3A = tpu.sem_alloc : memref<!tpu.dma_semaphore, #tpu.memory_space<semaphore_mem>>
        %dma_start3A_244 = tpu.memref_slice %arg6[%add3A_147] : memref<1600000xi32, #tpu.memory_space<hbm>> -> memref<32xi32, #tpu.memory_space<hbm>>
        %dma_start3A_245 = tpu.memref_slice %arg6[%add3A_147] : memref<1600000xi32, #tpu.memory_space<hbm>> -> memref<32xi32, #tpu.memory_space<hbm>>
        tpu.enqueue_dma source(%dma_start3A_245 : memref<32xi32, #tpu.memory_space<hbm>>) target(%arg13 : memref<32xi32, #tpu.memory_space<vmem>>) target_semaphore(%run_scoped3A : memref<!tpu.dma_semaphore, #tpu.memory_space<semaphore_mem>>)
        %dma_wait3A_246 = tpu.memref_slice %arg6[%add3A_147] : memref<1600000xi32, #tpu.memory_space<hbm>> -> memref<32xi32, #tpu.memory_space<hbm>>
        %dma_wait3A_247 = tpu.memref_slice %arg6[%add3A_147] : memref<1600000xi32, #tpu.memory_space<hbm>> -> memref<32xi32, #tpu.memory_space<hbm>>
        tpu.wait_dma2 semaphore(%run_scoped3A : memref<!tpu.dma_semaphore, #tpu.memory_space<semaphore_mem>>) src(%dma_wait3A_247 : memref<32xi32, #tpu.memory_space<hbm>>) dst(%arg13 : memref<32xi32, #tpu.memory_space<vmem>>)
        tpu.yield
      }) : () -> ()
      %add3A_148 = arith.constant 640000 : i32
      %add3A_149 = arith.addi %add3A_148, %add3A_145 : i32
      "tpu.region"() ({
        %run_scoped3A = tpu.sem_alloc : memref<!tpu.dma_semaphore, #tpu.memory_space<semaphore_mem>>
        %dma_start3A_244 = tpu.memref_slice %arg6[%add3A_149] : memref<1600000xi32, #tpu.memory_space<hbm>> -> memref<32xi32, #tpu.memory_space<hbm>>
        %dma_start3A_245 = tpu.memref_slice %arg6[%add3A_149] : memref<1600000xi32, #tpu.memory_space<hbm>> -> memref<32xi32, #tpu.memory_space<hbm>>
        tpu.enqueue_dma source(%dma_start3A_245 : memref<32xi32, #tpu.memory_space<hbm>>) target(%arg14 : memref<32xi32, #tpu.memory_space<vmem>>) target_semaphore(%run_scoped3A : memref<!tpu.dma_semaphore, #tpu.memory_space<semaphore_mem>>)
        %dma_wait3A_246 = tpu.memref_slice %arg6[%add3A_149] : memref<1600000xi32, #tpu.memory_space<hbm>> -> memref<32xi32, #tpu.memory_space<hbm>>
        %dma_wait3A_247 = tpu.memref_slice %arg6[%add3A_149] : memref<1600000xi32, #tpu.memory_space<hbm>> -> memref<32xi32, #tpu.memory_space<hbm>>
        tpu.wait_dma2 semaphore(%run_scoped3A : memref<!tpu.dma_semaphore, #tpu.memory_space<semaphore_mem>>) src(%dma_wait3A_247 : memref<32xi32, #tpu.memory_space<hbm>>) dst(%arg14 : memref<32xi32, #tpu.memory_space<vmem>>)
        tpu.yield
      }) : () -> ()
      %add3A_150 = arith.constant 960000 : i32
      %add3A_151 = arith.addi %add3A_150, %add3A_145 : i32
      "tpu.region"() ({
        %run_scoped3A = tpu.sem_alloc : memref<!tpu.dma_semaphore, #tpu.memory_space<semaphore_mem>>
        %dma_start3A_244 = tpu.memref_slice %arg6[%add3A_151] : memref<1600000xi32, #tpu.memory_space<hbm>> -> memref<32xi32, #tpu.memory_space<hbm>>
        %dma_start3A_245 = tpu.memref_slice %arg6[%add3A_151] : memref<1600000xi32, #tpu.memory_space<hbm>> -> memref<32xi32, #tpu.memory_space<hbm>>
        tpu.enqueue_dma source(%dma_start3A_245 : memref<32xi32, #tpu.memory_space<hbm>>) target(%arg15 : memref<32xi32, #tpu.memory_space<vmem>>) target_semaphore(%run_scoped3A : memref<!tpu.dma_semaphore, #tpu.memory_space<semaphore_mem>>)
        %dma_wait3A_246 = tpu.memref_slice %arg6[%add3A_151] : memref<1600000xi32, #tpu.memory_space<hbm>> -> memref<32xi32, #tpu.memory_space<hbm>>
        %dma_wait3A_247 = tpu.memref_slice %arg6[%add3A_151] : memref<1600000xi32, #tpu.memory_space<hbm>> -> memref<32xi32, #tpu.memory_space<hbm>>
        tpu.wait_dma2 semaphore(%run_scoped3A : memref<!tpu.dma_semaphore, #tpu.memory_space<semaphore_mem>>) src(%dma_wait3A_247 : memref<32xi32, #tpu.memory_space<hbm>>) dst(%arg15 : memref<32xi32, #tpu.memory_space<vmem>>)
        tpu.yield
      }) : () -> ()
      %add3A_152 = arith.constant 1280000 : i32
      %add3A_153 = arith.addi %add3A_152, %add3A_145 : i32
      "tpu.region"() ({
        %run_scoped3A = tpu.sem_alloc : memref<!tpu.dma_semaphore, #tpu.memory_space<semaphore_mem>>
        %dma_start3A_244 = tpu.memref_slice %arg6[%add3A_153] : memref<1600000xi32, #tpu.memory_space<hbm>> -> memref<32xi32, #tpu.memory_space<hbm>>
        %dma_start3A_245 = tpu.memref_slice %arg6[%add3A_153] : memref<1600000xi32, #tpu.memory_space<hbm>> -> memref<32xi32, #tpu.memory_space<hbm>>
        tpu.enqueue_dma source(%dma_start3A_245 : memref<32xi32, #tpu.memory_space<hbm>>) target(%arg16 : memref<32xi32, #tpu.memory_space<vmem>>) target_semaphore(%run_scoped3A : memref<!tpu.dma_semaphore, #tpu.memory_space<semaphore_mem>>)
        %dma_wait3A_246 = tpu.memref_slice %arg6[%add3A_153] : memref<1600000xi32, #tpu.memory_space<hbm>> -> memref<32xi32, #tpu.memory_space<hbm>>
        %dma_wait3A_247 = tpu.memref_slice %arg6[%add3A_153] : memref<1600000xi32, #tpu.memory_space<hbm>> -> memref<32xi32, #tpu.memory_space<hbm>>
        tpu.wait_dma2 semaphore(%run_scoped3A : memref<!tpu.dma_semaphore, #tpu.memory_space<semaphore_mem>>) src(%dma_wait3A_247 : memref<32xi32, #tpu.memory_space<hbm>>) dst(%arg16 : memref<32xi32, #tpu.memory_space<vmem>>)
        tpu.yield
      }) : () -> ()
      %dma_start3A = arith.constant 0 : i32
      %dma_start3A_154 = arith.constant 0 : i32
      %dma_start3A_155 = tpu.memref_slice %arg2[%dma_start3A, %dma_start3A_154] : memref<20000x128xf32, #tpu.memory_space<hbm>> -> memref<20000x128xf32, #tpu.memory_space<hbm>>
      tpu.enqueue_indirect_dma source(%dma_start3A_155 : memref<20000x128xf32, #tpu.memory_space<hbm>>) target(%arg17 : memref<32x128xf32, #tpu.memory_space<vmem>>) offsets(%arg13 : memref<32xi32, #tpu.memory_space<vmem>>) semaphore(%arg24 : memref<!tpu.dma_semaphore, #tpu.memory_space<semaphore_mem>>)
      %dma_wait3A = arith.constant 0 : i32
      %dma_wait3A_156 = arith.constant 0 : i32
      %dma_wait3A_157 = tpu.memref_slice %arg2[%dma_wait3A, %dma_wait3A_156] : memref<20000x128xf32, #tpu.memory_space<hbm>> -> memref<20000x128xf32, #tpu.memory_space<hbm>>
      tpu.wait_indirect_dma semaphore(%arg24 : memref<!tpu.dma_semaphore, #tpu.memory_space<semaphore_mem>>) src(%dma_wait3A_157 : memref<20000x128xf32, #tpu.memory_space<hbm>>) dst(%arg17 : memref<32x128xf32, #tpu.memory_space<vmem>>)
      %dma_start3A_158 = arith.constant 0 : i32
      %dma_start3A_159 = arith.constant 0 : i32
      %dma_start3A_160 = tpu.memref_slice %arg3[%dma_start3A_158, %dma_start3A_159] : memref<20000x128xf32, #tpu.memory_space<hbm>> -> memref<20000x128xf32, #tpu.memory_space<hbm>>
      tpu.enqueue_indirect_dma source(%dma_start3A_160 : memref<20000x128xf32, #tpu.memory_space<hbm>>) target(%arg18 : memref<32x128xf32, #tpu.memory_space<vmem>>) offsets(%arg14 : memref<32xi32, #tpu.memory_space<vmem>>) semaphore(%arg24 : memref<!tpu.dma_semaphore, #tpu.memory_space<semaphore_mem>>)
      %dma_wait3A_161 = arith.constant 0 : i32
      %dma_wait3A_162 = arith.constant 0 : i32
      %dma_wait3A_163 = tpu.memref_slice %arg3[%dma_wait3A_161, %dma_wait3A_162] : memref<20000x128xf32, #tpu.memory_space<hbm>> -> memref<20000x128xf32, #tpu.memory_space<hbm>>
      tpu.wait_indirect_dma semaphore(%arg24 : memref<!tpu.dma_semaphore, #tpu.memory_space<semaphore_mem>>) src(%dma_wait3A_163 : memref<20000x128xf32, #tpu.memory_space<hbm>>) dst(%arg18 : memref<32x128xf32, #tpu.memory_space<vmem>>)
      %dma_start3A_164 = arith.constant 0 : i32
      %dma_start3A_165 = arith.constant 0 : i32
      %dma_start3A_166 = tpu.memref_slice %arg4[%dma_start3A_164, %dma_start3A_165] : memref<20000x128xf32, #tpu.memory_space<hbm>> -> memref<20000x128xf32, #tpu.memory_space<hbm>>
      tpu.enqueue_indirect_dma source(%dma_start3A_166 : memref<20000x128xf32, #tpu.memory_space<hbm>>) target(%arg19 : memref<32x128xf32, #tpu.memory_space<vmem>>) offsets(%arg14 : memref<32xi32, #tpu.memory_space<vmem>>) semaphore(%arg24 : memref<!tpu.dma_semaphore, #tpu.memory_space<semaphore_mem>>)
      %dma_wait3A_167 = arith.constant 0 : i32
      %dma_wait3A_168 = arith.constant 0 : i32
      %dma_wait3A_169 = tpu.memref_slice %arg4[%dma_wait3A_167, %dma_wait3A_168] : memref<20000x128xf32, #tpu.memory_space<hbm>> -> memref<20000x128xf32, #tpu.memory_space<hbm>>
      tpu.wait_indirect_dma semaphore(%arg24 : memref<!tpu.dma_semaphore, #tpu.memory_space<semaphore_mem>>) src(%dma_wait3A_169 : memref<20000x128xf32, #tpu.memory_space<hbm>>) dst(%arg19 : memref<32x128xf32, #tpu.memory_space<vmem>>)
      %dma_start3A_170 = arith.constant 0 : i32
      %dma_start3A_171 = tpu.memref_slice %arg5[%add3A_145, %dma_start3A_170] : memref<320000x128xf32, #tpu.memory_space<hbm>> -> memref<32x128xf32, #tpu.memory_space<hbm>>
      %dma_start3A_172 = arith.constant 0 : i32
      %dma_start3A_173 = tpu.memref_slice %arg5[%add3A_145, %dma_start3A_172] : memref<320000x128xf32, #tpu.memory_space<hbm>> -> memref<32x128xf32, #tpu.memory_space<hbm>>
      tpu.enqueue_dma source(%dma_start3A_173 : memref<32x128xf32, #tpu.memory_space<hbm>>) target(%arg20 : memref<32x128xf32, #tpu.memory_space<vmem>>) target_semaphore(%arg24 : memref<!tpu.dma_semaphore, #tpu.memory_space<semaphore_mem>>)
      %dma_wait3A_174 = arith.constant 0 : i32
      %dma_wait3A_175 = tpu.memref_slice %arg5[%add3A_145, %dma_wait3A_174] : memref<320000x128xf32, #tpu.memory_space<hbm>> -> memref<32x128xf32, #tpu.memory_space<hbm>>
      %dma_wait3A_176 = arith.constant 0 : i32
      %dma_wait3A_177 = tpu.memref_slice %arg5[%add3A_145, %dma_wait3A_176] : memref<320000x128xf32, #tpu.memory_space<hbm>> -> memref<32x128xf32, #tpu.memory_space<hbm>>
      tpu.wait_dma2 semaphore(%arg24 : memref<!tpu.dma_semaphore, #tpu.memory_space<semaphore_mem>>) src(%dma_wait3A_177 : memref<32x128xf32, #tpu.memory_space<hbm>>) dst(%arg20 : memref<32x128xf32, #tpu.memory_space<vmem>>)
      %scan3A_178 = arith.constant 0 : i32
      %scan3A_179 = arith.constant 8 : i32
      %scan3A_180 = arith.addi %scan3A_178, %scan3A_179 : i32
      %scan3A_181 = arith.constant 1 : i32
      scf.for %scan3A_244 = %scan3A_178 to %scan3A_180 step %scan3A_181  : i32 {
        %scan3A_245 = arith.constant 0 : i32
        %scan3A_246 = arith.constant 2 : i32
        %scan3A_247 = arith.addi %scan3A_245, %scan3A_246 : i32
        %scan3A_248 = arith.constant 1 : i32
        scf.for %scan3A_250 = %scan3A_245 to %scan3A_247 step %scan3A_248  : i32 {
          %mul3A_251 = arith.constant 16 : i32
          %mul3A_252 = arith.muli %scan3A_250, %mul3A_251 : i32
          %add3A_253 = vector.broadcast %mul3A_252 : i32 to vector<16xi32>
          %add3A_254 = arith.addi %iota3A, %add3A_253 : vector<16xi32>
          %mul3A_255 = arith.constant 16 : i32
          %mul3A_256 = arith.muli %scan3A_250, %mul3A_255 : i32
          %get3A = arith.index_cast %mul3A_256 : i32 to index
          %get3A_257 = tpu.vector_load %arg16[%get3A] {strides = array<i32>} : memref<32xi32, #tpu.memory_space<vmem>>, vector<16xi32>,
          %add3A_258 = vector.broadcast %scan3A_244 : i32 to vector<16xi32>
          %add3A_259 = arith.addi %get3A_257, %add3A_258 : vector<16xi32>
          %mul3A_260 = arith.constant 16 : i32
          %mul3A_261 = arith.muli %scan3A_244, %mul3A_260 : i32
          %add3A_262 = arith.constant 0 : i32
          %add3A_263 = arith.addi %mul3A_261, %add3A_262 : i32
          %broadcast_in_dim3A_264 = vector.broadcast %add3A_263 : i32 to vector<16xi32>
          %gather3A = tpu.vector_load_idx %arg17[%add3A_254, %broadcast_in_dim3A_264] : memref<32x128xf32, #tpu.memory_space<vmem>>[vector<16xi32>, vector<16xi32>], vector<16xf32>,
          %gather3A_265 = tpu.vector_load_idx %arg18[%add3A_254, %broadcast_in_dim3A_264] : memref<32x128xf32, #tpu.memory_space<vmem>>[vector<16xi32>, vector<16xi32>], vector<16xf32>,
          %gather3A_266 = tpu.vector_load_idx %arg20[%add3A_254, %broadcast_in_dim3A_264] : memref<32x128xf32, #tpu.memory_space<vmem>>[vector<16xi32>, vector<16xi32>], vector<16xf32>,
          %mul3A_267 = arith.mulf %gather3A, %gather3A_265 : vector<16xf32>
          %mul3A_268 = arith.mulf %mul3A_267, %gather3A_266 : vector<16xf32>
          %mul3A_269 = arith.constant 16 : i32
          %mul3A_270 = arith.muli %scan3A_244, %mul3A_269 : i32
          %add3A_271 = arith.constant 1 : i32
          %add3A_272 = arith.addi %mul3A_270, %add3A_271 : i32
          %broadcast_in_dim3A_273 = vector.broadcast %add3A_272 : i32 to vector<16xi32>
          %gather3A_274 = tpu.vector_load_idx %arg17[%add3A_254, %broadcast_in_dim3A_273] : memref<32x128xf32, #tpu.memory_space<vmem>>[vector<16xi32>, vector<16xi32>], vector<16xf32>,
          %gather3A_275 = tpu.vector_load_idx %arg18[%add3A_254, %broadcast_in_dim3A_273] : memref<32x128xf32, #tpu.memory_space<vmem>>[vector<16xi32>, vector<16xi32>], vector<16xf32>,
          %gather3A_276 = tpu.vector_load_idx %arg20[%add3A_254, %broadcast_in_dim3A_273] : memref<32x128xf32, #tpu.memory_space<vmem>>[vector<16xi32>, vector<16xi32>], vector<16xf32>,
          %mul3A_277 = arith.mulf %gather3A_274, %gather3A_275 : vector<16xf32>
          %mul3A_278 = arith.mulf %mul3A_277, %gather3A_276 : vector<16xf32>
          %add3A_279 = arith.addf %mul3A_268, %mul3A_278 : vector<16xf32>
          %mul3A_280 = arith.constant 16 : i32
          %mul3A_281 = arith.muli %scan3A_244, %mul3A_280 : i32
          %add3A_282 = arith.constant 2 : i32
          %add3A_283 = arith.addi %mul3A_281, %add3A_282 : i32
          %broadcast_in_dim3A_284 = vector.broadcast %add3A_283 : i32 to vector<16xi32>
          %gather3A_285 = tpu.vector_load_idx %arg17[%add3A_254, %broadcast_in_dim3A_284] : memref<32x128xf32, #tpu.memory_space<vmem>>[vector<16xi32>, vector<16xi32>], vector<16xf32>,
          %gather3A_286 = tpu.vector_load_idx %arg18[%add3A_254, %broadcast_in_dim3A_284] : memref<32x128xf32, #tpu.memory_space<vmem>>[vector<16xi32>, vector<16xi32>], vector<16xf32>,
          %gather3A_287 = tpu.vector_load_idx %arg20[%add3A_254, %broadcast_in_dim3A_284] : memref<32x128xf32, #tpu.memory_space<vmem>>[vector<16xi32>, vector<16xi32>], vector<16xf32>,
          %mul3A_288 = arith.mulf %gather3A_285, %gather3A_286 : vector<16xf32>
          %mul3A_289 = arith.mulf %mul3A_288, %gather3A_287 : vector<16xf32>
          %add3A_290 = arith.addf %add3A_279, %mul3A_289 : vector<16xf32>
          %mul3A_291 = arith.constant 16 : i32
          %mul3A_292 = arith.muli %scan3A_244, %mul3A_291 : i32
          %add3A_293 = arith.constant 3 : i32
          %add3A_294 = arith.addi %mul3A_292, %add3A_293 : i32
          %broadcast_in_dim3A_295 = vector.broadcast %add3A_294 : i32 to vector<16xi32>
          %gather3A_296 = tpu.vector_load_idx %arg17[%add3A_254, %broadcast_in_dim3A_295] : memref<32x128xf32, #tpu.memory_space<vmem>>[vector<16xi32>, vector<16xi32>], vector<16xf32>,
          %gather3A_297 = tpu.vector_load_idx %arg18[%add3A_254, %broadcast_in_dim3A_295] : memref<32x128xf32, #tpu.memory_space<vmem>>[vector<16xi32>, vector<16xi32>], vector<16xf32>,
          %gather3A_298 = tpu.vector_load_idx %arg20[%add3A_254, %broadcast_in_dim3A_295] : memref<32x128xf32, #tpu.memory_space<vmem>>[vector<16xi32>, vector<16xi32>], vector<16xf32>,
          %mul3A_299 = arith.mulf %gather3A_296, %gather3A_297 : vector<16xf32>
          %mul3A_300 = arith.mulf %mul3A_299, %gather3A_298 : vector<16xf32>
          %add3A_301 = arith.addf %add3A_290, %mul3A_300 : vector<16xf32>
          %mul3A_302 = arith.constant 16 : i32
          %mul3A_303 = arith.muli %scan3A_244, %mul3A_302 : i32
          %add3A_304 = arith.constant 4 : i32
          %add3A_305 = arith.addi %mul3A_303, %add3A_304 : i32
          %broadcast_in_dim3A_306 = vector.broadcast %add3A_305 : i32 to vector<16xi32>
          %gather3A_307 = tpu.vector_load_idx %arg17[%add3A_254, %broadcast_in_dim3A_306] : memref<32x128xf32, #tpu.memory_space<vmem>>[vector<16xi32>, vector<16xi32>], vector<16xf32>,
          %gather3A_308 = tpu.vector_load_idx %arg18[%add3A_254, %broadcast_in_dim3A_306] : memref<32x128xf32, #tpu.memory_space<vmem>>[vector<16xi32>, vector<16xi32>], vector<16xf32>,
          %gather3A_309 = tpu.vector_load_idx %arg20[%add3A_254, %broadcast_in_dim3A_306] : memref<32x128xf32, #tpu.memory_space<vmem>>[vector<16xi32>, vector<16xi32>], vector<16xf32>,
          %mul3A_310 = arith.mulf %gather3A_307, %gather3A_308 : vector<16xf32>
          %mul3A_311 = arith.mulf %mul3A_310, %gather3A_309 : vector<16xf32>
          %add3A_312 = arith.addf %add3A_301, %mul3A_311 : vector<16xf32>
          %mul3A_313 = arith.constant 16 : i32
          %mul3A_314 = arith.muli %scan3A_244, %mul3A_313 : i32
          %add3A_315 = arith.constant 5 : i32
          %add3A_316 = arith.addi %mul3A_314, %add3A_315 : i32
          %broadcast_in_dim3A_317 = vector.broadcast %add3A_316 : i32 to vector<16xi32>
          %gather3A_318 = tpu.vector_load_idx %arg17[%add3A_254, %broadcast_in_dim3A_317] : memref<32x128xf32, #tpu.memory_space<vmem>>[vector<16xi32>, vector<16xi32>], vector<16xf32>,
          %gather3A_319 = tpu.vector_load_idx %arg18[%add3A_254, %broadcast_in_dim3A_317] : memref<32x128xf32, #tpu.memory_space<vmem>>[vector<16xi32>, vector<16xi32>], vector<16xf32>,
          %gather3A_320 = tpu.vector_load_idx %arg20[%add3A_254, %broadcast_in_dim3A_317] : memref<32x128xf32, #tpu.memory_space<vmem>>[vector<16xi32>, vector<16xi32>], vector<16xf32>,
          %mul3A_321 = arith.mulf %gather3A_318, %gather3A_319 : vector<16xf32>
          %mul3A_322 = arith.mulf %mul3A_321, %gather3A_320 : vector<16xf32>
          %add3A_323 = arith.addf %add3A_312, %mul3A_322 : vector<16xf32>
          %mul3A_324 = arith.constant 16 : i32
          %mul3A_325 = arith.muli %scan3A_244, %mul3A_324 : i32
          %add3A_326 = arith.constant 6 : i32
          %add3A_327 = arith.addi %mul3A_325, %add3A_326 : i32
          %broadcast_in_dim3A_328 = vector.broadcast %add3A_327 : i32 to vector<16xi32>
          %gather3A_329 = tpu.vector_load_idx %arg17[%add3A_254, %broadcast_in_dim3A_328] : memref<32x128xf32, #tpu.memory_space<vmem>>[vector<16xi32>, vector<16xi32>], vector<16xf32>,
          %gather3A_330 = tpu.vector_load_idx %arg18[%add3A_254, %broadcast_in_dim3A_328] : memref<32x128xf32, #tpu.memory_space<vmem>>[vector<16xi32>, vector<16xi32>], vector<16xf32>,
          %gather3A_331 = tpu.vector_load_idx %arg20[%add3A_254, %broadcast_in_dim3A_328] : memref<32x128xf32, #tpu.memory_space<vmem>>[vector<16xi32>, vector<16xi32>], vector<16xf32>,
          %mul3A_332 = arith.mulf %gather3A_329, %gather3A_330 : vector<16xf32>
          %mul3A_333 = arith.mulf %mul3A_332, %gather3A_331 : vector<16xf32>
          %add3A_334 = arith.addf %add3A_323, %mul3A_333 : vector<16xf32>
          %mul3A_335 = arith.constant 16 : i32
          %mul3A_336 = arith.muli %scan3A_244, %mul3A_335 : i32
          %add3A_337 = arith.constant 7 : i32
          %add3A_338 = arith.addi %mul3A_336, %add3A_337 : i32
          %broadcast_in_dim3A_339 = vector.broadcast %add3A_338 : i32 to vector<16xi32>
          %gather3A_340 = tpu.vector_load_idx %arg17[%add3A_254, %broadcast_in_dim3A_339] : memref<32x128xf32, #tpu.memory_space<vmem>>[vector<16xi32>, vector<16xi32>], vector<16xf32>,
          %gather3A_341 = tpu.vector_load_idx %arg18[%add3A_254, %broadcast_in_dim3A_339] : memref<32x128xf32, #tpu.memory_space<vmem>>[vector<16xi32>, vector<16xi32>], vector<16xf32>,
          %gather3A_342 = tpu.vector_load_idx %arg20[%add3A_254, %broadcast_in_dim3A_339] : memref<32x128xf32, #tpu.memory_space<vmem>>[vector<16xi32>, vector<16xi32>], vector<16xf32>,
          %mul3A_343 = arith.mulf %gather3A_340, %gather3A_341 : vector<16xf32>
          %mul3A_344 = arith.mulf %mul3A_343, %gather3A_342 : vector<16xf32>
          %add3A_345 = arith.addf %add3A_334, %mul3A_344 : vector<16xf32>
          %mul3A_346 = arith.constant 16 : i32
          %mul3A_347 = arith.muli %scan3A_244, %mul3A_346 : i32
          %add3A_348 = arith.constant 8 : i32
          %add3A_349 = arith.addi %mul3A_347, %add3A_348 : i32
          %broadcast_in_dim3A_350 = vector.broadcast %add3A_349 : i32 to vector<16xi32>
          %gather3A_351 = tpu.vector_load_idx %arg17[%add3A_254, %broadcast_in_dim3A_350] : memref<32x128xf32, #tpu.memory_space<vmem>>[vector<16xi32>, vector<16xi32>], vector<16xf32>,
          %gather3A_352 = tpu.vector_load_idx %arg18[%add3A_254, %broadcast_in_dim3A_350] : memref<32x128xf32, #tpu.memory_space<vmem>>[vector<16xi32>, vector<16xi32>], vector<16xf32>,
          %gather3A_353 = tpu.vector_load_idx %arg20[%add3A_254, %broadcast_in_dim3A_350] : memref<32x128xf32, #tpu.memory_space<vmem>>[vector<16xi32>, vector<16xi32>], vector<16xf32>,
          %mul3A_354 = arith.mulf %gather3A_351, %gather3A_352 : vector<16xf32>
          %mul3A_355 = arith.mulf %mul3A_354, %gather3A_353 : vector<16xf32>
          %add3A_356 = arith.addf %add3A_345, %mul3A_355 : vector<16xf32>
          %mul3A_357 = arith.constant 16 : i32
          %mul3A_358 = arith.muli %scan3A_244, %mul3A_357 : i32
          %add3A_359 = arith.constant 9 : i32
          %add3A_360 = arith.addi %mul3A_358, %add3A_359 : i32
          %broadcast_in_dim3A_361 = vector.broadcast %add3A_360 : i32 to vector<16xi32>
          %gather3A_362 = tpu.vector_load_idx %arg17[%add3A_254, %broadcast_in_dim3A_361] : memref<32x128xf32, #tpu.memory_space<vmem>>[vector<16xi32>, vector<16xi32>], vector<16xf32>,
          %gather3A_363 = tpu.vector_load_idx %arg18[%add3A_254, %broadcast_in_dim3A_361] : memref<32x128xf32, #tpu.memory_space<vmem>>[vector<16xi32>, vector<16xi32>], vector<16xf32>,
          %gather3A_364 = tpu.vector_load_idx %arg20[%add3A_254, %broadcast_in_dim3A_361] : memref<32x128xf32, #tpu.memory_space<vmem>>[vector<16xi32>, vector<16xi32>], vector<16xf32>,
          %mul3A_365 = arith.mulf %gather3A_362, %gather3A_363 : vector<16xf32>
          %mul3A_366 = arith.mulf %mul3A_365, %gather3A_364 : vector<16xf32>
          %add3A_367 = arith.addf %add3A_356, %mul3A_366 : vector<16xf32>
          %mul3A_368 = arith.constant 16 : i32
          %mul3A_369 = arith.muli %scan3A_244, %mul3A_368 : i32
          %add3A_370 = arith.constant 10 : i32
          %add3A_371 = arith.addi %mul3A_369, %add3A_370 : i32
          %broadcast_in_dim3A_372 = vector.broadcast %add3A_371 : i32 to vector<16xi32>
          %gather3A_373 = tpu.vector_load_idx %arg17[%add3A_254, %broadcast_in_dim3A_372] : memref<32x128xf32, #tpu.memory_space<vmem>>[vector<16xi32>, vector<16xi32>], vector<16xf32>,
          %gather3A_374 = tpu.vector_load_idx %arg18[%add3A_254, %broadcast_in_dim3A_372] : memref<32x128xf32, #tpu.memory_space<vmem>>[vector<16xi32>, vector<16xi32>], vector<16xf32>,
          %gather3A_375 = tpu.vector_load_idx %arg20[%add3A_254, %broadcast_in_dim3A_372] : memref<32x128xf32, #tpu.memory_space<vmem>>[vector<16xi32>, vector<16xi32>], vector<16xf32>,
          %mul3A_376 = arith.mulf %gather3A_373, %gather3A_374 : vector<16xf32>
          %mul3A_377 = arith.mulf %mul3A_376, %gather3A_375 : vector<16xf32>
          %add3A_378 = arith.addf %add3A_367, %mul3A_377 : vector<16xf32>
          %mul3A_379 = arith.constant 16 : i32
          %mul3A_380 = arith.muli %scan3A_244, %mul3A_379 : i32
          %add3A_381 = arith.constant 11 : i32
          %add3A_382 = arith.addi %mul3A_380, %add3A_381 : i32
          %broadcast_in_dim3A_383 = vector.broadcast %add3A_382 : i32 to vector<16xi32>
          %gather3A_384 = tpu.vector_load_idx %arg17[%add3A_254, %broadcast_in_dim3A_383] : memref<32x128xf32, #tpu.memory_space<vmem>>[vector<16xi32>, vector<16xi32>], vector<16xf32>,
          %gather3A_385 = tpu.vector_load_idx %arg18[%add3A_254, %broadcast_in_dim3A_383] : memref<32x128xf32, #tpu.memory_space<vmem>>[vector<16xi32>, vector<16xi32>], vector<16xf32>,
          %gather3A_386 = tpu.vector_load_idx %arg20[%add3A_254, %broadcast_in_dim3A_383] : memref<32x128xf32, #tpu.memory_space<vmem>>[vector<16xi32>, vector<16xi32>], vector<16xf32>,
          %mul3A_387 = arith.mulf %gather3A_384, %gather3A_385 : vector<16xf32>
          %mul3A_388 = arith.mulf %mul3A_387, %gather3A_386 : vector<16xf32>
          %add3A_389 = arith.addf %add3A_378, %mul3A_388 : vector<16xf32>
          %mul3A_390 = arith.constant 16 : i32
          %mul3A_391 = arith.muli %scan3A_244, %mul3A_390 : i32
          %add3A_392 = arith.constant 12 : i32
          %add3A_393 = arith.addi %mul3A_391, %add3A_392 : i32
          %broadcast_in_dim3A_394 = vector.broadcast %add3A_393 : i32 to vector<16xi32>
          %gather3A_395 = tpu.vector_load_idx %arg17[%add3A_254, %broadcast_in_dim3A_394] : memref<32x128xf32, #tpu.memory_space<vmem>>[vector<16xi32>, vector<16xi32>], vector<16xf32>,
          %gather3A_396 = tpu.vector_load_idx %arg18[%add3A_254, %broadcast_in_dim3A_394] : memref<32x128xf32, #tpu.memory_space<vmem>>[vector<16xi32>, vector<16xi32>], vector<16xf32>,
          %gather3A_397 = tpu.vector_load_idx %arg20[%add3A_254, %broadcast_in_dim3A_394] : memref<32x128xf32, #tpu.memory_space<vmem>>[vector<16xi32>, vector<16xi32>], vector<16xf32>,
          %mul3A_398 = arith.mulf %gather3A_395, %gather3A_396 : vector<16xf32>
          %mul3A_399 = arith.mulf %mul3A_398, %gather3A_397 : vector<16xf32>
          %add3A_400 = arith.addf %add3A_389, %mul3A_399 : vector<16xf32>
          %mul3A_401 = arith.constant 16 : i32
          %mul3A_402 = arith.muli %scan3A_244, %mul3A_401 : i32
          %add3A_403 = arith.constant 13 : i32
          %add3A_404 = arith.addi %mul3A_402, %add3A_403 : i32
          %broadcast_in_dim3A_405 = vector.broadcast %add3A_404 : i32 to vector<16xi32>
          %gather3A_406 = tpu.vector_load_idx %arg17[%add3A_254, %broadcast_in_dim3A_405] : memref<32x128xf32, #tpu.memory_space<vmem>>[vector<16xi32>, vector<16xi32>], vector<16xf32>,
          %gather3A_407 = tpu.vector_load_idx %arg18[%add3A_254, %broadcast_in_dim3A_405] : memref<32x128xf32, #tpu.memory_space<vmem>>[vector<16xi32>, vector<16xi32>], vector<16xf32>,
          %gather3A_408 = tpu.vector_load_idx %arg20[%add3A_254, %broadcast_in_dim3A_405] : memref<32x128xf32, #tpu.memory_space<vmem>>[vector<16xi32>, vector<16xi32>], vector<16xf32>,
          %mul3A_409 = arith.mulf %gather3A_406, %gather3A_407 : vector<16xf32>
          %mul3A_410 = arith.mulf %mul3A_409, %gather3A_408 : vector<16xf32>
          %add3A_411 = arith.addf %add3A_400, %mul3A_410 : vector<16xf32>
          %mul3A_412 = arith.constant 16 : i32
          %mul3A_413 = arith.muli %scan3A_244, %mul3A_412 : i32
          %add3A_414 = arith.constant 14 : i32
          %add3A_415 = arith.addi %mul3A_413, %add3A_414 : i32
          %broadcast_in_dim3A_416 = vector.broadcast %add3A_415 : i32 to vector<16xi32>
          %gather3A_417 = tpu.vector_load_idx %arg17[%add3A_254, %broadcast_in_dim3A_416] : memref<32x128xf32, #tpu.memory_space<vmem>>[vector<16xi32>, vector<16xi32>], vector<16xf32>,
          %gather3A_418 = tpu.vector_load_idx %arg18[%add3A_254, %broadcast_in_dim3A_416] : memref<32x128xf32, #tpu.memory_space<vmem>>[vector<16xi32>, vector<16xi32>], vector<16xf32>,
          %gather3A_419 = tpu.vector_load_idx %arg20[%add3A_254, %broadcast_in_dim3A_416] : memref<32x128xf32, #tpu.memory_space<vmem>>[vector<16xi32>, vector<16xi32>], vector<16xf32>,
          %mul3A_420 = arith.mulf %gather3A_417, %gather3A_418 : vector<16xf32>
          %mul3A_421 = arith.mulf %mul3A_420, %gather3A_419 : vector<16xf32>
          %add3A_422 = arith.addf %add3A_411, %mul3A_421 : vector<16xf32>
          %mul3A_423 = arith.constant 16 : i32
          %mul3A_424 = arith.muli %scan3A_244, %mul3A_423 : i32
          %add3A_425 = arith.constant 15 : i32
          %add3A_426 = arith.addi %mul3A_424, %add3A_425 : i32
          %broadcast_in_dim3A_427 = vector.broadcast %add3A_426 : i32 to vector<16xi32>
          %gather3A_428 = tpu.vector_load_idx %arg17[%add3A_254, %broadcast_in_dim3A_427] : memref<32x128xf32, #tpu.memory_space<vmem>>[vector<16xi32>, vector<16xi32>], vector<16xf32>,
          %gather3A_429 = tpu.vector_load_idx %arg18[%add3A_254, %broadcast_in_dim3A_427] : memref<32x128xf32, #tpu.memory_space<vmem>>[vector<16xi32>, vector<16xi32>], vector<16xf32>,
          %gather3A_430 = tpu.vector_load_idx %arg20[%add3A_254, %broadcast_in_dim3A_427] : memref<32x128xf32, #tpu.memory_space<vmem>>[vector<16xi32>, vector<16xi32>], vector<16xf32>,
          %mul3A_431 = arith.mulf %gather3A_428, %gather3A_429 : vector<16xf32>
          %mul3A_432 = arith.mulf %mul3A_431, %gather3A_430 : vector<16xf32>
          %add3A_433 = arith.addf %add3A_422, %mul3A_432 : vector<16xf32>
          %mul3A_434 = arith.constant 2.500000e-01 : f32
          %mul3A_435 = vector.broadcast %mul3A_434 : f32 to vector<16xf32>
          %mul3A_436 = arith.mulf %add3A_433, %mul3A_435 : vector<16xf32>
          %jit3A = arith.constant -5.000000e+00 : f32
          %jit3A_437 = arith.constant 5.000000e+00 : f32
          %max3A = vector.broadcast %jit3A : f32 to vector<16xf32>
          %max3A_438 = arith.maximumf %max3A, %mul3A_436 : vector<16xf32>
          %min3A = vector.broadcast %jit3A_437 : f32 to vector<16xf32>
          %min3A_439 = arith.minimumf %min3A, %max3A_438 : vector<16xf32>
          %exp3A = math.exp %min3A_439 : vector<16xf32>
          %mul3A_440 = arith.constant 32 : i32
          %mul3A_441 = arith.muli %scan3A_244, %mul3A_440 : i32
          %mul3A_442 = arith.constant 16 : i32
          %mul3A_443 = arith.muli %scan3A_250, %mul3A_442 : i32
          %add3A_444 = arith.addi %mul3A_441, %mul3A_443 : i32
          %add3A_445 = vector.broadcast %add3A_444 : i32 to vector<16xi32>
          %add3A_446 = arith.addi %add3A_445, %iota3A : vector<16xi32>
          tpu.vector_store_idx %arg23[%add3A_446], %exp3A : memref<256xf32, #tpu.memory_space<vmem>>[vector<16xi32>], vector<16xf32>,
          tpu.vector_store_idx %arg22[%add3A_254, %add3A_259], %exp3A : memref<32x128xf32, #tpu.memory_space<vmem>>[vector<16xi32>, vector<16xi32>], vector<16xf32>,
          %mul3A_447 = arith.constant 16 : i32
          %mul3A_448 = arith.muli %scan3A_244, %mul3A_447 : i32
          %add3A_449 = arith.constant 0 : i32
          %add3A_450 = arith.addi %mul3A_448, %add3A_449 : i32
          %broadcast_in_dim3A_451 = vector.broadcast %add3A_450 : i32 to vector<16xi32>
          %gather3A_452 = tpu.vector_load_idx %arg19[%add3A_254, %broadcast_in_dim3A_451] : memref<32x128xf32, #tpu.memory_space<vmem>>[vector<16xi32>, vector<16xi32>], vector<16xf32>,
          %mul3A_453 = arith.mulf %exp3A, %gather3A_452 : vector<16xf32>
          tpu.vector_store_idx %arg21[%add3A_254, %broadcast_in_dim3A_451], %mul3A_453 : memref<32x128xf32, #tpu.memory_space<vmem>>[vector<16xi32>, vector<16xi32>], vector<16xf32>,
          %mul3A_454 = arith.constant 16 : i32
          %mul3A_455 = arith.muli %scan3A_244, %mul3A_454 : i32
          %add3A_456 = arith.constant 1 : i32
          %add3A_457 = arith.addi %mul3A_455, %add3A_456 : i32
          %broadcast_in_dim3A_458 = vector.broadcast %add3A_457 : i32 to vector<16xi32>
          %gather3A_459 = tpu.vector_load_idx %arg19[%add3A_254, %broadcast_in_dim3A_458] : memref<32x128xf32, #tpu.memory_space<vmem>>[vector<16xi32>, vector<16xi32>], vector<16xf32>,
          %mul3A_460 = arith.mulf %exp3A, %gather3A_459 : vector<16xf32>
          tpu.vector_store_idx %arg21[%add3A_254, %broadcast_in_dim3A_458], %mul3A_460 : memref<32x128xf32, #tpu.memory_space<vmem>>[vector<16xi32>, vector<16xi32>], vector<16xf32>,
          %mul3A_461 = arith.constant 16 : i32
          %mul3A_462 = arith.muli %scan3A_244, %mul3A_461 : i32
          %add3A_463 = arith.constant 2 : i32
          %add3A_464 = arith.addi %mul3A_462, %add3A_463 : i32
          %broadcast_in_dim3A_465 = vector.broadcast %add3A_464 : i32 to vector<16xi32>
          %gather3A_466 = tpu.vector_load_idx %arg19[%add3A_254, %broadcast_in_dim3A_465] : memref<32x128xf32, #tpu.memory_space<vmem>>[vector<16xi32>, vector<16xi32>], vector<16xf32>,
          %mul3A_467 = arith.mulf %exp3A, %gather3A_466 : vector<16xf32>
          tpu.vector_store_idx %arg21[%add3A_254, %broadcast_in_dim3A_465], %mul3A_467 : memref<32x128xf32, #tpu.memory_space<vmem>>[vector<16xi32>, vector<16xi32>], vector<16xf32>,
          %mul3A_468 = arith.constant 16 : i32
          %mul3A_469 = arith.muli %scan3A_244, %mul3A_468 : i32
          %add3A_470 = arith.constant 3 : i32
          %add3A_471 = arith.addi %mul3A_469, %add3A_470 : i32
          %broadcast_in_dim3A_472 = vector.broadcast %add3A_471 : i32 to vector<16xi32>
          %gather3A_473 = tpu.vector_load_idx %arg19[%add3A_254, %broadcast_in_dim3A_472] : memref<32x128xf32, #tpu.memory_space<vmem>>[vector<16xi32>, vector<16xi32>], vector<16xf32>,
          %mul3A_474 = arith.mulf %exp3A, %gather3A_473 : vector<16xf32>
          tpu.vector_store_idx %arg21[%add3A_254, %broadcast_in_dim3A_472], %mul3A_474 : memref<32x128xf32, #tpu.memory_space<vmem>>[vector<16xi32>, vector<16xi32>], vector<16xf32>,
          %mul3A_475 = arith.constant 16 : i32
          %mul3A_476 = arith.muli %scan3A_244, %mul3A_475 : i32
          %add3A_477 = arith.constant 4 : i32
          %add3A_478 = arith.addi %mul3A_476, %add3A_477 : i32
          %broadcast_in_dim3A_479 = vector.broadcast %add3A_478 : i32 to vector<16xi32>
          %gather3A_480 = tpu.vector_load_idx %arg19[%add3A_254, %broadcast_in_dim3A_479] : memref<32x128xf32, #tpu.memory_space<vmem>>[vector<16xi32>, vector<16xi32>], vector<16xf32>,
          %mul3A_481 = arith.mulf %exp3A, %gather3A_480 : vector<16xf32>
          tpu.vector_store_idx %arg21[%add3A_254, %broadcast_in_dim3A_479], %mul3A_481 : memref<32x128xf32, #tpu.memory_space<vmem>>[vector<16xi32>, vector<16xi32>], vector<16xf32>,
          %mul3A_482 = arith.constant 16 : i32
          %mul3A_483 = arith.muli %scan3A_244, %mul3A_482 : i32
          %add3A_484 = arith.constant 5 : i32
          %add3A_485 = arith.addi %mul3A_483, %add3A_484 : i32
          %broadcast_in_dim3A_486 = vector.broadcast %add3A_485 : i32 to vector<16xi32>
          %gather3A_487 = tpu.vector_load_idx %arg19[%add3A_254, %broadcast_in_dim3A_486] : memref<32x128xf32, #tpu.memory_space<vmem>>[vector<16xi32>, vector<16xi32>], vector<16xf32>,
          %mul3A_488 = arith.mulf %exp3A, %gather3A_487 : vector<16xf32>
          tpu.vector_store_idx %arg21[%add3A_254, %broadcast_in_dim3A_486], %mul3A_488 : memref<32x128xf32, #tpu.memory_space<vmem>>[vector<16xi32>, vector<16xi32>], vector<16xf32>,
          %mul3A_489 = arith.constant 16 : i32
          %mul3A_490 = arith.muli %scan3A_244, %mul3A_489 : i32
          %add3A_491 = arith.constant 6 : i32
          %add3A_492 = arith.addi %mul3A_490, %add3A_491 : i32
          %broadcast_in_dim3A_493 = vector.broadcast %add3A_492 : i32 to vector<16xi32>
          %gather3A_494 = tpu.vector_load_idx %arg19[%add3A_254, %broadcast_in_dim3A_493] : memref<32x128xf32, #tpu.memory_space<vmem>>[vector<16xi32>, vector<16xi32>], vector<16xf32>,
          %mul3A_495 = arith.mulf %exp3A, %gather3A_494 : vector<16xf32>
          tpu.vector_store_idx %arg21[%add3A_254, %broadcast_in_dim3A_493], %mul3A_495 : memref<32x128xf32, #tpu.memory_space<vmem>>[vector<16xi32>, vector<16xi32>], vector<16xf32>,
          %mul3A_496 = arith.constant 16 : i32
          %mul3A_497 = arith.muli %scan3A_244, %mul3A_496 : i32
          %add3A_498 = arith.constant 7 : i32
          %add3A_499 = arith.addi %mul3A_497, %add3A_498 : i32
          %broadcast_in_dim3A_500 = vector.broadcast %add3A_499 : i32 to vector<16xi32>
          %gather3A_501 = tpu.vector_load_idx %arg19[%add3A_254, %broadcast_in_dim3A_500] : memref<32x128xf32, #tpu.memory_space<vmem>>[vector<16xi32>, vector<16xi32>], vector<16xf32>,
          %mul3A_502 = arith.mulf %exp3A, %gather3A_501 : vector<16xf32>
          tpu.vector_store_idx %arg21[%add3A_254, %broadcast_in_dim3A_500], %mul3A_502 : memref<32x128xf32, #tpu.memory_space<vmem>>[vector<16xi32>, vector<16xi32>], vector<16xf32>,
          %mul3A_503 = arith.constant 16 : i32
          %mul3A_504 = arith.muli %scan3A_244, %mul3A_503 : i32
          %add3A_505 = arith.constant 8 : i32
          %add3A_506 = arith.addi %mul3A_504, %add3A_505 : i32
          %broadcast_in_dim3A_507 = vector.broadcast %add3A_506 : i32 to vector<16xi32>
          %gather3A_508 = tpu.vector_load_idx %arg19[%add3A_254, %broadcast_in_dim3A_507] : memref<32x128xf32, #tpu.memory_space<vmem>>[vector<16xi32>, vector<16xi32>], vector<16xf32>,
          %mul3A_509 = arith.mulf %exp3A, %gather3A_508 : vector<16xf32>
          tpu.vector_store_idx %arg21[%add3A_254, %broadcast_in_dim3A_507], %mul3A_509 : memref<32x128xf32, #tpu.memory_space<vmem>>[vector<16xi32>, vector<16xi32>], vector<16xf32>,
          %mul3A_510 = arith.constant 16 : i32
          %mul3A_511 = arith.muli %scan3A_244, %mul3A_510 : i32
          %add3A_512 = arith.constant 9 : i32
          %add3A_513 = arith.addi %mul3A_511, %add3A_512 : i32
          %broadcast_in_dim3A_514 = vector.broadcast %add3A_513 : i32 to vector<16xi32>
          %gather3A_515 = tpu.vector_load_idx %arg19[%add3A_254, %broadcast_in_dim3A_514] : memref<32x128xf32, #tpu.memory_space<vmem>>[vector<16xi32>, vector<16xi32>], vector<16xf32>,
          %mul3A_516 = arith.mulf %exp3A, %gather3A_515 : vector<16xf32>
          tpu.vector_store_idx %arg21[%add3A_254, %broadcast_in_dim3A_514], %mul3A_516 : memref<32x128xf32, #tpu.memory_space<vmem>>[vector<16xi32>, vector<16xi32>], vector<16xf32>,
          %mul3A_517 = arith.constant 16 : i32
          %mul3A_518 = arith.muli %scan3A_244, %mul3A_517 : i32
          %add3A_519 = arith.constant 10 : i32
          %add3A_520 = arith.addi %mul3A_518, %add3A_519 : i32
          %broadcast_in_dim3A_521 = vector.broadcast %add3A_520 : i32 to vector<16xi32>
          %gather3A_522 = tpu.vector_load_idx %arg19[%add3A_254, %broadcast_in_dim3A_521] : memref<32x128xf32, #tpu.memory_space<vmem>>[vector<16xi32>, vector<16xi32>], vector<16xf32>,
          %mul3A_523 = arith.mulf %exp3A, %gather3A_522 : vector<16xf32>
          tpu.vector_store_idx %arg21[%add3A_254, %broadcast_in_dim3A_521], %mul3A_523 : memref<32x128xf32, #tpu.memory_space<vmem>>[vector<16xi32>, vector<16xi32>], vector<16xf32>,
          %mul3A_524 = arith.constant 16 : i32
          %mul3A_525 = arith.muli %scan3A_244, %mul3A_524 : i32
          %add3A_526 = arith.constant 11 : i32
          %add3A_527 = arith.addi %mul3A_525, %add3A_526 : i32
          %broadcast_in_dim3A_528 = vector.broadcast %add3A_527 : i32 to vector<16xi32>
          %gather3A_529 = tpu.vector_load_idx %arg19[%add3A_254, %broadcast_in_dim3A_528] : memref<32x128xf32, #tpu.memory_space<vmem>>[vector<16xi32>, vector<16xi32>], vector<16xf32>,
          %mul3A_530 = arith.mulf %exp3A, %gather3A_529 : vector<16xf32>
          tpu.vector_store_idx %arg21[%add3A_254, %broadcast_in_dim3A_528], %mul3A_530 : memref<32x128xf32, #tpu.memory_space<vmem>>[vector<16xi32>, vector<16xi32>], vector<16xf32>,
          %mul3A_531 = arith.constant 16 : i32
          %mul3A_532 = arith.muli %scan3A_244, %mul3A_531 : i32
          %add3A_533 = arith.constant 12 : i32
          %add3A_534 = arith.addi %mul3A_532, %add3A_533 : i32
          %broadcast_in_dim3A_535 = vector.broadcast %add3A_534 : i32 to vector<16xi32>
          %gather3A_536 = tpu.vector_load_idx %arg19[%add3A_254, %broadcast_in_dim3A_535] : memref<32x128xf32, #tpu.memory_space<vmem>>[vector<16xi32>, vector<16xi32>], vector<16xf32>,
          %mul3A_537 = arith.mulf %exp3A, %gather3A_536 : vector<16xf32>
          tpu.vector_store_idx %arg21[%add3A_254, %broadcast_in_dim3A_535], %mul3A_537 : memref<32x128xf32, #tpu.memory_space<vmem>>[vector<16xi32>, vector<16xi32>], vector<16xf32>,
          %mul3A_538 = arith.constant 16 : i32
          %mul3A_539 = arith.muli %scan3A_244, %mul3A_538 : i32
          %add3A_540 = arith.constant 13 : i32
          %add3A_541 = arith.addi %mul3A_539, %add3A_540 : i32
          %broadcast_in_dim3A_542 = vector.broadcast %add3A_541 : i32 to vector<16xi32>
          %gather3A_543 = tpu.vector_load_idx %arg19[%add3A_254, %broadcast_in_dim3A_542] : memref<32x128xf32, #tpu.memory_space<vmem>>[vector<16xi32>, vector<16xi32>], vector<16xf32>,
          %mul3A_544 = arith.mulf %exp3A, %gather3A_543 : vector<16xf32>
          tpu.vector_store_idx %arg21[%add3A_254, %broadcast_in_dim3A_542], %mul3A_544 : memref<32x128xf32, #tpu.memory_space<vmem>>[vector<16xi32>, vector<16xi32>], vector<16xf32>,
          %mul3A_545 = arith.constant 16 : i32
          %mul3A_546 = arith.muli %scan3A_244, %mul3A_545 : i32
          %add3A_547 = arith.constant 14 : i32
          %add3A_548 = arith.addi %mul3A_546, %add3A_547 : i32
          %broadcast_in_dim3A_549 = vector.broadcast %add3A_548 : i32 to vector<16xi32>
          %gather3A_550 = tpu.vector_load_idx %arg19[%add3A_254, %broadcast_in_dim3A_549] : memref<32x128xf32, #tpu.memory_space<vmem>>[vector<16xi32>, vector<16xi32>], vector<16xf32>,
          %mul3A_551 = arith.mulf %exp3A, %gather3A_550 : vector<16xf32>
          tpu.vector_store_idx %arg21[%add3A_254, %broadcast_in_dim3A_549], %mul3A_551 : memref<32x128xf32, #tpu.memory_space<vmem>>[vector<16xi32>, vector<16xi32>], vector<16xf32>,
          %mul3A_552 = arith.constant 16 : i32
          %mul3A_553 = arith.muli %scan3A_244, %mul3A_552 : i32
          %add3A_554 = arith.constant 15 : i32
          %add3A_555 = arith.addi %mul3A_553, %add3A_554 : i32
          %broadcast_in_dim3A_556 = vector.broadcast %add3A_555 : i32 to vector<16xi32>
          %gather3A_557 = tpu.vector_load_idx %arg19[%add3A_254, %broadcast_in_dim3A_556] : memref<32x128xf32, #tpu.memory_space<vmem>>[vector<16xi32>, vector<16xi32>], vector<16xf32>,
          %mul3A_558 = arith.mulf %exp3A, %gather3A_557 : vector<16xf32>
          tpu.vector_store_idx %arg21[%add3A_254, %broadcast_in_dim3A_556], %mul3A_558 : memref<32x128xf32, #tpu.memory_space<vmem>>[vector<16xi32>, vector<16xi32>], vector<16xf32>,
        }
        %scan3A_249 = arith.constant 2 : i32
      }
      %scan3A_182 = arith.constant 8 : i32
      "tpu.region"() ({
        %run_scoped3A = tpu.sem_alloc : memref<!tpu.dma_semaphore, #tpu.memory_space<semaphore_mem>>
        %dma_start3A_244 = arith.constant 0 : i32
        %dma_start3A_245 = arith.constant 0 : i32
        %dma_start3A_246 = tpu.memref_slice %arg10[%dma_start3A_244, %dma_start3A_245] : memref<10240x128xf32, #tpu.memory_space<vmem_shared>> -> memref<10240x128xf32, #tpu.memory_space<vmem_shared>>
        tpu.enqueue_indirect_dma source(%arg21 : memref<32x128xf32, #tpu.memory_space<vmem>>) target(%dma_start3A_246 : memref<10240x128xf32, #tpu.memory_space<vmem_shared>>) offsets(%arg12 : memref<32xi32, #tpu.memory_space<vmem>>) semaphore(%run_scoped3A : memref<!tpu.dma_semaphore, #tpu.memory_space<semaphore_mem>>) {add = true}
        %dma_wait3A_247 = arith.constant 0 : i32
        %dma_wait3A_248 = arith.constant 0 : i32
        %dma_wait3A_249 = tpu.memref_slice %arg10[%dma_wait3A_247, %dma_wait3A_248] : memref<10240x128xf32, #tpu.memory_space<vmem_shared>> -> memref<10240x128xf32, #tpu.memory_space<vmem_shared>>
        tpu.wait_indirect_dma semaphore(%run_scoped3A : memref<!tpu.dma_semaphore, #tpu.memory_space<semaphore_mem>>) src(%arg21 : memref<32x128xf32, #tpu.memory_space<vmem>>) dst(%dma_wait3A_249 : memref<10240x128xf32, #tpu.memory_space<vmem_shared>>)
        tpu.yield
      }) : () -> ()
      "tpu.region"() ({
        %run_scoped3A = tpu.sem_alloc : memref<!tpu.dma_semaphore, #tpu.memory_space<semaphore_mem>>
        %dma_start3A_244 = arith.constant 0 : i32
        %dma_start3A_245 = arith.constant 0 : i32
        %dma_start3A_246 = tpu.memref_slice %arg11[%dma_start3A_244, %dma_start3A_245] : memref<640x128xf32, #tpu.memory_space<vmem_shared>> -> memref<640x128xf32, #tpu.memory_space<vmem_shared>>
        tpu.enqueue_indirect_dma source(%arg22 : memref<32x128xf32, #tpu.memory_space<vmem>>) target(%dma_start3A_246 : memref<640x128xf32, #tpu.memory_space<vmem_shared>>) offsets(%arg15 : memref<32xi32, #tpu.memory_space<vmem>>) semaphore(%run_scoped3A : memref<!tpu.dma_semaphore, #tpu.memory_space<semaphore_mem>>) {add = true}
        %dma_wait3A_247 = arith.constant 0 : i32
        %dma_wait3A_248 = arith.constant 0 : i32
        %dma_wait3A_249 = tpu.memref_slice %arg11[%dma_wait3A_247, %dma_wait3A_248] : memref<640x128xf32, #tpu.memory_space<vmem_shared>> -> memref<640x128xf32, #tpu.memory_space<vmem_shared>>
        tpu.wait_indirect_dma semaphore(%run_scoped3A : memref<!tpu.dma_semaphore, #tpu.memory_space<semaphore_mem>>) src(%arg22 : memref<32x128xf32, #tpu.memory_space<vmem>>) dst(%dma_wait3A_249 : memref<640x128xf32, #tpu.memory_space<vmem_shared>>)
        tpu.yield
      }) : () -> ()
      %scan3A_183 = arith.constant 0 : i32
      %scan3A_184 = arith.constant 8 : i32
      %scan3A_185 = arith.addi %scan3A_183, %scan3A_184 : i32
      %scan3A_186 = arith.constant 1 : i32
      scf.for %scan3A_244 = %scan3A_183 to %scan3A_185 step %scan3A_186  : i32 {
        %scan3A_245 = arith.constant 0 : i32
        %scan3A_246 = arith.constant 2 : i32
        %scan3A_247 = arith.addi %scan3A_245, %scan3A_246 : i32
        %scan3A_248 = arith.constant 1 : i32
        scf.for %scan3A_250 = %scan3A_245 to %scan3A_247 step %scan3A_248  : i32 {
          %mul3A_251 = arith.constant 16 : i32
          %mul3A_252 = arith.muli %scan3A_250, %mul3A_251 : i32
          %add3A_253 = vector.broadcast %mul3A_252 : i32 to vector<16xi32>
          %add3A_254 = arith.addi %iota3A, %add3A_253 : vector<16xi32>
          %mul3A_255 = arith.constant 16 : i32
          %mul3A_256 = arith.muli %scan3A_250, %mul3A_255 : i32
          %get3A = arith.index_cast %mul3A_256 : i32 to index
          %get3A_257 = tpu.vector_load %arg16[%get3A] {strides = array<i32>} : memref<32xi32, #tpu.memory_space<vmem>>, vector<16xi32>,
          %add3A_258 = vector.broadcast %scan3A_244 : i32 to vector<16xi32>
          %add3A_259 = arith.addi %get3A_257, %add3A_258 : vector<16xi32>
          tpu.vector_store_idx %arg22[%add3A_254, %add3A_259], %broadcast_in_dim3A_3 : memref<32x128xf32, #tpu.memory_space<vmem>>[vector<16xi32>, vector<16xi32>], vector<16xf32>,
        }
        %scan3A_249 = arith.constant 2 : i32
      }
      %scan3A_187 = arith.constant 8 : i32
      %mul3A_188 = arith.constant 8 : i32
      %mul3A_189 = arith.muli %arg0, %mul3A_188 : i32
      %mul3A_190 = arith.constant 160000 : i32
      %mul3A_191 = arith.muli %mul3A_189, %mul3A_190 : i32
      %add3A_192 = arith.constant 0 : i32
      %add3A_193 = arith.addi %mul3A_191, %add3A_192 : i32
      %add3A_194 = arith.addi %add3A_193, %mul3A_142 : i32
      "tpu.region"() ({
        %run_scoped3A = tpu.sem_alloc : memref<!tpu.dma_semaphore, #tpu.memory_space<semaphore_mem>>
        %dma_start3A_244 = arith.constant 0 : i32
        %dma_start3A_245 = tpu.memref_slice %arg23[%dma_start3A_244] : memref<256xf32, #tpu.memory_space<vmem>> -> memref<32xf32, #tpu.memory_space<vmem>>
        %dma_start3A_246 = tpu.memref_slice %arg9[%add3A_194] : memref<2560000xf32, #tpu.memory_space<hbm>> -> memref<32xf32, #tpu.memory_space<hbm>>
        %dma_start3A_247 = tpu.memref_slice %arg9[%add3A_194] : memref<2560000xf32, #tpu.memory_space<hbm>> -> memref<32xf32, #tpu.memory_space<hbm>>
        %dma_start3A_248 = arith.constant 0 : i32
        %dma_start3A_249 = tpu.memref_slice %arg23[%dma_start3A_248] : memref<256xf32, #tpu.memory_space<vmem>> -> memref<32xf32, #tpu.memory_space<vmem>>
        tpu.enqueue_dma source(%dma_start3A_249 : memref<32xf32, #tpu.memory_space<vmem>>) target(%dma_start3A_247 : memref<32xf32, #tpu.memory_space<hbm>>) target_semaphore(%run_scoped3A : memref<!tpu.dma_semaphore, #tpu.memory_space<semaphore_mem>>)
        %dma_wait3A_250 = arith.constant 0 : i32
        %dma_wait3A_251 = tpu.memref_slice %arg23[%dma_wait3A_250] : memref<256xf32, #tpu.memory_space<vmem>> -> memref<32xf32, #tpu.memory_space<vmem>>
        %dma_wait3A_252 = tpu.memref_slice %arg9[%add3A_194] : memref<2560000xf32, #tpu.memory_space<hbm>> -> memref<32xf32, #tpu.memory_space<hbm>>
        %dma_wait3A_253 = tpu.memref_slice %arg9[%add3A_194] : memref<2560000xf32, #tpu.memory_space<hbm>> -> memref<32xf32, #tpu.memory_space<hbm>>
        %dma_wait3A_254 = arith.constant 0 : i32
        %dma_wait3A_255 = tpu.memref_slice %arg23[%dma_wait3A_254] : memref<256xf32, #tpu.memory_space<vmem>> -> memref<32xf32, #tpu.memory_space<vmem>>
        tpu.wait_dma2 semaphore(%run_scoped3A : memref<!tpu.dma_semaphore, #tpu.memory_space<semaphore_mem>>) src(%dma_wait3A_255 : memref<32xf32, #tpu.memory_space<vmem>>) dst(%dma_wait3A_253 : memref<32xf32, #tpu.memory_space<hbm>>)
        tpu.yield
      }) : () -> ()
      %mul3A_195 = arith.constant 8 : i32
      %mul3A_196 = arith.muli %arg0, %mul3A_195 : i32
      %mul3A_197 = arith.constant 160000 : i32
      %mul3A_198 = arith.muli %mul3A_196, %mul3A_197 : i32
      %add3A_199 = arith.constant 160000 : i32
      %add3A_200 = arith.addi %mul3A_198, %add3A_199 : i32
      %add3A_201 = arith.addi %add3A_200, %mul3A_142 : i32
      "tpu.region"() ({
        %run_scoped3A = tpu.sem_alloc : memref<!tpu.dma_semaphore, #tpu.memory_space<semaphore_mem>>
        %dma_start3A_244 = arith.constant 32 : i32
        %dma_start3A_245 = tpu.memref_slice %arg23[%dma_start3A_244] : memref<256xf32, #tpu.memory_space<vmem>> -> memref<32xf32, #tpu.memory_space<vmem>>
        %dma_start3A_246 = tpu.memref_slice %arg9[%add3A_201] : memref<2560000xf32, #tpu.memory_space<hbm>> -> memref<32xf32, #tpu.memory_space<hbm>>
        %dma_start3A_247 = tpu.memref_slice %arg9[%add3A_201] : memref<2560000xf32, #tpu.memory_space<hbm>> -> memref<32xf32, #tpu.memory_space<hbm>>
        %dma_start3A_248 = arith.constant 32 : i32
        %dma_start3A_249 = tpu.memref_slice %arg23[%dma_start3A_248] : memref<256xf32, #tpu.memory_space<vmem>> -> memref<32xf32, #tpu.memory_space<vmem>>
        tpu.enqueue_dma source(%dma_start3A_249 : memref<32xf32, #tpu.memory_space<vmem>>) target(%dma_start3A_247 : memref<32xf32, #tpu.memory_space<hbm>>) target_semaphore(%run_scoped3A : memref<!tpu.dma_semaphore, #tpu.memory_space<semaphore_mem>>)
        %dma_wait3A_250 = arith.constant 32 : i32
        %dma_wait3A_251 = tpu.memref_slice %arg23[%dma_wait3A_250] : memref<256xf32, #tpu.memory_space<vmem>> -> memref<32xf32, #tpu.memory_space<vmem>>
        %dma_wait3A_252 = tpu.memref_slice %arg9[%add3A_201] : memref<2560000xf32, #tpu.memory_space<hbm>> -> memref<32xf32, #tpu.memory_space<hbm>>
        %dma_wait3A_253 = tpu.memref_slice %arg9[%add3A_201] : memref<2560000xf32, #tpu.memory_space<hbm>> -> memref<32xf32, #tpu.memory_space<hbm>>
        %dma_wait3A_254 = arith.constant 32 : i32
        %dma_wait3A_255 = tpu.memref_slice %arg23[%dma_wait3A_254] : memref<256xf32, #tpu.memory_space<vmem>> -> memref<32xf32, #tpu.memory_space<vmem>>
        tpu.wait_dma2 semaphore(%run_scoped3A : memref<!tpu.dma_semaphore, #tpu.memory_space<semaphore_mem>>) src(%dma_wait3A_255 : memref<32xf32, #tpu.memory_space<vmem>>) dst(%dma_wait3A_253 : memref<32xf32, #tpu.memory_space<hbm>>)
        tpu.yield
      }) : () -> ()
      %mul3A_202 = arith.constant 8 : i32
      %mul3A_203 = arith.muli %arg0, %mul3A_202 : i32
      %mul3A_204 = arith.constant 160000 : i32
      %mul3A_205 = arith.muli %mul3A_203, %mul3A_204 : i32
      %add3A_206 = arith.constant 320000 : i32
      %add3A_207 = arith.addi %mul3A_205, %add3A_206 : i32
      %add3A_208 = arith.addi %add3A_207, %mul3A_142 : i32
      "tpu.region"() ({
        %run_scoped3A = tpu.sem_alloc : memref<!tpu.dma_semaphore, #tpu.memory_space<semaphore_mem>>
        %dma_start3A_244 = arith.constant 64 : i32
        %dma_start3A_245 = tpu.memref_slice %arg23[%dma_start3A_244] : memref<256xf32, #tpu.memory_space<vmem>> -> memref<32xf32, #tpu.memory_space<vmem>>
        %dma_start3A_246 = tpu.memref_slice %arg9[%add3A_208] : memref<2560000xf32, #tpu.memory_space<hbm>> -> memref<32xf32, #tpu.memory_space<hbm>>
        %dma_start3A_247 = tpu.memref_slice %arg9[%add3A_208] : memref<2560000xf32, #tpu.memory_space<hbm>> -> memref<32xf32, #tpu.memory_space<hbm>>
        %dma_start3A_248 = arith.constant 64 : i32
        %dma_start3A_249 = tpu.memref_slice %arg23[%dma_start3A_248] : memref<256xf32, #tpu.memory_space<vmem>> -> memref<32xf32, #tpu.memory_space<vmem>>
        tpu.enqueue_dma source(%dma_start3A_249 : memref<32xf32, #tpu.memory_space<vmem>>) target(%dma_start3A_247 : memref<32xf32, #tpu.memory_space<hbm>>) target_semaphore(%run_scoped3A : memref<!tpu.dma_semaphore, #tpu.memory_space<semaphore_mem>>)
        %dma_wait3A_250 = arith.constant 64 : i32
        %dma_wait3A_251 = tpu.memref_slice %arg23[%dma_wait3A_250] : memref<256xf32, #tpu.memory_space<vmem>> -> memref<32xf32, #tpu.memory_space<vmem>>
        %dma_wait3A_252 = tpu.memref_slice %arg9[%add3A_208] : memref<2560000xf32, #tpu.memory_space<hbm>> -> memref<32xf32, #tpu.memory_space<hbm>>
        %dma_wait3A_253 = tpu.memref_slice %arg9[%add3A_208] : memref<2560000xf32, #tpu.memory_space<hbm>> -> memref<32xf32, #tpu.memory_space<hbm>>
        %dma_wait3A_254 = arith.constant 64 : i32
        %dma_wait3A_255 = tpu.memref_slice %arg23[%dma_wait3A_254] : memref<256xf32, #tpu.memory_space<vmem>> -> memref<32xf32, #tpu.memory_space<vmem>>
        tpu.wait_dma2 semaphore(%run_scoped3A : memref<!tpu.dma_semaphore, #tpu.memory_space<semaphore_mem>>) src(%dma_wait3A_255 : memref<32xf32, #tpu.memory_space<vmem>>) dst(%dma_wait3A_253 : memref<32xf32, #tpu.memory_space<hbm>>)
        tpu.yield
      }) : () -> ()
      %mul3A_209 = arith.constant 8 : i32
      %mul3A_210 = arith.muli %arg0, %mul3A_209 : i32
      %mul3A_211 = arith.constant 160000 : i32
      %mul3A_212 = arith.muli %mul3A_210, %mul3A_211 : i32
      %add3A_213 = arith.constant 480000 : i32
      %add3A_214 = arith.addi %mul3A_212, %add3A_213 : i32
      %add3A_215 = arith.addi %add3A_214, %mul3A_142 : i32
      "tpu.region"() ({
        %run_scoped3A = tpu.sem_alloc : memref<!tpu.dma_semaphore, #tpu.memory_space<semaphore_mem>>
        %dma_start3A_244 = arith.constant 96 : i32
        %dma_start3A_245 = tpu.memref_slice %arg23[%dma_start3A_244] : memref<256xf32, #tpu.memory_space<vmem>> -> memref<32xf32, #tpu.memory_space<vmem>>
        %dma_start3A_246 = tpu.memref_slice %arg9[%add3A_215] : memref<2560000xf32, #tpu.memory_space<hbm>> -> memref<32xf32, #tpu.memory_space<hbm>>
        %dma_start3A_247 = tpu.memref_slice %arg9[%add3A_215] : memref<2560000xf32, #tpu.memory_space<hbm>> -> memref<32xf32, #tpu.memory_space<hbm>>
        %dma_start3A_248 = arith.constant 96 : i32
        %dma_start3A_249 = tpu.memref_slice %arg23[%dma_start3A_248] : memref<256xf32, #tpu.memory_space<vmem>> -> memref<32xf32, #tpu.memory_space<vmem>>
        tpu.enqueue_dma source(%dma_start3A_249 : memref<32xf32, #tpu.memory_space<vmem>>) target(%dma_start3A_247 : memref<32xf32, #tpu.memory_space<hbm>>) target_semaphore(%run_scoped3A : memref<!tpu.dma_semaphore, #tpu.memory_space<semaphore_mem>>)
        %dma_wait3A_250 = arith.constant 96 : i32
        %dma_wait3A_251 = tpu.memref_slice %arg23[%dma_wait3A_250] : memref<256xf32, #tpu.memory_space<vmem>> -> memref<32xf32, #tpu.memory_space<vmem>>
        %dma_wait3A_252 = tpu.memref_slice %arg9[%add3A_215] : memref<2560000xf32, #tpu.memory_space<hbm>> -> memref<32xf32, #tpu.memory_space<hbm>>
        %dma_wait3A_253 = tpu.memref_slice %arg9[%add3A_215] : memref<2560000xf32, #tpu.memory_space<hbm>> -> memref<32xf32, #tpu.memory_space<hbm>>
        %dma_wait3A_254 = arith.constant 96 : i32
        %dma_wait3A_255 = tpu.memref_slice %arg23[%dma_wait3A_254] : memref<256xf32, #tpu.memory_space<vmem>> -> memref<32xf32, #tpu.memory_space<vmem>>
        tpu.wait_dma2 semaphore(%run_scoped3A : memref<!tpu.dma_semaphore, #tpu.memory_space<semaphore_mem>>) src(%dma_wait3A_255 : memref<32xf32, #tpu.memory_space<vmem>>) dst(%dma_wait3A_253 : memref<32xf32, #tpu.memory_space<hbm>>)
        tpu.yield
      }) : () -> ()
      %mul3A_216 = arith.constant 8 : i32
      %mul3A_217 = arith.muli %arg0, %mul3A_216 : i32
      %mul3A_218 = arith.constant 160000 : i32
      %mul3A_219 = arith.muli %mul3A_217, %mul3A_218 : i32
      %add3A_220 = arith.constant 640000 : i32
      %add3A_221 = arith.addi %mul3A_219, %add3A_220 : i32
      %add3A_222 = arith.addi %add3A_221, %mul3A_142 : i32
      "tpu.region"() ({
        %run_scoped3A = tpu.sem_alloc : memref<!tpu.dma_semaphore, #tpu.memory_space<semaphore_mem>>
        %dma_start3A_244 = arith.constant 128 : i32
        %dma_start3A_245 = tpu.memref_slice %arg23[%dma_start3A_244] : memref<256xf32, #tpu.memory_space<vmem>> -> memref<32xf32, #tpu.memory_space<vmem>>
        %dma_start3A_246 = tpu.memref_slice %arg9[%add3A_222] : memref<2560000xf32, #tpu.memory_space<hbm>> -> memref<32xf32, #tpu.memory_space<hbm>>
        %dma_start3A_247 = tpu.memref_slice %arg9[%add3A_222] : memref<2560000xf32, #tpu.memory_space<hbm>> -> memref<32xf32, #tpu.memory_space<hbm>>
        %dma_start3A_248 = arith.constant 128 : i32
        %dma_start3A_249 = tpu.memref_slice %arg23[%dma_start3A_248] : memref<256xf32, #tpu.memory_space<vmem>> -> memref<32xf32, #tpu.memory_space<vmem>>
        tpu.enqueue_dma source(%dma_start3A_249 : memref<32xf32, #tpu.memory_space<vmem>>) target(%dma_start3A_247 : memref<32xf32, #tpu.memory_space<hbm>>) target_semaphore(%run_scoped3A : memref<!tpu.dma_semaphore, #tpu.memory_space<semaphore_mem>>)
        %dma_wait3A_250 = arith.constant 128 : i32
        %dma_wait3A_251 = tpu.memref_slice %arg23[%dma_wait3A_250] : memref<256xf32, #tpu.memory_space<vmem>> -> memref<32xf32, #tpu.memory_space<vmem>>
        %dma_wait3A_252 = tpu.memref_slice %arg9[%add3A_222] : memref<2560000xf32, #tpu.memory_space<hbm>> -> memref<32xf32, #tpu.memory_space<hbm>>
        %dma_wait3A_253 = tpu.memref_slice %arg9[%add3A_222] : memref<2560000xf32, #tpu.memory_space<hbm>> -> memref<32xf32, #tpu.memory_space<hbm>>
        %dma_wait3A_254 = arith.constant 128 : i32
        %dma_wait3A_255 = tpu.memref_slice %arg23[%dma_wait3A_254] : memref<256xf32, #tpu.memory_space<vmem>> -> memref<32xf32, #tpu.memory_space<vmem>>
        tpu.wait_dma2 semaphore(%run_scoped3A : memref<!tpu.dma_semaphore, #tpu.memory_space<semaphore_mem>>) src(%dma_wait3A_255 : memref<32xf32, #tpu.memory_space<vmem>>) dst(%dma_wait3A_253 : memref<32xf32, #tpu.memory_space<hbm>>)
        tpu.yield
      }) : () -> ()
      %mul3A_223 = arith.constant 8 : i32
      %mul3A_224 = arith.muli %arg0, %mul3A_223 : i32
      %mul3A_225 = arith.constant 160000 : i32
      %mul3A_226 = arith.muli %mul3A_224, %mul3A_225 : i32
      %add3A_227 = arith.constant 800000 : i32
      %add3A_228 = arith.addi %mul3A_226, %add3A_227 : i32
      %add3A_229 = arith.addi %add3A_228, %mul3A_142 : i32
      "tpu.region"() ({
        %run_scoped3A = tpu.sem_alloc : memref<!tpu.dma_semaphore, #tpu.memory_space<semaphore_mem>>
        %dma_start3A_244 = arith.constant 160 : i32
        %dma_start3A_245 = tpu.memref_slice %arg23[%dma_start3A_244] : memref<256xf32, #tpu.memory_space<vmem>> -> memref<32xf32, #tpu.memory_space<vmem>>
        %dma_start3A_246 = tpu.memref_slice %arg9[%add3A_229] : memref<2560000xf32, #tpu.memory_space<hbm>> -> memref<32xf32, #tpu.memory_space<hbm>>
        %dma_start3A_247 = tpu.memref_slice %arg9[%add3A_229] : memref<2560000xf32, #tpu.memory_space<hbm>> -> memref<32xf32, #tpu.memory_space<hbm>>
        %dma_start3A_248 = arith.constant 160 : i32
        %dma_start3A_249 = tpu.memref_slice %arg23[%dma_start3A_248] : memref<256xf32, #tpu.memory_space<vmem>> -> memref<32xf32, #tpu.memory_space<vmem>>
        tpu.enqueue_dma source(%dma_start3A_249 : memref<32xf32, #tpu.memory_space<vmem>>) target(%dma_start3A_247 : memref<32xf32, #tpu.memory_space<hbm>>) target_semaphore(%run_scoped3A : memref<!tpu.dma_semaphore, #tpu.memory_space<semaphore_mem>>)
        %dma_wait3A_250 = arith.constant 160 : i32
        %dma_wait3A_251 = tpu.memref_slice %arg23[%dma_wait3A_250] : memref<256xf32, #tpu.memory_space<vmem>> -> memref<32xf32, #tpu.memory_space<vmem>>
        %dma_wait3A_252 = tpu.memref_slice %arg9[%add3A_229] : memref<2560000xf32, #tpu.memory_space<hbm>> -> memref<32xf32, #tpu.memory_space<hbm>>
        %dma_wait3A_253 = tpu.memref_slice %arg9[%add3A_229] : memref<2560000xf32, #tpu.memory_space<hbm>> -> memref<32xf32, #tpu.memory_space<hbm>>
        %dma_wait3A_254 = arith.constant 160 : i32
        %dma_wait3A_255 = tpu.memref_slice %arg23[%dma_wait3A_254] : memref<256xf32, #tpu.memory_space<vmem>> -> memref<32xf32, #tpu.memory_space<vmem>>
        tpu.wait_dma2 semaphore(%run_scoped3A : memref<!tpu.dma_semaphore, #tpu.memory_space<semaphore_mem>>) src(%dma_wait3A_255 : memref<32xf32, #tpu.memory_space<vmem>>) dst(%dma_wait3A_253 : memref<32xf32, #tpu.memory_space<hbm>>)
        tpu.yield
      }) : () -> ()
      %mul3A_230 = arith.constant 8 : i32
      %mul3A_231 = arith.muli %arg0, %mul3A_230 : i32
      %mul3A_232 = arith.constant 160000 : i32
      %mul3A_233 = arith.muli %mul3A_231, %mul3A_232 : i32
      %add3A_234 = arith.constant 960000 : i32
      %add3A_235 = arith.addi %mul3A_233, %add3A_234 : i32
      %add3A_236 = arith.addi %add3A_235, %mul3A_142 : i32
      "tpu.region"() ({
        %run_scoped3A = tpu.sem_alloc : memref<!tpu.dma_semaphore, #tpu.memory_space<semaphore_mem>>
        %dma_start3A_244 = arith.constant 192 : i32
        %dma_start3A_245 = tpu.memref_slice %arg23[%dma_start3A_244] : memref<256xf32, #tpu.memory_space<vmem>> -> memref<32xf32, #tpu.memory_space<vmem>>
        %dma_start3A_246 = tpu.memref_slice %arg9[%add3A_236] : memref<2560000xf32, #tpu.memory_space<hbm>> -> memref<32xf32, #tpu.memory_space<hbm>>
        %dma_start3A_247 = tpu.memref_slice %arg9[%add3A_236] : memref<2560000xf32, #tpu.memory_space<hbm>> -> memref<32xf32, #tpu.memory_space<hbm>>
        %dma_start3A_248 = arith.constant 192 : i32
        %dma_start3A_249 = tpu.memref_slice %arg23[%dma_start3A_248] : memref<256xf32, #tpu.memory_space<vmem>> -> memref<32xf32, #tpu.memory_space<vmem>>
        tpu.enqueue_dma source(%dma_start3A_249 : memref<32xf32, #tpu.memory_space<vmem>>) target(%dma_start3A_247 : memref<32xf32, #tpu.memory_space<hbm>>) target_semaphore(%run_scoped3A : memref<!tpu.dma_semaphore, #tpu.memory_space<semaphore_mem>>)
        %dma_wait3A_250 = arith.constant 192 : i32
        %dma_wait3A_251 = tpu.memref_slice %arg23[%dma_wait3A_250] : memref<256xf32, #tpu.memory_space<vmem>> -> memref<32xf32, #tpu.memory_space<vmem>>
        %dma_wait3A_252 = tpu.memref_slice %arg9[%add3A_236] : memref<2560000xf32, #tpu.memory_space<hbm>> -> memref<32xf32, #tpu.memory_space<hbm>>
        %dma_wait3A_253 = tpu.memref_slice %arg9[%add3A_236] : memref<2560000xf32, #tpu.memory_space<hbm>> -> memref<32xf32, #tpu.memory_space<hbm>>
        %dma_wait3A_254 = arith.constant 192 : i32
        %dma_wait3A_255 = tpu.memref_slice %arg23[%dma_wait3A_254] : memref<256xf32, #tpu.memory_space<vmem>> -> memref<32xf32, #tpu.memory_space<vmem>>
        tpu.wait_dma2 semaphore(%run_scoped3A : memref<!tpu.dma_semaphore, #tpu.memory_space<semaphore_mem>>) src(%dma_wait3A_255 : memref<32xf32, #tpu.memory_space<vmem>>) dst(%dma_wait3A_253 : memref<32xf32, #tpu.memory_space<hbm>>)
        tpu.yield
      }) : () -> ()
      %mul3A_237 = arith.constant 8 : i32
      %mul3A_238 = arith.muli %arg0, %mul3A_237 : i32
      %mul3A_239 = arith.constant 160000 : i32
      %mul3A_240 = arith.muli %mul3A_238, %mul3A_239 : i32
      %add3A_241 = arith.constant 1120000 : i32
      %add3A_242 = arith.addi %mul3A_240, %add3A_241 : i32
      %add3A_243 = arith.addi %add3A_242, %mul3A_142 : i32
      "tpu.region"() ({
        %run_scoped3A = tpu.sem_alloc : memref<!tpu.dma_semaphore, #tpu.memory_space<semaphore_mem>>
        %dma_start3A_244 = arith.constant 224 : i32
        %dma_start3A_245 = tpu.memref_slice %arg23[%dma_start3A_244] : memref<256xf32, #tpu.memory_space<vmem>> -> memref<32xf32, #tpu.memory_space<vmem>>
        %dma_start3A_246 = tpu.memref_slice %arg9[%add3A_243] : memref<2560000xf32, #tpu.memory_space<hbm>> -> memref<32xf32, #tpu.memory_space<hbm>>
        %dma_start3A_247 = tpu.memref_slice %arg9[%add3A_243] : memref<2560000xf32, #tpu.memory_space<hbm>> -> memref<32xf32, #tpu.memory_space<hbm>>
        %dma_start3A_248 = arith.constant 224 : i32
        %dma_start3A_249 = tpu.memref_slice %arg23[%dma_start3A_248] : memref<256xf32, #tpu.memory_space<vmem>> -> memref<32xf32, #tpu.memory_space<vmem>>
        tpu.enqueue_dma source(%dma_start3A_249 : memref<32xf32, #tpu.memory_space<vmem>>) target(%dma_start3A_247 : memref<32xf32, #tpu.memory_space<hbm>>) target_semaphore(%run_scoped3A : memref<!tpu.dma_semaphore, #tpu.memory_space<semaphore_mem>>)
        %dma_wait3A_250 = arith.constant 224 : i32
        %dma_wait3A_251 = tpu.memref_slice %arg23[%dma_wait3A_250] : memref<256xf32, #tpu.memory_space<vmem>> -> memref<32xf32, #tpu.memory_space<vmem>>
        %dma_wait3A_252 = tpu.memref_slice %arg9[%add3A_243] : memref<2560000xf32, #tpu.memory_space<hbm>> -> memref<32xf32, #tpu.memory_space<hbm>>
        %dma_wait3A_253 = tpu.memref_slice %arg9[%add3A_243] : memref<2560000xf32, #tpu.memory_space<hbm>> -> memref<32xf32, #tpu.memory_space<hbm>>
        %dma_wait3A_254 = arith.constant 224 : i32
        %dma_wait3A_255 = tpu.memref_slice %arg23[%dma_wait3A_254] : memref<256xf32, #tpu.memory_space<vmem>> -> memref<32xf32, #tpu.memory_space<vmem>>
        tpu.wait_dma2 semaphore(%run_scoped3A : memref<!tpu.dma_semaphore, #tpu.memory_space<semaphore_mem>>) src(%dma_wait3A_255 : memref<32xf32, #tpu.memory_space<vmem>>) dst(%dma_wait3A_253 : memref<32xf32, #tpu.memory_space<hbm>>)
        tpu.yield
      }) : () -> ()
    }
    %barrier3A_64 = arith.constant 0 : index
    tpu.barrier barrier_id(%barrier3A_64)
    %add3A_65 = arith.constant 0 : i32
    %add3A_66 = arith.addi %mul3A_0, %add3A_65 : i32
    "tpu.region"() ({
      %run_scoped3A = tpu.sem_alloc : memref<!tpu.dma_semaphore, #tpu.memory_space<semaphore_mem>>
      %dma_start3A = arith.constant 0 : i32
      %dma_start3A_137 = tpu.memref_slice %arg10[%add3A_66, %dma_start3A] : memref<10240x128xf32, #tpu.memory_space<vmem_shared>> -> memref<32x128xf32, #tpu.memory_space<vmem_shared>>
      %dma_start3A_138 = arith.constant 0 : i32
      %dma_start3A_139 = tpu.memref_slice %arg10[%add3A_66, %dma_start3A_138] : memref<10240x128xf32, #tpu.memory_space<vmem_shared>> -> memref<32x128xf32, #tpu.memory_space<vmem_shared>>
      tpu.enqueue_dma source(%dma_start3A_139 : memref<32x128xf32, #tpu.memory_space<vmem_shared>>) target(%arg21 : memref<32x128xf32, #tpu.memory_space<vmem>>) target_semaphore(%run_scoped3A : memref<!tpu.dma_semaphore, #tpu.memory_space<semaphore_mem>>)
      %dma_wait3A = arith.constant 0 : i32
      %dma_wait3A_140 = tpu.memref_slice %arg10[%add3A_66, %dma_wait3A] : memref<10240x128xf32, #tpu.memory_space<vmem_shared>> -> memref<32x128xf32, #tpu.memory_space<vmem_shared>>
      %dma_wait3A_141 = arith.constant 0 : i32
      %dma_wait3A_142 = tpu.memref_slice %arg10[%add3A_66, %dma_wait3A_141] : memref<10240x128xf32, #tpu.memory_space<vmem_shared>> -> memref<32x128xf32, #tpu.memory_space<vmem_shared>>
      tpu.wait_dma2 semaphore(%run_scoped3A : memref<!tpu.dma_semaphore, #tpu.memory_space<semaphore_mem>>) src(%dma_wait3A_142 : memref<32x128xf32, #tpu.memory_space<vmem_shared>>) dst(%arg21 : memref<32x128xf32, #tpu.memory_space<vmem>>)
      tpu.yield
    }) : () -> ()
    %add3A_67 = arith.addi %mul3A_2, %add3A_66 : i32
    "tpu.region"() ({
      %run_scoped3A = tpu.sem_alloc : memref<!tpu.dma_semaphore, #tpu.memory_space<semaphore_mem>>
      %dma_start3A = arith.constant 0 : i32
      %dma_start3A_137 = tpu.memref_slice %arg7[%add3A_67, %dma_start3A] : memref<20480x128xf32, #tpu.memory_space<hbm>> -> memref<32x128xf32, #tpu.memory_space<hbm>>
      %dma_start3A_138 = arith.constant 0 : i32
      %dma_start3A_139 = tpu.memref_slice %arg7[%add3A_67, %dma_start3A_138] : memref<20480x128xf32, #tpu.memory_space<hbm>> -> memref<32x128xf32, #tpu.memory_space<hbm>>
      tpu.enqueue_dma source(%arg21 : memref<32x128xf32, #tpu.memory_space<vmem>>) target(%dma_start3A_139 : memref<32x128xf32, #tpu.memory_space<hbm>>) target_semaphore(%run_scoped3A : memref<!tpu.dma_semaphore, #tpu.memory_space<semaphore_mem>>)
      %dma_wait3A = arith.constant 0 : i32
      %dma_wait3A_140 = tpu.memref_slice %arg7[%add3A_67, %dma_wait3A] : memref<20480x128xf32, #tpu.memory_space<hbm>> -> memref<32x128xf32, #tpu.memory_space<hbm>>
      %dma_wait3A_141 = arith.constant 0 : i32
      %dma_wait3A_142 = tpu.memref_slice %arg7[%add3A_67, %dma_wait3A_141] : memref<20480x128xf32, #tpu.memory_space<hbm>> -> memref<32x128xf32, #tpu.memory_space<hbm>>
      tpu.wait_dma2 semaphore(%run_scoped3A : memref<!tpu.dma_semaphore, #tpu.memory_space<semaphore_mem>>) src(%arg21 : memref<32x128xf32, #tpu.memory_space<vmem>>) dst(%dma_wait3A_142 : memref<32x128xf32, #tpu.memory_space<hbm>>)
      tpu.yield
    }) : () -> ()
    %add3A_68 = arith.constant 32 : i32
    %add3A_69 = arith.addi %mul3A_0, %add3A_68 : i32
    "tpu.region"() ({
      %run_scoped3A = tpu.sem_alloc : memref<!tpu.dma_semaphore, #tpu.memory_space<semaphore_mem>>
      %dma_start3A = arith.constant 0 : i32
      %dma_start3A_137 = tpu.memref_slice %arg10[%add3A_69, %dma_start3A] : memref<10240x128xf32, #tpu.memory_space<vmem_shared>> -> memref<32x128xf32, #tpu.memory_space<vmem_shared>>
      %dma_start3A_138 = arith.constant 0 : i32
      %dma_start3A_139 = tpu.memref_slice %arg10[%add3A_69, %dma_start3A_138] : memref<10240x128xf32, #tpu.memory_space<vmem_shared>> -> memref<32x128xf32, #tpu.memory_space<vmem_shared>>
      tpu.enqueue_dma source(%dma_start3A_139 : memref<32x128xf32, #tpu.memory_space<vmem_shared>>) target(%arg21 : memref<32x128xf32, #tpu.memory_space<vmem>>) target_semaphore(%run_scoped3A : memref<!tpu.dma_semaphore, #tpu.memory_space<semaphore_mem>>)
      %dma_wait3A = arith.constant 0 : i32
      %dma_wait3A_140 = tpu.memref_slice %arg10[%add3A_69, %dma_wait3A] : memref<10240x128xf32, #tpu.memory_space<vmem_shared>> -> memref<32x128xf32, #tpu.memory_space<vmem_shared>>
      %dma_wait3A_141 = arith.constant 0 : i32
      %dma_wait3A_142 = tpu.memref_slice %arg10[%add3A_69, %dma_wait3A_141] : memref<10240x128xf32, #tpu.memory_space<vmem_shared>> -> memref<32x128xf32, #tpu.memory_space<vmem_shared>>
      tpu.wait_dma2 semaphore(%run_scoped3A : memref<!tpu.dma_semaphore, #tpu.memory_space<semaphore_mem>>) src(%dma_wait3A_142 : memref<32x128xf32, #tpu.memory_space<vmem_shared>>) dst(%arg21 : memref<32x128xf32, #tpu.memory_space<vmem>>)
      tpu.yield
    }) : () -> ()
    %add3A_70 = arith.addi %mul3A_2, %add3A_69 : i32
    "tpu.region"() ({
      %run_scoped3A = tpu.sem_alloc : memref<!tpu.dma_semaphore, #tpu.memory_space<semaphore_mem>>
      %dma_start3A = arith.constant 0 : i32
      %dma_start3A_137 = tpu.memref_slice %arg7[%add3A_70, %dma_start3A] : memref<20480x128xf32, #tpu.memory_space<hbm>> -> memref<32x128xf32, #tpu.memory_space<hbm>>
      %dma_start3A_138 = arith.constant 0 : i32
      %dma_start3A_139 = tpu.memref_slice %arg7[%add3A_70, %dma_start3A_138] : memref<20480x128xf32, #tpu.memory_space<hbm>> -> memref<32x128xf32, #tpu.memory_space<hbm>>
      tpu.enqueue_dma source(%arg21 : memref<32x128xf32, #tpu.memory_space<vmem>>) target(%dma_start3A_139 : memref<32x128xf32, #tpu.memory_space<hbm>>) target_semaphore(%run_scoped3A : memref<!tpu.dma_semaphore, #tpu.memory_space<semaphore_mem>>)
      %dma_wait3A = arith.constant 0 : i32
      %dma_wait3A_140 = tpu.memref_slice %arg7[%add3A_70, %dma_wait3A] : memref<20480x128xf32, #tpu.memory_space<hbm>> -> memref<32x128xf32, #tpu.memory_space<hbm>>
      %dma_wait3A_141 = arith.constant 0 : i32
      %dma_wait3A_142 = tpu.memref_slice %arg7[%add3A_70, %dma_wait3A_141] : memref<20480x128xf32, #tpu.memory_space<hbm>> -> memref<32x128xf32, #tpu.memory_space<hbm>>
      tpu.wait_dma2 semaphore(%run_scoped3A : memref<!tpu.dma_semaphore, #tpu.memory_space<semaphore_mem>>) src(%arg21 : memref<32x128xf32, #tpu.memory_space<vmem>>) dst(%dma_wait3A_142 : memref<32x128xf32, #tpu.memory_space<hbm>>)
      tpu.yield
    }) : () -> ()
    %add3A_71 = arith.constant 64 : i32
    %add3A_72 = arith.addi %mul3A_0, %add3A_71 : i32
    "tpu.region"() ({
      %run_scoped3A = tpu.sem_alloc : memref<!tpu.dma_semaphore, #tpu.memory_space<semaphore_mem>>
      %dma_start3A = arith.constant 0 : i32
      %dma_start3A_137 = tpu.memref_slice %arg10[%add3A_72, %dma_start3A] : memref<10240x128xf32, #tpu.memory_space<vmem_shared>> -> memref<32x128xf32, #tpu.memory_space<vmem_shared>>
      %dma_start3A_138 = arith.constant 0 : i32
      %dma_start3A_139 = tpu.memref_slice %arg10[%add3A_72, %dma_start3A_138] : memref<10240x128xf32, #tpu.memory_space<vmem_shared>> -> memref<32x128xf32, #tpu.memory_space<vmem_shared>>
      tpu.enqueue_dma source(%dma_start3A_139 : memref<32x128xf32, #tpu.memory_space<vmem_shared>>) target(%arg21 : memref<32x128xf32, #tpu.memory_space<vmem>>) target_semaphore(%run_scoped3A : memref<!tpu.dma_semaphore, #tpu.memory_space<semaphore_mem>>)
      %dma_wait3A = arith.constant 0 : i32
      %dma_wait3A_140 = tpu.memref_slice %arg10[%add3A_72, %dma_wait3A] : memref<10240x128xf32, #tpu.memory_space<vmem_shared>> -> memref<32x128xf32, #tpu.memory_space<vmem_shared>>
      %dma_wait3A_141 = arith.constant 0 : i32
      %dma_wait3A_142 = tpu.memref_slice %arg10[%add3A_72, %dma_wait3A_141] : memref<10240x128xf32, #tpu.memory_space<vmem_shared>> -> memref<32x128xf32, #tpu.memory_space<vmem_shared>>
      tpu.wait_dma2 semaphore(%run_scoped3A : memref<!tpu.dma_semaphore, #tpu.memory_space<semaphore_mem>>) src(%dma_wait3A_142 : memref<32x128xf32, #tpu.memory_space<vmem_shared>>) dst(%arg21 : memref<32x128xf32, #tpu.memory_space<vmem>>)
      tpu.yield
    }) : () -> ()
    %add3A_73 = arith.addi %mul3A_2, %add3A_72 : i32
    "tpu.region"() ({
      %run_scoped3A = tpu.sem_alloc : memref<!tpu.dma_semaphore, #tpu.memory_space<semaphore_mem>>
      %dma_start3A = arith.constant 0 : i32
      %dma_start3A_137 = tpu.memref_slice %arg7[%add3A_73, %dma_start3A] : memref<20480x128xf32, #tpu.memory_space<hbm>> -> memref<32x128xf32, #tpu.memory_space<hbm>>
      %dma_start3A_138 = arith.constant 0 : i32
      %dma_start3A_139 = tpu.memref_slice %arg7[%add3A_73, %dma_start3A_138] : memref<20480x128xf32, #tpu.memory_space<hbm>> -> memref<32x128xf32, #tpu.memory_space<hbm>>
      tpu.enqueue_dma source(%arg21 : memref<32x128xf32, #tpu.memory_space<vmem>>) target(%dma_start3A_139 : memref<32x128xf32, #tpu.memory_space<hbm>>) target_semaphore(%run_scoped3A : memref<!tpu.dma_semaphore, #tpu.memory_space<semaphore_mem>>)
      %dma_wait3A = arith.constant 0 : i32
      %dma_wait3A_140 = tpu.memref_slice %arg7[%add3A_73, %dma_wait3A] : memref<20480x128xf32, #tpu.memory_space<hbm>> -> memref<32x128xf32, #tpu.memory_space<hbm>>
      %dma_wait3A_141 = arith.constant 0 : i32
      %dma_wait3A_142 = tpu.memref_slice %arg7[%add3A_73, %dma_wait3A_141] : memref<20480x128xf32, #tpu.memory_space<hbm>> -> memref<32x128xf32, #tpu.memory_space<hbm>>
      tpu.wait_dma2 semaphore(%run_scoped3A : memref<!tpu.dma_semaphore, #tpu.memory_space<semaphore_mem>>) src(%arg21 : memref<32x128xf32, #tpu.memory_space<vmem>>) dst(%dma_wait3A_142 : memref<32x128xf32, #tpu.memory_space<hbm>>)
      tpu.yield
    }) : () -> ()
    %add3A_74 = arith.constant 96 : i32
    %add3A_75 = arith.addi %mul3A_0, %add3A_74 : i32
    "tpu.region"() ({
      %run_scoped3A = tpu.sem_alloc : memref<!tpu.dma_semaphore, #tpu.memory_space<semaphore_mem>>
      %dma_start3A = arith.constant 0 : i32
      %dma_start3A_137 = tpu.memref_slice %arg10[%add3A_75, %dma_start3A] : memref<10240x128xf32, #tpu.memory_space<vmem_shared>> -> memref<32x128xf32, #tpu.memory_space<vmem_shared>>
      %dma_start3A_138 = arith.constant 0 : i32
      %dma_start3A_139 = tpu.memref_slice %arg10[%add3A_75, %dma_start3A_138] : memref<10240x128xf32, #tpu.memory_space<vmem_shared>> -> memref<32x128xf32, #tpu.memory_space<vmem_shared>>
      tpu.enqueue_dma source(%dma_start3A_139 : memref<32x128xf32, #tpu.memory_space<vmem_shared>>) target(%arg21 : memref<32x128xf32, #tpu.memory_space<vmem>>) target_semaphore(%run_scoped3A : memref<!tpu.dma_semaphore, #tpu.memory_space<semaphore_mem>>)
      %dma_wait3A = arith.constant 0 : i32
      %dma_wait3A_140 = tpu.memref_slice %arg10[%add3A_75, %dma_wait3A] : memref<10240x128xf32, #tpu.memory_space<vmem_shared>> -> memref<32x128xf32, #tpu.memory_space<vmem_shared>>
      %dma_wait3A_141 = arith.constant 0 : i32
      %dma_wait3A_142 = tpu.memref_slice %arg10[%add3A_75, %dma_wait3A_141] : memref<10240x128xf32, #tpu.memory_space<vmem_shared>> -> memref<32x128xf32, #tpu.memory_space<vmem_shared>>
      tpu.wait_dma2 semaphore(%run_scoped3A : memref<!tpu.dma_semaphore, #tpu.memory_space<semaphore_mem>>) src(%dma_wait3A_142 : memref<32x128xf32, #tpu.memory_space<vmem_shared>>) dst(%arg21 : memref<32x128xf32, #tpu.memory_space<vmem>>)
      tpu.yield
    }) : () -> ()
    %add3A_76 = arith.addi %mul3A_2, %add3A_75 : i32
    "tpu.region"() ({
      %run_scoped3A = tpu.sem_alloc : memref<!tpu.dma_semaphore, #tpu.memory_space<semaphore_mem>>
      %dma_start3A = arith.constant 0 : i32
      %dma_start3A_137 = tpu.memref_slice %arg7[%add3A_76, %dma_start3A] : memref<20480x128xf32, #tpu.memory_space<hbm>> -> memref<32x128xf32, #tpu.memory_space<hbm>>
      %dma_start3A_138 = arith.constant 0 : i32
      %dma_start3A_139 = tpu.memref_slice %arg7[%add3A_76, %dma_start3A_138] : memref<20480x128xf32, #tpu.memory_space<hbm>> -> memref<32x128xf32, #tpu.memory_space<hbm>>
      tpu.enqueue_dma source(%arg21 : memref<32x128xf32, #tpu.memory_space<vmem>>) target(%dma_start3A_139 : memref<32x128xf32, #tpu.memory_space<hbm>>) target_semaphore(%run_scoped3A : memref<!tpu.dma_semaphore, #tpu.memory_space<semaphore_mem>>)
      %dma_wait3A = arith.constant 0 : i32
      %dma_wait3A_140 = tpu.memref_slice %arg7[%add3A_76, %dma_wait3A] : memref<20480x128xf32, #tpu.memory_space<hbm>> -> memref<32x128xf32, #tpu.memory_space<hbm>>
      %dma_wait3A_141 = arith.constant 0 : i32
      %dma_wait3A_142 = tpu.memref_slice %arg7[%add3A_76, %dma_wait3A_141] : memref<20480x128xf32, #tpu.memory_space<hbm>> -> memref<32x128xf32, #tpu.memory_space<hbm>>
      tpu.wait_dma2 semaphore(%run_scoped3A : memref<!tpu.dma_semaphore, #tpu.memory_space<semaphore_mem>>) src(%arg21 : memref<32x128xf32, #tpu.memory_space<vmem>>) dst(%dma_wait3A_142 : memref<32x128xf32, #tpu.memory_space<hbm>>)
      tpu.yield
    }) : () -> ()
    %add3A_77 = arith.constant 128 : i32
    %add3A_78 = arith.addi %mul3A_0, %add3A_77 : i32
    "tpu.region"() ({
      %run_scoped3A = tpu.sem_alloc : memref<!tpu.dma_semaphore, #tpu.memory_space<semaphore_mem>>
      %dma_start3A = arith.constant 0 : i32
      %dma_start3A_137 = tpu.memref_slice %arg10[%add3A_78, %dma_start3A] : memref<10240x128xf32, #tpu.memory_space<vmem_shared>> -> memref<32x128xf32, #tpu.memory_space<vmem_shared>>
      %dma_start3A_138 = arith.constant 0 : i32
      %dma_start3A_139 = tpu.memref_slice %arg10[%add3A_78, %dma_start3A_138] : memref<10240x128xf32, #tpu.memory_space<vmem_shared>> -> memref<32x128xf32, #tpu.memory_space<vmem_shared>>
      tpu.enqueue_dma source(%dma_start3A_139 : memref<32x128xf32, #tpu.memory_space<vmem_shared>>) target(%arg21 : memref<32x128xf32, #tpu.memory_space<vmem>>) target_semaphore(%run_scoped3A : memref<!tpu.dma_semaphore, #tpu.memory_space<semaphore_mem>>)
      %dma_wait3A = arith.constant 0 : i32
      %dma_wait3A_140 = tpu.memref_slice %arg10[%add3A_78, %dma_wait3A] : memref<10240x128xf32, #tpu.memory_space<vmem_shared>> -> memref<32x128xf32, #tpu.memory_space<vmem_shared>>
      %dma_wait3A_141 = arith.constant 0 : i32
      %dma_wait3A_142 = tpu.memref_slice %arg10[%add3A_78, %dma_wait3A_141] : memref<10240x128xf32, #tpu.memory_space<vmem_shared>> -> memref<32x128xf32, #tpu.memory_space<vmem_shared>>
      tpu.wait_dma2 semaphore(%run_scoped3A : memref<!tpu.dma_semaphore, #tpu.memory_space<semaphore_mem>>) src(%dma_wait3A_142 : memref<32x128xf32, #tpu.memory_space<vmem_shared>>) dst(%arg21 : memref<32x128xf32, #tpu.memory_space<vmem>>)
      tpu.yield
    }) : () -> ()
    %add3A_79 = arith.addi %mul3A_2, %add3A_78 : i32
    "tpu.region"() ({
      %run_scoped3A = tpu.sem_alloc : memref<!tpu.dma_semaphore, #tpu.memory_space<semaphore_mem>>
      %dma_start3A = arith.constant 0 : i32
      %dma_start3A_137 = tpu.memref_slice %arg7[%add3A_79, %dma_start3A] : memref<20480x128xf32, #tpu.memory_space<hbm>> -> memref<32x128xf32, #tpu.memory_space<hbm>>
      %dma_start3A_138 = arith.constant 0 : i32
      %dma_start3A_139 = tpu.memref_slice %arg7[%add3A_79, %dma_start3A_138] : memref<20480x128xf32, #tpu.memory_space<hbm>> -> memref<32x128xf32, #tpu.memory_space<hbm>>
      tpu.enqueue_dma source(%arg21 : memref<32x128xf32, #tpu.memory_space<vmem>>) target(%dma_start3A_139 : memref<32x128xf32, #tpu.memory_space<hbm>>) target_semaphore(%run_scoped3A : memref<!tpu.dma_semaphore, #tpu.memory_space<semaphore_mem>>)
      %dma_wait3A = arith.constant 0 : i32
      %dma_wait3A_140 = tpu.memref_slice %arg7[%add3A_79, %dma_wait3A] : memref<20480x128xf32, #tpu.memory_space<hbm>> -> memref<32x128xf32, #tpu.memory_space<hbm>>
      %dma_wait3A_141 = arith.constant 0 : i32
      %dma_wait3A_142 = tpu.memref_slice %arg7[%add3A_79, %dma_wait3A_141] : memref<20480x128xf32, #tpu.memory_space<hbm>> -> memref<32x128xf32, #tpu.memory_space<hbm>>
      tpu.wait_dma2 semaphore(%run_scoped3A : memref<!tpu.dma_semaphore, #tpu.memory_space<semaphore_mem>>) src(%arg21 : memref<32x128xf32, #tpu.memory_space<vmem>>) dst(%dma_wait3A_142 : memref<32x128xf32, #tpu.memory_space<hbm>>)
      tpu.yield
    }) : () -> ()
    %add3A_80 = arith.constant 160 : i32
    %add3A_81 = arith.addi %mul3A_0, %add3A_80 : i32
    "tpu.region"() ({
      %run_scoped3A = tpu.sem_alloc : memref<!tpu.dma_semaphore, #tpu.memory_space<semaphore_mem>>
      %dma_start3A = arith.constant 0 : i32
      %dma_start3A_137 = tpu.memref_slice %arg10[%add3A_81, %dma_start3A] : memref<10240x128xf32, #tpu.memory_space<vmem_shared>> -> memref<32x128xf32, #tpu.memory_space<vmem_shared>>
      %dma_start3A_138 = arith.constant 0 : i32
      %dma_start3A_139 = tpu.memref_slice %arg10[%add3A_81, %dma_start3A_138] : memref<10240x128xf32, #tpu.memory_space<vmem_shared>> -> memref<32x128xf32, #tpu.memory_space<vmem_shared>>
      tpu.enqueue_dma source(%dma_start3A_139 : memref<32x128xf32, #tpu.memory_space<vmem_shared>>) target(%arg21 : memref<32x128xf32, #tpu.memory_space<vmem>>) target_semaphore(%run_scoped3A : memref<!tpu.dma_semaphore, #tpu.memory_space<semaphore_mem>>)
      %dma_wait3A = arith.constant 0 : i32
      %dma_wait3A_140 = tpu.memref_slice %arg10[%add3A_81, %dma_wait3A] : memref<10240x128xf32, #tpu.memory_space<vmem_shared>> -> memref<32x128xf32, #tpu.memory_space<vmem_shared>>
      %dma_wait3A_141 = arith.constant 0 : i32
      %dma_wait3A_142 = tpu.memref_slice %arg10[%add3A_81, %dma_wait3A_141] : memref<10240x128xf32, #tpu.memory_space<vmem_shared>> -> memref<32x128xf32, #tpu.memory_space<vmem_shared>>
      tpu.wait_dma2 semaphore(%run_scoped3A : memref<!tpu.dma_semaphore, #tpu.memory_space<semaphore_mem>>) src(%dma_wait3A_142 : memref<32x128xf32, #tpu.memory_space<vmem_shared>>) dst(%arg21 : memref<32x128xf32, #tpu.memory_space<vmem>>)
      tpu.yield
    }) : () -> ()
    %add3A_82 = arith.addi %mul3A_2, %add3A_81 : i32
    "tpu.region"() ({
      %run_scoped3A = tpu.sem_alloc : memref<!tpu.dma_semaphore, #tpu.memory_space<semaphore_mem>>
      %dma_start3A = arith.constant 0 : i32
      %dma_start3A_137 = tpu.memref_slice %arg7[%add3A_82, %dma_start3A] : memref<20480x128xf32, #tpu.memory_space<hbm>> -> memref<32x128xf32, #tpu.memory_space<hbm>>
      %dma_start3A_138 = arith.constant 0 : i32
      %dma_start3A_139 = tpu.memref_slice %arg7[%add3A_82, %dma_start3A_138] : memref<20480x128xf32, #tpu.memory_space<hbm>> -> memref<32x128xf32, #tpu.memory_space<hbm>>
      tpu.enqueue_dma source(%arg21 : memref<32x128xf32, #tpu.memory_space<vmem>>) target(%dma_start3A_139 : memref<32x128xf32, #tpu.memory_space<hbm>>) target_semaphore(%run_scoped3A : memref<!tpu.dma_semaphore, #tpu.memory_space<semaphore_mem>>)
      %dma_wait3A = arith.constant 0 : i32
      %dma_wait3A_140 = tpu.memref_slice %arg7[%add3A_82, %dma_wait3A] : memref<20480x128xf32, #tpu.memory_space<hbm>> -> memref<32x128xf32, #tpu.memory_space<hbm>>
      %dma_wait3A_141 = arith.constant 0 : i32
      %dma_wait3A_142 = tpu.memref_slice %arg7[%add3A_82, %dma_wait3A_141] : memref<20480x128xf32, #tpu.memory_space<hbm>> -> memref<32x128xf32, #tpu.memory_space<hbm>>
      tpu.wait_dma2 semaphore(%run_scoped3A : memref<!tpu.dma_semaphore, #tpu.memory_space<semaphore_mem>>) src(%arg21 : memref<32x128xf32, #tpu.memory_space<vmem>>) dst(%dma_wait3A_142 : memref<32x128xf32, #tpu.memory_space<hbm>>)
      tpu.yield
    }) : () -> ()
    %add3A_83 = arith.constant 192 : i32
    %add3A_84 = arith.addi %mul3A_0, %add3A_83 : i32
    "tpu.region"() ({
      %run_scoped3A = tpu.sem_alloc : memref<!tpu.dma_semaphore, #tpu.memory_space<semaphore_mem>>
      %dma_start3A = arith.constant 0 : i32
      %dma_start3A_137 = tpu.memref_slice %arg10[%add3A_84, %dma_start3A] : memref<10240x128xf32, #tpu.memory_space<vmem_shared>> -> memref<32x128xf32, #tpu.memory_space<vmem_shared>>
      %dma_start3A_138 = arith.constant 0 : i32
      %dma_start3A_139 = tpu.memref_slice %arg10[%add3A_84, %dma_start3A_138] : memref<10240x128xf32, #tpu.memory_space<vmem_shared>> -> memref<32x128xf32, #tpu.memory_space<vmem_shared>>
      tpu.enqueue_dma source(%dma_start3A_139 : memref<32x128xf32, #tpu.memory_space<vmem_shared>>) target(%arg21 : memref<32x128xf32, #tpu.memory_space<vmem>>) target_semaphore(%run_scoped3A : memref<!tpu.dma_semaphore, #tpu.memory_space<semaphore_mem>>)
      %dma_wait3A = arith.constant 0 : i32
      %dma_wait3A_140 = tpu.memref_slice %arg10[%add3A_84, %dma_wait3A] : memref<10240x128xf32, #tpu.memory_space<vmem_shared>> -> memref<32x128xf32, #tpu.memory_space<vmem_shared>>
      %dma_wait3A_141 = arith.constant 0 : i32
      %dma_wait3A_142 = tpu.memref_slice %arg10[%add3A_84, %dma_wait3A_141] : memref<10240x128xf32, #tpu.memory_space<vmem_shared>> -> memref<32x128xf32, #tpu.memory_space<vmem_shared>>
      tpu.wait_dma2 semaphore(%run_scoped3A : memref<!tpu.dma_semaphore, #tpu.memory_space<semaphore_mem>>) src(%dma_wait3A_142 : memref<32x128xf32, #tpu.memory_space<vmem_shared>>) dst(%arg21 : memref<32x128xf32, #tpu.memory_space<vmem>>)
      tpu.yield
    }) : () -> ()
    %add3A_85 = arith.addi %mul3A_2, %add3A_84 : i32
    "tpu.region"() ({
      %run_scoped3A = tpu.sem_alloc : memref<!tpu.dma_semaphore, #tpu.memory_space<semaphore_mem>>
      %dma_start3A = arith.constant 0 : i32
      %dma_start3A_137 = tpu.memref_slice %arg7[%add3A_85, %dma_start3A] : memref<20480x128xf32, #tpu.memory_space<hbm>> -> memref<32x128xf32, #tpu.memory_space<hbm>>
      %dma_start3A_138 = arith.constant 0 : i32
      %dma_start3A_139 = tpu.memref_slice %arg7[%add3A_85, %dma_start3A_138] : memref<20480x128xf32, #tpu.memory_space<hbm>> -> memref<32x128xf32, #tpu.memory_space<hbm>>
      tpu.enqueue_dma source(%arg21 : memref<32x128xf32, #tpu.memory_space<vmem>>) target(%dma_start3A_139 : memref<32x128xf32, #tpu.memory_space<hbm>>) target_semaphore(%run_scoped3A : memref<!tpu.dma_semaphore, #tpu.memory_space<semaphore_mem>>)
      %dma_wait3A = arith.constant 0 : i32
      %dma_wait3A_140 = tpu.memref_slice %arg7[%add3A_85, %dma_wait3A] : memref<20480x128xf32, #tpu.memory_space<hbm>> -> memref<32x128xf32, #tpu.memory_space<hbm>>
      %dma_wait3A_141 = arith.constant 0 : i32
      %dma_wait3A_142 = tpu.memref_slice %arg7[%add3A_85, %dma_wait3A_141] : memref<20480x128xf32, #tpu.memory_space<hbm>> -> memref<32x128xf32, #tpu.memory_space<hbm>>
      tpu.wait_dma2 semaphore(%run_scoped3A : memref<!tpu.dma_semaphore, #tpu.memory_space<semaphore_mem>>) src(%arg21 : memref<32x128xf32, #tpu.memory_space<vmem>>) dst(%dma_wait3A_142 : memref<32x128xf32, #tpu.memory_space<hbm>>)
      tpu.yield
    }) : () -> ()
    %add3A_86 = arith.constant 224 : i32
    %add3A_87 = arith.addi %mul3A_0, %add3A_86 : i32
    "tpu.region"() ({
      %run_scoped3A = tpu.sem_alloc : memref<!tpu.dma_semaphore, #tpu.memory_space<semaphore_mem>>
      %dma_start3A = arith.constant 0 : i32
      %dma_start3A_137 = tpu.memref_slice %arg10[%add3A_87, %dma_start3A] : memref<10240x128xf32, #tpu.memory_space<vmem_shared>> -> memref<32x128xf32, #tpu.memory_space<vmem_shared>>
      %dma_start3A_138 = arith.constant 0 : i32
      %dma_start3A_139 = tpu.memref_slice %arg10[%add3A_87, %dma_start3A_138] : memref<10240x128xf32, #tpu.memory_space<vmem_shared>> -> memref<32x128xf32, #tpu.memory_space<vmem_shared>>
      tpu.enqueue_dma source(%dma_start3A_139 : memref<32x128xf32, #tpu.memory_space<vmem_shared>>) target(%arg21 : memref<32x128xf32, #tpu.memory_space<vmem>>) target_semaphore(%run_scoped3A : memref<!tpu.dma_semaphore, #tpu.memory_space<semaphore_mem>>)
      %dma_wait3A = arith.constant 0 : i32
      %dma_wait3A_140 = tpu.memref_slice %arg10[%add3A_87, %dma_wait3A] : memref<10240x128xf32, #tpu.memory_space<vmem_shared>> -> memref<32x128xf32, #tpu.memory_space<vmem_shared>>
      %dma_wait3A_141 = arith.constant 0 : i32
      %dma_wait3A_142 = tpu.memref_slice %arg10[%add3A_87, %dma_wait3A_141] : memref<10240x128xf32, #tpu.memory_space<vmem_shared>> -> memref<32x128xf32, #tpu.memory_space<vmem_shared>>
      tpu.wait_dma2 semaphore(%run_scoped3A : memref<!tpu.dma_semaphore, #tpu.memory_space<semaphore_mem>>) src(%dma_wait3A_142 : memref<32x128xf32, #tpu.memory_space<vmem_shared>>) dst(%arg21 : memref<32x128xf32, #tpu.memory_space<vmem>>)
      tpu.yield
    }) : () -> ()
    %add3A_88 = arith.addi %mul3A_2, %add3A_87 : i32
    "tpu.region"() ({
      %run_scoped3A = tpu.sem_alloc : memref<!tpu.dma_semaphore, #tpu.memory_space<semaphore_mem>>
      %dma_start3A = arith.constant 0 : i32
      %dma_start3A_137 = tpu.memref_slice %arg7[%add3A_88, %dma_start3A] : memref<20480x128xf32, #tpu.memory_space<hbm>> -> memref<32x128xf32, #tpu.memory_space<hbm>>
      %dma_start3A_138 = arith.constant 0 : i32
      %dma_start3A_139 = tpu.memref_slice %arg7[%add3A_88, %dma_start3A_138] : memref<20480x128xf32, #tpu.memory_space<hbm>> -> memref<32x128xf32, #tpu.memory_space<hbm>>
      tpu.enqueue_dma source(%arg21 : memref<32x128xf32, #tpu.memory_space<vmem>>) target(%dma_start3A_139 : memref<32x128xf32, #tpu.memory_space<hbm>>) target_semaphore(%run_scoped3A : memref<!tpu.dma_semaphore, #tpu.memory_space<semaphore_mem>>)
      %dma_wait3A = arith.constant 0 : i32
      %dma_wait3A_140 = tpu.memref_slice %arg7[%add3A_88, %dma_wait3A] : memref<20480x128xf32, #tpu.memory_space<hbm>> -> memref<32x128xf32, #tpu.memory_space<hbm>>
      %dma_wait3A_141 = arith.constant 0 : i32
      %dma_wait3A_142 = tpu.memref_slice %arg7[%add3A_88, %dma_wait3A_141] : memref<20480x128xf32, #tpu.memory_space<hbm>> -> memref<32x128xf32, #tpu.memory_space<hbm>>
      tpu.wait_dma2 semaphore(%run_scoped3A : memref<!tpu.dma_semaphore, #tpu.memory_space<semaphore_mem>>) src(%arg21 : memref<32x128xf32, #tpu.memory_space<vmem>>) dst(%dma_wait3A_142 : memref<32x128xf32, #tpu.memory_space<hbm>>)
      tpu.yield
    }) : () -> ()
    %add3A_89 = arith.constant 256 : i32
    %add3A_90 = arith.addi %mul3A_0, %add3A_89 : i32
    "tpu.region"() ({
      %run_scoped3A = tpu.sem_alloc : memref<!tpu.dma_semaphore, #tpu.memory_space<semaphore_mem>>
      %dma_start3A = arith.constant 0 : i32
      %dma_start3A_137 = tpu.memref_slice %arg10[%add3A_90, %dma_start3A] : memref<10240x128xf32, #tpu.memory_space<vmem_shared>> -> memref<32x128xf32, #tpu.memory_space<vmem_shared>>
      %dma_start3A_138 = arith.constant 0 : i32
      %dma_start3A_139 = tpu.memref_slice %arg10[%add3A_90, %dma_start3A_138] : memref<10240x128xf32, #tpu.memory_space<vmem_shared>> -> memref<32x128xf32, #tpu.memory_space<vmem_shared>>
      tpu.enqueue_dma source(%dma_start3A_139 : memref<32x128xf32, #tpu.memory_space<vmem_shared>>) target(%arg21 : memref<32x128xf32, #tpu.memory_space<vmem>>) target_semaphore(%run_scoped3A : memref<!tpu.dma_semaphore, #tpu.memory_space<semaphore_mem>>)
      %dma_wait3A = arith.constant 0 : i32
      %dma_wait3A_140 = tpu.memref_slice %arg10[%add3A_90, %dma_wait3A] : memref<10240x128xf32, #tpu.memory_space<vmem_shared>> -> memref<32x128xf32, #tpu.memory_space<vmem_shared>>
      %dma_wait3A_141 = arith.constant 0 : i32
      %dma_wait3A_142 = tpu.memref_slice %arg10[%add3A_90, %dma_wait3A_141] : memref<10240x128xf32, #tpu.memory_space<vmem_shared>> -> memref<32x128xf32, #tpu.memory_space<vmem_shared>>
      tpu.wait_dma2 semaphore(%run_scoped3A : memref<!tpu.dma_semaphore, #tpu.memory_space<semaphore_mem>>) src(%dma_wait3A_142 : memref<32x128xf32, #tpu.memory_space<vmem_shared>>) dst(%arg21 : memref<32x128xf32, #tpu.memory_space<vmem>>)
      tpu.yield
    }) : () -> ()
    %add3A_91 = arith.addi %mul3A_2, %add3A_90 : i32
    "tpu.region"() ({
      %run_scoped3A = tpu.sem_alloc : memref<!tpu.dma_semaphore, #tpu.memory_space<semaphore_mem>>
      %dma_start3A = arith.constant 0 : i32
      %dma_start3A_137 = tpu.memref_slice %arg7[%add3A_91, %dma_start3A] : memref<20480x128xf32, #tpu.memory_space<hbm>> -> memref<32x128xf32, #tpu.memory_space<hbm>>
      %dma_start3A_138 = arith.constant 0 : i32
      %dma_start3A_139 = tpu.memref_slice %arg7[%add3A_91, %dma_start3A_138] : memref<20480x128xf32, #tpu.memory_space<hbm>> -> memref<32x128xf32, #tpu.memory_space<hbm>>
      tpu.enqueue_dma source(%arg21 : memref<32x128xf32, #tpu.memory_space<vmem>>) target(%dma_start3A_139 : memref<32x128xf32, #tpu.memory_space<hbm>>) target_semaphore(%run_scoped3A : memref<!tpu.dma_semaphore, #tpu.memory_space<semaphore_mem>>)
      %dma_wait3A = arith.constant 0 : i32
      %dma_wait3A_140 = tpu.memref_slice %arg7[%add3A_91, %dma_wait3A] : memref<20480x128xf32, #tpu.memory_space<hbm>> -> memref<32x128xf32, #tpu.memory_space<hbm>>
      %dma_wait3A_141 = arith.constant 0 : i32
      %dma_wait3A_142 = tpu.memref_slice %arg7[%add3A_91, %dma_wait3A_141] : memref<20480x128xf32, #tpu.memory_space<hbm>> -> memref<32x128xf32, #tpu.memory_space<hbm>>
      tpu.wait_dma2 semaphore(%run_scoped3A : memref<!tpu.dma_semaphore, #tpu.memory_space<semaphore_mem>>) src(%arg21 : memref<32x128xf32, #tpu.memory_space<vmem>>) dst(%dma_wait3A_142 : memref<32x128xf32, #tpu.memory_space<hbm>>)
      tpu.yield
    }) : () -> ()
    %add3A_92 = arith.constant 288 : i32
    %add3A_93 = arith.addi %mul3A_0, %add3A_92 : i32
    "tpu.region"() ({
      %run_scoped3A = tpu.sem_alloc : memref<!tpu.dma_semaphore, #tpu.memory_space<semaphore_mem>>
      %dma_start3A = arith.constant 0 : i32
      %dma_start3A_137 = tpu.memref_slice %arg10[%add3A_93, %dma_start3A] : memref<10240x128xf32, #tpu.memory_space<vmem_shared>> -> memref<32x128xf32, #tpu.memory_space<vmem_shared>>
      %dma_start3A_138 = arith.constant 0 : i32
      %dma_start3A_139 = tpu.memref_slice %arg10[%add3A_93, %dma_start3A_138] : memref<10240x128xf32, #tpu.memory_space<vmem_shared>> -> memref<32x128xf32, #tpu.memory_space<vmem_shared>>
      tpu.enqueue_dma source(%dma_start3A_139 : memref<32x128xf32, #tpu.memory_space<vmem_shared>>) target(%arg21 : memref<32x128xf32, #tpu.memory_space<vmem>>) target_semaphore(%run_scoped3A : memref<!tpu.dma_semaphore, #tpu.memory_space<semaphore_mem>>)
      %dma_wait3A = arith.constant 0 : i32
      %dma_wait3A_140 = tpu.memref_slice %arg10[%add3A_93, %dma_wait3A] : memref<10240x128xf32, #tpu.memory_space<vmem_shared>> -> memref<32x128xf32, #tpu.memory_space<vmem_shared>>
      %dma_wait3A_141 = arith.constant 0 : i32
      %dma_wait3A_142 = tpu.memref_slice %arg10[%add3A_93, %dma_wait3A_141] : memref<10240x128xf32, #tpu.memory_space<vmem_shared>> -> memref<32x128xf32, #tpu.memory_space<vmem_shared>>
      tpu.wait_dma2 semaphore(%run_scoped3A : memref<!tpu.dma_semaphore, #tpu.memory_space<semaphore_mem>>) src(%dma_wait3A_142 : memref<32x128xf32, #tpu.memory_space<vmem_shared>>) dst(%arg21 : memref<32x128xf32, #tpu.memory_space<vmem>>)
      tpu.yield
    }) : () -> ()
    %add3A_94 = arith.addi %mul3A_2, %add3A_93 : i32
    "tpu.region"() ({
      %run_scoped3A = tpu.sem_alloc : memref<!tpu.dma_semaphore, #tpu.memory_space<semaphore_mem>>
      %dma_start3A = arith.constant 0 : i32
      %dma_start3A_137 = tpu.memref_slice %arg7[%add3A_94, %dma_start3A] : memref<20480x128xf32, #tpu.memory_space<hbm>> -> memref<32x128xf32, #tpu.memory_space<hbm>>
      %dma_start3A_138 = arith.constant 0 : i32
      %dma_start3A_139 = tpu.memref_slice %arg7[%add3A_94, %dma_start3A_138] : memref<20480x128xf32, #tpu.memory_space<hbm>> -> memref<32x128xf32, #tpu.memory_space<hbm>>
      tpu.enqueue_dma source(%arg21 : memref<32x128xf32, #tpu.memory_space<vmem>>) target(%dma_start3A_139 : memref<32x128xf32, #tpu.memory_space<hbm>>) target_semaphore(%run_scoped3A : memref<!tpu.dma_semaphore, #tpu.memory_space<semaphore_mem>>)
      %dma_wait3A = arith.constant 0 : i32
      %dma_wait3A_140 = tpu.memref_slice %arg7[%add3A_94, %dma_wait3A] : memref<20480x128xf32, #tpu.memory_space<hbm>> -> memref<32x128xf32, #tpu.memory_space<hbm>>
      %dma_wait3A_141 = arith.constant 0 : i32
      %dma_wait3A_142 = tpu.memref_slice %arg7[%add3A_94, %dma_wait3A_141] : memref<20480x128xf32, #tpu.memory_space<hbm>> -> memref<32x128xf32, #tpu.memory_space<hbm>>
      tpu.wait_dma2 semaphore(%run_scoped3A : memref<!tpu.dma_semaphore, #tpu.memory_space<semaphore_mem>>) src(%arg21 : memref<32x128xf32, #tpu.memory_space<vmem>>) dst(%dma_wait3A_142 : memref<32x128xf32, #tpu.memory_space<hbm>>)
      tpu.yield
    }) : () -> ()
    %add3A_95 = arith.constant 320 : i32
    %add3A_96 = arith.addi %mul3A_0, %add3A_95 : i32
    "tpu.region"() ({
      %run_scoped3A = tpu.sem_alloc : memref<!tpu.dma_semaphore, #tpu.memory_space<semaphore_mem>>
      %dma_start3A = arith.constant 0 : i32
      %dma_start3A_137 = tpu.memref_slice %arg10[%add3A_96, %dma_start3A] : memref<10240x128xf32, #tpu.memory_space<vmem_shared>> -> memref<32x128xf32, #tpu.memory_space<vmem_shared>>
      %dma_start3A_138 = arith.constant 0 : i32
      %dma_start3A_139 = tpu.memref_slice %arg10[%add3A_96, %dma_start3A_138] : memref<10240x128xf32, #tpu.memory_space<vmem_shared>> -> memref<32x128xf32, #tpu.memory_space<vmem_shared>>
      tpu.enqueue_dma source(%dma_start3A_139 : memref<32x128xf32, #tpu.memory_space<vmem_shared>>) target(%arg21 : memref<32x128xf32, #tpu.memory_space<vmem>>) target_semaphore(%run_scoped3A : memref<!tpu.dma_semaphore, #tpu.memory_space<semaphore_mem>>)
      %dma_wait3A = arith.constant 0 : i32
      %dma_wait3A_140 = tpu.memref_slice %arg10[%add3A_96, %dma_wait3A] : memref<10240x128xf32, #tpu.memory_space<vmem_shared>> -> memref<32x128xf32, #tpu.memory_space<vmem_shared>>
      %dma_wait3A_141 = arith.constant 0 : i32
      %dma_wait3A_142 = tpu.memref_slice %arg10[%add3A_96, %dma_wait3A_141] : memref<10240x128xf32, #tpu.memory_space<vmem_shared>> -> memref<32x128xf32, #tpu.memory_space<vmem_shared>>
      tpu.wait_dma2 semaphore(%run_scoped3A : memref<!tpu.dma_semaphore, #tpu.memory_space<semaphore_mem>>) src(%dma_wait3A_142 : memref<32x128xf32, #tpu.memory_space<vmem_shared>>) dst(%arg21 : memref<32x128xf32, #tpu.memory_space<vmem>>)
      tpu.yield
    }) : () -> ()
    %add3A_97 = arith.addi %mul3A_2, %add3A_96 : i32
    "tpu.region"() ({
      %run_scoped3A = tpu.sem_alloc : memref<!tpu.dma_semaphore, #tpu.memory_space<semaphore_mem>>
      %dma_start3A = arith.constant 0 : i32
      %dma_start3A_137 = tpu.memref_slice %arg7[%add3A_97, %dma_start3A] : memref<20480x128xf32, #tpu.memory_space<hbm>> -> memref<32x128xf32, #tpu.memory_space<hbm>>
      %dma_start3A_138 = arith.constant 0 : i32
      %dma_start3A_139 = tpu.memref_slice %arg7[%add3A_97, %dma_start3A_138] : memref<20480x128xf32, #tpu.memory_space<hbm>> -> memref<32x128xf32, #tpu.memory_space<hbm>>
      tpu.enqueue_dma source(%arg21 : memref<32x128xf32, #tpu.memory_space<vmem>>) target(%dma_start3A_139 : memref<32x128xf32, #tpu.memory_space<hbm>>) target_semaphore(%run_scoped3A : memref<!tpu.dma_semaphore, #tpu.memory_space<semaphore_mem>>)
      %dma_wait3A = arith.constant 0 : i32
      %dma_wait3A_140 = tpu.memref_slice %arg7[%add3A_97, %dma_wait3A] : memref<20480x128xf32, #tpu.memory_space<hbm>> -> memref<32x128xf32, #tpu.memory_space<hbm>>
      %dma_wait3A_141 = arith.constant 0 : i32
      %dma_wait3A_142 = tpu.memref_slice %arg7[%add3A_97, %dma_wait3A_141] : memref<20480x128xf32, #tpu.memory_space<hbm>> -> memref<32x128xf32, #tpu.memory_space<hbm>>
      tpu.wait_dma2 semaphore(%run_scoped3A : memref<!tpu.dma_semaphore, #tpu.memory_space<semaphore_mem>>) src(%arg21 : memref<32x128xf32, #tpu.memory_space<vmem>>) dst(%dma_wait3A_142 : memref<32x128xf32, #tpu.memory_space<hbm>>)
      tpu.yield
    }) : () -> ()
    %add3A_98 = arith.constant 352 : i32
    %add3A_99 = arith.addi %mul3A_0, %add3A_98 : i32
    "tpu.region"() ({
      %run_scoped3A = tpu.sem_alloc : memref<!tpu.dma_semaphore, #tpu.memory_space<semaphore_mem>>
      %dma_start3A = arith.constant 0 : i32
      %dma_start3A_137 = tpu.memref_slice %arg10[%add3A_99, %dma_start3A] : memref<10240x128xf32, #tpu.memory_space<vmem_shared>> -> memref<32x128xf32, #tpu.memory_space<vmem_shared>>
      %dma_start3A_138 = arith.constant 0 : i32
      %dma_start3A_139 = tpu.memref_slice %arg10[%add3A_99, %dma_start3A_138] : memref<10240x128xf32, #tpu.memory_space<vmem_shared>> -> memref<32x128xf32, #tpu.memory_space<vmem_shared>>
      tpu.enqueue_dma source(%dma_start3A_139 : memref<32x128xf32, #tpu.memory_space<vmem_shared>>) target(%arg21 : memref<32x128xf32, #tpu.memory_space<vmem>>) target_semaphore(%run_scoped3A : memref<!tpu.dma_semaphore, #tpu.memory_space<semaphore_mem>>)
      %dma_wait3A = arith.constant 0 : i32
      %dma_wait3A_140 = tpu.memref_slice %arg10[%add3A_99, %dma_wait3A] : memref<10240x128xf32, #tpu.memory_space<vmem_shared>> -> memref<32x128xf32, #tpu.memory_space<vmem_shared>>
      %dma_wait3A_141 = arith.constant 0 : i32
      %dma_wait3A_142 = tpu.memref_slice %arg10[%add3A_99, %dma_wait3A_141] : memref<10240x128xf32, #tpu.memory_space<vmem_shared>> -> memref<32x128xf32, #tpu.memory_space<vmem_shared>>
      tpu.wait_dma2 semaphore(%run_scoped3A : memref<!tpu.dma_semaphore, #tpu.memory_space<semaphore_mem>>) src(%dma_wait3A_142 : memref<32x128xf32, #tpu.memory_space<vmem_shared>>) dst(%arg21 : memref<32x128xf32, #tpu.memory_space<vmem>>)
      tpu.yield
    }) : () -> ()
    %add3A_100 = arith.addi %mul3A_2, %add3A_99 : i32
    "tpu.region"() ({
      %run_scoped3A = tpu.sem_alloc : memref<!tpu.dma_semaphore, #tpu.memory_space<semaphore_mem>>
      %dma_start3A = arith.constant 0 : i32
      %dma_start3A_137 = tpu.memref_slice %arg7[%add3A_100, %dma_start3A] : memref<20480x128xf32, #tpu.memory_space<hbm>> -> memref<32x128xf32, #tpu.memory_space<hbm>>
      %dma_start3A_138 = arith.constant 0 : i32
      %dma_start3A_139 = tpu.memref_slice %arg7[%add3A_100, %dma_start3A_138] : memref<20480x128xf32, #tpu.memory_space<hbm>> -> memref<32x128xf32, #tpu.memory_space<hbm>>
      tpu.enqueue_dma source(%arg21 : memref<32x128xf32, #tpu.memory_space<vmem>>) target(%dma_start3A_139 : memref<32x128xf32, #tpu.memory_space<hbm>>) target_semaphore(%run_scoped3A : memref<!tpu.dma_semaphore, #tpu.memory_space<semaphore_mem>>)
      %dma_wait3A = arith.constant 0 : i32
      %dma_wait3A_140 = tpu.memref_slice %arg7[%add3A_100, %dma_wait3A] : memref<20480x128xf32, #tpu.memory_space<hbm>> -> memref<32x128xf32, #tpu.memory_space<hbm>>
      %dma_wait3A_141 = arith.constant 0 : i32
      %dma_wait3A_142 = tpu.memref_slice %arg7[%add3A_100, %dma_wait3A_141] : memref<20480x128xf32, #tpu.memory_space<hbm>> -> memref<32x128xf32, #tpu.memory_space<hbm>>
      tpu.wait_dma2 semaphore(%run_scoped3A : memref<!tpu.dma_semaphore, #tpu.memory_space<semaphore_mem>>) src(%arg21 : memref<32x128xf32, #tpu.memory_space<vmem>>) dst(%dma_wait3A_142 : memref<32x128xf32, #tpu.memory_space<hbm>>)
      tpu.yield
    }) : () -> ()
    %add3A_101 = arith.constant 384 : i32
    %add3A_102 = arith.addi %mul3A_0, %add3A_101 : i32
    "tpu.region"() ({
      %run_scoped3A = tpu.sem_alloc : memref<!tpu.dma_semaphore, #tpu.memory_space<semaphore_mem>>
      %dma_start3A = arith.constant 0 : i32
      %dma_start3A_137 = tpu.memref_slice %arg10[%add3A_102, %dma_start3A] : memref<10240x128xf32, #tpu.memory_space<vmem_shared>> -> memref<32x128xf32, #tpu.memory_space<vmem_shared>>
      %dma_start3A_138 = arith.constant 0 : i32
      %dma_start3A_139 = tpu.memref_slice %arg10[%add3A_102, %dma_start3A_138] : memref<10240x128xf32, #tpu.memory_space<vmem_shared>> -> memref<32x128xf32, #tpu.memory_space<vmem_shared>>
      tpu.enqueue_dma source(%dma_start3A_139 : memref<32x128xf32, #tpu.memory_space<vmem_shared>>) target(%arg21 : memref<32x128xf32, #tpu.memory_space<vmem>>) target_semaphore(%run_scoped3A : memref<!tpu.dma_semaphore, #tpu.memory_space<semaphore_mem>>)
      %dma_wait3A = arith.constant 0 : i32
      %dma_wait3A_140 = tpu.memref_slice %arg10[%add3A_102, %dma_wait3A] : memref<10240x128xf32, #tpu.memory_space<vmem_shared>> -> memref<32x128xf32, #tpu.memory_space<vmem_shared>>
      %dma_wait3A_141 = arith.constant 0 : i32
      %dma_wait3A_142 = tpu.memref_slice %arg10[%add3A_102, %dma_wait3A_141] : memref<10240x128xf32, #tpu.memory_space<vmem_shared>> -> memref<32x128xf32, #tpu.memory_space<vmem_shared>>
      tpu.wait_dma2 semaphore(%run_scoped3A : memref<!tpu.dma_semaphore, #tpu.memory_space<semaphore_mem>>) src(%dma_wait3A_142 : memref<32x128xf32, #tpu.memory_space<vmem_shared>>) dst(%arg21 : memref<32x128xf32, #tpu.memory_space<vmem>>)
      tpu.yield
    }) : () -> ()
    %add3A_103 = arith.addi %mul3A_2, %add3A_102 : i32
    "tpu.region"() ({
      %run_scoped3A = tpu.sem_alloc : memref<!tpu.dma_semaphore, #tpu.memory_space<semaphore_mem>>
      %dma_start3A = arith.constant 0 : i32
      %dma_start3A_137 = tpu.memref_slice %arg7[%add3A_103, %dma_start3A] : memref<20480x128xf32, #tpu.memory_space<hbm>> -> memref<32x128xf32, #tpu.memory_space<hbm>>
      %dma_start3A_138 = arith.constant 0 : i32
      %dma_start3A_139 = tpu.memref_slice %arg7[%add3A_103, %dma_start3A_138] : memref<20480x128xf32, #tpu.memory_space<hbm>> -> memref<32x128xf32, #tpu.memory_space<hbm>>
      tpu.enqueue_dma source(%arg21 : memref<32x128xf32, #tpu.memory_space<vmem>>) target(%dma_start3A_139 : memref<32x128xf32, #tpu.memory_space<hbm>>) target_semaphore(%run_scoped3A : memref<!tpu.dma_semaphore, #tpu.memory_space<semaphore_mem>>)
      %dma_wait3A = arith.constant 0 : i32
      %dma_wait3A_140 = tpu.memref_slice %arg7[%add3A_103, %dma_wait3A] : memref<20480x128xf32, #tpu.memory_space<hbm>> -> memref<32x128xf32, #tpu.memory_space<hbm>>
      %dma_wait3A_141 = arith.constant 0 : i32
      %dma_wait3A_142 = tpu.memref_slice %arg7[%add3A_103, %dma_wait3A_141] : memref<20480x128xf32, #tpu.memory_space<hbm>> -> memref<32x128xf32, #tpu.memory_space<hbm>>
      tpu.wait_dma2 semaphore(%run_scoped3A : memref<!tpu.dma_semaphore, #tpu.memory_space<semaphore_mem>>) src(%arg21 : memref<32x128xf32, #tpu.memory_space<vmem>>) dst(%dma_wait3A_142 : memref<32x128xf32, #tpu.memory_space<hbm>>)
      tpu.yield
    }) : () -> ()
    %add3A_104 = arith.constant 416 : i32
    %add3A_105 = arith.addi %mul3A_0, %add3A_104 : i32
    "tpu.region"() ({
      %run_scoped3A = tpu.sem_alloc : memref<!tpu.dma_semaphore, #tpu.memory_space<semaphore_mem>>
      %dma_start3A = arith.constant 0 : i32
      %dma_start3A_137 = tpu.memref_slice %arg10[%add3A_105, %dma_start3A] : memref<10240x128xf32, #tpu.memory_space<vmem_shared>> -> memref<32x128xf32, #tpu.memory_space<vmem_shared>>
      %dma_start3A_138 = arith.constant 0 : i32
      %dma_start3A_139 = tpu.memref_slice %arg10[%add3A_105, %dma_start3A_138] : memref<10240x128xf32, #tpu.memory_space<vmem_shared>> -> memref<32x128xf32, #tpu.memory_space<vmem_shared>>
      tpu.enqueue_dma source(%dma_start3A_139 : memref<32x128xf32, #tpu.memory_space<vmem_shared>>) target(%arg21 : memref<32x128xf32, #tpu.memory_space<vmem>>) target_semaphore(%run_scoped3A : memref<!tpu.dma_semaphore, #tpu.memory_space<semaphore_mem>>)
      %dma_wait3A = arith.constant 0 : i32
      %dma_wait3A_140 = tpu.memref_slice %arg10[%add3A_105, %dma_wait3A] : memref<10240x128xf32, #tpu.memory_space<vmem_shared>> -> memref<32x128xf32, #tpu.memory_space<vmem_shared>>
      %dma_wait3A_141 = arith.constant 0 : i32
      %dma_wait3A_142 = tpu.memref_slice %arg10[%add3A_105, %dma_wait3A_141] : memref<10240x128xf32, #tpu.memory_space<vmem_shared>> -> memref<32x128xf32, #tpu.memory_space<vmem_shared>>
      tpu.wait_dma2 semaphore(%run_scoped3A : memref<!tpu.dma_semaphore, #tpu.memory_space<semaphore_mem>>) src(%dma_wait3A_142 : memref<32x128xf32, #tpu.memory_space<vmem_shared>>) dst(%arg21 : memref<32x128xf32, #tpu.memory_space<vmem>>)
      tpu.yield
    }) : () -> ()
    %add3A_106 = arith.addi %mul3A_2, %add3A_105 : i32
    "tpu.region"() ({
      %run_scoped3A = tpu.sem_alloc : memref<!tpu.dma_semaphore, #tpu.memory_space<semaphore_mem>>
      %dma_start3A = arith.constant 0 : i32
      %dma_start3A_137 = tpu.memref_slice %arg7[%add3A_106, %dma_start3A] : memref<20480x128xf32, #tpu.memory_space<hbm>> -> memref<32x128xf32, #tpu.memory_space<hbm>>
      %dma_start3A_138 = arith.constant 0 : i32
      %dma_start3A_139 = tpu.memref_slice %arg7[%add3A_106, %dma_start3A_138] : memref<20480x128xf32, #tpu.memory_space<hbm>> -> memref<32x128xf32, #tpu.memory_space<hbm>>
      tpu.enqueue_dma source(%arg21 : memref<32x128xf32, #tpu.memory_space<vmem>>) target(%dma_start3A_139 : memref<32x128xf32, #tpu.memory_space<hbm>>) target_semaphore(%run_scoped3A : memref<!tpu.dma_semaphore, #tpu.memory_space<semaphore_mem>>)
      %dma_wait3A = arith.constant 0 : i32
      %dma_wait3A_140 = tpu.memref_slice %arg7[%add3A_106, %dma_wait3A] : memref<20480x128xf32, #tpu.memory_space<hbm>> -> memref<32x128xf32, #tpu.memory_space<hbm>>
      %dma_wait3A_141 = arith.constant 0 : i32
      %dma_wait3A_142 = tpu.memref_slice %arg7[%add3A_106, %dma_wait3A_141] : memref<20480x128xf32, #tpu.memory_space<hbm>> -> memref<32x128xf32, #tpu.memory_space<hbm>>
      tpu.wait_dma2 semaphore(%run_scoped3A : memref<!tpu.dma_semaphore, #tpu.memory_space<semaphore_mem>>) src(%arg21 : memref<32x128xf32, #tpu.memory_space<vmem>>) dst(%dma_wait3A_142 : memref<32x128xf32, #tpu.memory_space<hbm>>)
      tpu.yield
    }) : () -> ()
    %add3A_107 = arith.constant 448 : i32
    %add3A_108 = arith.addi %mul3A_0, %add3A_107 : i32
    "tpu.region"() ({
      %run_scoped3A = tpu.sem_alloc : memref<!tpu.dma_semaphore, #tpu.memory_space<semaphore_mem>>
      %dma_start3A = arith.constant 0 : i32
      %dma_start3A_137 = tpu.memref_slice %arg10[%add3A_108, %dma_start3A] : memref<10240x128xf32, #tpu.memory_space<vmem_shared>> -> memref<32x128xf32, #tpu.memory_space<vmem_shared>>
      %dma_start3A_138 = arith.constant 0 : i32
      %dma_start3A_139 = tpu.memref_slice %arg10[%add3A_108, %dma_start3A_138] : memref<10240x128xf32, #tpu.memory_space<vmem_shared>> -> memref<32x128xf32, #tpu.memory_space<vmem_shared>>
      tpu.enqueue_dma source(%dma_start3A_139 : memref<32x128xf32, #tpu.memory_space<vmem_shared>>) target(%arg21 : memref<32x128xf32, #tpu.memory_space<vmem>>) target_semaphore(%run_scoped3A : memref<!tpu.dma_semaphore, #tpu.memory_space<semaphore_mem>>)
      %dma_wait3A = arith.constant 0 : i32
      %dma_wait3A_140 = tpu.memref_slice %arg10[%add3A_108, %dma_wait3A] : memref<10240x128xf32, #tpu.memory_space<vmem_shared>> -> memref<32x128xf32, #tpu.memory_space<vmem_shared>>
      %dma_wait3A_141 = arith.constant 0 : i32
      %dma_wait3A_142 = tpu.memref_slice %arg10[%add3A_108, %dma_wait3A_141] : memref<10240x128xf32, #tpu.memory_space<vmem_shared>> -> memref<32x128xf32, #tpu.memory_space<vmem_shared>>
      tpu.wait_dma2 semaphore(%run_scoped3A : memref<!tpu.dma_semaphore, #tpu.memory_space<semaphore_mem>>) src(%dma_wait3A_142 : memref<32x128xf32, #tpu.memory_space<vmem_shared>>) dst(%arg21 : memref<32x128xf32, #tpu.memory_space<vmem>>)
      tpu.yield
    }) : () -> ()
    %add3A_109 = arith.addi %mul3A_2, %add3A_108 : i32
    "tpu.region"() ({
      %run_scoped3A = tpu.sem_alloc : memref<!tpu.dma_semaphore, #tpu.memory_space<semaphore_mem>>
      %dma_start3A = arith.constant 0 : i32
      %dma_start3A_137 = tpu.memref_slice %arg7[%add3A_109, %dma_start3A] : memref<20480x128xf32, #tpu.memory_space<hbm>> -> memref<32x128xf32, #tpu.memory_space<hbm>>
      %dma_start3A_138 = arith.constant 0 : i32
      %dma_start3A_139 = tpu.memref_slice %arg7[%add3A_109, %dma_start3A_138] : memref<20480x128xf32, #tpu.memory_space<hbm>> -> memref<32x128xf32, #tpu.memory_space<hbm>>
      tpu.enqueue_dma source(%arg21 : memref<32x128xf32, #tpu.memory_space<vmem>>) target(%dma_start3A_139 : memref<32x128xf32, #tpu.memory_space<hbm>>) target_semaphore(%run_scoped3A : memref<!tpu.dma_semaphore, #tpu.memory_space<semaphore_mem>>)
      %dma_wait3A = arith.constant 0 : i32
      %dma_wait3A_140 = tpu.memref_slice %arg7[%add3A_109, %dma_wait3A] : memref<20480x128xf32, #tpu.memory_space<hbm>> -> memref<32x128xf32, #tpu.memory_space<hbm>>
      %dma_wait3A_141 = arith.constant 0 : i32
      %dma_wait3A_142 = tpu.memref_slice %arg7[%add3A_109, %dma_wait3A_141] : memref<20480x128xf32, #tpu.memory_space<hbm>> -> memref<32x128xf32, #tpu.memory_space<hbm>>
      tpu.wait_dma2 semaphore(%run_scoped3A : memref<!tpu.dma_semaphore, #tpu.memory_space<semaphore_mem>>) src(%arg21 : memref<32x128xf32, #tpu.memory_space<vmem>>) dst(%dma_wait3A_142 : memref<32x128xf32, #tpu.memory_space<hbm>>)
      tpu.yield
    }) : () -> ()
    %add3A_110 = arith.constant 480 : i32
    %add3A_111 = arith.addi %mul3A_0, %add3A_110 : i32
    "tpu.region"() ({
      %run_scoped3A = tpu.sem_alloc : memref<!tpu.dma_semaphore, #tpu.memory_space<semaphore_mem>>
      %dma_start3A = arith.constant 0 : i32
      %dma_start3A_137 = tpu.memref_slice %arg10[%add3A_111, %dma_start3A] : memref<10240x128xf32, #tpu.memory_space<vmem_shared>> -> memref<32x128xf32, #tpu.memory_space<vmem_shared>>
      %dma_start3A_138 = arith.constant 0 : i32
      %dma_start3A_139 = tpu.memref_slice %arg10[%add3A_111, %dma_start3A_138] : memref<10240x128xf32, #tpu.memory_space<vmem_shared>> -> memref<32x128xf32, #tpu.memory_space<vmem_shared>>
      tpu.enqueue_dma source(%dma_start3A_139 : memref<32x128xf32, #tpu.memory_space<vmem_shared>>) target(%arg21 : memref<32x128xf32, #tpu.memory_space<vmem>>) target_semaphore(%run_scoped3A : memref<!tpu.dma_semaphore, #tpu.memory_space<semaphore_mem>>)
      %dma_wait3A = arith.constant 0 : i32
      %dma_wait3A_140 = tpu.memref_slice %arg10[%add3A_111, %dma_wait3A] : memref<10240x128xf32, #tpu.memory_space<vmem_shared>> -> memref<32x128xf32, #tpu.memory_space<vmem_shared>>
      %dma_wait3A_141 = arith.constant 0 : i32
      %dma_wait3A_142 = tpu.memref_slice %arg10[%add3A_111, %dma_wait3A_141] : memref<10240x128xf32, #tpu.memory_space<vmem_shared>> -> memref<32x128xf32, #tpu.memory_space<vmem_shared>>
      tpu.wait_dma2 semaphore(%run_scoped3A : memref<!tpu.dma_semaphore, #tpu.memory_space<semaphore_mem>>) src(%dma_wait3A_142 : memref<32x128xf32, #tpu.memory_space<vmem_shared>>) dst(%arg21 : memref<32x128xf32, #tpu.memory_space<vmem>>)
      tpu.yield
    }) : () -> ()
    %add3A_112 = arith.addi %mul3A_2, %add3A_111 : i32
    "tpu.region"() ({
      %run_scoped3A = tpu.sem_alloc : memref<!tpu.dma_semaphore, #tpu.memory_space<semaphore_mem>>
      %dma_start3A = arith.constant 0 : i32
      %dma_start3A_137 = tpu.memref_slice %arg7[%add3A_112, %dma_start3A] : memref<20480x128xf32, #tpu.memory_space<hbm>> -> memref<32x128xf32, #tpu.memory_space<hbm>>
      %dma_start3A_138 = arith.constant 0 : i32
      %dma_start3A_139 = tpu.memref_slice %arg7[%add3A_112, %dma_start3A_138] : memref<20480x128xf32, #tpu.memory_space<hbm>> -> memref<32x128xf32, #tpu.memory_space<hbm>>
      tpu.enqueue_dma source(%arg21 : memref<32x128xf32, #tpu.memory_space<vmem>>) target(%dma_start3A_139 : memref<32x128xf32, #tpu.memory_space<hbm>>) target_semaphore(%run_scoped3A : memref<!tpu.dma_semaphore, #tpu.memory_space<semaphore_mem>>)
      %dma_wait3A = arith.constant 0 : i32
      %dma_wait3A_140 = tpu.memref_slice %arg7[%add3A_112, %dma_wait3A] : memref<20480x128xf32, #tpu.memory_space<hbm>> -> memref<32x128xf32, #tpu.memory_space<hbm>>
      %dma_wait3A_141 = arith.constant 0 : i32
      %dma_wait3A_142 = tpu.memref_slice %arg7[%add3A_112, %dma_wait3A_141] : memref<20480x128xf32, #tpu.memory_space<hbm>> -> memref<32x128xf32, #tpu.memory_space<hbm>>
      tpu.wait_dma2 semaphore(%run_scoped3A : memref<!tpu.dma_semaphore, #tpu.memory_space<semaphore_mem>>) src(%arg21 : memref<32x128xf32, #tpu.memory_space<vmem>>) dst(%dma_wait3A_142 : memref<32x128xf32, #tpu.memory_space<hbm>>)
      tpu.yield
    }) : () -> ()
    %add3A_113 = arith.constant 512 : i32
    %add3A_114 = arith.addi %mul3A_0, %add3A_113 : i32
    "tpu.region"() ({
      %run_scoped3A = tpu.sem_alloc : memref<!tpu.dma_semaphore, #tpu.memory_space<semaphore_mem>>
      %dma_start3A = arith.constant 0 : i32
      %dma_start3A_137 = tpu.memref_slice %arg10[%add3A_114, %dma_start3A] : memref<10240x128xf32, #tpu.memory_space<vmem_shared>> -> memref<32x128xf32, #tpu.memory_space<vmem_shared>>
      %dma_start3A_138 = arith.constant 0 : i32
      %dma_start3A_139 = tpu.memref_slice %arg10[%add3A_114, %dma_start3A_138] : memref<10240x128xf32, #tpu.memory_space<vmem_shared>> -> memref<32x128xf32, #tpu.memory_space<vmem_shared>>
      tpu.enqueue_dma source(%dma_start3A_139 : memref<32x128xf32, #tpu.memory_space<vmem_shared>>) target(%arg21 : memref<32x128xf32, #tpu.memory_space<vmem>>) target_semaphore(%run_scoped3A : memref<!tpu.dma_semaphore, #tpu.memory_space<semaphore_mem>>)
      %dma_wait3A = arith.constant 0 : i32
      %dma_wait3A_140 = tpu.memref_slice %arg10[%add3A_114, %dma_wait3A] : memref<10240x128xf32, #tpu.memory_space<vmem_shared>> -> memref<32x128xf32, #tpu.memory_space<vmem_shared>>
      %dma_wait3A_141 = arith.constant 0 : i32
      %dma_wait3A_142 = tpu.memref_slice %arg10[%add3A_114, %dma_wait3A_141] : memref<10240x128xf32, #tpu.memory_space<vmem_shared>> -> memref<32x128xf32, #tpu.memory_space<vmem_shared>>
      tpu.wait_dma2 semaphore(%run_scoped3A : memref<!tpu.dma_semaphore, #tpu.memory_space<semaphore_mem>>) src(%dma_wait3A_142 : memref<32x128xf32, #tpu.memory_space<vmem_shared>>) dst(%arg21 : memref<32x128xf32, #tpu.memory_space<vmem>>)
      tpu.yield
    }) : () -> ()
    %add3A_115 = arith.addi %mul3A_2, %add3A_114 : i32
    "tpu.region"() ({
      %run_scoped3A = tpu.sem_alloc : memref<!tpu.dma_semaphore, #tpu.memory_space<semaphore_mem>>
      %dma_start3A = arith.constant 0 : i32
      %dma_start3A_137 = tpu.memref_slice %arg7[%add3A_115, %dma_start3A] : memref<20480x128xf32, #tpu.memory_space<hbm>> -> memref<32x128xf32, #tpu.memory_space<hbm>>
      %dma_start3A_138 = arith.constant 0 : i32
      %dma_start3A_139 = tpu.memref_slice %arg7[%add3A_115, %dma_start3A_138] : memref<20480x128xf32, #tpu.memory_space<hbm>> -> memref<32x128xf32, #tpu.memory_space<hbm>>
      tpu.enqueue_dma source(%arg21 : memref<32x128xf32, #tpu.memory_space<vmem>>) target(%dma_start3A_139 : memref<32x128xf32, #tpu.memory_space<hbm>>) target_semaphore(%run_scoped3A : memref<!tpu.dma_semaphore, #tpu.memory_space<semaphore_mem>>)
      %dma_wait3A = arith.constant 0 : i32
      %dma_wait3A_140 = tpu.memref_slice %arg7[%add3A_115, %dma_wait3A] : memref<20480x128xf32, #tpu.memory_space<hbm>> -> memref<32x128xf32, #tpu.memory_space<hbm>>
      %dma_wait3A_141 = arith.constant 0 : i32
      %dma_wait3A_142 = tpu.memref_slice %arg7[%add3A_115, %dma_wait3A_141] : memref<20480x128xf32, #tpu.memory_space<hbm>> -> memref<32x128xf32, #tpu.memory_space<hbm>>
      tpu.wait_dma2 semaphore(%run_scoped3A : memref<!tpu.dma_semaphore, #tpu.memory_space<semaphore_mem>>) src(%arg21 : memref<32x128xf32, #tpu.memory_space<vmem>>) dst(%dma_wait3A_142 : memref<32x128xf32, #tpu.memory_space<hbm>>)
      tpu.yield
    }) : () -> ()
    %add3A_116 = arith.constant 544 : i32
    %add3A_117 = arith.addi %mul3A_0, %add3A_116 : i32
    "tpu.region"() ({
      %run_scoped3A = tpu.sem_alloc : memref<!tpu.dma_semaphore, #tpu.memory_space<semaphore_mem>>
      %dma_start3A = arith.constant 0 : i32
      %dma_start3A_137 = tpu.memref_slice %arg10[%add3A_117, %dma_start3A] : memref<10240x128xf32, #tpu.memory_space<vmem_shared>> -> memref<32x128xf32, #tpu.memory_space<vmem_shared>>
      %dma_start3A_138 = arith.constant 0 : i32
      %dma_start3A_139 = tpu.memref_slice %arg10[%add3A_117, %dma_start3A_138] : memref<10240x128xf32, #tpu.memory_space<vmem_shared>> -> memref<32x128xf32, #tpu.memory_space<vmem_shared>>
      tpu.enqueue_dma source(%dma_start3A_139 : memref<32x128xf32, #tpu.memory_space<vmem_shared>>) target(%arg21 : memref<32x128xf32, #tpu.memory_space<vmem>>) target_semaphore(%run_scoped3A : memref<!tpu.dma_semaphore, #tpu.memory_space<semaphore_mem>>)
      %dma_wait3A = arith.constant 0 : i32
      %dma_wait3A_140 = tpu.memref_slice %arg10[%add3A_117, %dma_wait3A] : memref<10240x128xf32, #tpu.memory_space<vmem_shared>> -> memref<32x128xf32, #tpu.memory_space<vmem_shared>>
      %dma_wait3A_141 = arith.constant 0 : i32
      %dma_wait3A_142 = tpu.memref_slice %arg10[%add3A_117, %dma_wait3A_141] : memref<10240x128xf32, #tpu.memory_space<vmem_shared>> -> memref<32x128xf32, #tpu.memory_space<vmem_shared>>
      tpu.wait_dma2 semaphore(%run_scoped3A : memref<!tpu.dma_semaphore, #tpu.memory_space<semaphore_mem>>) src(%dma_wait3A_142 : memref<32x128xf32, #tpu.memory_space<vmem_shared>>) dst(%arg21 : memref<32x128xf32, #tpu.memory_space<vmem>>)
      tpu.yield
    }) : () -> ()
    %add3A_118 = arith.addi %mul3A_2, %add3A_117 : i32
    "tpu.region"() ({
      %run_scoped3A = tpu.sem_alloc : memref<!tpu.dma_semaphore, #tpu.memory_space<semaphore_mem>>
      %dma_start3A = arith.constant 0 : i32
      %dma_start3A_137 = tpu.memref_slice %arg7[%add3A_118, %dma_start3A] : memref<20480x128xf32, #tpu.memory_space<hbm>> -> memref<32x128xf32, #tpu.memory_space<hbm>>
      %dma_start3A_138 = arith.constant 0 : i32
      %dma_start3A_139 = tpu.memref_slice %arg7[%add3A_118, %dma_start3A_138] : memref<20480x128xf32, #tpu.memory_space<hbm>> -> memref<32x128xf32, #tpu.memory_space<hbm>>
      tpu.enqueue_dma source(%arg21 : memref<32x128xf32, #tpu.memory_space<vmem>>) target(%dma_start3A_139 : memref<32x128xf32, #tpu.memory_space<hbm>>) target_semaphore(%run_scoped3A : memref<!tpu.dma_semaphore, #tpu.memory_space<semaphore_mem>>)
      %dma_wait3A = arith.constant 0 : i32
      %dma_wait3A_140 = tpu.memref_slice %arg7[%add3A_118, %dma_wait3A] : memref<20480x128xf32, #tpu.memory_space<hbm>> -> memref<32x128xf32, #tpu.memory_space<hbm>>
      %dma_wait3A_141 = arith.constant 0 : i32
      %dma_wait3A_142 = tpu.memref_slice %arg7[%add3A_118, %dma_wait3A_141] : memref<20480x128xf32, #tpu.memory_space<hbm>> -> memref<32x128xf32, #tpu.memory_space<hbm>>
      tpu.wait_dma2 semaphore(%run_scoped3A : memref<!tpu.dma_semaphore, #tpu.memory_space<semaphore_mem>>) src(%arg21 : memref<32x128xf32, #tpu.memory_space<vmem>>) dst(%dma_wait3A_142 : memref<32x128xf32, #tpu.memory_space<hbm>>)
      tpu.yield
    }) : () -> ()
    %add3A_119 = arith.constant 576 : i32
    %add3A_120 = arith.addi %mul3A_0, %add3A_119 : i32
    "tpu.region"() ({
      %run_scoped3A = tpu.sem_alloc : memref<!tpu.dma_semaphore, #tpu.memory_space<semaphore_mem>>
      %dma_start3A = arith.constant 0 : i32
      %dma_start3A_137 = tpu.memref_slice %arg10[%add3A_120, %dma_start3A] : memref<10240x128xf32, #tpu.memory_space<vmem_shared>> -> memref<32x128xf32, #tpu.memory_space<vmem_shared>>
      %dma_start3A_138 = arith.constant 0 : i32
      %dma_start3A_139 = tpu.memref_slice %arg10[%add3A_120, %dma_start3A_138] : memref<10240x128xf32, #tpu.memory_space<vmem_shared>> -> memref<32x128xf32, #tpu.memory_space<vmem_shared>>
      tpu.enqueue_dma source(%dma_start3A_139 : memref<32x128xf32, #tpu.memory_space<vmem_shared>>) target(%arg21 : memref<32x128xf32, #tpu.memory_space<vmem>>) target_semaphore(%run_scoped3A : memref<!tpu.dma_semaphore, #tpu.memory_space<semaphore_mem>>)
      %dma_wait3A = arith.constant 0 : i32
      %dma_wait3A_140 = tpu.memref_slice %arg10[%add3A_120, %dma_wait3A] : memref<10240x128xf32, #tpu.memory_space<vmem_shared>> -> memref<32x128xf32, #tpu.memory_space<vmem_shared>>
      %dma_wait3A_141 = arith.constant 0 : i32
      %dma_wait3A_142 = tpu.memref_slice %arg10[%add3A_120, %dma_wait3A_141] : memref<10240x128xf32, #tpu.memory_space<vmem_shared>> -> memref<32x128xf32, #tpu.memory_space<vmem_shared>>
      tpu.wait_dma2 semaphore(%run_scoped3A : memref<!tpu.dma_semaphore, #tpu.memory_space<semaphore_mem>>) src(%dma_wait3A_142 : memref<32x128xf32, #tpu.memory_space<vmem_shared>>) dst(%arg21 : memref<32x128xf32, #tpu.memory_space<vmem>>)
      tpu.yield
    }) : () -> ()
    %add3A_121 = arith.addi %mul3A_2, %add3A_120 : i32
    "tpu.region"() ({
      %run_scoped3A = tpu.sem_alloc : memref<!tpu.dma_semaphore, #tpu.memory_space<semaphore_mem>>
      %dma_start3A = arith.constant 0 : i32
      %dma_start3A_137 = tpu.memref_slice %arg7[%add3A_121, %dma_start3A] : memref<20480x128xf32, #tpu.memory_space<hbm>> -> memref<32x128xf32, #tpu.memory_space<hbm>>
      %dma_start3A_138 = arith.constant 0 : i32
      %dma_start3A_139 = tpu.memref_slice %arg7[%add3A_121, %dma_start3A_138] : memref<20480x128xf32, #tpu.memory_space<hbm>> -> memref<32x128xf32, #tpu.memory_space<hbm>>
      tpu.enqueue_dma source(%arg21 : memref<32x128xf32, #tpu.memory_space<vmem>>) target(%dma_start3A_139 : memref<32x128xf32, #tpu.memory_space<hbm>>) target_semaphore(%run_scoped3A : memref<!tpu.dma_semaphore, #tpu.memory_space<semaphore_mem>>)
      %dma_wait3A = arith.constant 0 : i32
      %dma_wait3A_140 = tpu.memref_slice %arg7[%add3A_121, %dma_wait3A] : memref<20480x128xf32, #tpu.memory_space<hbm>> -> memref<32x128xf32, #tpu.memory_space<hbm>>
      %dma_wait3A_141 = arith.constant 0 : i32
      %dma_wait3A_142 = tpu.memref_slice %arg7[%add3A_121, %dma_wait3A_141] : memref<20480x128xf32, #tpu.memory_space<hbm>> -> memref<32x128xf32, #tpu.memory_space<hbm>>
      tpu.wait_dma2 semaphore(%run_scoped3A : memref<!tpu.dma_semaphore, #tpu.memory_space<semaphore_mem>>) src(%arg21 : memref<32x128xf32, #tpu.memory_space<vmem>>) dst(%dma_wait3A_142 : memref<32x128xf32, #tpu.memory_space<hbm>>)
      tpu.yield
    }) : () -> ()
    %add3A_122 = arith.constant 608 : i32
    %add3A_123 = arith.addi %mul3A_0, %add3A_122 : i32
    "tpu.region"() ({
      %run_scoped3A = tpu.sem_alloc : memref<!tpu.dma_semaphore, #tpu.memory_space<semaphore_mem>>
      %dma_start3A = arith.constant 0 : i32
      %dma_start3A_137 = tpu.memref_slice %arg10[%add3A_123, %dma_start3A] : memref<10240x128xf32, #tpu.memory_space<vmem_shared>> -> memref<32x128xf32, #tpu.memory_space<vmem_shared>>
      %dma_start3A_138 = arith.constant 0 : i32
      %dma_start3A_139 = tpu.memref_slice %arg10[%add3A_123, %dma_start3A_138] : memref<10240x128xf32, #tpu.memory_space<vmem_shared>> -> memref<32x128xf32, #tpu.memory_space<vmem_shared>>
      tpu.enqueue_dma source(%dma_start3A_139 : memref<32x128xf32, #tpu.memory_space<vmem_shared>>) target(%arg21 : memref<32x128xf32, #tpu.memory_space<vmem>>) target_semaphore(%run_scoped3A : memref<!tpu.dma_semaphore, #tpu.memory_space<semaphore_mem>>)
      %dma_wait3A = arith.constant 0 : i32
      %dma_wait3A_140 = tpu.memref_slice %arg10[%add3A_123, %dma_wait3A] : memref<10240x128xf32, #tpu.memory_space<vmem_shared>> -> memref<32x128xf32, #tpu.memory_space<vmem_shared>>
      %dma_wait3A_141 = arith.constant 0 : i32
      %dma_wait3A_142 = tpu.memref_slice %arg10[%add3A_123, %dma_wait3A_141] : memref<10240x128xf32, #tpu.memory_space<vmem_shared>> -> memref<32x128xf32, #tpu.memory_space<vmem_shared>>
      tpu.wait_dma2 semaphore(%run_scoped3A : memref<!tpu.dma_semaphore, #tpu.memory_space<semaphore_mem>>) src(%dma_wait3A_142 : memref<32x128xf32, #tpu.memory_space<vmem_shared>>) dst(%arg21 : memref<32x128xf32, #tpu.memory_space<vmem>>)
      tpu.yield
    }) : () -> ()
    %add3A_124 = arith.addi %mul3A_2, %add3A_123 : i32
    "tpu.region"() ({
      %run_scoped3A = tpu.sem_alloc : memref<!tpu.dma_semaphore, #tpu.memory_space<semaphore_mem>>
      %dma_start3A = arith.constant 0 : i32
      %dma_start3A_137 = tpu.memref_slice %arg7[%add3A_124, %dma_start3A] : memref<20480x128xf32, #tpu.memory_space<hbm>> -> memref<32x128xf32, #tpu.memory_space<hbm>>
      %dma_start3A_138 = arith.constant 0 : i32
      %dma_start3A_139 = tpu.memref_slice %arg7[%add3A_124, %dma_start3A_138] : memref<20480x128xf32, #tpu.memory_space<hbm>> -> memref<32x128xf32, #tpu.memory_space<hbm>>
      tpu.enqueue_dma source(%arg21 : memref<32x128xf32, #tpu.memory_space<vmem>>) target(%dma_start3A_139 : memref<32x128xf32, #tpu.memory_space<hbm>>) target_semaphore(%run_scoped3A : memref<!tpu.dma_semaphore, #tpu.memory_space<semaphore_mem>>)
      %dma_wait3A = arith.constant 0 : i32
      %dma_wait3A_140 = tpu.memref_slice %arg7[%add3A_124, %dma_wait3A] : memref<20480x128xf32, #tpu.memory_space<hbm>> -> memref<32x128xf32, #tpu.memory_space<hbm>>
      %dma_wait3A_141 = arith.constant 0 : i32
      %dma_wait3A_142 = tpu.memref_slice %arg7[%add3A_124, %dma_wait3A_141] : memref<20480x128xf32, #tpu.memory_space<hbm>> -> memref<32x128xf32, #tpu.memory_space<hbm>>
      tpu.wait_dma2 semaphore(%run_scoped3A : memref<!tpu.dma_semaphore, #tpu.memory_space<semaphore_mem>>) src(%arg21 : memref<32x128xf32, #tpu.memory_space<vmem>>) dst(%dma_wait3A_142 : memref<32x128xf32, #tpu.memory_space<hbm>>)
      tpu.yield
    }) : () -> ()
    %mul3A_125 = arith.constant 40 : i32
    %mul3A_126 = arith.muli %arg1, %mul3A_125 : i32
    "tpu.region"() ({
      %run_scoped3A = tpu.sem_alloc : memref<!tpu.dma_semaphore, #tpu.memory_space<semaphore_mem>>
      %dma_start3A = arith.constant 0 : i32
      %dma_start3A_137 = tpu.memref_slice %arg11[%mul3A_126, %dma_start3A] : memref<640x128xf32, #tpu.memory_space<vmem_shared>> -> memref<32x128xf32, #tpu.memory_space<vmem_shared>>
      %dma_start3A_138 = arith.constant 0 : i32
      %dma_start3A_139 = tpu.memref_slice %arg11[%mul3A_126, %dma_start3A_138] : memref<640x128xf32, #tpu.memory_space<vmem_shared>> -> memref<32x128xf32, #tpu.memory_space<vmem_shared>>
      tpu.enqueue_dma source(%dma_start3A_139 : memref<32x128xf32, #tpu.memory_space<vmem_shared>>) target(%arg21 : memref<32x128xf32, #tpu.memory_space<vmem>>) target_semaphore(%run_scoped3A : memref<!tpu.dma_semaphore, #tpu.memory_space<semaphore_mem>>)
      %dma_wait3A = arith.constant 0 : i32
      %dma_wait3A_140 = tpu.memref_slice %arg11[%mul3A_126, %dma_wait3A] : memref<640x128xf32, #tpu.memory_space<vmem_shared>> -> memref<32x128xf32, #tpu.memory_space<vmem_shared>>
      %dma_wait3A_141 = arith.constant 0 : i32
      %dma_wait3A_142 = tpu.memref_slice %arg11[%mul3A_126, %dma_wait3A_141] : memref<640x128xf32, #tpu.memory_space<vmem_shared>> -> memref<32x128xf32, #tpu.memory_space<vmem_shared>>
      tpu.wait_dma2 semaphore(%run_scoped3A : memref<!tpu.dma_semaphore, #tpu.memory_space<semaphore_mem>>) src(%dma_wait3A_142 : memref<32x128xf32, #tpu.memory_space<vmem_shared>>) dst(%arg21 : memref<32x128xf32, #tpu.memory_space<vmem>>)
      tpu.yield
    }) : () -> ()
    %mul3A_127 = arith.constant 640 : i32
    %mul3A_128 = arith.muli %arg0, %mul3A_127 : i32
    %add3A_129 = arith.addi %mul3A_128, %mul3A_126 : i32
    "tpu.region"() ({
      %run_scoped3A = tpu.sem_alloc : memref<!tpu.dma_semaphore, #tpu.memory_space<semaphore_mem>>
      %dma_start3A = arith.constant 0 : i32
      %dma_start3A_137 = tpu.memref_slice %arg8[%add3A_129, %dma_start3A] : memref<1280x128xf32, #tpu.memory_space<hbm>> -> memref<32x128xf32, #tpu.memory_space<hbm>>
      %dma_start3A_138 = arith.constant 0 : i32
      %dma_start3A_139 = tpu.memref_slice %arg8[%add3A_129, %dma_start3A_138] : memref<1280x128xf32, #tpu.memory_space<hbm>> -> memref<32x128xf32, #tpu.memory_space<hbm>>
      tpu.enqueue_dma source(%arg21 : memref<32x128xf32, #tpu.memory_space<vmem>>) target(%dma_start3A_139 : memref<32x128xf32, #tpu.memory_space<hbm>>) target_semaphore(%run_scoped3A : memref<!tpu.dma_semaphore, #tpu.memory_space<semaphore_mem>>)
      %dma_wait3A = arith.constant 0 : i32
      %dma_wait3A_140 = tpu.memref_slice %arg8[%add3A_129, %dma_wait3A] : memref<1280x128xf32, #tpu.memory_space<hbm>> -> memref<32x128xf32, #tpu.memory_space<hbm>>
      %dma_wait3A_141 = arith.constant 0 : i32
      %dma_wait3A_142 = tpu.memref_slice %arg8[%add3A_129, %dma_wait3A_141] : memref<1280x128xf32, #tpu.memory_space<hbm>> -> memref<32x128xf32, #tpu.memory_space<hbm>>
      tpu.wait_dma2 semaphore(%run_scoped3A : memref<!tpu.dma_semaphore, #tpu.memory_space<semaphore_mem>>) src(%arg21 : memref<32x128xf32, #tpu.memory_space<vmem>>) dst(%dma_wait3A_142 : memref<32x128xf32, #tpu.memory_space<hbm>>)
      tpu.yield
    }) : () -> ()
    %add3A_130 = arith.constant 32 : i32
    %add3A_131 = arith.addi %mul3A_126, %add3A_130 : i32
    "tpu.region"() ({
      %run_scoped3A = tpu.sem_alloc : memref<!tpu.dma_semaphore, #tpu.memory_space<semaphore_mem>>
      %dma_start3A = arith.constant 0 : i32
      %dma_start3A_137 = arith.constant 0 : i32
      %dma_start3A_138 = tpu.memref_slice %arg21[%dma_start3A, %dma_start3A_137] : memref<32x128xf32, #tpu.memory_space<vmem>> -> memref<8x128xf32, #tpu.memory_space<vmem>>
      %dma_start3A_139 = arith.constant 0 : i32
      %dma_start3A_140 = tpu.memref_slice %arg11[%add3A_131, %dma_start3A_139] : memref<640x128xf32, #tpu.memory_space<vmem_shared>> -> memref<8x128xf32, #tpu.memory_space<vmem_shared>>
      %dma_start3A_141 = arith.constant 0 : i32
      %dma_start3A_142 = arith.constant 0 : i32
      %dma_start3A_143 = tpu.memref_slice %arg21[%dma_start3A_141, %dma_start3A_142] : memref<32x128xf32, #tpu.memory_space<vmem>> -> memref<8x128xf32, #tpu.memory_space<vmem>>
      %dma_start3A_144 = arith.constant 0 : i32
      %dma_start3A_145 = tpu.memref_slice %arg11[%add3A_131, %dma_start3A_144] : memref<640x128xf32, #tpu.memory_space<vmem_shared>> -> memref<8x128xf32, #tpu.memory_space<vmem_shared>>
      tpu.enqueue_dma source(%dma_start3A_145 : memref<8x128xf32, #tpu.memory_space<vmem_shared>>) target(%dma_start3A_143 : memref<8x128xf32, #tpu.memory_space<vmem>>) target_semaphore(%run_scoped3A : memref<!tpu.dma_semaphore, #tpu.memory_space<semaphore_mem>>)
      %dma_wait3A = arith.constant 0 : i32
      %dma_wait3A_146 = arith.constant 0 : i32
      %dma_wait3A_147 = tpu.memref_slice %arg21[%dma_wait3A, %dma_wait3A_146] : memref<32x128xf32, #tpu.memory_space<vmem>> -> memref<8x128xf32, #tpu.memory_space<vmem>>
      %dma_wait3A_148 = arith.constant 0 : i32
      %dma_wait3A_149 = tpu.memref_slice %arg11[%add3A_131, %dma_wait3A_148] : memref<640x128xf32, #tpu.memory_space<vmem_shared>> -> memref<8x128xf32, #tpu.memory_space<vmem_shared>>
      %dma_wait3A_150 = arith.constant 0 : i32
      %dma_wait3A_151 = arith.constant 0 : i32
      %dma_wait3A_152 = tpu.memref_slice %arg21[%dma_wait3A_150, %dma_wait3A_151] : memref<32x128xf32, #tpu.memory_space<vmem>> -> memref<8x128xf32, #tpu.memory_space<vmem>>
      %dma_wait3A_153 = arith.constant 0 : i32
      %dma_wait3A_154 = tpu.memref_slice %arg11[%add3A_131, %dma_wait3A_153] : memref<640x128xf32, #tpu.memory_space<vmem_shared>> -> memref<8x128xf32, #tpu.memory_space<vmem_shared>>
      tpu.wait_dma2 semaphore(%run_scoped3A : memref<!tpu.dma_semaphore, #tpu.memory_space<semaphore_mem>>) src(%dma_wait3A_154 : memref<8x128xf32, #tpu.memory_space<vmem_shared>>) dst(%dma_wait3A_152 : memref<8x128xf32, #tpu.memory_space<vmem>>)
      tpu.yield
    }) : () -> ()
    %mul3A_132 = arith.constant 640 : i32
    %mul3A_133 = arith.muli %arg0, %mul3A_132 : i32
    %add3A_134 = arith.addi %mul3A_133, %mul3A_126 : i32
    %add3A_135 = arith.constant 32 : i32
    %add3A_136 = arith.addi %add3A_134, %add3A_135 : i32
    "tpu.region"() ({
      %run_scoped3A = tpu.sem_alloc : memref<!tpu.dma_semaphore, #tpu.memory_space<semaphore_mem>>
      %dma_start3A = arith.constant 0 : i32
      %dma_start3A_137 = arith.constant 0 : i32
      %dma_start3A_138 = tpu.memref_slice %arg21[%dma_start3A, %dma_start3A_137] : memref<32x128xf32, #tpu.memory_space<vmem>> -> memref<8x128xf32, #tpu.memory_space<vmem>>
      %dma_start3A_139 = arith.constant 0 : i32
      %dma_start3A_140 = tpu.memref_slice %arg8[%add3A_136, %dma_start3A_139] : memref<1280x128xf32, #tpu.memory_space<hbm>> -> memref<8x128xf32, #tpu.memory_space<hbm>>
      %dma_start3A_141 = arith.constant 0 : i32
      %dma_start3A_142 = tpu.memref_slice %arg8[%add3A_136, %dma_start3A_141] : memref<1280x128xf32, #tpu.memory_space<hbm>> -> memref<8x128xf32, #tpu.memory_space<hbm>>
      %dma_start3A_143 = arith.constant 0 : i32
      %dma_start3A_144 = arith.constant 0 : i32
      %dma_start3A_145 = tpu.memref_slice %arg21[%dma_start3A_143, %dma_start3A_144] : memref<32x128xf32, #tpu.memory_space<vmem>> -> memref<8x128xf32, #tpu.memory_space<vmem>>
      tpu.enqueue_dma source(%dma_start3A_145 : memref<8x128xf32, #tpu.memory_space<vmem>>) target(%dma_start3A_142 : memref<8x128xf32, #tpu.memory_space<hbm>>) target_semaphore(%run_scoped3A : memref<!tpu.dma_semaphore, #tpu.memory_space<semaphore_mem>>)
      %dma_wait3A = arith.constant 0 : i32
      %dma_wait3A_146 = arith.constant 0 : i32
      %dma_wait3A_147 = tpu.memref_slice %arg21[%dma_wait3A, %dma_wait3A_146] : memref<32x128xf32, #tpu.memory_space<vmem>> -> memref<8x128xf32, #tpu.memory_space<vmem>>
      %dma_wait3A_148 = arith.constant 0 : i32
      %dma_wait3A_149 = tpu.memref_slice %arg8[%add3A_136, %dma_wait3A_148] : memref<1280x128xf32, #tpu.memory_space<hbm>> -> memref<8x128xf32, #tpu.memory_space<hbm>>
      %dma_wait3A_150 = arith.constant 0 : i32
      %dma_wait3A_151 = tpu.memref_slice %arg8[%add3A_136, %dma_wait3A_150] : memref<1280x128xf32, #tpu.memory_space<hbm>> -> memref<8x128xf32, #tpu.memory_space<hbm>>
      %dma_wait3A_152 = arith.constant 0 : i32
      %dma_wait3A_153 = arith.constant 0 : i32
      %dma_wait3A_154 = tpu.memref_slice %arg21[%dma_wait3A_152, %dma_wait3A_153] : memref<32x128xf32, #tpu.memory_space<vmem>> -> memref<8x128xf32, #tpu.memory_space<vmem>>
      tpu.wait_dma2 semaphore(%run_scoped3A : memref<!tpu.dma_semaphore, #tpu.memory_space<semaphore_mem>>) src(%dma_wait3A_154 : memref<8x128xf32, #tpu.memory_space<vmem>>) dst(%dma_wait3A_151 : memref<8x128xf32, #tpu.memory_space<hbm>>)
      tpu.yield
    }) : () -> ()
    return
  }
}

module attributes {stable_mosaic.version = 14 : i64} {
  func.func @_mm_body(%arg0: i32, %arg1: memref<800x128xf32, #tpu.memory_space<vmem>>, %arg2: memref<128x128xf32, #tpu.memory_space<vmem>>, %arg3: memref<800x128xf32, #tpu.memory_space<vmem>>) attributes {dimension_semantics = [#tpu.dimension_semantics<arbitrary>], iteration_bounds = array<i64: 25>, scalar_prefetch = 0 : i64, scratch_operands = 0 : i64, tpu.core_type = #tpu.core_type<tc>, window_params = [{transform_indices = @transform_0, window_bounds = array<i64: 800, 128>}, {pipeline_mode = #tpu.pipeline_mode<synchronous>, transform_indices = @transform_1, window_bounds = array<i64: 128, 128>}, {transform_indices = @transform_2, window_bounds = array<i64: 800, 128>}]} {
    %get3A = arith.constant 0 : index
    %get3A_0 = arith.constant 0 : index
    %get3A_1 = vector.load %arg1[%get3A, %get3A_0] : memref<800x128xf32, #tpu.memory_space<vmem>>, vector<800x128xf32>
    %get3A_2 = arith.constant 0 : index
    %get3A_3 = arith.constant 0 : index
    %get3A_4 = vector.load %arg2[%get3A_2, %get3A_3] : memref<128x128xf32, #tpu.memory_space<vmem>>, vector<128x128xf32>
    %dot_general3A = arith.constant dense<0.000000e+00> : vector<800x128xf32>
    %dot_general3A_5 = tpu.matmul %get3A_1, %get3A_4, %dot_general3A {dimension_numbers = #tpu.dot_dimension_numbers<[1], [0], [0], [1], [0, 0, 1, 1], [], []>, transpose_lhs_hint = false} : vector<800x128xf32>, vector<128x128xf32>, vector<800x128xf32> -> vector<800x128xf32>
    %swap3A = arith.constant 0 : index
    %swap3A_6 = arith.constant 0 : index
    %swap3A_7 = vector.load %arg3[%swap3A, %swap3A_6] : memref<800x128xf32, #tpu.memory_space<vmem>>, vector<800x128xf32>
    tpu.vector_store %arg3[%swap3A, %swap3A_6], %dot_general3A_5 {strides = array<i32>} : memref<800x128xf32, #tpu.memory_space<vmem>>, vector<800x128xf32>,
    return
  }
  func.func @transform_0(%arg0: i32) -> (i32, i32) {
    %c0_i32 = arith.constant 0 : i32
    %c0_i32_0 = arith.constant 0 : i32
    return %arg0, %c0_i32 : i32, i32
  }
  func.func @transform_1(%arg0: i32) -> (i32, i32) {
    %c0_i32 = arith.constant 0 : i32
    %c0_i32_0 = arith.constant 0 : i32
    %c0_i32_1 = arith.constant 0 : i32
    return %c0_i32, %c0_i32_0 : i32, i32
  }
  func.func @transform_2(%arg0: i32) -> (i32, i32) {
    %c0_i32 = arith.constant 0 : i32
    %c0_i32_0 = arith.constant 0 : i32
    return %arg0, %c0_i32 : i32, i32
  }
}

module attributes {stable_mosaic.version = 14 : i64} {
  func.func @_mm_body(%arg0: i32, %arg1: memref<800x128xf32, #tpu.memory_space<vmem>>, %arg2: memref<128x128xf32, #tpu.memory_space<vmem>>, %arg3: memref<800x128xf32, #tpu.memory_space<vmem>>) attributes {dimension_semantics = [#tpu.dimension_semantics<arbitrary>], iteration_bounds = array<i64: 400>, scalar_prefetch = 0 : i64, scratch_operands = 0 : i64, tpu.core_type = #tpu.core_type<tc>, window_params = [{transform_indices = @transform_0, window_bounds = array<i64: 800, 128>}, {pipeline_mode = #tpu.pipeline_mode<synchronous>, transform_indices = @transform_1, window_bounds = array<i64: 128, 128>}, {transform_indices = @transform_2, window_bounds = array<i64: 800, 128>}]} {
    %get3A = arith.constant 0 : index
    %get3A_0 = arith.constant 0 : index
    %get3A_1 = vector.load %arg1[%get3A, %get3A_0] : memref<800x128xf32, #tpu.memory_space<vmem>>, vector<800x128xf32>
    %get3A_2 = arith.constant 0 : index
    %get3A_3 = arith.constant 0 : index
    %get3A_4 = vector.load %arg2[%get3A_2, %get3A_3] : memref<128x128xf32, #tpu.memory_space<vmem>>, vector<128x128xf32>
    %dot_general3A = arith.constant dense<0.000000e+00> : vector<800x128xf32>
    %dot_general3A_5 = tpu.matmul %get3A_1, %get3A_4, %dot_general3A {dimension_numbers = #tpu.dot_dimension_numbers<[1], [0], [0], [1], [0, 0, 1, 1], [], []>, transpose_lhs_hint = false} : vector<800x128xf32>, vector<128x128xf32>, vector<800x128xf32> -> vector<800x128xf32>
    %swap3A = arith.constant 0 : index
    %swap3A_6 = arith.constant 0 : index
    %swap3A_7 = vector.load %arg3[%swap3A, %swap3A_6] : memref<800x128xf32, #tpu.memory_space<vmem>>, vector<800x128xf32>
    tpu.vector_store %arg3[%swap3A, %swap3A_6], %dot_general3A_5 {strides = array<i32>} : memref<800x128xf32, #tpu.memory_space<vmem>>, vector<800x128xf32>,
    return
  }
  func.func @transform_0(%arg0: i32) -> (i32, i32) {
    %c0_i32 = arith.constant 0 : i32
    %c0_i32_0 = arith.constant 0 : i32
    return %arg0, %c0_i32 : i32, i32
  }
  func.func @transform_1(%arg0: i32) -> (i32, i32) {
    %c0_i32 = arith.constant 0 : i32
    %c0_i32_0 = arith.constant 0 : i32
    %c0_i32_1 = arith.constant 0 : i32
    return %c0_i32, %c0_i32_0 : i32, i32
  }
  func.func @transform_2(%arg0: i32) -> (i32, i32) {
    %c0_i32 = arith.constant 0 : i32
    %c0_i32_0 = arith.constant 0 : i32
    return %arg0, %c0_i32 : i32, i32
  }
}

module attributes {stable_mosaic.version = 14 : i64} {
  func.func @_post_body(%arg0: i32, %arg1: memref<1000x128xf32, #tpu.memory_space<vmem>>, %arg2: memref<1000x8xf32, #tpu.memory_space<vmem>>, %arg3: memref<1000x128xf32, #tpu.memory_space<vmem>>, %arg4: memref<128x128xf32, #tpu.memory_space<vmem>>, %arg5: memref<1x128xf32, #tpu.memory_space<vmem>>, %arg6: memref<1x128xf32, #tpu.memory_space<vmem>>, %arg7: memref<1000x128xf32, #tpu.memory_space<vmem>>) attributes {dimension_semantics = [#tpu.dimension_semantics<arbitrary>], iteration_bounds = array<i64: 20>, scalar_prefetch = 0 : i64, scratch_operands = 0 : i64, tpu.core_type = #tpu.core_type<tc>, window_params = [{transform_indices = @transform_0, window_bounds = array<i64: 1000, 128>}, {transform_indices = @transform_1, window_bounds = array<i64: 1000, 8>}, {transform_indices = @transform_2, window_bounds = array<i64: 1000, 128>}, {pipeline_mode = #tpu.pipeline_mode<synchronous>, transform_indices = @transform_3, window_bounds = array<i64: 128, 128>}, {pipeline_mode = #tpu.pipeline_mode<synchronous>, transform_indices = @transform_4, window_bounds = array<i64: 1, 128>}, {pipeline_mode = #tpu.pipeline_mode<synchronous>, transform_indices = @transform_5, window_bounds = array<i64: 1, 128>}, {transform_indices = @transform_6, window_bounds = array<i64: 1000, 128>}]} {
    %iota3A = tpu.iota {dimensions = array<i32: 0>} : vector<8x128xi32>
    %iota3A_0 = tpu.iota {dimensions = array<i32: 1>} : vector<8x128xi32>
    %jit3A = arith.constant 16 : i32
    %div3A = vector.broadcast %jit3A : i32 to vector<8x128xi32>
    %div3A_1 = arith.divsi %iota3A_0, %div3A : vector<8x128xi32>
    %sign3A = arith.constant 0 : i32
    %sign3A_2 = vector.broadcast %sign3A : i32 to vector<8x128xi32>
    %sign3A_3 = arith.cmpi sgt, %iota3A_0, %sign3A_2 : vector<8x128xi32>
    %sign3A_4 = arith.extui %sign3A_3 : vector<8x128xi1> to vector<8x128xi32>
    %sign3A_5 = arith.constant 0 : i32
    %sign3A_6 = vector.broadcast %sign3A_5 : i32 to vector<8x128xi32>
    %sign3A_7 = arith.cmpi slt, %iota3A_0, %sign3A_6 : vector<8x128xi32>
    %sign3A_8 = arith.extui %sign3A_7 : vector<8x128xi1> to vector<8x128xi32>
    %sign3A_9 = arith.subi %sign3A_4, %sign3A_8 : vector<8x128xi32>
    %sign3A_10 = arith.constant 0 : i32
    %sign3A_11 = arith.cmpi sgt, %jit3A, %sign3A_10 : i32
    %sign3A_12 = arith.extui %sign3A_11 : i1 to i32
    %sign3A_13 = arith.constant 0 : i32
    %sign3A_14 = arith.cmpi slt, %jit3A, %sign3A_13 : i32
    %sign3A_15 = arith.extui %sign3A_14 : i1 to i32
    %sign3A_16 = arith.subi %sign3A_12, %sign3A_15 : i32
    %ne3A = vector.broadcast %sign3A_16 : i32 to vector<8x128xi32>
    %ne3A_17 = arith.cmpi ne, %sign3A_9, %ne3A : vector<8x128xi32>
    %rem3A = vector.broadcast %jit3A : i32 to vector<8x128xi32>
    %rem3A_18 = arith.remsi %iota3A_0, %rem3A : vector<8x128xi32>
    %ne3A_19 = arith.constant 0 : i32
    %ne3A_20 = vector.broadcast %ne3A_19 : i32 to vector<8x128xi32>
    %ne3A_21 = arith.cmpi ne, %rem3A_18, %ne3A_20 : vector<8x128xi32>
    %and3A = arith.andi %ne3A_17, %ne3A_21 : vector<8x128xi1>
    %sub3A = arith.constant 1 : i32
    %sub3A_22 = vector.broadcast %sub3A : i32 to vector<8x128xi32>
    %sub3A_23 = arith.subi %div3A_1, %sub3A_22 : vector<8x128xi32>
    %select_n3A = arith.select %and3A, %sub3A_23, %div3A_1 : vector<8x128xi1>, vector<8x128xi32>
    %eq3A = arith.cmpi eq, %select_n3A, %iota3A : vector<8x128xi32>
    %convert_element_type3A = arith.extui %eq3A : vector<8x128xi1> to vector<8x128xi32>
    %convert_element_type3A_24 = arith.sitofp %convert_element_type3A : vector<8x128xi32> to vector<8x128xf32>
    %get3A = arith.constant 0 : index
    %get3A_25 = arith.constant 0 : index
    %get3A_26 = vector.load %arg2[%get3A, %get3A_25] : memref<1000x8xf32, #tpu.memory_space<vmem>>, vector<1000x8xf32>
    %dot_general3A = arith.constant dense<0.000000e+00> : vector<1000x128xf32>
    %dot_general3A_27 = tpu.matmul %get3A_26, %convert_element_type3A_24, %dot_general3A {dimension_numbers = #tpu.dot_dimension_numbers<[1], [0], [0], [1], [0, 0, 1, 1], [], []>, transpose_lhs_hint = false} : vector<1000x8xf32>, vector<8x128xf32>, vector<1000x128xf32> -> vector<1000x128xf32>
    %get3A_28 = arith.constant 0 : index
    %get3A_29 = arith.constant 0 : index
    %get3A_30 = vector.load %arg1[%get3A_28, %get3A_29] : memref<1000x128xf32, #tpu.memory_space<vmem>>, vector<1000x128xf32>
    %add3A = arith.constant 9.99999993E-9 : f32
    %add3A_31 = vector.broadcast %add3A : f32 to vector<1000x128xf32>
    %add3A_32 = arith.addf %dot_general3A_27, %add3A_31 : vector<1000x128xf32>
    %div3A_33 = arith.divf %get3A_30, %add3A_32 : vector<1000x128xf32>
    %get3A_34 = arith.constant 0 : index
    %get3A_35 = arith.constant 0 : index
    %get3A_36 = vector.load %arg4[%get3A_34, %get3A_35] : memref<128x128xf32, #tpu.memory_space<vmem>>, vector<128x128xf32>
    %dot_general3A_37 = arith.constant dense<0.000000e+00> : vector<1000x128xf32>
    %dot_general3A_38 = tpu.matmul %div3A_33, %get3A_36, %dot_general3A_37 {dimension_numbers = #tpu.dot_dimension_numbers<[1], [0], [0], [1], [0, 0, 1, 1], [], []>, transpose_lhs_hint = false} : vector<1000x128xf32>, vector<128x128xf32>, vector<1000x128xf32> -> vector<1000x128xf32>
    %get3A_39 = arith.constant 0 : index
    %get3A_40 = arith.constant 0 : index
    %get3A_41 = vector.load %arg3[%get3A_39, %get3A_40] : memref<1000x128xf32, #tpu.memory_space<vmem>>, vector<1000x128xf32>
    %add3A_42 = arith.addf %dot_general3A_38, %get3A_41 : vector<1000x128xf32>
    %reduce_sum3A = arith.constant dense<0.000000e+00> : vector<1000xf32>
    %reduce_sum3A_43 = vector.multi_reduction <add>, %add3A_42, %reduce_sum3A [1] : vector<1000x128xf32> to vector<1000xf32>
    %broadcast_in_dim3A = vector.shape_cast %reduce_sum3A_43 : vector<1000xf32> to vector<1000x1xf32>
    %div3A_44 = arith.constant 1.280000e+02 : f32
    %div3A_45 = vector.broadcast %div3A_44 : f32 to vector<1000x1xf32>
    %div3A_46 = arith.divf %broadcast_in_dim3A, %div3A_45 : vector<1000x1xf32>
    %sub3A_47 = vector.broadcast %div3A_46 : vector<1000x1xf32> to vector<1000x128xf32>
    %sub3A_48 = arith.subf %add3A_42, %sub3A_47 : vector<1000x128xf32>
    %integer_pow3A = arith.mulf %sub3A_48, %sub3A_48 : vector<1000x128xf32>
    %reduce_sum3A_49 = arith.constant dense<0.000000e+00> : vector<1000xf32>
    %reduce_sum3A_50 = vector.multi_reduction <add>, %integer_pow3A, %reduce_sum3A_49 [1] : vector<1000x128xf32> to vector<1000xf32>
    %broadcast_in_dim3A_51 = vector.shape_cast %reduce_sum3A_50 : vector<1000xf32> to vector<1000x1xf32>
    %div3A_52 = arith.constant 1.280000e+02 : f32
    %div3A_53 = vector.broadcast %div3A_52 : f32 to vector<1000x1xf32>
    %div3A_54 = arith.divf %broadcast_in_dim3A_51, %div3A_53 : vector<1000x1xf32>
    %get3A_55 = arith.constant 0 : index
    %get3A_56 = arith.constant 0 : index
    %get3A_57 = vector.load %arg5[%get3A_55, %get3A_56] : memref<1x128xf32, #tpu.memory_space<vmem>>, vector<1x128xf32>
    %sub3A_58 = vector.broadcast %div3A_46 : vector<1000x1xf32> to vector<1000x128xf32>
    %sub3A_59 = arith.subf %add3A_42, %sub3A_58 : vector<1000x128xf32>
    %mul3A = vector.broadcast %get3A_57 : vector<1x128xf32> to vector<1000x128xf32>
    %mul3A_60 = arith.mulf %mul3A, %sub3A_59 : vector<1000x128xf32>
    %add3A_61 = arith.constant 9.99999974E-6 : f32
    %add3A_62 = vector.broadcast %add3A_61 : f32 to vector<1000x1xf32>
    %add3A_63 = arith.addf %div3A_54, %add3A_62 : vector<1000x1xf32>
    %rsqrt3A = math.rsqrt %add3A_63 : vector<1000x1xf32>
    %mul3A_64 = vector.broadcast %rsqrt3A : vector<1000x1xf32> to vector<1000x128xf32>
    %mul3A_65 = arith.mulf %mul3A_60, %mul3A_64 : vector<1000x128xf32>
    %get3A_66 = arith.constant 0 : index
    %get3A_67 = arith.constant 0 : index
    %get3A_68 = vector.load %arg6[%get3A_66, %get3A_67] : memref<1x128xf32, #tpu.memory_space<vmem>>, vector<1x128xf32>
    %add3A_69 = vector.broadcast %get3A_68 : vector<1x128xf32> to vector<1000x128xf32>
    %add3A_70 = arith.addf %mul3A_65, %add3A_69 : vector<1000x128xf32>
    %swap3A = arith.constant 0 : index
    %swap3A_71 = arith.constant 0 : index
    %swap3A_72 = vector.load %arg7[%swap3A, %swap3A_71] : memref<1000x128xf32, #tpu.memory_space<vmem>>, vector<1000x128xf32>
    tpu.vector_store %arg7[%swap3A, %swap3A_71], %add3A_70 {strides = array<i32>} : memref<1000x128xf32, #tpu.memory_space<vmem>>, vector<1000x128xf32>,
    return
  }
  func.func @transform_0(%arg0: i32) -> (i32, i32) {
    %c0_i32 = arith.constant 0 : i32
    %c0_i32_0 = arith.constant 0 : i32
    return %arg0, %c0_i32 : i32, i32
  }
  func.func @transform_1(%arg0: i32) -> (i32, i32) {
    %c0_i32 = arith.constant 0 : i32
    %c0_i32_0 = arith.constant 0 : i32
    return %arg0, %c0_i32 : i32, i32
  }
  func.func @transform_2(%arg0: i32) -> (i32, i32) {
    %c0_i32 = arith.constant 0 : i32
    %c0_i32_0 = arith.constant 0 : i32
    return %arg0, %c0_i32 : i32, i32
  }
  func.func @transform_3(%arg0: i32) -> (i32, i32) {
    %c0_i32 = arith.constant 0 : i32
    %c0_i32_0 = arith.constant 0 : i32
    %c0_i32_1 = arith.constant 0 : i32
    return %c0_i32, %c0_i32_0 : i32, i32
  }
  func.func @transform_4(%arg0: i32) -> (i32, i32) {
    %c0_i32 = arith.constant 0 : i32
    %c0_i32_0 = arith.constant 0 : i32
    %c0_i32_1 = arith.constant 0 : i32
    return %c0_i32, %c0_i32_0 : i32, i32
  }
  func.func @transform_5(%arg0: i32) -> (i32, i32) {
    %c0_i32 = arith.constant 0 : i32
    %c0_i32_0 = arith.constant 0 : i32
    %c0_i32_1 = arith.constant 0 : i32
    return %c0_i32, %c0_i32_0 : i32, i32
  }
  func.func @transform_6(%arg0: i32) -> (i32, i32) {
    %c0_i32 = arith.constant 0 : i32
    %c0_i32_0 = arith.constant 0 : i32
    return %arg0, %c0_i32 : i32, i32
  }
}

</mosaic_0001>

<sc_bundles>
// kernel: kernel.8.cloned.1.call-start
scs
__scs_entry_jumppad:
0x0: {  	(pc) =	sbr.rel $0x88, $3  }
0x1: {  	(tag) =	ssettag $0x0;
	lr =	simm.s32 $0x1  }
0x2: {  	[smem:$0x3F95] =	sst lr;
	_ =	strace $0xD0000000  }
0x3: {  	_ = 	snop  }
0x4: {  	_ = 	snop  }
0x5: {  	_ = 	snop  }
0x6: {  	_ = 	snop  }
0x7: {  	_ = 	snop  }
__scs_overlays_trampoline_lowered:
0x8: {  	[smem:$0x3FA4] =	sst s0  }
0x9: {  	[smem:$0x3FA5] =	sst s1  }
0xa: {  	[smem:$0x3FA6] =	sst s2  }
0xb: {  	[smem:$0x3FA7] =	sst s3  }
0xc: {  	[smem:$0x3FA8] =	sst s4  }
0xd: {  	[smem:$0x3FA9] =	sst s5  }
0xe: {  	[smem:$0x3FAA] =	sst s6  }
0xf: {  	[smem:$0x3FAB] =	sst s7  }
0x10: {  	[smem:$0x3FAC] =	sst s8  }
0x11: {  	[smem:$0x3FAD] =	sst s9;
	s0 =	simm.s32 @!p0 $0x0  }
0x12: {  	s1 =	sld [smem:$0x3F93];
	s0 =	simm.s32 @p0 $0x1  }
0x13: {  	[smem:$0x3FAE] =	sst s0;
	s0 =	simm.s32 @!p1 $0x0  }
0x14: {  	s2 =	sld [smem:$0x3F92];
	s0 =	simm.s32 @p1 $0x1  }
0x15: {  	[smem:$0x3FAF] =	sst s0;
	s0 =	simm.s32 @!p2 $0x0  }
0x16: {  	s3 =	sld [smem:$0x3FDB];
	s0 =	simm.s32 @p2 $0x1  }
0x17: {  	s4 =	simm.s32 $0x1BF5;
	[smem:$0x3FB1] =	sst s0  }
0x18: {  	s0 =	sld [smem:$0x3F94];
	_ =	swait.ge [sflag:s4], $0x0  }
0x19: {  	s7 =	sld [smem:$0x3F95]  }
0x1a: {  	s8 =	sadd.s32 $0xFFFFE003, lr  }
0x1b: {  	s9 =	sadd.s32 $0xFFFFFEF7, lr;
	s5 =	simm.s32 $0xFFFFFFFF;
	p2 =	slt.u32 s8, $0xFFFFF086  }
0x1c: {  	p1 =	slt.u32 s9, $0xF7A;
	s5 =	simm.s32 @!p2 $0x0  }
0x1d: {  	s5 =	simm.s32 @p1 $0x1;
	p0 =	seq.s32 s7, s2  }
0x1e: {  	s7 =	smul.u32 @!p0 $0xF7A, s2;
	p2 =	seq.s32 @!p0 s5, $0x0  }
0x1f: {  	s9 =	smul.u32 $0xF7A, s1;
	s8 =	simm.s32 @!p0 $0x1BF5;
	p2 =	por !p2, p0  }
0x20: {  	[sflag:s8] =	ssyncset.s32 @!p0 $0xFFFFF086;
	s6 =	sadd.s32 @!p0 s3, s7;
	s7 =	simm.s32 @!p0 $0x108  }
0x21: {  	s3 =	sadd.s32 s3, s9;
	s6 =	sadd.s32 @!p0 $0x88, s6;
	s7 =	simm.s32 @p2 $0x1082  }
0x22: {  	[simem:s7], [sflag:s8] =	dma.local @!p0 [hbm:s6], $0xF7A  }
0x23: {  	s9 =	sor.u32 $0xD0000000, s2;
	s6 =	simm.s32 $0x108;
	_ =	swait.ge @!p0 [sflag:s8], $0x0  }
0x24: {  	s3 =	sadd.s32 $0x88, s3;
	s6 =	simm.s32 @!p1 $0x1082;
	[sflag:s4] =	ssyncset.s32 $0xFFFFF086  }
0x25: {  	[simem:s6], [sflag:s4] =	dma.local [hbm:s3], $0xF7A  }
0x26: {  	[smem:$0x3F95] =	sst s1;
	(tag) =	ssettag s2;
	_ =	strace s9  }
0x27: {  	s1 =	sld [smem:$0x3FA5]  }
0x28: {  	s2 =	sld [smem:$0x3FA6]  }
0x29: {  	s4 =	sld [smem:$0x3FA8]  }
0x2a: {  	p0 =	seq.s32 s5, $0x0;
	s5 =	sld [smem:$0x3FA9]  }
0x2b: {  	s6 =	sld [smem:$0x3FAA]  }
0x2c: {  	s7 =	sld [smem:$0x3FAB]  }
0x2d: {  	s3 =	simm.s32 $0x108;
	s8 =	sld [smem:$0x3FAC]  }
0x2e: {  	s3 =	simm.s32 @!p0 $0x1082;
	s9 =	sld [smem:$0x3FAD]  }
0x2f: {  	lr =	sadd.s32 s0, s3;
	s0 =	sld [smem:$0x3FA4]  }
0x30: {  	s3 =	sld [smem:$0x3FA7]  }
0x31: {  	[smem:$0x3FB0] =	sst s10  }
0x32: {  	s10 =	sld [smem:$0x3FAE];
	_ =	sdelay $0x3  }
0x33: {  	p0 =	seq.s32 s10, $0x1;
	s10 =	sld [smem:$0x3FB0];
	_ =	sdelay $0x3  }
0x34: {  	[smem:$0x3FB0] =	sst s10  }
0x35: {  	s10 =	sld [smem:$0x3FAF];
	_ =	sdelay $0x3  }
0x36: {  	p1 =	seq.s32 s10, $0x1;
	s10 =	sld [smem:$0x3FB0];
	_ =	sdelay $0x3  }
0x37: {  	[smem:$0x3FB0] =	sst s10  }
0x38: {  	s10 =	sld [smem:$0x3FB1]  }
0x39: {  	_ = 	snop;
	(pc) =	sbr.ind lr, $3  }
0x3a: {  	_ = 	snop  }
0x3b: {  	_ = 	snop  }
0x3c: {  	p2 =	seq.s32 s10, $0x1;
	s10 =	sld [smem:$0x3FB0]  }
0x3d: {  	_ =	shalt  }
0x3e: {  	_ =	shalt  }
0x3f: {  	_ =	shalt  }
0x40: {  	_ =	shalt  }
0x41: {  	_ =	shalt  }
0x42: {  	_ =	shalt  }
0x43: {  	_ =	shalt  }
0x44: {  	_ =	shalt  }
0x45: {  	_ =	shalt  }
0x46: {  	_ =	shalt  }
0x47: {  	_ =	shalt  }
0x48: {  	_ =	shalt  }
0x49: {  	_ =	shalt  }
0x4a: {  	_ =	shalt  }
0x4b: {  	_ =	shalt  }
0x4c: {  	_ =	shalt  }
0x4d: {  	_ =	shalt  }
0x4e: {  	_ =	shalt  }
0x4f: {  	_ =	shalt  }
0x50: {  	_ =	shalt  }
0x51: {  	_ =	shalt  }
0x52: {  	_ =	shalt  }
0x53: {  	_ =	shalt  }
0x54: {  	_ =	shalt  }
0x55: {  	_ =	shalt  }
0x56: {  	_ =	shalt  }
0x57: {  	_ =	shalt  }
0x58: {  	_ =	shalt  }
0x59: {  	_ =	shalt  }
0x5a: {  	_ =	shalt  }
0x5b: {  	_ =	shalt  }
0x5c: {  	_ =	shalt  }
0x5d: {  	_ =	shalt  }
0x5e: {  	_ =	shalt  }
0x5f: {  	_ =	shalt  }
0x60: {  	_ =	shalt  }
0x61: {  	_ =	shalt  }
0x62: {  	_ =	shalt  }
0x63: {  	_ =	shalt  }
0x64: {  	_ =	shalt  }
0x65: {  	_ =	shalt  }
0x66: {  	_ =	shalt  }
0x67: {  	_ =	shalt  }
0x68: {  	_ =	shalt  }
0x69: {  	_ =	shalt  }
0x6a: {  	_ =	shalt  }
0x6b: {  	_ =	shalt  }
0x6c: {  	_ =	shalt  }
0x6d: {  	_ =	shalt  }
0x6e: {  	_ =	shalt  }
0x6f: {  	_ =	shalt  }
0x70: {  	_ =	shalt  }
0x71: {  	_ =	shalt  }
0x72: {  	_ =	shalt  }
0x73: {  	_ =	shalt  }
0x74: {  	_ =	shalt  }
0x75: {  	_ =	shalt  }
0x76: {  	_ =	shalt  }
0x77: {  	_ =	shalt  }
0x78: {  	_ =	shalt  }
0x79: {  	_ =	shalt  }
0x7a: {  	_ =	shalt  }
0x7b: {  	_ =	shalt  }
0x7c: {  	_ =	shalt  }
0x7d: {  	_ =	shalt  }
0x7e: {  	_ =	shalt  }
0x7f: {  	_ =	shalt  }
0x80: {  	_ =	shalt  }
0x81: {  	_ =	shalt  }
0x82: {  	_ =	shalt  }
0x83: {  	_ =	shalt  }
0x84: {  	_ =	shalt  }
0x85: {  	_ =	shalt  }
0x86: {  	_ =	shalt  }
0x87: {  	_ =	shalt  }
.Lfunc_end0:
.L_simem_size_0:
called_computation_lowered:
.L_overlay_start_0:
0x88: {  	s2 =	sld [smem:$0x3FD9]  }
0x89: {  	s3 =	sld [smem:$0x3FFE];
	_ =	sdelay $0x1  }
0x8a: {  	s1 =	srdreg.scid  }
0x8b: {  	s0 =	sand.u32 $0x1, s1  }
0x8c: {  	s14 =	sshll.u32 s0, $0xA;
	s2 =	sadd.s32 s3, s2  }
0x8d: {  	s2 =	sadd.s32 s2, s14  }
0x8e: {  	[smem:$0x3FBC] =	sst s2  }
0x8f: {  	_ = 	snop  }
0x90: {  	s2 =	sld [smem:$0x3FD0];
	_ =	sdelay $0x2  }
0x91: {  	s15 =	simm.s32 $0xA;
	s4 =	simm.s32 $0x10  }
0x92: {  	[smem:s4], [sflag:s15] =	dma.local [hbm:s2], $0x1  }
0x93: {  	_ =	swait.eq [sflag:s15], $0x1  }
0x94: {  	[sflag:s15] =	ssyncset.done $0x0  }
0x95: {  	[sflag:s15] =	ssyncadd.s32 $0xFFFFFFFF  }
0x96: {  	s16 =	sld [smem:$0x10];
	(tm) =	ssettm $0x1  }
0x97: {  	s17 =	sld [smem:$0x3FFB];
	_ =	sdelay $0x3  }
0x98: {  	_ =	strace s17  }
0x99: {  	s3 =	sld [smem:$0x3FFC];
	_ =	sdelay $0x3  }
0x9a: {  	_ =	strace s3  }
0x9b: {  	s3 =	sld [smem:$0x3FFD];
	_ =	sdelay $0x3  }
0x9c: {  	_ =	strace s3  }
0x9d: {  	_ =	strace $0x8FFFFFFF  }
0x9e: {  	s18 =	sld [smem:$0x3FDB];
	_ =	sdelay $0x1  }
0x9f: {  	s19 =	simm.s32 $_scs_section_size  }
0xa0: {  	s5 =	simm.s32 $_size__tile_overlayer_lowered;
	s6 =	simm.s32 $_tile_overlayer_lowered  }
0xa1: {  	s22 =	simm.s32 $0x1BFF;
	s21 =	sshll.u32 s6, $0x1;
	s3 =	sadd.s32 s19, s18  }
0xa2: {  	s7 =	simm.s32 $0x0;
	s20 =	sshll.u32 s5, $0x1;
	s5 =	sadd.s32 s21, s3  }
0xa3: {  	[timem:s7], [sflag:s22] =	dma.local [hbm:s5], s20  }
0xa4: {  	_ =	swait.ge [sflag:s22], s20  }
0xa5: {  	s4 =	ssub.s32 $0x0, s20;
	[sflag:s22] =	ssyncset.done $0x0  }
0xa6: {  	[sflag:s22] =	ssyncadd.s32 s4;
	_ =	sdelay $0x1  }
0xa7: {  	s23 =	simm.s32 $0x1B8B  }
0xa8: {  	_ =	swait.ge [sflag:s23], $0x1  }
0xa9: {  	[sflag:s23] =	ssyncset.done $0x0  }
0xaa: {  	s25 =	simm.s32 $0x1B8E;
	s24 =	sld [smem:$0x3FFE];
	[sflag:s23] =	ssyncadd.s32 $0xFFFFFFFF  }
0xab: {  	s26 =	simm.s32 $execute0_lowered;
	[smem:$0x3FD2] =	sst s25  }
0xac: {  	s5 =	sshll.u32 s26, $0x1;
	_ =	strace $0x80000046;
	[dreg:$0x1] =	wrdreg $0xFFFFFFFF  }
0xad: {  	s28 =	simm.s32 $_size_execute0_lowered;
	s3 =	sadd.s32 s3, s5;
	[dreg:$0x0] =	wrdreg $0x0  }
0xae: {  	s5 =	sshll.u32 s28, $0x1;
	[dreg:$0x2] =	wrdreg s3  }
0xaf: {  	[dreg:$0x3] =	wrdreg s5  }
0xb0: {  	[dreg:$0x4] =	wrdreg $0xC0  }
0xb1: {  	_ =	task [dreg:s7], $0x5FFFF  }
0xb2: {  	[dreg:$0x1] =	wrdreg $0xFFFFFFFF  }
0xb3: {  	[dreg:$0x0] =	wrdreg $0x60  }
0xb4: {  	[dreg:$0x2] =	wrdreg s16  }
0xb5: {  	[dreg:$0x3] =	wrdreg s24  }
0xb6: {  	[dreg:$0x4] =	wrdreg $0x0  }
0xb7: {  	[dreg:$0x5] =	wrdreg $0x140000  }
0xb8: {  	[dreg:$0x6] =	wrdreg $0x9  }
0xb9: {  	_ =	task.clear_ibuf [dreg:s7], $0x7FFFF;
	_ =	strace $0x90000046  }
0xba: {  	s29 =	simm.s32 $0x9;
	_ =	strace $0x80000048  }
0xbb: {  	_ =	swait.ge [sflag:s29], $0x1  }
0xbc: {  	[sflag:s29] =	ssyncadd.s32 $0xFFFFFFFF  }
0xbd: {  	_ =	strace $0x90000048  }
0xbe: {  	_ =	sfence  }
0xbf: {  	s30 =	sld [smem:$0x0];
	_ =	sdelay $0x2  }
0xc0: {  	s31 =	sshll.u32 s1, $0xD;
	s1 =	sshrl.u32 s1, $0x2  }
0xc1: {  	s3 =	sand.u32 $0x4000, s31;
	s1 =	sadd.s32 s1, s30  }
0xc2: {  	s0 =	sor.u32 s3, s0;
	s1 =	sshll.u32 s1, $0x11  }
0xc3: {  	s0 =	sor.u32 s1, s0  }
0xc4: {  	s0 =	sadd.s32 $0x8F2B, s0  }
0xc5: {  	[sflag:s0] =	ssyncadd.remote.s32 $0x1  }
0xc6: {  	_ =	sfence.sel $0xFFFF  }
0xc7: {  	[dreg:$0x0] =	wrdreg $0xFFFFFFFF;
	(pc) =	sbr.abs _section_cstart, $3  }
0xc8: {  	[dreg:$0x1] =	wrdreg $0xFFFFFFFF  }
0xc9: {  	_ =	task.clear_ibuf [dreg:s7], $0x2FFFF;
	_ =	strace $0x9FFFFFFF  }
0xca: {  	(tm) =	ssettm $0x7FFFFFFF  }
0xcb: {  	_ =	shalt  }
tec
execute0_lowered:
.L_overlay_start_1:
0x0: {  	(tag) =	ssettag $0x1  }
0x1: {  	s29 =	stileid.u32  }
0x2: {  	s0 =	srdreg.scid;
	s2 =	smul.u32 $0x28, s29  }
0x3: {  	s0 =	sand.u32 $0x1, s0;
	s24 =	smul.u32 $0x280, s29  }
0x4: {  	s3 =	smul.u32 $0x280, s0  }
0x5: {  	s4 =	ssub.s32 $0x2, s0;
	s23 =	smul.u32 $0x2800, s0  }
0x6: {  	s5 =	sshrl.u32 s4, $0x1;
	s19 =	sor.u32 $0x20, s24;
	s20 =	sor.u32 $0x40, s24  }
0x7: {  	s21 =	sor.u32 $0x60, s24;
	s16 =	sadd.s32 $0x80, s24;
	s17 =	sadd.s32 $0xA0, s24  }
0x8: {  	s18 =	sadd.s32 $0xC0, s24;
	s13 =	sadd.s32 $0xE0, s24;
	s14 =	sadd.s32 $0x100, s24  }
0x9: {  	s15 =	sadd.s32 $0x120, s24;
	s10 =	sadd.s32 $0x140, s24;
	s11 =	sadd.s32 $0x160, s24  }
0xa: {  	s12 =	sadd.s32 $0x180, s24;
	s7 =	sadd.s32 $0x1A0, s24;
	s8 =	sadd.s32 $0x1C0, s24  }
0xb: {  	s9 =	sadd.s32 $0x1E0, s24;
	s6 =	sadd.s32 $0x220, s24;
	s22 =	sadd.s32 s2, s3  }
0xc: {  	s2 =	ssub.s32 s4, s5;
	s5 =	sadd.s32 $0x200, s24;
	s4 =	sadd.s32 $0x240, s24  }
0xd: {  	s3 =	sadd.s32 $0x260, s24;
	s25 =	sadd.s32 s24, s23;
	s24 =	rddreg [dreg:$0x1]  }
0xe: {  	s25 =	sshll.u32 s25, $0x4;
	s26 =	sadd.s32 $0x5B2A00, s24  }
0xf: {  	s28 =	sadd.s32 s23, s19;
	s25 =	sadd.s32 s26, s25  }
0x10: {  	[dreg:$0x5] =	wrdreg s25;
	s25 =	sshll.u32 s28, $0x4  }
0x11: {  	s28 =	sadd.s32 s23, s20;
	s25 =	sadd.s32 s26, s25  }
0x12: {  	[dreg:$0x6] =	wrdreg s25;
	s25 =	sshll.u32 s28, $0x4  }
0x13: {  	s28 =	sadd.s32 s23, s21;
	s25 =	sadd.s32 s26, s25  }
0x14: {  	[dreg:$0x7] =	wrdreg s25;
	s25 =	sshll.u32 s28, $0x4  }
0x15: {  	s28 =	sadd.s32 s23, s16;
	s25 =	sadd.s32 s26, s25  }
0x16: {  	[dreg:$0x8] =	wrdreg s25;
	s25 =	sshll.u32 s28, $0x4  }
0x17: {  	s28 =	sadd.s32 s23, s17;
	s25 =	sadd.s32 s26, s25  }
0x18: {  	[dreg:$0x9] =	wrdreg s25;
	s25 =	sshll.u32 s28, $0x4  }
0x19: {  	s28 =	sadd.s32 s23, s18;
	s25 =	sadd.s32 s26, s25  }
0x1a: {  	[dreg:$0xa] =	wrdreg s25;
	s25 =	sshll.u32 s28, $0x4  }
0x1b: {  	s28 =	sadd.s32 s23, s13;
	s25 =	sadd.s32 s26, s25  }
0x1c: {  	[dreg:$0xb] =	wrdreg s25;
	s25 =	sshll.u32 s28, $0x4  }
0x1d: {  	s28 =	sadd.s32 s23, s14;
	s25 =	sadd.s32 s26, s25  }
0x1e: {  	[dreg:$0xc] =	wrdreg s25;
	s25 =	sshll.u32 s28, $0x4  }
0x1f: {  	s28 =	sadd.s32 s23, s15;
	s25 =	sadd.s32 s26, s25  }
0x20: {  	[dreg:$0xd] =	wrdreg s25;
	s25 =	sshll.u32 s28, $0x4  }
0x21: {  	s28 =	sadd.s32 s23, s10;
	s25 =	sadd.s32 s26, s25  }
0x22: {  	[dreg:$0xe] =	wrdreg s25;
	s25 =	sshll.u32 s28, $0x4  }
0x23: {  	s30 =	rddreg [dreg:$0x3];
	s28 =	sadd.s32 s23, s11;
	s25 =	sadd.s32 s26, s25  }
0x24: {  	s1 =	simm.s32 $0x0;
	[dreg:$0xf] =	wrdreg s25;
	s25 =	sshll.u32 s28, $0x4  }
0x25: {  	[smem:$0x7FF] =	sst s1;
	s28 =	sadd.s32 s23, s12;
	s25 =	sadd.s32 s26, s25  }
0x26: {  	p0 =	slt.u32 s29, $0x8;
	[dreg:$0x10] =	wrdreg s25;
	s25 =	sshll.u32 s28, $0x4  }
0x27: {  	s19 =	sshll.u32 s19, $0x7;
	s28 =	sadd.s32 s23, s7;
	s25 =	sadd.s32 s26, s25  }
0x28: {  	s22 =	sshll.u32 s22, $0x4;
	[dreg:$0x11] =	wrdreg s25;
	s25 =	sshll.u32 s28, $0x4  }
0x29: {  	s31 =	sadd.s32 $0x602A00, s24;
	s28 =	sadd.s32 s23, s8;
	s25 =	sadd.s32 s26, s25  }
0x2a: {  	s2 =	smax.u32 s2, $0x1;
	[dreg:$0x12] =	wrdreg s25;
	s25 =	sshll.u32 s28, $0x4  }
0x2b: {  	s20 =	sshll.u32 s20, $0x7;
	s28 =	sadd.s32 s23, s9;
	s25 =	sadd.s32 s26, s25  }
0x2c: {  	s21 =	sshll.u32 s21, $0x7;
	[dreg:$0x13] =	wrdreg s25;
	s25 =	sshll.u32 s28, $0x4  }
0x2d: {  	s16 =	sshll.u32 s16, $0x7;
	s28 =	sadd.s32 s23, s5;
	s25 =	sadd.s32 s26, s25  }
0x2e: {  	s17 =	sshll.u32 s17, $0x7;
	[dreg:$0x14] =	wrdreg s25;
	s25 =	sshll.u32 s28, $0x4  }
0x2f: {  	s18 =	sshll.u32 s18, $0x7;
	s28 =	sadd.s32 s23, s6;
	s25 =	sadd.s32 s26, s25  }
0x30: {  	s13 =	sshll.u32 s13, $0x7;
	[dreg:$0x15] =	wrdreg s25;
	s25 =	sshll.u32 s28, $0x4  }
0x31: {  	s28 =	sadd.s32 s23, s4;
	s23 =	sadd.s32 s23, s3;
	s25 =	sadd.s32 s26, s25  }
0x32: {  	s14 =	sshll.u32 s14, $0x7;
	s23 =	sshll.u32 s23, $0x4;
	[dreg:$0x16] =	wrdreg s25  }
0x33: {  	s25 =	sshll.u32 s28, $0x4;
	s28 =	rddreg [dreg:$0x2];
	s23 =	sadd.s32 s26, s23  }
0x34: {  	s15 =	sshll.u32 s15, $0x7;
	s25 =	sadd.s32 s26, s25;
	[dreg:$0x18] =	wrdreg s23  }
0x35: {  	s10 =	sshll.u32 s10, $0x7;
	s26 =	sadd.s32 $0x34600, s24;
	[dreg:$0x17] =	wrdreg s25  }
0x36: {  	s16 =	sadd.s32 s16, s28;
	_ =	strace $0x80000047;
	[dreg:$0x19] =	wrdreg s26  }
0x37: {  	s11 =	sshll.u32 s11, $0x7;
	s13 =	sadd.s32 s13, s28;
	[smem:$0x7E6] =	sst s16  }
0x38: {  	s7 =	sshll.u32 s7, $0x7;
	s10 =	sadd.s32 s10, s28;
	[smem:$0x7E9] =	sst s13  }
0x39: {  	s5 =	sshll.u32 s5, $0x7;
	s7 =	sadd.s32 s7, s28;
	[smem:$0x7EC] =	sst s10  }
0x3a: {  	s4 =	sshll.u32 s4, $0x7;
	s5 =	sadd.s32 s5, s28;
	[smem:$0x7EF] =	sst s7  }
0x3b: {  	s12 =	sshll.u32 s12, $0x7;
	s4 =	sadd.s32 s4, s28;
	[smem:$0x7F2] =	sst s5  }
0x3c: {  	s8 =	sshll.u32 s8, $0x7;
	s9 =	sshll.u32 s9, $0x7;
	[smem:$0x7F4] =	sst s4  }
0x3d: {  	s6 =	sshll.u32 s6, $0x7;
	s26 =	sadd.s32 $0x82800, s24;
	[smem:$0x7F8] =	sst s2  }
0x3e: {  	s3 =	sshll.u32 s3, $0x7;
	s13 =	sadd.s32 s11, s28;
	[dreg:$0x1a] =	wrdreg s26  }
0x3f: {  	s25 =	smul.u32 $0x50000, s29;
	s16 =	sadd.s32 s9, s28;
	[smem:$0x7ED] =	sst s13  }
0x40: {  	s23 =	sadd.s32 s22, s24;
	s26 =	sadd.s32 $0xD0A00, s24;
	[smem:$0x7F1] =	sst s16  }
0x41: {  	s22 =	sshrl.u32 s25, $0x2;
	s25 =	sadd.s32 s21, s28;
	[dreg:$0x1b] =	wrdreg s26  }
0x42: {  	s4 =	simm.s32 $0x139;
	s21 =	sadd.s32 s18, s28;
	[smem:$0x7E5] =	sst s25  }
0x43: {  	s11 =	simm.s32 $0x19680;
	s18 =	sadd.s32 s6, s28;
	[smem:$0x7E8] =	sst s21  }
0x44: {  	s2 =	simm.s32 $0x1;
	s26 =	sadd.s32 $0x3800, s24;
	[smem:$0x7F3] =	sst s18  }
0x45: {  	s4 =	simm.s32 @!p0 $0x138;
	s24 =	sadd.s32 s20, s28;
	[dreg:$0x1c] =	wrdreg s26  }
0x46: {  	s13 =	simm.s32 $0x15400;
	s20 =	sadd.s32 s17, s28;
	[dreg:$0x1f] =	wrdreg s24  }
0x47: {  	s16 =	simm.s32 $0x15580;
	s25 =	sadd.s32 s15, s28;
	[smem:$0x7E7] =	sst s20  }
0x48: {  	s22 =	sadd.s32 s22, s28;
	s15 =	sadd.s32 s8, s28;
	[smem:$0x7EB] =	sst s25  }
0x49: {  	s17 =	smul.u32 $0x5000, s29;
	s21 =	sadd.s32 $0x650C00, s23;
	[smem:$0x7F0] =	sst s15  }
0x4a: {  	s23 =	sadd.s32 $0x650E00, s23;
	s18 =	simm.s32 $0x20;
	[smem:$0x7F6] =	sst s21  }
0x4b: {  	s26 =	sadd.s32 s19, s28;
	s24 =	sadd.s32 s14, s28;
	[smem:$0x7F7] =	sst s23  }
0x4c: {  	s14 =	sadd.s32 s12, s28;
	s20 =	smul.u32 $0x27100, s0;
	[dreg:$0x1d] =	wrdreg s22  }
0x4d: {  	s28 =	sadd.s32 s3, s28;
	s0 =	smul.u32 $0x138800, s0;
	[smem:$0x7EA] =	sst s24  }
0x4e: {  	s25 =	sshll.u32 s29, $0x5;
	s12 =	simm.s32 $0x2;
	[smem:$0x7EE] =	sst s14  }
0x4f: {  	s15 =	simm.s32 $0x15500;
	s21 =	simm.s32 $0x16680;
	[smem:$0x7FA] =	sst s25  }
0x50: {  	s23 =	simm.s32 $0x1B680;
	s19 =	sshrl.u32 s17, $0x2;
	[dreg:$0x1e] =	wrdreg s26  }
0x51: {  	s14 =	simm.s32 $0x15480;
	s17 =	simm.s32 $0x1A680;
	[smem:$0x7FC] =	sst s28  }
0x52: {  	s25 =	simm.s32 $0x0;
	s30 =	sadd.s32 s19, s30;
	[smem:$0x7F5] =	sst s20  }
0x53: {  	s29 =	sadd.s32 $0x27100, s0;
	s5 =	sadd.s32 $0x4E200, s0;
	s6 =	sadd.s32 $0x75300, s0  }
0x54: {  	v0 =	vlaneseq.u32;
	s7 =	sadd.s32 $0x9C400, s0;
	s8 =	sadd.s32 $0xC3500, s0;
	s9 =	sadd.s32 $0xEA600, s0  }
0x55: {  	v1 =	vmul.u32 $0x80, v0;
	s3 =	smov.u32 s0;
	s10 =	sadd.s32 $0x111700, s0;
	[smem:$0x7FB] =	sst s29  }
0x56: {  	s19 =	simm.s32 $0x15680;
	s24 =	sadd.s32 $0x1000, s30;
	[smem:$0x7FD] =	sst s30  }
0x57: {  	v2 =	vimm.f32 $0.0e+00;
	v3 =	vor.u32 $0x800, v1;
	s20 =	simm.s32 $0x17680;
	[smem:$0x7F9] =	sst s24;
	s24 =	simm.s32 $0x18680  }
.LBB2_1:
0x58: {  	[smem:$0x7E4] =	sst s25;
	s0 =	simm.s32 $0x0;
	s25 =	simm.s32 $0x200  }
.LBB2_2:
0x59: {  	p0 =	sne.s32 s25, $0x3E00;
	[tilespmem:s0+$0x1A6F0] =	vst v2  }
0x5a: {  	[tilespmem:s0+$0x19680] =	vst v2  }
0x5b: {  	[tilespmem:s0+$0x1A680] =	vst v2  }
0x5c: {  	[tilespmem:s0+$0x19690] =	vst v2  }
0x5d: {  	[tilespmem:s0+$0x1A690] =	vst v2  }
0x5e: {  	[tilespmem:s0+$0x196A0] =	vst v2  }
0x5f: {  	[tilespmem:s0+$0x1A6A0] =	vst v2  }
0x60: {  	[tilespmem:s0+$0x196B0] =	vst v2  }
0x61: {  	[tilespmem:s0+$0x1A6B0] =	vst v2  }
0x62: {  	[tilespmem:s0+$0x196C0] =	vst v2  }
0x63: {  	[tilespmem:s0+$0x1A6C0] =	vst v2  }
.Ltmp0:
0x64: {  	[tilespmem:s0+$0x196D0] =	vst v2;
	(pc) =	sbr.rel @p0 .LBB2_2-.Ltmp0, $4  }
0x65: {  	[tilespmem:s0+$0x1A6D0] =	vst v2  }
0x66: {  	[tilespmem:s0+$0x196E0] =	vst v2  }
0x67: {  	[tilespmem:s0+$0x1A6E0] =	vst v2  }
0x68: {  	[tilespmem:s0+$0x196F0] =	vst v2;
	s0 =	sshra.s32 s25, $0x2;
	s25 =	sadd.s32 $0x200, s25  }
0x69: {  	[tilespmem:s0+$0x1A6F0] =	vst v2  }
0x6a: {  	[tilespmem:s0+$0x19680] =	vst v2  }
0x6b: {  	[tilespmem:s0+$0x1A680] =	vst v2  }
0x6c: {  	[tilespmem:s0+$0x19690] =	vst v2  }
0x6d: {  	[tilespmem:s0+$0x1A690] =	vst v2  }
0x6e: {  	[tilespmem:s0+$0x196A0] =	vst v2  }
0x6f: {  	[tilespmem:s0+$0x1A6A0] =	vst v2  }
0x70: {  	[tilespmem:s0+$0x196B0] =	vst v2  }
0x71: {  	[tilespmem:s0+$0x1A6B0] =	vst v2  }
0x72: {  	[tilespmem:s0+$0x196C0] =	vst v2  }
0x73: {  	[tilespmem:s0+$0x1A6C0] =	vst v2  }
0x74: {  	[tilespmem:s0+$0x196D0] =	vst v2  }
0x75: {  	[tilespmem:s0+$0x1A6D0] =	vst v2  }
0x76: {  	[tilespmem:s0+$0x196E0] =	vst v2  }
0x77: {  	[tilespmem:s0+$0x1A6E0] =	vst v2  }
0x78: {  	[tilespmem:s0+$0x196F0] =	vst v2  }
0x79: {  	[spmem:s22] =	stream.linear.scatter [tilespmem:s11], [sflag:$0x2], $0x1000, $0x38;
	[tilespmem:$0x1B780] =	vst v63  }
0x7a: {  	_ =	swait.ge [sflag:s12], $0x1000  }
0x7b: {  	[sflag:s12] =	ssyncset.done $0x0  }
0x7c: {  	[sflag:s12] =	ssyncadd.s32 $0xFFFFF000  }
0x7d: {  	[spmem:s26] =	stream.linear.scatter [tilespmem:s11], [sflag:$0x2], $0x1000, $0x38;
	[tilespmem:$0x1B780] =	vst v63  }
0x7e: {  	_ =	swait.ge [sflag:s12], $0x1000  }
0x7f: {  	[sflag:s12] =	ssyncset.done $0x0  }
0x80: {  	s29 =	rddreg [dreg:$0x1f];
	[sflag:s12] =	ssyncadd.s32 $0xFFFFF000  }
0x81: {  	[spmem:s29] =	stream.linear.scatter [tilespmem:s11], [sflag:$0x2], $0x1000, $0x38;
	[tilespmem:$0x1B780] =	vst v63  }
0x82: {  	_ =	swait.ge [sflag:s12], $0x1000  }
0x83: {  	s22 =	sld [smem:$0x7E5]  }
0x84: {  	[sflag:s12] =	ssyncset.done $0x0  }
0x85: {  	[sflag:s12] =	ssyncadd.s32 $0xFFFFF000  }
0x86: {  	[spmem:s22] =	stream.linear.scatter [tilespmem:s11], [sflag:$0x2], $0x1000, $0x38;
	[tilespmem:$0x1B780] =	vst v63  }
0x87: {  	_ =	swait.ge [sflag:s12], $0x1000  }
0x88: {  	s25 =	sld [smem:$0x7E6]  }
0x89: {  	[sflag:s12] =	ssyncset.done $0x0  }
0x8a: {  	[sflag:s12] =	ssyncadd.s32 $0xFFFFF000  }
0x8b: {  	[spmem:s25] =	stream.linear.scatter [tilespmem:s11], [sflag:$0x2], $0x1000, $0x38;
	[tilespmem:$0x1B780] =	vst v63  }
0x8c: {  	_ =	swait.ge [sflag:s12], $0x1000  }
0x8d: {  	s26 =	sld [smem:$0x7E7]  }
0x8e: {  	[sflag:s12] =	ssyncset.done $0x0  }
0x8f: {  	[sflag:s12] =	ssyncadd.s32 $0xFFFFF000  }
0x90: {  	[spmem:s26] =	stream.linear.scatter [tilespmem:s11], [sflag:$0x2], $0x1000, $0x38;
	[tilespmem:$0x1B780] =	vst v63  }
0x91: {  	_ =	swait.ge [sflag:s12], $0x1000  }
0x92: {  	s29 =	sld [smem:$0x7E8]  }
0x93: {  	[sflag:s12] =	ssyncset.done $0x0  }
0x94: {  	[sflag:s12] =	ssyncadd.s32 $0xFFFFF000  }
0x95: {  	[spmem:s29] =	stream.linear.scatter [tilespmem:s11], [sflag:$0x2], $0x1000, $0x38;
	[tilespmem:$0x1B780] =	vst v63  }
0x96: {  	_ =	swait.ge [sflag:s12], $0x1000  }
0x97: {  	s22 =	sld [smem:$0x7E9]  }
0x98: {  	[sflag:s12] =	ssyncset.done $0x0  }
0x99: {  	[sflag:s12] =	ssyncadd.s32 $0xFFFFF000  }
0x9a: {  	[spmem:s22] =	stream.linear.scatter [tilespmem:s11], [sflag:$0x2], $0x1000, $0x38;
	[tilespmem:$0x1B780] =	vst v63  }
0x9b: {  	_ =	swait.ge [sflag:s12], $0x1000  }
0x9c: {  	s25 =	sld [smem:$0x7EA]  }
0x9d: {  	[sflag:s12] =	ssyncset.done $0x0  }
0x9e: {  	[sflag:s12] =	ssyncadd.s32 $0xFFFFF000  }
0x9f: {  	[spmem:s25] =	stream.linear.scatter [tilespmem:s11], [sflag:$0x2], $0x1000, $0x38;
	[tilespmem:$0x1B780] =	vst v63  }
0xa0: {  	_ =	swait.ge [sflag:s12], $0x1000  }
0xa1: {  	s26 =	sld [smem:$0x7EB]  }
0xa2: {  	[sflag:s12] =	ssyncset.done $0x0  }
0xa3: {  	[sflag:s12] =	ssyncadd.s32 $0xFFFFF000  }
0xa4: {  	[spmem:s26] =	stream.linear.scatter [tilespmem:s11], [sflag:$0x2], $0x1000, $0x38;
	[tilespmem:$0x1B780] =	vst v63  }
0xa5: {  	_ =	swait.ge [sflag:s12], $0x1000  }
0xa6: {  	s29 =	sld [smem:$0x7EC]  }
0xa7: {  	[sflag:s12] =	ssyncset.done $0x0  }
0xa8: {  	[sflag:s12] =	ssyncadd.s32 $0xFFFFF000  }
0xa9: {  	[spmem:s29] =	stream.linear.scatter [tilespmem:s11], [sflag:$0x2], $0x1000, $0x38;
	[tilespmem:$0x1B780] =	vst v63  }
0xaa: {  	_ =	swait.ge [sflag:s12], $0x1000  }
0xab: {  	s22 =	sld [smem:$0x7ED]  }
0xac: {  	[sflag:s12] =	ssyncset.done $0x0  }
0xad: {  	[sflag:s12] =	ssyncadd.s32 $0xFFFFF000  }
0xae: {  	[spmem:s22] =	stream.linear.scatter [tilespmem:s11], [sflag:$0x2], $0x1000, $0x38;
	[tilespmem:$0x1B780] =	vst v63  }
0xaf: {  	_ =	swait.ge [sflag:s12], $0x1000  }
0xb0: {  	s25 =	sld [smem:$0x7EE]  }
0xb1: {  	[sflag:s12] =	ssyncset.done $0x0  }
0xb2: {  	[sflag:s12] =	ssyncadd.s32 $0xFFFFF000  }
0xb3: {  	[spmem:s25] =	stream.linear.scatter [tilespmem:s11], [sflag:$0x2], $0x1000, $0x38;
	[tilespmem:$0x1B780] =	vst v63  }
0xb4: {  	_ =	swait.ge [sflag:s12], $0x1000  }
0xb5: {  	s26 =	sld [smem:$0x7EF]  }
0xb6: {  	[sflag:s12] =	ssyncset.done $0x0  }
0xb7: {  	[sflag:s12] =	ssyncadd.s32 $0xFFFFF000  }
0xb8: {  	[spmem:s26] =	stream.linear.scatter [tilespmem:s11], [sflag:$0x2], $0x1000, $0x38;
	[tilespmem:$0x1B780] =	vst v63  }
0xb9: {  	_ =	swait.ge [sflag:s12], $0x1000  }
0xba: {  	s29 =	sld [smem:$0x7F0]  }
0xbb: {  	[sflag:s12] =	ssyncset.done $0x0  }
0xbc: {  	[sflag:s12] =	ssyncadd.s32 $0xFFFFF000  }
0xbd: {  	[spmem:s29] =	stream.linear.scatter [tilespmem:s11], [sflag:$0x2], $0x1000, $0x38;
	[tilespmem:$0x1B780] =	vst v63  }
0xbe: {  	_ =	swait.ge [sflag:s12], $0x1000  }
0xbf: {  	s22 =	sld [smem:$0x7F1]  }
0xc0: {  	[sflag:s12] =	ssyncset.done $0x0  }
0xc1: {  	[sflag:s12] =	ssyncadd.s32 $0xFFFFF000  }
0xc2: {  	[spmem:s22] =	stream.linear.scatter [tilespmem:s11], [sflag:$0x2], $0x1000, $0x38;
	[tilespmem:$0x1B780] =	vst v63  }
0xc3: {  	_ =	swait.ge [sflag:s12], $0x1000  }
0xc4: {  	s25 =	sld [smem:$0x7F2]  }
0xc5: {  	[sflag:s12] =	ssyncset.done $0x0  }
0xc6: {  	[sflag:s12] =	ssyncadd.s32 $0xFFFFF000  }
0xc7: {  	[spmem:s25] =	stream.linear.scatter [tilespmem:s11], [sflag:$0x2], $0x1000, $0x38;
	[tilespmem:$0x1B780] =	vst v63  }
0xc8: {  	_ =	swait.ge [sflag:s12], $0x1000  }
0xc9: {  	s26 =	sld [smem:$0x7F3]  }
0xca: {  	[sflag:s12] =	ssyncset.done $0x0  }
0xcb: {  	[sflag:s12] =	ssyncadd.s32 $0xFFFFF000  }
0xcc: {  	[spmem:s26] =	stream.linear.scatter [tilespmem:s11], [sflag:$0x2], $0x1000, $0x38;
	[tilespmem:$0x1B780] =	vst v63  }
0xcd: {  	_ =	swait.ge [sflag:s12], $0x1000  }
0xce: {  	s29 =	sld [smem:$0x7F4]  }
0xcf: {  	[sflag:s12] =	ssyncset.done $0x0  }
0xd0: {  	[sflag:s12] =	ssyncadd.s32 $0xFFFFF000  }
0xd1: {  	[spmem:s29] =	stream.linear.scatter [tilespmem:s11], [sflag:$0x2], $0x1000, $0x38;
	[tilespmem:$0x1B780] =	vst v63  }
0xd2: {  	_ =	swait.ge [sflag:s12], $0x1000  }
0xd3: {  	[sflag:s12] =	ssyncset.done $0x0  }
0xd4: {  	[sflag:s12] =	ssyncadd.s32 $0xFFFFF000  }
0xd5: {  	[spmem:s28] =	stream.linear.scatter [tilespmem:s11], [sflag:$0x2], $0x1000, $0x38;
	[tilespmem:$0x1B780] =	vst v63  }
0xd6: {  	_ =	swait.ge [sflag:s12], $0x1000  }
0xd7: {  	[sflag:s12] =	ssyncset.done $0x0  }
0xd8: {  	[sflag:s12] =	ssyncadd.s32 $0xFFFFF000  }
0xd9: {  	[spmem:s30] =	stream.linear.scatter [tilespmem:s11], [sflag:$0x2], $0x1000, $0x38;
	[tilespmem:$0x1B780] =	vst v63  }
0xda: {  	_ =	swait.ge [sflag:s12], $0x1000  }
0xdb: {  	s30 =	sld [smem:$0x7F9]  }
0xdc: {  	[sflag:s12] =	ssyncset.done $0x0  }
0xdd: {  	[sflag:s12] =	ssyncadd.s32 $0xFFFFF000  }
0xde: {  	[spmem:s30] =	stream.linear.scatter [tilespmem:s11], [sflag:$0x2], $0x400, $0x38;
	[tilespmem:$0x1B780] =	vst v63  }
0xdf: {  	_ =	swait.ge [sflag:s12], $0x400  }
0xe0: {  	[sflag:s12] =	ssyncset.done $0x0  }
0xe1: {  	[sflag:s12] =	ssyncadd.s32 $0xFFFFFC00  }
0xe2: {  	s26 =	simm.s32 $0x0;
	s28 =	simm.s32 $0x0;
	[bflag:$0x0] =	sbarrier.arrive $0xFFFF  }
.LBB2_4:
0xe3: {  	s22 =	sld [smem:$0x7FA];
	_ =	sdelay $0x1  }
0xe4: {  	s0 =	sshll.u32 s28, $0x9  }
0xe5: {  	s29 =	sor.u32 s22, s0;
	s22 =	sld [smem:$0x7F5];
	_ =	sdelay $0x2  }
0xe6: {  	s0 =	sadd.s32 s22, s29  }
0xe7: {  	s22 =	rddreg [dreg:$0x1c];
	s25 =	sshrl.u32 s0, $0x3  }
0xe8: {  	s25 =	sadd.s32 s22, s25  }
0xe9: {  	[tilespmem:s13], [sflag:$0x2] =	stream.linear.gather [hbm4b:s25+s26], $0x20, $0x38;
	[tilespmem:$0x1B780] =	vst v63  }
0xea: {  	_ =	swait.ge [sflag:s12], $0x20  }
0xeb: {  	[sflag:s12] =	ssyncset.done $0x0  }
0xec: {  	s30 =	sadd.s32 $0x9C40, s25;
	[sflag:s12] =	ssyncadd.s32 $0xFFFFFFE0  }
0xed: {  	[tilespmem:s14], [sflag:$0x2] =	stream.linear.gather [hbm4b:s30+s26], $0x20, $0x38;
	[tilespmem:$0x1B780] =	vst v63  }
0xee: {  	_ =	swait.ge [sflag:s12], $0x20  }
0xef: {  	[sflag:s12] =	ssyncset.done $0x0  }
0xf0: {  	s30 =	sadd.s32 $0x13880, s25;
	[sflag:s12] =	ssyncadd.s32 $0xFFFFFFE0  }
0xf1: {  	[tilespmem:s15], [sflag:$0x2] =	stream.linear.gather [hbm4b:s30+s26], $0x20, $0x38;
	[tilespmem:$0x1B780] =	vst v63  }
0xf2: {  	_ =	swait.ge [sflag:s12], $0x20  }
0xf3: {  	[sflag:s12] =	ssyncset.done $0x0  }
0xf4: {  	s30 =	sadd.s32 $0x1D4C0, s25;
	[sflag:s12] =	ssyncadd.s32 $0xFFFFFFE0  }
0xf5: {  	[tilespmem:s16], [sflag:$0x2] =	stream.linear.gather [hbm4b:s30+s26], $0x20, $0x38;
	[tilespmem:$0x1B780] =	vst v63  }
0xf6: {  	_ =	swait.ge [sflag:s12], $0x20  }
0xf7: {  	[sflag:s12] =	ssyncset.done $0x0  }
0xf8: {  	s22 =	simm.s32 $0x15600;
	s25 =	sadd.s32 $0x27100, s25;
	[sflag:s12] =	ssyncadd.s32 $0xFFFFFFE0  }
0xf9: {  	[tilespmem:s22], [sflag:$0x2] =	stream.linear.gather [hbm4b:s25+s26], $0x20, $0x38;
	[tilespmem:$0x1B780] =	vst v63  }
0xfa: {  	_ =	swait.ge [sflag:s12], $0x20  }
0xfb: {  	[sflag:s12] =	ssyncset.done $0x0  }
0xfc: {  	[sflag:s12] =	ssyncadd.s32 $0xFFFFFFE0  }
0xfd: {  	s25 =	rddreg [dreg:$0x0]  }
0xfe: {  	[tilespmem:s19], [sflag:$0x1] =	stream.indirect.gather [hbm4b:s25+s18], $0x80, s14, s18, $0xb8;
	[tilespmem:$0x1B780] =	vst v63  }
0xff: {  	_ =	swait.ge [sflag:s2], $0x1000  }
0x100: {  	[sflag:s2] =	ssyncset.done $0x0  }
0x101: {  	s25 =	rddreg [dreg:$0x19];
	[sflag:s2] =	ssyncadd.s32 $0xFFFFF000  }
0x102: {  	[tilespmem:s21], [sflag:$0x1] =	stream.indirect.gather [hbm4b:s25+s18], $0x80, s15, s18, $0xb8;
	[tilespmem:$0x1B780] =	vst v63  }
0x103: {  	_ =	swait.ge [sflag:s2], $0x1000  }
0x104: {  	[sflag:s2] =	ssyncset.done $0x0  }
0x105: {  	s25 =	rddreg [dreg:$0x1a];
	[sflag:s2] =	ssyncadd.s32 $0xFFFFF000  }
0x106: {  	[tilespmem:s20], [sflag:$0x1] =	stream.indirect.gather [hbm4b:s25+s18], $0x80, s15, s18, $0xb8;
	[tilespmem:$0x1B780] =	vst v63  }
0x107: {  	_ =	swait.ge [sflag:s2], $0x1000  }
0x108: {  	s0 =	sshll.u32 s0, $0x4;
	[sflag:s2] =	ssyncset.done $0x0;
	s25 =	rddreg [dreg:$0x1b]  }
0x109: {  	[sflag:s2] =	ssyncadd.s32 $0xFFFFF000;
	s0 =	sadd.s32 s25, s0  }
0x10a: {  	[tilespmem:s24], [sflag:$0x1] =	stream.linear.gather [hbm4b:s0+s26], $0x1000, $0x38;
	[tilespmem:$0x1B780] =	vst v63  }
0x10b: {  	_ =	swait.ge [sflag:s2], $0x1000  }
0x10c: {  	[sflag:s2] =	ssyncset.done $0x0  }
0x10d: {  	s30 =	simm.s32 $0x0;
	[sflag:s2] =	ssyncadd.s32 $0xFFFFF000  }
.LBB2_5:
0x10e: {  	s0 =	sshll.u32 s30, $0x4  }
0x10f: {  	v4 =	vmov s0;
	s25 =	sor.u32 $0x1, s0;
	s22 =	sor.u32 $0x2, s0  }
0x110: {  	v5 =	vmov s25;
	v4 =	vand.u32 $0x70, v4;
	v6 =	vmov s22;
	s25 =	sor.u32 $0x3, s0  }
0x111: {  	v4 =	vbroadcast v4, $0x0;
	v5 =	vand.u32 $0x71, v5;
	v7 =	vmov s25;
	s25 =	sor.u32 $0x4, s0  }
0x112: {  	v6 =	vand.u32 $0x72, v6;
	v5 =	vbroadcast v5, $0x0;
	v8 =	vmov s25;
	s25 =	sor.u32 $0x5, s0  }
0x113: {  	v6 =	vbroadcast v6, $0x0;
	v7 =	vand.u32 $0x73, v7;
	v9 =	vmov s25;
	s25 =	sor.u32 $0x6, s0  }
0x114: {  	v7 =	vbroadcast v7, $0x0;
	v8 =	vand.u32 $0x74, v8;
	v10 =	vmov s25;
	s25 =	sor.u32 $0x7, s0  }
0x115: {  	v8 =	vbroadcast v8, $0x0;
	v9 =	vand.u32 $0x75, v9;
	v11 =	vmov s25;
	s25 =	sor.u32 $0x8, s0  }
0x116: {  	v9 =	vbroadcast v9, $0x0;
	v10 =	vand.u32 $0x76, v10;
	v12 =	vmov s25;
	s25 =	sor.u32 $0x9, s0  }
0x117: {  	v10 =	vbroadcast v10, $0x0;
	v11 =	vand.u32 $0x77, v11;
	v13 =	vmov s25;
	s25 =	sor.u32 $0xA, s0  }
0x118: {  	v11 =	vbroadcast v11, $0x0;
	v12 =	vand.u32 $0x78, v12;
	v14 =	vmov s25;
	s25 =	sor.u32 $0xB, s0  }
0x119: {  	v12 =	vbroadcast v12, $0x0;
	v13 =	vand.u32 $0x79, v13;
	v15 =	vmov s25;
	s25 =	sor.u32 $0xC, s0  }
0x11a: {  	v13 =	vbroadcast v13, $0x0;
	v14 =	vand.u32 $0x7A, v14;
	v16 =	vmov s25  }
0x11b: {  	v14 =	vbroadcast v14, $0x0;
	v15 =	vand.u32 $0x7B, v15;
	s25 =	sor.u32 $0xD, s0;
	s0 =	sor.u32 $0xE, s0;
	v16 =	vand.u32 $0x7C, v16  }
0x11c: {  	v15 =	vbroadcast v15, $0x0;
	v17 =	vmov s25;
	s25 =	sshllo.u32 s30, $0x4;
	v18 =	vmov s0  }
0x11d: {  	v16 =	vbroadcast v16, $0x0;
	v17 =	vand.u32 $0x7D, v17;
	v19 =	vmov s25  }
0x11e: {  	v20 =	vand.u32 $0x7E, v18;
	v17 =	vbroadcast v17, $0x0;
	v21 =	vand.u32 $0x7F, v19  }
0x11f: {  	p0 =	por $0x1, $0x1;
	s0 =	simm.s32 $0x0;
	v18 =	vmov s30;
	s25 =	sshll.u32 s30, $0x5;
	v19 =	vbroadcast v20, $0x0;
	v20 =	vbroadcast v21, $0x0  }
.LBB2_6:
0x120: {  	v21 =	vmov s0  }
0x121: {  	v21 =	vshll.u32 v21, $0x7  }
0x122: {  	v26 =	vor.u32 v1, v21  }
0x123: {  	v24 =	vor.u32 v4, v26;
	_ =	sdelay $0x2  }
0x124: {  	v21 =	vor.u32 v5, v26;
	_ =	sdelay $0x1  }
0x125: {  	v27 =	vld.idx.msk [tilespmem:v24+s19+$0x0], $0xffff  }
0x126: {  	v22 =	vor.u32 v6, v26;
	v28 =	vld.idx.msk [tilespmem:v24+s21+$0x0], $0xffff  }
0x127: {  	v29 =	vld.idx.msk [tilespmem:v24+s24+$0x0], $0xffff  }
0x128: {  	v30 =	vld.idx.msk [tilespmem:v21+s19+$0x0], $0xffff  }
0x129: {  	v23 =	vor.u32 v7, v26;
	v31 =	vld.idx.msk [tilespmem:v21+s21+$0x0], $0xffff  }
0x12a: {  	v32 =	vld.idx.msk [tilespmem:v21+s24+$0x0], $0xffff  }
0x12b: {  	v33 =	vld.idx.msk [tilespmem:v22+s19+$0x0], $0xffff  }
0x12c: {  	v25 =	vor.u32 v8, v26;
	v34 =	vld.idx.msk [tilespmem:v22+s21+$0x0], $0xffff  }
0x12d: {  	v35 =	vld.idx.msk [tilespmem:v22+s24+$0x0], $0xffff  }
0x12e: {  	v36 =	vld.idx.msk [tilespmem:v23+s19+$0x0], $0xffff  }
0x12f: {  	v38 =	vor.u32 v9, v26;
	v37 =	vld.idx.msk [tilespmem:v23+s21+$0x0], $0xffff  }
0x130: {  	v39 =	vld.idx.msk [tilespmem:v23+s24+$0x0], $0xffff  }
0x131: {  	v40 =	vld.idx.msk [tilespmem:v25+s19+$0x0], $0xffff  }
0x132: {  	v42 =	vor.u32 v10, v26;
	v41 =	vld.idx.msk [tilespmem:v25+s21+$0x0], $0xffff  }
0x133: {  	v43 =	vld.idx.msk [tilespmem:v25+s24+$0x0], $0xffff  }
0x134: {  	v51 =	vor.u32 v13, v26;
	v44 =	vld.idx.msk [tilespmem:v38+s19+$0x0], $0xffff  }
0x135: {  	v45 =	vld.idx.msk [tilespmem:v38+s21+$0x0], $0xffff  }
0x136: {  	v46 =	vor.u32 v11, v26;
	v47 =	vld.idx.msk [tilespmem:v38+s24+$0x0], $0xffff  }
0x137: {  	v48 =	vld.idx.msk [tilespmem:v42+s19+$0x0], $0xffff  }
0x138: {  	v50 =	vor.u32 v12, v26;
	v49 =	vld.idx.msk [tilespmem:v42+s21+$0x0], $0xffff  }
0x139: {  	v52 =	vld.idx.msk [tilespmem:v51+s24+$0x0], $0xffff  }
0x13a: {  	v27 =	vmul.f32 v28, v27;
	v28 =	vld.idx.msk [tilespmem:v42+s24+$0x0], $0xffff  }
0x13b: {  	v30 =	vmul.f32 v31, v30;
	v31 =	vld.idx.msk [tilespmem:v46+s19+$0x0], $0xffff  }
0x13c: {  	v61 =	vmul.f32 v34, v33;
	v33 =	vld.idx.msk [tilespmem:v46+s24+$0x0], $0xffff  }
0x13d: {  	v34 =	vld.idx.msk [tilespmem:v50+s19+$0x0], $0xffff;
	v36 =	vmul.f32 v37, v36;
	v63 =	vmul.f32 v41, v40  }
0x13e: {  	v37 =	vld.idx.msk [tilespmem:v50+s24+$0x0], $0xffff;
	v41 =	vor.u32 v15, v26;
	v27 =	vmul.f32 v29, v27;
	v30 =	vmul.f32 v32, v30  }
0x13f: {  	v40 =	vld.idx.msk [tilespmem:v51+s21+$0x0], $0xffff;
	v55 =	vmul.f32 v45, v44;
	v45 =	vor.u32 v16, v26  }
0x140: {  	v29 =	vld.idx.msk [tilespmem:v46+s21+$0x0], $0xffff;
	v62 =	vmul.f32 v35, v61;
	v27 =	vadd.f32 v30, v27  }
0x141: {  	v32 =	vld.idx.msk [tilespmem:v50+s21+$0x0], $0xffff;
	v35 =	vor.u32 v14, v26  }
0x142: {  	v36 =	vmul.f32 v39, v36;
	v30 =	vld.idx.msk [tilespmem:v51+s19+$0x0], $0xffff;
	v27 =	vadd.f32 v62, v27  }
0x143: {  	v61 =	vld.idx.msk [tilespmem:v41+s19+$0x0], $0xffff  }
0x144: {  	v59 =	vmul.f32 v49, v48;
	v54 =	vmul.f32 v43, v63;
	v49 =	vld.idx.msk [tilespmem:v45+s24+$0x0], $0xffff;
	v27 =	vadd.f32 v36, v27  }
0x145: {  	v39 =	vor.u32 v17, v26;
	v62 =	vld.idx.msk [tilespmem:v41+s21+$0x0], $0xffff  }
0x146: {  	v58 =	vmul.f32 v47, v55;
	v56 =	vld.idx.msk [tilespmem:v35+s19+$0x0], $0xffff;
	v27 =	vadd.f32 v54, v27  }
0x147: {  	v57 =	vld.idx.msk [tilespmem:v35+s21+$0x0], $0xffff  }
0x148: {  	v28 =	vmul.f32 v28, v59;
	v60 =	vld.idx.msk [tilespmem:v35+s24+$0x0], $0xffff;
	v29 =	vmul.f32 v29, v31;
	v27 =	vadd.f32 v58, v27  }
0x149: {  	v31 =	vld.idx.msk [tilespmem:v41+s24+$0x0], $0xffff;
	v32 =	vmul.f32 v32, v34  }
0x14a: {  	v34 =	vor.u32 v19, v26;
	v53 =	vld.idx.msk [tilespmem:v39+s19+$0x0], $0xffff;
	v29 =	vmul.f32 v33, v29;
	v27 =	vadd.f32 v28, v27  }
0x14b: {  	v33 =	vld.idx.msk [tilespmem:v45+s21+$0x0], $0xffff  }
0x14c: {  	v63 =	vmul.f32 v37, v32;
	v30 =	vmul.f32 v40, v30;
	v54 =	vld.idx.msk [tilespmem:v39+s21+$0x0], $0xffff;
	v27 =	vadd.f32 v29, v27  }
0x14d: {  	v40 =	vor.u32 v20, v26;
	v28 =	vld.idx.msk [tilespmem:v45+s19+$0x0], $0xffff  }
0x14e: {  	v55 =	vmul.f32 v52, v30;
	v56 =	vmul.f32 v57, v56;
	v57 =	vld.idx.msk [tilespmem:v39+s24+$0x0], $0xffff;
	v27 =	vadd.f32 v63, v27  }
0x14f: {  	v58 =	vld.idx.msk [tilespmem:v34+s19+$0x0], $0xffff  }
0x150: {  	v59 =	vmul.f32 v60, v56;
	v60 =	vmul.f32 v62, v61;
	v61 =	vld.idx.msk [tilespmem:v34+s21+$0x0], $0xffff;
	v27 =	vadd.f32 v55, v27  }
0x151: {  	v62 =	vld.idx.msk [tilespmem:v34+s24+$0x0], $0xffff  }
0x152: {  	v48 =	vld.idx.msk [tilespmem:v40+s19+$0x0], $0xffff;
	v63 =	vmul.f32 v31, v60;
	v28 =	vmul.f32 v33, v28;
	v27 =	vadd.f32 v59, v27  }
0x153: {  	v52 =	vld.idx.msk [tilespmem:v40+s21+$0x0], $0xffff  }
0x154: {  	v53 =	vmul.f32 v54, v53;
	v28 =	vmul.f32 v49, v28;
	v27 =	vadd.f32 v63, v27  }
0x155: {  	v54 =	vld.idx.msk [tilespmem:v40+s24+$0x0], $0xffff  }
0x156: {  	v56 =	vmul.f32 v61, v58;
	v55 =	vmul.f32 v57, v53;
	v27 =	vadd.f32 v28, v27;
	_ =	sdelay $0x1  }
0x157: {  	v58 =	vmul.f32 v52, v48;
	v57 =	vmul.f32 v62, v56;
	v27 =	vadd.f32 v55, v27;
	_ =	sdelay $0x1  }
0x158: {  	v59 =	vmul.f32 v54, v58;
	v27 =	vadd.f32 v57, v27;
	_ =	sdelay $0x1  }
0x159: {  	v27 =	vadd.f32 v59, v27;
	_ =	sdelay $0x1  }
0x15a: {  	v27 =	vmul.f32 $2.500000000e-01, v27;
	_ =	sdelay $0x1  }
0x15b: {  	v27 =	vmax.f32 v27, $-5.000000000e+00  }
0x15c: {  	v27 =	vmin.f32 v27, $5.000000000e+00  }
0x15d: {  	v60 =	vld [tilespmem:s0+$0x15600];
	v27 =	vmul.f32 $1.442695020e+00, v27;
	_ =	sdelay $0x1  }
0x15e: {  	(erf) = vpow2.f32 v27;
	_ =	sdelay $0x2  }
0x15f: {  	v61 =	vadd.s32 v18, v60  }
0x160: {  	s22 =	sor.u32 s25, s0;
	v28 =	vand.u32 $0xFFFFFF80, v61  }
0x161: {  	v62 =	vor.u32 s22, v0;
	v26 =	vadd.s32 v26, v28;
	v27 =	vand.u32 $0x7F, v61  }
0x162: {  	v26 =	vor.u32 v27, v26;
	_ =	sdelay $0x2  }
0x163: {  	v63 =	vpop (erf)  }
0x164: {  	[tilespmem:v62+s23+$0x0] =	vst.idx.msk $0xffff, v63  }
0x165: {  	[tilespmem:v26+s17+$0x0] =	vst.idx.msk $0xffff, v63  }
0x166: {  	v26 =	vld.idx.msk [tilespmem:v24+s20+$0x0], $0xffff;
	_ =	sdelay $0x4  }
0x167: {  	v26 =	vmul.f32 v63, v26;
	_ =	sdelay $0x1  }
0x168: {  	[tilespmem:v24+s11+$0x0] =	vst.idx.msk $0xffff, v26  }
0x169: {  	v24 =	vld.idx.msk [tilespmem:v21+s20+$0x0], $0xffff;
	_ =	sdelay $0x4  }
0x16a: {  	v24 =	vmul.f32 v63, v24;
	_ =	sdelay $0x1  }
0x16b: {  	[tilespmem:v21+s11+$0x0] =	vst.idx.msk $0xffff, v24  }
0x16c: {  	v21 =	vld.idx.msk [tilespmem:v22+s20+$0x0], $0xffff;
	_ =	sdelay $0x4  }
0x16d: {  	v21 =	vmul.f32 v21, v63;
	_ =	sdelay $0x1  }
0x16e: {  	[tilespmem:v22+s11+$0x0] =	vst.idx.msk $0xffff, v21  }
0x16f: {  	v21 =	vld.idx.msk [tilespmem:v23+s20+$0x0], $0xffff;
	_ =	sdelay $0x4  }
0x170: {  	v21 =	vmul.f32 v21, v63;
	_ =	sdelay $0x1  }
0x171: {  	[tilespmem:v23+s11+$0x0] =	vst.idx.msk $0xffff, v21  }
0x172: {  	v21 =	vld.idx.msk [tilespmem:v25+s20+$0x0], $0xffff;
	_ =	sdelay $0x4  }
0x173: {  	v21 =	vmul.f32 v21, v63;
	_ =	sdelay $0x1  }
0x174: {  	[tilespmem:v25+s11+$0x0] =	vst.idx.msk $0xffff, v21  }
0x175: {  	v21 =	vld.idx.msk [tilespmem:v38+s20+$0x0], $0xffff;
	_ =	sdelay $0x4  }
0x176: {  	v21 =	vmul.f32 v21, v63;
	_ =	sdelay $0x1  }
0x177: {  	[tilespmem:v38+s11+$0x0] =	vst.idx.msk $0xffff, v21  }
0x178: {  	v21 =	vld.idx.msk [tilespmem:v42+s20+$0x0], $0xffff;
	_ =	sdelay $0x4  }
0x179: {  	v21 =	vmul.f32 v21, v63;
	_ =	sdelay $0x1  }
0x17a: {  	[tilespmem:v42+s11+$0x0] =	vst.idx.msk $0xffff, v21  }
0x17b: {  	v21 =	vld.idx.msk [tilespmem:v46+s20+$0x0], $0xffff;
	_ =	sdelay $0x4  }
0x17c: {  	v21 =	vmul.f32 v21, v63;
	_ =	sdelay $0x1  }
0x17d: {  	[tilespmem:v46+s11+$0x0] =	vst.idx.msk $0xffff, v21  }
0x17e: {  	v21 =	vld.idx.msk [tilespmem:v50+s20+$0x0], $0xffff;
	_ =	sdelay $0x4  }
0x17f: {  	v21 =	vmul.f32 v21, v63;
	_ =	sdelay $0x1  }
0x180: {  	[tilespmem:v50+s11+$0x0] =	vst.idx.msk $0xffff, v21  }
0x181: {  	v21 =	vld.idx.msk [tilespmem:v51+s20+$0x0], $0xffff;
	_ =	sdelay $0x4  }
0x182: {  	v21 =	vmul.f32 v21, v63;
	_ =	sdelay $0x1  }
0x183: {  	[tilespmem:v51+s11+$0x0] =	vst.idx.msk $0xffff, v21  }
0x184: {  	v21 =	vld.idx.msk [tilespmem:v35+s20+$0x0], $0xffff;
	_ =	sdelay $0x4  }
0x185: {  	v21 =	vmul.f32 v21, v63;
	_ =	sdelay $0x1  }
0x186: {  	[tilespmem:v35+s11+$0x0] =	vst.idx.msk $0xffff, v21  }
0x187: {  	v21 =	vld.idx.msk [tilespmem:v41+s20+$0x0], $0xffff;
	_ =	sdelay $0x4  }
0x188: {  	v21 =	vmul.f32 v21, v63;
	_ =	sdelay $0x1  }
0x189: {  	[tilespmem:v41+s11+$0x0] =	vst.idx.msk $0xffff, v21  }
0x18a: {  	v21 =	vld.idx.msk [tilespmem:v45+s20+$0x0], $0xffff;
	_ =	sdelay $0x4  }
0x18b: {  	v21 =	vmul.f32 v21, v63;
	_ =	sdelay $0x1  }
0x18c: {  	[tilespmem:v45+s11+$0x0] =	vst.idx.msk $0xffff, v21  }
0x18d: {  	v21 =	vld.idx.msk [tilespmem:v39+s20+$0x0], $0xffff;
	_ =	sdelay $0x4  }
0x18e: {  	v21 =	vmul.f32 v21, v63;
	_ =	sdelay $0x1  }
0x18f: {  	[tilespmem:v39+s11+$0x0] =	vst.idx.msk $0xffff, v21  }
0x190: {  	v21 =	vld.idx.msk [tilespmem:v34+s20+$0x0], $0xffff;
	_ =	sdelay $0x4  }
0x191: {  	v21 =	vmul.f32 v21, v63;
	_ =	sdelay $0x1  }
0x192: {  	[tilespmem:v34+s11+$0x0] =	vst.idx.msk $0xffff, v21  }
0x193: {  	v21 =	vld.idx.msk [tilespmem:v40+s20+$0x0], $0xffff;
	_ =	sdelay $0x1  }
0x194: {  	p1 =	por p0, p0  }
.Ltmp1:
0x195: {  	_ = 	snop;
	(pc) =	sbr.rel @p1 .LBB2_6-.Ltmp1, $3  }
0x196: {  	_ = 	snop  }
0x197: {  	v21 =	vmul.f32 v21, v63;
	_ =	sdelay $0x1  }
0x198: {  	p0 =	por $0x0, $0x0;
	s0 =	simm.s32 $0x10;
	[tilespmem:v40+s11+$0x0] =	vst.idx.msk $0xffff, v21  }
0x199: {  	s30 =	sadd.s32 $0x1, s30  }
0x19a: {  	p0 =	sne.s32 s30, $0x8  }
.Ltmp2:
0x19b: {  	_ = 	snop;
	(pc) =	sbr.rel @p0 .LBB2_5-.Ltmp2, $1  }
0x19c: {  	_ =	sdelay $0x3  }
0x19d: {  	s0 =	rddreg [dreg:$0x2]  }
0x19e: {  	[spmem:s0] =	stream.indirect.scatter.add.f32 [tilespmem:s11], [sflag:$0x2], $0x80, s13, s18, $0xb8;
	[tilespmem:$0x1B780] =	vst v63  }
0x19f: {  	_ =	swait.ge [sflag:s12], $0x1000  }
0x1a0: {  	[sflag:s12] =	ssyncset.done $0x0  }
0x1a1: {  	[sflag:s12] =	ssyncadd.s32 $0xFFFFF000  }
0x1a2: {  	s30 =	rddreg [dreg:$0x3]  }
0x1a3: {  	[spmem:s30] =	stream.indirect.scatter.add.f32 [tilespmem:s17], [sflag:$0x2], $0x80, s16, s18, $0xb8;
	[tilespmem:$0x1B780] =	vst v63  }
0x1a4: {  	_ =	swait.ge [sflag:s12], $0x1000  }
0x1a5: {  	[sflag:s12] =	ssyncset.done $0x0  }
0x1a6: {  	s0 =	simm.s32 $0x0;
	[sflag:s12] =	ssyncadd.s32 $0xFFFFF000  }
.LBB2_9:
0x1a7: {  	v4 =	vld [tilespmem:$0x15600];
	_ =	sdelay $0x4  }
0x1a8: {  	v4 =	vadd.s32 s0, v4  }
0x1a9: {  	v4 =	vadd.s32 v1, v4;
	_ =	sdelay $0x4  }
0x1aa: {  	[tilespmem:v4+s17+$0x0] =	vst.idx.msk $0xffff, v2  }
0x1ab: {  	v4 =	vld [tilespmem:$0x15610];
	_ =	sdelay $0x4  }
0x1ac: {  	v4 =	vadd.s32 s0, v4  }
0x1ad: {  	p0 =	sne.s32 s0, $0x7;
	v4 =	vadd.s32 v3, v4  }
.Ltmp3:
0x1ae: {  	_ = 	snop;
	(pc) =	sbr.rel @p0 .LBB2_9-.Ltmp3, $2  }
0x1af: {  	_ =	sdelay $0x2  }
0x1b0: {  	s0 =	sadd.s32 $0x1, s0;
	[tilespmem:v4+s17+$0x0] =	vst.idx.msk $0xffff, v2  }
0x1b1: {  	s0 =	sadd.s32 s3, s29  }
0x1b2: {  	s0 =	sshrl.u32 s0, $0x3  }
0x1b3: {  	s0 =	sadd.s32 s31, s0  }
0x1b4: {  	[hbm4b:s0+s1] =	stream.linear.scatter [tilespmem:s23], [sflag:$0x2], $0x20, $0x38;
	[tilespmem:$0x1B780] =	vst v63  }
0x1b5: {  	_ =	swait.ge [sflag:s12], $0x20  }
0x1b6: {  	s22 =	sld [smem:$0x7FB];
	_ =	sdelay $0x2  }
0x1b7: {  	s0 =	sadd.s32 s29, s22  }
0x1b8: {  	[sflag:s12] =	ssyncset.done $0x0;
	s0 =	sshrl.u32 s0, $0x3  }
0x1b9: {  	[sflag:s12] =	ssyncadd.s32 $0xFFFFFFE0;
	s22 =	simm.s32 $0x1B6A0;
	s0 =	sadd.s32 s31, s0  }
0x1ba: {  	[hbm4b:s0+s1] =	stream.linear.scatter [tilespmem:s22], [sflag:$0x2], $0x20, $0x38;
	[tilespmem:$0x1B780] =	vst v63  }
0x1bb: {  	s25 =	sadd.s32 s29, s5;
	_ =	swait.ge [sflag:s12], $0x20  }
0x1bc: {  	s0 =	sshrl.u32 s25, $0x3;
	[sflag:s12] =	ssyncset.done $0x0  }
0x1bd: {  	s30 =	simm.s32 $0x1B6C0;
	s0 =	sadd.s32 s31, s0;
	[sflag:s12] =	ssyncadd.s32 $0xFFFFFFE0  }
0x1be: {  	[hbm4b:s0+s1] =	stream.linear.scatter [tilespmem:s30], [sflag:$0x2], $0x20, $0x38;
	[tilespmem:$0x1B780] =	vst v63  }
0x1bf: {  	s25 =	sadd.s32 s29, s6;
	_ =	swait.ge [sflag:s12], $0x20  }
0x1c0: {  	s0 =	sshrl.u32 s25, $0x3;
	[sflag:s12] =	ssyncset.done $0x0  }
0x1c1: {  	s30 =	simm.s32 $0x1B6E0;
	s0 =	sadd.s32 s31, s0;
	[sflag:s12] =	ssyncadd.s32 $0xFFFFFFE0  }
0x1c2: {  	[hbm4b:s0+s1] =	stream.linear.scatter [tilespmem:s30], [sflag:$0x2], $0x20, $0x38;
	[tilespmem:$0x1B780] =	vst v63  }
0x1c3: {  	s25 =	sadd.s32 s29, s7;
	_ =	swait.ge [sflag:s12], $0x20  }
0x1c4: {  	s0 =	sshrl.u32 s25, $0x3;
	[sflag:s12] =	ssyncset.done $0x0  }
0x1c5: {  	s30 =	simm.s32 $0x1B700;
	s0 =	sadd.s32 s31, s0;
	[sflag:s12] =	ssyncadd.s32 $0xFFFFFFE0  }
0x1c6: {  	[hbm4b:s0+s1] =	stream.linear.scatter [tilespmem:s30], [sflag:$0x2], $0x20, $0x38;
	[tilespmem:$0x1B780] =	vst v63  }
0x1c7: {  	s25 =	sadd.s32 s29, s8;
	_ =	swait.ge [sflag:s12], $0x20  }
0x1c8: {  	s0 =	sshrl.u32 s25, $0x3;
	[sflag:s12] =	ssyncset.done $0x0  }
0x1c9: {  	s30 =	simm.s32 $0x1B720;
	s0 =	sadd.s32 s31, s0;
	[sflag:s12] =	ssyncadd.s32 $0xFFFFFFE0  }
0x1ca: {  	[hbm4b:s0+s1] =	stream.linear.scatter [tilespmem:s30], [sflag:$0x2], $0x20, $0x38;
	[tilespmem:$0x1B780] =	vst v63  }
0x1cb: {  	s22 =	sadd.s32 s29, s9;
	_ =	swait.ge [sflag:s12], $0x20  }
0x1cc: {  	s28 =	sadd.s32 $0x1, s28;
	s0 =	sshrl.u32 s22, $0x3;
	[sflag:s12] =	ssyncset.done $0x0  }
0x1cd: {  	s25 =	simm.s32 $0x1B740;
	s0 =	sadd.s32 s31, s0;
	[sflag:s12] =	ssyncadd.s32 $0xFFFFFFE0  }
0x1ce: {  	[hbm4b:s0+s1] =	stream.linear.scatter [tilespmem:s25], [sflag:$0x2], $0x20, $0x38;
	[tilespmem:$0x1B780] =	vst v63  }
0x1cf: {  	p0 =	sne.s32 s28, s4;
	s29 =	sadd.s32 s29, s10;
	_ =	swait.ge [sflag:s12], $0x20  }
0x1d0: {  	s30 =	simm.s32 $0x1B760;
	s0 =	sshrl.u32 s29, $0x3;
	[sflag:s12] =	ssyncset.done $0x0  }
.Ltmp4:
0x1d1: {  	s0 =	sadd.s32 s31, s0;
	[sflag:s12] =	ssyncadd.s32 $0xFFFFFFE0;
	(pc) =	sbr.rel @p0 .LBB2_4-.Ltmp4, $4  }
0x1d2: {  	[hbm4b:s0+s1] =	stream.linear.scatter [tilespmem:s30], [sflag:$0x2], $0x20, $0x38;
	[tilespmem:$0x1B780] =	vst v63  }
0x1d3: {  	_ =	swait.ge [sflag:s12], $0x20  }
0x1d4: {  	[sflag:s12] =	ssyncset.done $0x0  }
0x1d5: {  	[sflag:s12] =	ssyncadd.s32 $0xFFFFFFE0  }
0x1d6: {  	[bflag:$0x0] =	sbarrier.arrive $0xFFFF  }
0x1d7: {  	s22 =	rddreg [dreg:$0x1d]  }
0x1d8: {  	[tilespmem:s11], [sflag:$0x2] =	stream.linear.gather [spmem:s22], $0x1000, $0x38;
	[tilespmem:$0x1B780] =	vst v63  }
0x1d9: {  	_ =	swait.ge [sflag:s12], $0x1000  }
0x1da: {  	[sflag:s12] =	ssyncset.done $0x0  }
0x1db: {  	s0 =	rddreg [dreg:$0x5];
	[sflag:s12] =	ssyncadd.s32 $0xFFFFF000  }
0x1dc: {  	[hbm4b:s0+s1] =	stream.linear.scatter [tilespmem:s11], [sflag:$0x2], $0x1000, $0x38;
	[tilespmem:$0x1B780] =	vst v63  }
0x1dd: {  	_ =	swait.ge [sflag:s12], $0x1000  }
0x1de: {  	[sflag:s12] =	ssyncset.done $0x0  }
0x1df: {  	s26 =	rddreg [dreg:$0x1e];
	[sflag:s12] =	ssyncadd.s32 $0xFFFFF000  }
0x1e0: {  	[tilespmem:s11], [sflag:$0x2] =	stream.linear.gather [spmem:s26], $0x1000, $0x38;
	[tilespmem:$0x1B780] =	vst v63  }
0x1e1: {  	_ =	swait.ge [sflag:s12], $0x1000  }
0x1e2: {  	[sflag:s12] =	ssyncset.done $0x0  }
0x1e3: {  	s25 =	rddreg [dreg:$0x6];
	[sflag:s12] =	ssyncadd.s32 $0xFFFFF000  }
0x1e4: {  	[hbm4b:s25+s1] =	stream.linear.scatter [tilespmem:s11], [sflag:$0x2], $0x1000, $0x38;
	[tilespmem:$0x1B780] =	vst v63  }
0x1e5: {  	_ =	swait.ge [sflag:s12], $0x1000  }
0x1e6: {  	[sflag:s12] =	ssyncset.done $0x0  }
0x1e7: {  	s29 =	rddreg [dreg:$0x1f];
	[sflag:s12] =	ssyncadd.s32 $0xFFFFF000  }
0x1e8: {  	[tilespmem:s11], [sflag:$0x2] =	stream.linear.gather [spmem:s29], $0x1000, $0x38;
	[tilespmem:$0x1B780] =	vst v63  }
0x1e9: {  	_ =	swait.ge [sflag:s12], $0x1000  }
0x1ea: {  	[sflag:s12] =	ssyncset.done $0x0  }
0x1eb: {  	s25 =	rddreg [dreg:$0x7];
	[sflag:s12] =	ssyncadd.s32 $0xFFFFF000  }
0x1ec: {  	[hbm4b:s25+s1] =	stream.linear.scatter [tilespmem:s11], [sflag:$0x2], $0x1000, $0x38;
	[tilespmem:$0x1B780] =	vst v63  }
0x1ed: {  	_ =	swait.ge [sflag:s12], $0x1000  }
0x1ee: {  	s29 =	sld [smem:$0x7E5]  }
0x1ef: {  	[sflag:s12] =	ssyncset.done $0x0  }
0x1f0: {  	[sflag:s12] =	ssyncadd.s32 $0xFFFFF000  }
0x1f1: {  	[tilespmem:s11], [sflag:$0x2] =	stream.linear.gather [spmem:s29], $0x1000, $0x38;
	[tilespmem:$0x1B780] =	vst v63  }
0x1f2: {  	_ =	swait.ge [sflag:s12], $0x1000  }
0x1f3: {  	[sflag:s12] =	ssyncset.done $0x0  }
0x1f4: {  	s25 =	rddreg [dreg:$0x8];
	[sflag:s12] =	ssyncadd.s32 $0xFFFFF000  }
0x1f5: {  	[hbm4b:s25+s1] =	stream.linear.scatter [tilespmem:s11], [sflag:$0x2], $0x1000, $0x38;
	[tilespmem:$0x1B780] =	vst v63  }
0x1f6: {  	_ =	swait.ge [sflag:s12], $0x1000  }
0x1f7: {  	s29 =	sld [smem:$0x7E6]  }
0x1f8: {  	[sflag:s12] =	ssyncset.done $0x0  }
0x1f9: {  	[sflag:s12] =	ssyncadd.s32 $0xFFFFF000  }
0x1fa: {  	[tilespmem:s11], [sflag:$0x2] =	stream.linear.gather [spmem:s29], $0x1000, $0x38;
	[tilespmem:$0x1B780] =	vst v63  }
0x1fb: {  	_ =	swait.ge [sflag:s12], $0x1000  }
0x1fc: {  	[sflag:s12] =	ssyncset.done $0x0  }
0x1fd: {  	s25 =	rddreg [dreg:$0x9];
	[sflag:s12] =	ssyncadd.s32 $0xFFFFF000  }
0x1fe: {  	[hbm4b:s25+s1] =	stream.linear.scatter [tilespmem:s11], [sflag:$0x2], $0x1000, $0x38;
	[tilespmem:$0x1B780] =	vst v63  }
0x1ff: {  	_ =	swait.ge [sflag:s12], $0x1000  }
0x200: {  	s29 =	sld [smem:$0x7E7]  }
0x201: {  	[sflag:s12] =	ssyncset.done $0x0  }
0x202: {  	[sflag:s12] =	ssyncadd.s32 $0xFFFFF000  }
0x203: {  	[tilespmem:s11], [sflag:$0x2] =	stream.linear.gather [spmem:s29], $0x1000, $0x38;
	[tilespmem:$0x1B780] =	vst v63  }
0x204: {  	_ =	swait.ge [sflag:s12], $0x1000  }
0x205: {  	[sflag:s12] =	ssyncset.done $0x0  }
0x206: {  	s25 =	rddreg [dreg:$0xa];
	[sflag:s12] =	ssyncadd.s32 $0xFFFFF000  }
0x207: {  	[hbm4b:s25+s1] =	stream.linear.scatter [tilespmem:s11], [sflag:$0x2], $0x1000, $0x38;
	[tilespmem:$0x1B780] =	vst v63  }
0x208: {  	_ =	swait.ge [sflag:s12], $0x1000  }
0x209: {  	s29 =	sld [smem:$0x7E8]  }
0x20a: {  	[sflag:s12] =	ssyncset.done $0x0  }
0x20b: {  	[sflag:s12] =	ssyncadd.s32 $0xFFFFF000  }
0x20c: {  	[tilespmem:s11], [sflag:$0x2] =	stream.linear.gather [spmem:s29], $0x1000, $0x38;
	[tilespmem:$0x1B780] =	vst v63  }
0x20d: {  	_ =	swait.ge [sflag:s12], $0x1000  }
0x20e: {  	[sflag:s12] =	ssyncset.done $0x0  }
0x20f: {  	s25 =	rddreg [dreg:$0xb];
	[sflag:s12] =	ssyncadd.s32 $0xFFFFF000  }
0x210: {  	[hbm4b:s25+s1] =	stream.linear.scatter [tilespmem:s11], [sflag:$0x2], $0x1000, $0x38;
	[tilespmem:$0x1B780] =	vst v63  }
0x211: {  	_ =	swait.ge [sflag:s12], $0x1000  }
0x212: {  	s29 =	sld [smem:$0x7E9]  }
0x213: {  	[sflag:s12] =	ssyncset.done $0x0  }
0x214: {  	[sflag:s12] =	ssyncadd.s32 $0xFFFFF000  }
0x215: {  	[tilespmem:s11], [sflag:$0x2] =	stream.linear.gather [spmem:s29], $0x1000, $0x38;
	[tilespmem:$0x1B780] =	vst v63  }
0x216: {  	_ =	swait.ge [sflag:s12], $0x1000  }
0x217: {  	[sflag:s12] =	ssyncset.done $0x0  }
0x218: {  	s25 =	rddreg [dreg:$0xc];
	[sflag:s12] =	ssyncadd.s32 $0xFFFFF000  }
0x219: {  	[hbm4b:s25+s1] =	stream.linear.scatter [tilespmem:s11], [sflag:$0x2], $0x1000, $0x38;
	[tilespmem:$0x1B780] =	vst v63  }
0x21a: {  	_ =	swait.ge [sflag:s12], $0x1000  }
0x21b: {  	s29 =	sld [smem:$0x7EA]  }
0x21c: {  	[sflag:s12] =	ssyncset.done $0x0  }
0x21d: {  	[sflag:s12] =	ssyncadd.s32 $0xFFFFF000  }
0x21e: {  	[tilespmem:s11], [sflag:$0x2] =	stream.linear.gather [spmem:s29], $0x1000, $0x38;
	[tilespmem:$0x1B780] =	vst v63  }
0x21f: {  	_ =	swait.ge [sflag:s12], $0x1000  }
0x220: {  	[sflag:s12] =	ssyncset.done $0x0  }
0x221: {  	s25 =	rddreg [dreg:$0xd];
	[sflag:s12] =	ssyncadd.s32 $0xFFFFF000  }
0x222: {  	[hbm4b:s25+s1] =	stream.linear.scatter [tilespmem:s11], [sflag:$0x2], $0x1000, $0x38;
	[tilespmem:$0x1B780] =	vst v63  }
0x223: {  	_ =	swait.ge [sflag:s12], $0x1000  }
0x224: {  	s29 =	sld [smem:$0x7EB]  }
0x225: {  	[sflag:s12] =	ssyncset.done $0x0  }
0x226: {  	[sflag:s12] =	ssyncadd.s32 $0xFFFFF000  }
0x227: {  	[tilespmem:s11], [sflag:$0x2] =	stream.linear.gather [spmem:s29], $0x1000, $0x38;
	[tilespmem:$0x1B780] =	vst v63  }
0x228: {  	_ =	swait.ge [sflag:s12], $0x1000  }
0x229: {  	[sflag:s12] =	ssyncset.done $0x0  }
0x22a: {  	s25 =	rddreg [dreg:$0xe];
	[sflag:s12] =	ssyncadd.s32 $0xFFFFF000  }
0x22b: {  	[hbm4b:s25+s1] =	stream.linear.scatter [tilespmem:s11], [sflag:$0x2], $0x1000, $0x38;
	[tilespmem:$0x1B780] =	vst v63  }
0x22c: {  	_ =	swait.ge [sflag:s12], $0x1000  }
0x22d: {  	s29 =	sld [smem:$0x7EC]  }
0x22e: {  	[sflag:s12] =	ssyncset.done $0x0  }
0x22f: {  	[sflag:s12] =	ssyncadd.s32 $0xFFFFF000  }
0x230: {  	[tilespmem:s11], [sflag:$0x2] =	stream.linear.gather [spmem:s29], $0x1000, $0x38;
	[tilespmem:$0x1B780] =	vst v63  }
0x231: {  	_ =	swait.ge [sflag:s12], $0x1000  }
0x232: {  	[sflag:s12] =	ssyncset.done $0x0  }
0x233: {  	s25 =	rddreg [dreg:$0xf];
	[sflag:s12] =	ssyncadd.s32 $0xFFFFF000  }
0x234: {  	[hbm4b:s25+s1] =	stream.linear.scatter [tilespmem:s11], [sflag:$0x2], $0x1000, $0x38;
	[tilespmem:$0x1B780] =	vst v63  }
0x235: {  	_ =	swait.ge [sflag:s12], $0x1000  }
0x236: {  	s29 =	sld [smem:$0x7ED]  }
0x237: {  	[sflag:s12] =	ssyncset.done $0x0  }
0x238: {  	[sflag:s12] =	ssyncadd.s32 $0xFFFFF000  }
0x239: {  	[tilespmem:s11], [sflag:$0x2] =	stream.linear.gather [spmem:s29], $0x1000, $0x38;
	[tilespmem:$0x1B780] =	vst v63  }
0x23a: {  	_ =	swait.ge [sflag:s12], $0x1000  }
0x23b: {  	[sflag:s12] =	ssyncset.done $0x0  }
0x23c: {  	s25 =	rddreg [dreg:$0x10];
	[sflag:s12] =	ssyncadd.s32 $0xFFFFF000  }
0x23d: {  	[hbm4b:s25+s1] =	stream.linear.scatter [tilespmem:s11], [sflag:$0x2], $0x1000, $0x38;
	[tilespmem:$0x1B780] =	vst v63  }
0x23e: {  	_ =	swait.ge [sflag:s12], $0x1000  }
0x23f: {  	s29 =	sld [smem:$0x7EE]  }
0x240: {  	[sflag:s12] =	ssyncset.done $0x0  }
0x241: {  	[sflag:s12] =	ssyncadd.s32 $0xFFFFF000  }
0x242: {  	[tilespmem:s11], [sflag:$0x2] =	stream.linear.gather [spmem:s29], $0x1000, $0x38;
	[tilespmem:$0x1B780] =	vst v63  }
0x243: {  	_ =	swait.ge [sflag:s12], $0x1000  }
0x244: {  	[sflag:s12] =	ssyncset.done $0x0  }
0x245: {  	s25 =	rddreg [dreg:$0x11];
	[sflag:s12] =	ssyncadd.s32 $0xFFFFF000  }
0x246: {  	[hbm4b:s25+s1] =	stream.linear.scatter [tilespmem:s11], [sflag:$0x2], $0x1000, $0x38;
	[tilespmem:$0x1B780] =	vst v63  }
0x247: {  	_ =	swait.ge [sflag:s12], $0x1000  }
0x248: {  	s29 =	sld [smem:$0x7EF]  }
0x249: {  	[sflag:s12] =	ssyncset.done $0x0  }
0x24a: {  	[sflag:s12] =	ssyncadd.s32 $0xFFFFF000  }
0x24b: {  	[tilespmem:s11], [sflag:$0x2] =	stream.linear.gather [spmem:s29], $0x1000, $0x38;
	[tilespmem:$0x1B780] =	vst v63  }
0x24c: {  	_ =	swait.ge [sflag:s12], $0x1000  }
0x24d: {  	[sflag:s12] =	ssyncset.done $0x0  }
0x24e: {  	s25 =	rddreg [dreg:$0x12];
	[sflag:s12] =	ssyncadd.s32 $0xFFFFF000  }
0x24f: {  	[hbm4b:s25+s1] =	stream.linear.scatter [tilespmem:s11], [sflag:$0x2], $0x1000, $0x38;
	[tilespmem:$0x1B780] =	vst v63  }
0x250: {  	_ =	swait.ge [sflag:s12], $0x1000  }
0x251: {  	s29 =	sld [smem:$0x7F0]  }
0x252: {  	[sflag:s12] =	ssyncset.done $0x0  }
0x253: {  	[sflag:s12] =	ssyncadd.s32 $0xFFFFF000  }
0x254: {  	[tilespmem:s11], [sflag:$0x2] =	stream.linear.gather [spmem:s29], $0x1000, $0x38;
	[tilespmem:$0x1B780] =	vst v63  }
0x255: {  	_ =	swait.ge [sflag:s12], $0x1000  }
0x256: {  	[sflag:s12] =	ssyncset.done $0x0  }
0x257: {  	s25 =	rddreg [dreg:$0x13];
	[sflag:s12] =	ssyncadd.s32 $0xFFFFF000  }
0x258: {  	[hbm4b:s25+s1] =	stream.linear.scatter [tilespmem:s11], [sflag:$0x2], $0x1000, $0x38;
	[tilespmem:$0x1B780] =	vst v63  }
0x259: {  	_ =	swait.ge [sflag:s12], $0x1000  }
0x25a: {  	s29 =	sld [smem:$0x7F1]  }
0x25b: {  	[sflag:s12] =	ssyncset.done $0x0  }
0x25c: {  	[sflag:s12] =	ssyncadd.s32 $0xFFFFF000  }
0x25d: {  	[tilespmem:s11], [sflag:$0x2] =	stream.linear.gather [spmem:s29], $0x1000, $0x38;
	[tilespmem:$0x1B780] =	vst v63  }
0x25e: {  	_ =	swait.ge [sflag:s12], $0x1000  }
0x25f: {  	[sflag:s12] =	ssyncset.done $0x0  }
0x260: {  	s25 =	rddreg [dreg:$0x14];
	[sflag:s12] =	ssyncadd.s32 $0xFFFFF000  }
0x261: {  	[hbm4b:s25+s1] =	stream.linear.scatter [tilespmem:s11], [sflag:$0x2], $0x1000, $0x38;
	[tilespmem:$0x1B780] =	vst v63  }
0x262: {  	_ =	swait.ge [sflag:s12], $0x1000  }
0x263: {  	s29 =	sld [smem:$0x7F2]  }
0x264: {  	[sflag:s12] =	ssyncset.done $0x0  }
0x265: {  	[sflag:s12] =	ssyncadd.s32 $0xFFFFF000  }
0x266: {  	[tilespmem:s11], [sflag:$0x2] =	stream.linear.gather [spmem:s29], $0x1000, $0x38;
	[tilespmem:$0x1B780] =	vst v63  }
0x267: {  	_ =	swait.ge [sflag:s12], $0x1000  }
0x268: {  	[sflag:s12] =	ssyncset.done $0x0  }
0x269: {  	s25 =	rddreg [dreg:$0x15];
	[sflag:s12] =	ssyncadd.s32 $0xFFFFF000  }
0x26a: {  	[hbm4b:s25+s1] =	stream.linear.scatter [tilespmem:s11], [sflag:$0x2], $0x1000, $0x38;
	[tilespmem:$0x1B780] =	vst v63  }
0x26b: {  	_ =	swait.ge [sflag:s12], $0x1000  }
0x26c: {  	s29 =	sld [smem:$0x7F3]  }
0x26d: {  	[sflag:s12] =	ssyncset.done $0x0  }
0x26e: {  	[sflag:s12] =	ssyncadd.s32 $0xFFFFF000  }
0x26f: {  	[tilespmem:s11], [sflag:$0x2] =	stream.linear.gather [spmem:s29], $0x1000, $0x38;
	[tilespmem:$0x1B780] =	vst v63  }
0x270: {  	_ =	swait.ge [sflag:s12], $0x1000  }
0x271: {  	[sflag:s12] =	ssyncset.done $0x0  }
0x272: {  	s25 =	rddreg [dreg:$0x16];
	[sflag:s12] =	ssyncadd.s32 $0xFFFFF000  }
0x273: {  	[hbm4b:s25+s1] =	stream.linear.scatter [tilespmem:s11], [sflag:$0x2], $0x1000, $0x38;
	[tilespmem:$0x1B780] =	vst v63  }
0x274: {  	_ =	swait.ge [sflag:s12], $0x1000  }
0x275: {  	s29 =	sld [smem:$0x7F4]  }
0x276: {  	[sflag:s12] =	ssyncset.done $0x0  }
0x277: {  	[sflag:s12] =	ssyncadd.s32 $0xFFFFF000  }
0x278: {  	[tilespmem:s11], [sflag:$0x2] =	stream.linear.gather [spmem:s29], $0x1000, $0x38;
	[tilespmem:$0x1B780] =	vst v63  }
0x279: {  	_ =	swait.ge [sflag:s12], $0x1000  }
0x27a: {  	[sflag:s12] =	ssyncset.done $0x0  }
0x27b: {  	s25 =	rddreg [dreg:$0x17];
	[sflag:s12] =	ssyncadd.s32 $0xFFFFF000  }
0x27c: {  	[hbm4b:s25+s1] =	stream.linear.scatter [tilespmem:s11], [sflag:$0x2], $0x1000, $0x38;
	[tilespmem:$0x1B780] =	vst v63  }
0x27d: {  	_ =	swait.ge [sflag:s12], $0x1000  }
0x27e: {  	s28 =	sld [smem:$0x7FC]  }
0x27f: {  	[sflag:s12] =	ssyncset.done $0x0  }
0x280: {  	[sflag:s12] =	ssyncadd.s32 $0xFFFFF000  }
0x281: {  	[tilespmem:s11], [sflag:$0x2] =	stream.linear.gather [spmem:s28], $0x1000, $0x38;
	[tilespmem:$0x1B780] =	vst v63  }
0x282: {  	_ =	swait.ge [sflag:s12], $0x1000  }
0x283: {  	[sflag:s12] =	ssyncset.done $0x0  }
0x284: {  	s29 =	rddreg [dreg:$0x18];
	[sflag:s12] =	ssyncadd.s32 $0xFFFFF000  }
0x285: {  	[hbm4b:s29+s1] =	stream.linear.scatter [tilespmem:s11], [sflag:$0x2], $0x1000, $0x38;
	[tilespmem:$0x1B780] =	vst v63  }
0x286: {  	_ =	swait.ge [sflag:s12], $0x1000  }
0x287: {  	s30 =	sld [smem:$0x7FD]  }
0x288: {  	[sflag:s12] =	ssyncset.done $0x0  }
0x289: {  	[sflag:s12] =	ssyncadd.s32 $0xFFFFF000  }
0x28a: {  	[tilespmem:s11], [sflag:$0x2] =	stream.linear.gather [spmem:s30], $0x1000, $0x38;
	[tilespmem:$0x1B780] =	vst v63  }
0x28b: {  	_ =	swait.ge [sflag:s12], $0x1000  }
0x28c: {  	s25 =	sld [smem:$0x7F6]  }
0x28d: {  	[sflag:s12] =	ssyncset.done $0x0  }
0x28e: {  	[sflag:s12] =	ssyncadd.s32 $0xFFFFF000  }
0x28f: {  	[hbm4b:s25+s1] =	stream.linear.scatter [tilespmem:s11], [sflag:$0x2], $0x1000, $0x38;
	[tilespmem:$0x1B780] =	vst v63  }
0x290: {  	_ =	swait.ge [sflag:s12], $0x1000  }
0x291: {  	s29 =	sld [smem:$0x7F9]  }
0x292: {  	[sflag:s12] =	ssyncset.done $0x0  }
0x293: {  	[sflag:s12] =	ssyncadd.s32 $0xFFFFF000  }
0x294: {  	[tilespmem:s11], [sflag:$0x2] =	stream.linear.gather [spmem:s29], $0x400, $0x38;
	[tilespmem:$0x1B780] =	vst v63  }
0x295: {  	_ =	swait.ge [sflag:s12], $0x400  }
0x296: {  	s25 =	sld [smem:$0x7F7]  }
0x297: {  	[sflag:s12] =	ssyncset.done $0x0  }
0x298: {  	[sflag:s12] =	ssyncadd.s32 $0xFFFFFC00  }
0x299: {  	[hbm4b:s25+s1] =	stream.linear.scatter [tilespmem:s11], [sflag:$0x2], $0x400, $0x38;
	[tilespmem:$0x1B780] =	vst v63  }
0x29a: {  	_ =	swait.ge [sflag:s12], $0x400  }
0x29b: {  	s25 =	sld [smem:$0x7E4]  }
0x29c: {  	s29 =	sld [smem:$0x7F8];
	_ =	sdelay $0x1  }
0x29d: {  	s25 =	sadd.s32 $0x1, s25  }
0x29e: {  	p0 =	sne.s32 s25, s29  }
.Ltmp5:
0x29f: {  	_ = 	snop;
	(pc) =	sbr.rel @p0 .LBB2_1-.Ltmp5, $3  }
0x2a0: {  	_ =	sdelay $0x1  }
0x2a1: {  	[sflag:s12] =	ssyncset.done $0x0  }
0x2a2: {  	[sflag:s12] =	ssyncadd.s32 $0xFFFFFC00  }
0x2a3: {  	_ =	sfence.sel $0x180000  }
0x2a4: {  	[bflag:$0x0] =	sbarrier.arrive $0xFFFF  }
0x2a5: {  	_ =	strace $0x90000047  }
0x2a6: {  	s0 =	stileid.u32;
	[bflag:$0x2] =	sbarrier.arrive $0xFFFF  }
0x2a7: {  	p0 =	sne.s32 s0, $0x0;
	s0 =	rddreg [dreg:$0x4]  }
0x2a8: {  	s0 =	sadd.s32 @!p0 $0x100000, s0  }
0x2a9: {  	[sflag:s0] =	ssyncadd.tile.s32 @!p0 $0x1;
	_ =	shalt  }
.Lfunc_end2:
_tile_overlayer_lowered:
.L_overlay_start_2:
0x2aa: {  	(tag) =	ssettag $0x2  }
0x2ab: {  	s0 =	rddreg [dreg:$0x0];
	s2 =	stileid.u32  }
0x2ac: {  	s1 =	rddreg [dreg:$0x1];
	p0 =	sne.s32 s2, $0x0  }
0x2ad: {  	s3 =	rddreg [dreg:$0x2];
	[bflag:$0x3] =	sbarrier.arrive $0xFFFF;
	s2 =	simm.s32 @!p0 $0x1C02  }
0x2ae: {  	[timem:s3], [sflag:s2] =	dma.local @!p0 [hbm:s0], s1  }
0x2af: {  	s0 =	simm.s32 @!p0 $0x2  }
0x2b0: {  	_ =	swait.ge @!p0 [sflag:s0], s1  }
0x2b1: {  	s1 =	ssub.s32 @!p0 $0x0, s1;
	[sflag:s0] =	ssyncset.done @!p0 $0x0  }
0x2b2: {  	[sflag:s0] =	ssyncadd.s32 @!p0 s1  }
0x2b3: {  	[bflag:$0x3] =	sbarrier.arrive $0xFFFF  }
0x2b4: {  	_ =	shalt  }

</sc_bundles>
